<compile_context>
chip_gen: v7x
topology: tpu7x:2x2x1
jax: 0.10.2.dev20260603
libtpu: 0.0.44.dev20260713+nightly
codegen_flags: <defaults>
</compile_context>

<pallas_src>
import functools

import jax
import jax.numpy as jnp
from jax import lax
from jax.experimental import pallas as pl
from jax.experimental.pallas import tpu as pltpu
from jax.experimental.pallas import tpu_sc as plsc

N = 10000
E = 320000
F_IN = 128
H = 64
C = 40

NC = 2
NS = 16
NW = NC * NS
PER_W = E // NW
KW = 128
NP = 10240
RW = NP // KW
RWF = PER_W // KW
RT = NW * RW
NPT = NP // NS
BN = 2000

_mesh = plsc.VectorSubcoreMesh(core_axis_name="c", subcore_axis_name="s")
_sc_params = pltpu.CompilerParams(needs_layout_passes=False,
                                  use_tc_tiling_on_sc=False)


@functools.partial(
    pl.kernel,
    out_type=(
        jax.ShapeDtypeStruct((RT, KW), jnp.int32),
        jax.ShapeDtypeStruct((RT, KW), jnp.int32),
        jax.ShapeDtypeStruct((NC, NP, 16), jnp.float32),
    ),
    mesh=_mesh,
    scratch_types=[
        pltpu.VMEM((N,), jnp.float32),
        pltpu.VMEM((PER_W,), jnp.int32),
        pltpu.VMEM((PER_W,), jnp.int32),
        pltpu.VMEM((RW, KW), jnp.int32),
        pltpu.VMEM((RW, KW), jnp.int32),
        pltpu.VMEM((KW, 16), jnp.float32),
        pltpu.VMEM_SHARED((NP, 16), jnp.float32),
    ],
    compiler_params=_sc_params,
)
def _prep_kernel(crit_hbm, edges_hbm, zdeg_hbm, flat_out, dst_out, degp_out,
                 crit_v, src_v, dst_v, flat_st, dst_st, ones_v, deg_sh):
    cid = lax.axis_index("c")
    sid = lax.axis_index("s")
    wid = sid * NC + cid
    e0 = wid * PER_W
    row0 = wid * RW
    n0 = sid * NPT

    pltpu.sync_copy(zdeg_hbm.at[pl.ds(n0, NPT)], deg_sh.at[pl.ds(n0, NPT)])
    pltpu.sync_copy(crit_hbm, crit_v)
    pltpu.sync_copy(edges_hbm.at[0, pl.ds(e0, PER_W)], src_v)
    pltpu.sync_copy(edges_hbm.at[1, pl.ds(e0, PER_W)], dst_v)

    def fill(i, carry):
        ones_v[i, :] = jnp.ones((16,), jnp.float32)
        return carry

    lax.fori_loop(0, KW, fill, 0)
    plsc.subcore_barrier()

    def chunk(r, c):
        s16 = src_v[pl.ds(r * KW + c * 16, 16)]
        d16 = dst_v[pl.ds(r * KW + c * 16, 16)]
        cs = plsc.load_gather(crit_v, [s16])
        cd = plsc.load_gather(crit_v, [d16])
        flat_st[r, pl.ds(c * 16, 16)] = jnp.where(cd > cs, 2 * s16 + 1,
                                                   2 * s16)
        dst_st[r, pl.ds(c * 16, 16)] = d16

    def body(r, carry):
        for c in range(KW // 16):
            chunk(r, c)
        pltpu.sync_copy(ones_v, deg_sh.at[dst_st.at[r]], add=True)
        return carry

    lax.fori_loop(0, RWF, body, 0)

    iot = lax.iota(jnp.int32, 16)
    pad = 0
    for r in range(RWF, RW):
        for c in range(KW // 16):
            if r == RWF and c == 0:
                chunk(r, c)
            else:
                flat_st[r, pl.ds(c * 16, 16)] = 2 * ((wid * 131 + pad + iot) % N)
                dst_st[r, pl.ds(c * 16, 16)] = N + pad + iot
                pad += 16
        pltpu.sync_copy(ones_v, deg_sh.at[dst_st.at[r]], add=True)

    pltpu.sync_copy(flat_st, flat_out.at[pl.ds(row0, RW)])
    pltpu.sync_copy(dst_st, dst_out.at[pl.ds(row0, RW)])
    plsc.subcore_barrier()
    pltpu.sync_copy(deg_sh.at[pl.ds(n0, NPT)], degp_out.at[cid, pl.ds(n0, NPT)])


@functools.partial(
    pl.kernel,
    out_type=jax.ShapeDtypeStruct((NC, NP, H), jnp.float32),
    mesh=_mesh,
    scratch_types=[
        pltpu.VMEM((RW, KW), jnp.int32),
        pltpu.VMEM((RW, KW), jnp.int32),
        [pltpu.VMEM((KW, H), jnp.float32)] * 8,
        pltpu.VMEM_SHARED((NP, H), jnp.float32),
        [pltpu.SemaphoreType.DMA] * 8,
        [pltpu.SemaphoreType.DMA] * 8,
    ],
    compiler_params=_sc_params,
)
def _agg_kernel(table_hbm, flat_hbm, dst_hbm, zagg_hbm, aggp_out,
                idx_v, dst_v, rows, agg_sh, sem_g, sem_s):
    cid = lax.axis_index("c")
    sid = lax.axis_index("s")
    wid = sid * NC + cid
    row0 = wid * RW
    n0 = sid * NPT

    pltpu.sync_copy(zagg_hbm.at[pl.ds(n0, NPT)], agg_sh.at[pl.ds(n0, NPT)])
    pltpu.sync_copy(flat_hbm.at[pl.ds(row0, RW)], idx_v)
    pltpu.sync_copy(dst_hbm.at[pl.ds(row0, RW)], dst_v)
    plsc.subcore_barrier()

    for k in range(4):
        pltpu.async_copy(table_hbm.at[idx_v.at[k]], rows[k], sem_g[k])

    def step(r, b):
        b2 = (b + 4) % 8
        pltpu.make_async_copy(table_hbm.at[idx_v.at[r]], rows[b],
                              sem_g[b]).wait()
        pltpu.async_copy(rows[b], agg_sh.at[dst_v.at[r]], sem_s[b], add=True)

        @pl.when(r >= 4)
        def _():
            pltpu.make_async_copy(rows[b2], agg_sh.at[dst_v.at[r - 4]],
                                  sem_s[b2]).wait()

        @pl.when(r + 4 < RW)
        def _():
            pltpu.async_copy(table_hbm.at[idx_v.at[r + 4]], rows[b2],
                             sem_g[b2])

    def body(i, carry):
        for b in range(8):
            step(8 * i + b, b)
        return carry

    lax.fori_loop(0, RW // 8, body, 0)
    for k in range(4):
        pltpu.make_async_copy(rows[4 + k], agg_sh.at[dst_v.at[RW - 4 + k]],
                              sem_s[4 + k]).wait()
    plsc.subcore_barrier()
    pltpu.sync_copy(agg_sh.at[pl.ds(n0, NPT)], aggp_out.at[cid, pl.ds(n0, NPT)])


BNH = BN // 2


def _mm1_body(x_ref, w_ref, o_ref):
    o_ref[...] = jnp.dot(x_ref[...], w_ref[...],
                         preferred_element_type=jnp.float32)


def _mm1(x, Wcat):
    return pl.pallas_call(
        _mm1_body,
        grid=(N // BN,),
        in_specs=[
            pl.BlockSpec((BN, F_IN), lambda n: (n, 0)),
            pl.BlockSpec((F_IN, 2 * H), lambda n: (0, 0)),
        ],
        out_specs=pl.BlockSpec((BN, 2 * H), lambda n: (n, 0)),
        out_shape=jax.ShapeDtypeStruct((N, 2 * H), jnp.float32),
    )(x, Wcat)


def _deg_body(degp_ref, o_ref):
    d = degp_ref[0] + degp_ref[1]
    dinv = 1.0 / jnp.maximum(d, 1.0)
    j = jax.lax.broadcasted_iota(jnp.int32, (32, 2 * H), 0)
    c = jax.lax.broadcasted_iota(jnp.int32, (32, 2 * H), 1)
    expand = jnp.where((j // 16) == (c // H), 1.0 / 16.0, 0.0)
    o_ref[...] = jnp.dot(dinv, expand, preferred_element_type=jnp.float32,
                         precision=jax.lax.Precision.HIGHEST)


def _deg(degp):
    return pl.pallas_call(
        _deg_body,
        grid=(NP // (2 * BNH),),
        in_specs=[pl.BlockSpec((2, BNH, 32), lambda n: (0, n, 0))],
        out_specs=pl.BlockSpec((BNH, 2 * H), lambda n: (n, 0)),
        out_shape=jax.ShapeDtypeStruct((NP // 2, 2 * H), jnp.float32),
    )(degp.reshape(NC, NP // 2, 32))


def _pair_head(aggp, dinv, b):
    hp = (aggp[0] + aggp[1]) * dinv + b
    return hp


def _mid_body(aggp_ref, dinv_ref, b_ref, w_ref, o_ref):
    hp = _pair_head(aggp_ref[...], dinv_ref[...], b_ref[...])
    hp = jnp.where(hp > 0.0, hp, jnp.exp(hp) - 1.0)
    te = jnp.dot(hp[:, 0:H], w_ref[...], preferred_element_type=jnp.float32)
    to = jnp.dot(hp[:, H:2 * H], w_ref[...],
                 preferred_element_type=jnp.float32)
    o_ref[...] = jnp.stack([te, to], axis=1).reshape(BN, 2 * H)


def _mid(aggp, dinv, b, Wcat):
    return pl.pallas_call(
        _mid_body,
        grid=(N // BN,),
        in_specs=[
            pl.BlockSpec((2, BNH, 2 * H), lambda n: (0, n, 0)),
            pl.BlockSpec((BNH, 2 * H), lambda n: (n, 0)),
            pl.BlockSpec((1, 2 * H), lambda n: (0, 0)),
            pl.BlockSpec((H, 2 * H), lambda n: (0, 0)),
        ],
        out_specs=pl.BlockSpec((BN, 2 * H), lambda n: (n, 0)),
        out_shape=jax.ShapeDtypeStruct((N, 2 * H), jnp.float32),
    )(aggp.reshape(NC, NP // 2, 2 * H), dinv, b, Wcat)


def _fin_body(aggp_ref, dinv_ref, b_ref, lw_ref, lb_ref, o_ref):
    hp = _pair_head(aggp_ref[...], dinv_ref[...], b_ref[...])
    o_ref[...] = (jnp.dot(hp, lw_ref[...], preferred_element_type=jnp.float32)
                  + lb_ref[...])


def _fin(aggp, dinv, b, lwbd, lbp):
    return pl.pallas_call(
        _fin_body,
        grid=(N // BN,),
        in_specs=[
            pl.BlockSpec((2, BNH, 2 * H), lambda n: (0, n, 0)),
            pl.BlockSpec((BNH, 2 * H), lambda n: (n, 0)),
            pl.BlockSpec((1, 2 * H), lambda n: (0, 0)),
            pl.BlockSpec((2 * H, 2 * C), lambda n: (0, 0)),
            pl.BlockSpec((1, 2 * C), lambda n: (0, 0)),
        ],
        out_specs=pl.BlockSpec((BNH, 2 * C), lambda n: (n, 0)),
        out_shape=jax.ShapeDtypeStruct((N // 2, 2 * C), jnp.float32),
    )(aggp.reshape(NC, NP // 2, 2 * H), dinv, b, lwbd, lbp)


def kernel(x, sel_criteria, edge_index, W1, b1, W2, b2, W3, b3, lin_w, lin_b):
    zdeg = jnp.zeros((NP, 16), jnp.float32)
    zagg = jnp.zeros((NP, H), jnp.float32)
    w1c = jnp.concatenate([W1[0], W1[1]], axis=1)
    w2c = jnp.concatenate([W2[0], W2[1]], axis=1)
    w3c = jnp.concatenate([W3[0], W3[1]], axis=1)
    b1p = jnp.concatenate([b1, b1]).reshape(1, 2 * H)
    b2p = jnp.concatenate([b2, b2]).reshape(1, 2 * H)
    b3p = jnp.concatenate([b3, b3]).reshape(1, 2 * H)
    z = jnp.zeros((H, C), jnp.float32)
    lwbd = jnp.concatenate(
        [jnp.concatenate([lin_w, z], axis=1),
         jnp.concatenate([z, lin_w], axis=1)], axis=0)
    lbp = jnp.concatenate([lin_b, lin_b]).reshape(1, 2 * C)

    flat2, dstp, degp = _prep_kernel(sel_criteria, edge_index, zdeg)
    dinv = _deg(degp)
    t1 = _mm1(x, w1c).reshape(2 * N, H)
    p1 = _agg_kernel(t1, flat2, dstp, zagg)
    t2 = _mid(p1, dinv, b1p, w2c).reshape(2 * N, H)
    p2 = _agg_kernel(t2, flat2, dstp, zagg)
    t3 = _mid(p2, dinv, b2p, w3c).reshape(2 * N, H)
    p3 = _agg_kernel(t3, flat2, dstp, zagg)
    return _fin(p3, dinv, b3p, lwbd, lbp).reshape(N, C)

# --- scband reference (transcript-rebuilt; emitter-appended) ---
"""Pipeline reference for scband-sel-gcn-5566277616458 (READ-ONLY COPY).

The authoritative reference and input builder live on the scoring server;
editing this copy changes nothing except your own understanding.
"""

import jax, jax.numpy as jnp
import numpy as np

N = 10000
E = 320000
F_IN = 128
H = 64
C = 40
S = 2  # selection_count


def direction_selection(sel_criteria, edge_index):
    src = edge_index[0]
    dst = edge_index[1]
    # assign each edge to selection group based on direction of criterion
    return (sel_criteria[dst] > sel_criteria[src]).astype(jnp.int32)


def sel_conv(x, edge_index, sel, W, b):
    # W: [S, in, out] -- one weight matrix per selection group
    src = edge_index[0]
    dst = edge_index[1]
    n = x.shape[0]
    h = jnp.einsum('nf,sfo->sno', x, W)  # [S, N, out]
    msg = jnp.where(sel[:, None] == 1, h[1][src], h[0][src])  # [E, out]
    agg = jax.ops.segment_sum(msg, dst, num_segments=n)
    deg = jax.ops.segment_sum(jnp.ones((src.shape[0],), x.dtype), dst, num_segments=n)
    out = agg / jnp.maximum(deg, 1.0)[:, None] + b
    return out


def setup_inputs(seed: int = 0):
    key = jax.random.key(seed)
    ks = jax.random.split(key, 12)
    x = jax.random.normal(ks[0], (N, F_IN), dtype=jnp.float32)
    sel_criteria = jax.random.normal(ks[1], (N,), dtype=jnp.float32)
    edge_index = jax.random.randint(ks[2], (2, E), 0, N, dtype=jnp.int32)
    W1 = jax.random.normal(ks[3], (S, F_IN, H), dtype=jnp.float32) / np.sqrt(F_IN)
    b1 = jnp.zeros((H,), dtype=jnp.float32)
    W2 = jax.random.normal(ks[4], (S, H, H), dtype=jnp.float32) / np.sqrt(H)
    b2 = jnp.zeros((H,), dtype=jnp.float32)
    W3 = jax.random.normal(ks[5], (S, H, H), dtype=jnp.float32) / np.sqrt(H)
    b3 = jnp.zeros((H,), dtype=jnp.float32)
    lin_w = jax.random.normal(ks[6], (H, C), dtype=jnp.float32) / np.sqrt(H)
    lin_b = jnp.zeros((C,), dtype=jnp.float32)
    return {"x": x, "sel_criteria": sel_criteria, "edge_index": edge_index,
            "W1": W1, "b1": b1, "W2": W2, "b2": b2, "W3": W3, "b3": b3,
            "lin_w": lin_w, "lin_b": lin_b}


def reference(x, sel_criteria, edge_index, W1, b1, W2, b2, W3, b3, lin_w, lin_b):
    sel = direction_selection(sel_criteria, edge_index)
    h = sel_conv(x, edge_index, sel, W1, b1)
    h = jax.nn.elu(h)
    h = sel_conv(h, edge_index, sel, W2, b2)
    h = jax.nn.elu(h)
    h = sel_conv(h, edge_index, sel, W3, b3)
    out = h @ lin_w + lin_b
    return out

if __name__ == "__main__":
    import jax
    _d = setup_inputs()
    print(jax.jit(kernel)(*tuple(_d.values())))

</pallas_src>

<mosaic_0001>
#map = affine_map<(d0, d1) -> (0, 0)>
#map1 = affine_map<(d0, d1) -> (0, 0, 0)>
module attributes {stable_mosaic.version = 14 : i64} {
  func.func @_agg_kernel(%arg0: i32, %arg1: i32, %arg2: memref<20000x64xf32, #tpu.memory_space<hbm>>, %arg3: memref<2560x128xi32, #tpu.memory_space<hbm>>, %arg4: memref<2560x128xi32, #tpu.memory_space<hbm>>, %arg5: memref<10240x64xf32, #tpu.memory_space<hbm>>, %arg6: memref<2x10240x64xf32, #tpu.memory_space<hbm>>, %arg7: memref<80x128xi32, #tpu.memory_space<vmem>>, %arg8: memref<80x128xi32, #tpu.memory_space<vmem>>, %arg9: memref<128x64xf32, #tpu.memory_space<vmem>>, %arg10: memref<128x64xf32, #tpu.memory_space<vmem>>, %arg11: memref<128x64xf32, #tpu.memory_space<vmem>>, %arg12: memref<128x64xf32, #tpu.memory_space<vmem>>, %arg13: memref<128x64xf32, #tpu.memory_space<vmem>>, %arg14: memref<128x64xf32, #tpu.memory_space<vmem>>, %arg15: memref<128x64xf32, #tpu.memory_space<vmem>>, %arg16: memref<128x64xf32, #tpu.memory_space<vmem>>, %arg17: memref<10240x64xf32, #tpu.memory_space<vmem_shared>>, %arg18: memref<!tpu.dma_semaphore, #tpu.memory_space<semaphore_mem>>, %arg19: memref<!tpu.dma_semaphore, #tpu.memory_space<semaphore_mem>>, %arg20: memref<!tpu.dma_semaphore, #tpu.memory_space<semaphore_mem>>, %arg21: memref<!tpu.dma_semaphore, #tpu.memory_space<semaphore_mem>>, %arg22: memref<!tpu.dma_semaphore, #tpu.memory_space<semaphore_mem>>, %arg23: memref<!tpu.dma_semaphore, #tpu.memory_space<semaphore_mem>>, %arg24: memref<!tpu.dma_semaphore, #tpu.memory_space<semaphore_mem>>, %arg25: memref<!tpu.dma_semaphore, #tpu.memory_space<semaphore_mem>>, %arg26: memref<!tpu.dma_semaphore, #tpu.memory_space<semaphore_mem>>, %arg27: memref<!tpu.dma_semaphore, #tpu.memory_space<semaphore_mem>>, %arg28: memref<!tpu.dma_semaphore, #tpu.memory_space<semaphore_mem>>, %arg29: memref<!tpu.dma_semaphore, #tpu.memory_space<semaphore_mem>>, %arg30: memref<!tpu.dma_semaphore, #tpu.memory_space<semaphore_mem>>, %arg31: memref<!tpu.dma_semaphore, #tpu.memory_space<semaphore_mem>>, %arg32: memref<!tpu.dma_semaphore, #tpu.memory_space<semaphore_mem>>, %arg33: memref<!tpu.dma_semaphore, #tpu.memory_space<semaphore_mem>>) attributes {dimension_semantics = [#tpu.dimension_semantics<core_parallel>, #tpu.dimension_semantics<subcore_parallel>], iteration_bounds = array<i64: 2, 16>, scalar_prefetch = 0 : i64, scratch_operands = 27 : i64, tpu.core_type = #tpu.core_type<sc_vector_subcore>, window_params = [{transform_indices = #map}, {transform_indices = #map}, {transform_indices = #map}, {transform_indices = #map}, {transform_indices = #map1}]} {
    %mul3A = arith.constant 2 : i32
    %mul3A_0 = arith.muli %arg1, %mul3A : i32
    %add3A = arith.addi %mul3A_0, %arg0 : i32
    %mul3A_1 = arith.constant 80 : i32
    %mul3A_2 = arith.muli %add3A, %mul3A_1 : i32
    %mul3A_3 = arith.constant 640 : i32
    %mul3A_4 = arith.muli %arg1, %mul3A_3 : i32
    "tpu.region"() ({
      %run_scoped3A = tpu.sem_alloc : memref<!tpu.dma_semaphore, #tpu.memory_space<semaphore_mem>>
      %dma_start3A_65 = arith.constant 0 : i32
      %dma_start3A_66 = tpu.memref_slice %arg17[%mul3A_4, %dma_start3A_65] : memref<10240x64xf32, #tpu.memory_space<vmem_shared>> -> memref<640x64xf32, #tpu.memory_space<vmem_shared>>
      %dma_start3A_67 = arith.constant 0 : i32
      %dma_start3A_68 = tpu.memref_slice %arg5[%mul3A_4, %dma_start3A_67] : memref<10240x64xf32, #tpu.memory_space<hbm>> -> memref<640x64xf32, #tpu.memory_space<hbm>>
      tpu.enqueue_dma source(%dma_start3A_68 : memref<640x64xf32, #tpu.memory_space<hbm>>) target(%dma_start3A_66 : memref<640x64xf32, #tpu.memory_space<vmem_shared>>) target_semaphore(%run_scoped3A : memref<!tpu.dma_semaphore, #tpu.memory_space<semaphore_mem>>)
      %dma_wait3A_69 = arith.constant 0 : i32
      %dma_wait3A_70 = tpu.memref_slice %arg17[%mul3A_4, %dma_wait3A_69] : memref<10240x64xf32, #tpu.memory_space<vmem_shared>> -> memref<640x64xf32, #tpu.memory_space<vmem_shared>>
      %dma_wait3A_71 = arith.constant 0 : i32
      %dma_wait3A_72 = tpu.memref_slice %arg5[%mul3A_4, %dma_wait3A_71] : memref<10240x64xf32, #tpu.memory_space<hbm>> -> memref<640x64xf32, #tpu.memory_space<hbm>>
      tpu.wait_dma2 semaphore(%run_scoped3A : memref<!tpu.dma_semaphore, #tpu.memory_space<semaphore_mem>>) src(%dma_wait3A_72 : memref<640x64xf32, #tpu.memory_space<hbm>>) dst(%dma_wait3A_70 : memref<640x64xf32, #tpu.memory_space<vmem_shared>>)
      tpu.yield
    }) : () -> ()
    "tpu.region"() ({
      %run_scoped3A = tpu.sem_alloc : memref<!tpu.dma_semaphore, #tpu.memory_space<semaphore_mem>>
      %dma_start3A_65 = arith.constant 0 : i32
      %dma_start3A_66 = tpu.memref_slice %arg3[%mul3A_2, %dma_start3A_65] : memref<2560x128xi32, #tpu.memory_space<hbm>> -> memref<80x128xi32, #tpu.memory_space<hbm>>
      %dma_start3A_67 = arith.constant 0 : i32
      %dma_start3A_68 = tpu.memref_slice %arg3[%mul3A_2, %dma_start3A_67] : memref<2560x128xi32, #tpu.memory_space<hbm>> -> memref<80x128xi32, #tpu.memory_space<hbm>>
      tpu.enqueue_dma source(%dma_start3A_68 : memref<80x128xi32, #tpu.memory_space<hbm>>) target(%arg7 : memref<80x128xi32, #tpu.memory_space<vmem>>) target_semaphore(%run_scoped3A : memref<!tpu.dma_semaphore, #tpu.memory_space<semaphore_mem>>)
      %dma_wait3A_69 = arith.constant 0 : i32
      %dma_wait3A_70 = tpu.memref_slice %arg3[%mul3A_2, %dma_wait3A_69] : memref<2560x128xi32, #tpu.memory_space<hbm>> -> memref<80x128xi32, #tpu.memory_space<hbm>>
      %dma_wait3A_71 = arith.constant 0 : i32
      %dma_wait3A_72 = tpu.memref_slice %arg3[%mul3A_2, %dma_wait3A_71] : memref<2560x128xi32, #tpu.memory_space<hbm>> -> memref<80x128xi32, #tpu.memory_space<hbm>>
      tpu.wait_dma2 semaphore(%run_scoped3A : memref<!tpu.dma_semaphore, #tpu.memory_space<semaphore_mem>>) src(%dma_wait3A_72 : memref<80x128xi32, #tpu.memory_space<hbm>>) dst(%arg7 : memref<80x128xi32, #tpu.memory_space<vmem>>)
      tpu.yield
    }) : () -> ()
    "tpu.region"() ({
      %run_scoped3A = tpu.sem_alloc : memref<!tpu.dma_semaphore, #tpu.memory_space<semaphore_mem>>
      %dma_start3A_65 = arith.constant 0 : i32
      %dma_start3A_66 = tpu.memref_slice %arg4[%mul3A_2, %dma_start3A_65] : memref<2560x128xi32, #tpu.memory_space<hbm>> -> memref<80x128xi32, #tpu.memory_space<hbm>>
      %dma_start3A_67 = arith.constant 0 : i32
      %dma_start3A_68 = tpu.memref_slice %arg4[%mul3A_2, %dma_start3A_67] : memref<2560x128xi32, #tpu.memory_space<hbm>> -> memref<80x128xi32, #tpu.memory_space<hbm>>
      tpu.enqueue_dma source(%dma_start3A_68 : memref<80x128xi32, #tpu.memory_space<hbm>>) target(%arg8 : memref<80x128xi32, #tpu.memory_space<vmem>>) target_semaphore(%run_scoped3A : memref<!tpu.dma_semaphore, #tpu.memory_space<semaphore_mem>>)
      %dma_wait3A_69 = arith.constant 0 : i32
      %dma_wait3A_70 = tpu.memref_slice %arg4[%mul3A_2, %dma_wait3A_69] : memref<2560x128xi32, #tpu.memory_space<hbm>> -> memref<80x128xi32, #tpu.memory_space<hbm>>
      %dma_wait3A_71 = arith.constant 0 : i32
      %dma_wait3A_72 = tpu.memref_slice %arg4[%mul3A_2, %dma_wait3A_71] : memref<2560x128xi32, #tpu.memory_space<hbm>> -> memref<80x128xi32, #tpu.memory_space<hbm>>
      tpu.wait_dma2 semaphore(%run_scoped3A : memref<!tpu.dma_semaphore, #tpu.memory_space<semaphore_mem>>) src(%dma_wait3A_72 : memref<80x128xi32, #tpu.memory_space<hbm>>) dst(%arg8 : memref<80x128xi32, #tpu.memory_space<vmem>>)
      tpu.yield
    }) : () -> ()
    %barrier3A = arith.constant 0 : index
    tpu.barrier barrier_id(%barrier3A)
    %dma_start3A = arith.constant 0 : i32
    %dma_start3A_5 = arith.constant 0 : i32
    %dma_start3A_6 = tpu.memref_slice %arg7[%dma_start3A, %dma_start3A_5] : memref<80x128xi32, #tpu.memory_space<vmem>> -> memref<1x128xi32, #tpu.memory_space<vmem>>
    %dma_start3A_7 = tpu.memref_squeeze %dma_start3A_6 : memref<1x128xi32, #tpu.memory_space<vmem>> -> memref<128xi32, #tpu.memory_space<vmem>>
    %dma_start3A_8 = arith.constant 0 : i32
    %dma_start3A_9 = arith.constant 0 : i32
    %dma_start3A_10 = tpu.memref_slice %arg2[%dma_start3A_8, %dma_start3A_9] : memref<20000x64xf32, #tpu.memory_space<hbm>> -> memref<20000x64xf32, #tpu.memory_space<hbm>>
    tpu.enqueue_indirect_dma source(%dma_start3A_10 : memref<20000x64xf32, #tpu.memory_space<hbm>>) target(%arg9 : memref<128x64xf32, #tpu.memory_space<vmem>>) offsets(%dma_start3A_7 : memref<128xi32, #tpu.memory_space<vmem>>) semaphore(%arg18 : memref<!tpu.dma_semaphore, #tpu.memory_space<semaphore_mem>>)
    %dma_start3A_11 = arith.constant 1 : i32
    %dma_start3A_12 = arith.constant 0 : i32
    %dma_start3A_13 = tpu.memref_slice %arg7[%dma_start3A_11, %dma_start3A_12] : memref<80x128xi32, #tpu.memory_space<vmem>> -> memref<1x128xi32, #tpu.memory_space<vmem>>
    %dma_start3A_14 = tpu.memref_squeeze %dma_start3A_13 : memref<1x128xi32, #tpu.memory_space<vmem>> -> memref<128xi32, #tpu.memory_space<vmem>>
    %dma_start3A_15 = arith.constant 0 : i32
    %dma_start3A_16 = arith.constant 0 : i32
    %dma_start3A_17 = tpu.memref_slice %arg2[%dma_start3A_15, %dma_start3A_16] : memref<20000x64xf32, #tpu.memory_space<hbm>> -> memref<20000x64xf32, #tpu.memory_space<hbm>>
    tpu.enqueue_indirect_dma source(%dma_start3A_17 : memref<20000x64xf32, #tpu.memory_space<hbm>>) target(%arg10 : memref<128x64xf32, #tpu.memory_space<vmem>>) offsets(%dma_start3A_14 : memref<128xi32, #tpu.memory_space<vmem>>) semaphore(%arg19 : memref<!tpu.dma_semaphore, #tpu.memory_space<semaphore_mem>>)
    %dma_start3A_18 = arith.constant 2 : i32
    %dma_start3A_19 = arith.constant 0 : i32
    %dma_start3A_20 = tpu.memref_slice %arg7[%dma_start3A_18, %dma_start3A_19] : memref<80x128xi32, #tpu.memory_space<vmem>> -> memref<1x128xi32, #tpu.memory_space<vmem>>
    %dma_start3A_21 = tpu.memref_squeeze %dma_start3A_20 : memref<1x128xi32, #tpu.memory_space<vmem>> -> memref<128xi32, #tpu.memory_space<vmem>>
    %dma_start3A_22 = arith.constant 0 : i32
    %dma_start3A_23 = arith.constant 0 : i32
    %dma_start3A_24 = tpu.memref_slice %arg2[%dma_start3A_22, %dma_start3A_23] : memref<20000x64xf32, #tpu.memory_space<hbm>> -> memref<20000x64xf32, #tpu.memory_space<hbm>>
    tpu.enqueue_indirect_dma source(%dma_start3A_24 : memref<20000x64xf32, #tpu.memory_space<hbm>>) target(%arg11 : memref<128x64xf32, #tpu.memory_space<vmem>>) offsets(%dma_start3A_21 : memref<128xi32, #tpu.memory_space<vmem>>) semaphore(%arg20 : memref<!tpu.dma_semaphore, #tpu.memory_space<semaphore_mem>>)
    %dma_start3A_25 = arith.constant 3 : i32
    %dma_start3A_26 = arith.constant 0 : i32
    %dma_start3A_27 = tpu.memref_slice %arg7[%dma_start3A_25, %dma_start3A_26] : memref<80x128xi32, #tpu.memory_space<vmem>> -> memref<1x128xi32, #tpu.memory_space<vmem>>
    %dma_start3A_28 = tpu.memref_squeeze %dma_start3A_27 : memref<1x128xi32, #tpu.memory_space<vmem>> -> memref<128xi32, #tpu.memory_space<vmem>>
    %dma_start3A_29 = arith.constant 0 : i32
    %dma_start3A_30 = arith.constant 0 : i32
    %dma_start3A_31 = tpu.memref_slice %arg2[%dma_start3A_29, %dma_start3A_30] : memref<20000x64xf32, #tpu.memory_space<hbm>> -> memref<20000x64xf32, #tpu.memory_space<hbm>>
    tpu.enqueue_indirect_dma source(%dma_start3A_31 : memref<20000x64xf32, #tpu.memory_space<hbm>>) target(%arg12 : memref<128x64xf32, #tpu.memory_space<vmem>>) offsets(%dma_start3A_28 : memref<128xi32, #tpu.memory_space<vmem>>) semaphore(%arg21 : memref<!tpu.dma_semaphore, #tpu.memory_space<semaphore_mem>>)
    %scan3A = arith.constant 0 : i32
    %scan3A_32 = arith.constant 0 : i32
    %scan3A_33 = arith.constant 10 : i32
    %scan3A_34 = arith.addi %scan3A_32, %scan3A_33 : i32
    %scan3A_35 = arith.constant 1 : i32
    scf.for %scan3A_65 = %scan3A_32 to %scan3A_34 step %scan3A_35  : i32 {
      %mul3A_66 = arith.constant 8 : i32
      %mul3A_67 = arith.muli %mul3A_66, %scan3A_65 : i32
      %add3A_68 = arith.constant 0 : i32
      %add3A_69 = arith.addi %mul3A_67, %add3A_68 : i32
      %dma_wait3A_70 = arith.constant 0 : i32
      %dma_wait3A_71 = tpu.memref_slice %arg7[%add3A_69, %dma_wait3A_70] : memref<80x128xi32, #tpu.memory_space<vmem>> -> memref<1x128xi32, #tpu.memory_space<vmem>>
      %dma_wait3A_72 = tpu.memref_squeeze %dma_wait3A_71 : memref<1x128xi32, #tpu.memory_space<vmem>> -> memref<128xi32, #tpu.memory_space<vmem>>
      %dma_wait3A_73 = arith.constant 0 : i32
      %dma_wait3A_74 = arith.constant 0 : i32
      %dma_wait3A_75 = tpu.memref_slice %arg2[%dma_wait3A_73, %dma_wait3A_74] : memref<20000x64xf32, #tpu.memory_space<hbm>> -> memref<20000x64xf32, #tpu.memory_space<hbm>>
      tpu.wait_indirect_dma semaphore(%arg18 : memref<!tpu.dma_semaphore, #tpu.memory_space<semaphore_mem>>) src(%dma_wait3A_75 : memref<20000x64xf32, #tpu.memory_space<hbm>>) dst(%arg9 : memref<128x64xf32, #tpu.memory_space<vmem>>)
      %dma_start3A_76 = arith.constant 0 : i32
      %dma_start3A_77 = tpu.memref_slice %arg8[%add3A_69, %dma_start3A_76] : memref<80x128xi32, #tpu.memory_space<vmem>> -> memref<1x128xi32, #tpu.memory_space<vmem>>
      %dma_start3A_78 = tpu.memref_squeeze %dma_start3A_77 : memref<1x128xi32, #tpu.memory_space<vmem>> -> memref<128xi32, #tpu.memory_space<vmem>>
      %dma_start3A_79 = arith.constant 0 : i32
      %dma_start3A_80 = arith.constant 0 : i32
      %dma_start3A_81 = tpu.memref_slice %arg17[%dma_start3A_79, %dma_start3A_80] : memref<10240x64xf32, #tpu.memory_space<vmem_shared>> -> memref<10240x64xf32, #tpu.memory_space<vmem_shared>>
      tpu.enqueue_indirect_dma source(%arg9 : memref<128x64xf32, #tpu.memory_space<vmem>>) target(%dma_start3A_81 : memref<10240x64xf32, #tpu.memory_space<vmem_shared>>) offsets(%dma_start3A_78 : memref<128xi32, #tpu.memory_space<vmem>>) semaphore(%arg26 : memref<!tpu.dma_semaphore, #tpu.memory_space<semaphore_mem>>) {add = true}
      %ge3A = arith.constant 4 : i32
      %ge3A_82 = arith.cmpi sge, %add3A_69, %ge3A : i32
      %convert_element_type3A = arith.extui %ge3A_82 : i1 to i32
      %cond3A = arith.constant 0 : i32
      %cond3A_83 = arith.cmpi ne, %convert_element_type3A, %cond3A : i32
      scf.if %cond3A_83 {
        %sub3A = arith.constant 4 : i32
        %sub3A_286 = arith.subi %add3A_69, %sub3A : i32
        %dma_wait3A_287 = arith.constant 0 : i32
        %dma_wait3A_288 = tpu.memref_slice %arg8[%sub3A_286, %dma_wait3A_287] : memref<80x128xi32, #tpu.memory_space<vmem>> -> memref<1x128xi32, #tpu.memory_space<vmem>>
        %dma_wait3A_289 = tpu.memref_squeeze %dma_wait3A_288 : memref<1x128xi32, #tpu.memory_space<vmem>> -> memref<128xi32, #tpu.memory_space<vmem>>
        %dma_wait3A_290 = arith.constant 0 : i32
        %dma_wait3A_291 = arith.constant 0 : i32
        %dma_wait3A_292 = tpu.memref_slice %arg17[%dma_wait3A_290, %dma_wait3A_291] : memref<10240x64xf32, #tpu.memory_space<vmem_shared>> -> memref<10240x64xf32, #tpu.memory_space<vmem_shared>>
        tpu.wait_indirect_dma semaphore(%arg30 : memref<!tpu.dma_semaphore, #tpu.memory_space<semaphore_mem>>) src(%arg13 : memref<128x64xf32, #tpu.memory_space<vmem>>) dst(%dma_wait3A_292 : memref<10240x64xf32, #tpu.memory_space<vmem_shared>>)
      } else {
      }
      %add3A_84 = arith.constant 4 : i32
      %add3A_85 = arith.addi %add3A_69, %add3A_84 : i32
      %lt3A = arith.constant 80 : i32
      %lt3A_86 = arith.cmpi slt, %add3A_85, %lt3A : i32
      %convert_element_type3A_87 = arith.extui %lt3A_86 : i1 to i32
      %cond3A_88 = arith.constant 0 : i32
      %cond3A_89 = arith.cmpi ne, %convert_element_type3A_87, %cond3A_88 : i32
      scf.if %cond3A_89 {
        %add3A_286 = arith.constant 4 : i32
        %add3A_287 = arith.addi %add3A_69, %add3A_286 : i32
        %dma_start3A_288 = arith.constant 0 : i32
        %dma_start3A_289 = tpu.memref_slice %arg7[%add3A_287, %dma_start3A_288] : memref<80x128xi32, #tpu.memory_space<vmem>> -> memref<1x128xi32, #tpu.memory_space<vmem>>
        %dma_start3A_290 = tpu.memref_squeeze %dma_start3A_289 : memref<1x128xi32, #tpu.memory_space<vmem>> -> memref<128xi32, #tpu.memory_space<vmem>>
        %dma_start3A_291 = arith.constant 0 : i32
        %dma_start3A_292 = arith.constant 0 : i32
        %dma_start3A_293 = tpu.memref_slice %arg2[%dma_start3A_291, %dma_start3A_292] : memref<20000x64xf32, #tpu.memory_space<hbm>> -> memref<20000x64xf32, #tpu.memory_space<hbm>>
        tpu.enqueue_indirect_dma source(%dma_start3A_293 : memref<20000x64xf32, #tpu.memory_space<hbm>>) target(%arg13 : memref<128x64xf32, #tpu.memory_space<vmem>>) offsets(%dma_start3A_290 : memref<128xi32, #tpu.memory_space<vmem>>) semaphore(%arg22 : memref<!tpu.dma_semaphore, #tpu.memory_space<semaphore_mem>>)
      } else {
      }
      %mul3A_90 = arith.constant 8 : i32
      %mul3A_91 = arith.muli %mul3A_90, %scan3A_65 : i32
      %add3A_92 = arith.constant 1 : i32
      %add3A_93 = arith.addi %mul3A_91, %add3A_92 : i32
      %dma_wait3A_94 = arith.constant 0 : i32
      %dma_wait3A_95 = tpu.memref_slice %arg7[%add3A_93, %dma_wait3A_94] : memref<80x128xi32, #tpu.memory_space<vmem>> -> memref<1x128xi32, #tpu.memory_space<vmem>>
      %dma_wait3A_96 = tpu.memref_squeeze %dma_wait3A_95 : memref<1x128xi32, #tpu.memory_space<vmem>> -> memref<128xi32, #tpu.memory_space<vmem>>
      %dma_wait3A_97 = arith.constant 0 : i32
      %dma_wait3A_98 = arith.constant 0 : i32
      %dma_wait3A_99 = tpu.memref_slice %arg2[%dma_wait3A_97, %dma_wait3A_98] : memref<20000x64xf32, #tpu.memory_space<hbm>> -> memref<20000x64xf32, #tpu.memory_space<hbm>>
      tpu.wait_indirect_dma semaphore(%arg19 : memref<!tpu.dma_semaphore, #tpu.memory_space<semaphore_mem>>) src(%dma_wait3A_99 : memref<20000x64xf32, #tpu.memory_space<hbm>>) dst(%arg10 : memref<128x64xf32, #tpu.memory_space<vmem>>)
      %dma_start3A_100 = arith.constant 0 : i32
      %dma_start3A_101 = tpu.memref_slice %arg8[%add3A_93, %dma_start3A_100] : memref<80x128xi32, #tpu.memory_space<vmem>> -> memref<1x128xi32, #tpu.memory_space<vmem>>
      %dma_start3A_102 = tpu.memref_squeeze %dma_start3A_101 : memref<1x128xi32, #tpu.memory_space<vmem>> -> memref<128xi32, #tpu.memory_space<vmem>>
      %dma_start3A_103 = arith.constant 0 : i32
      %dma_start3A_104 = arith.constant 0 : i32
      %dma_start3A_105 = tpu.memref_slice %arg17[%dma_start3A_103, %dma_start3A_104] : memref<10240x64xf32, #tpu.memory_space<vmem_shared>> -> memref<10240x64xf32, #tpu.memory_space<vmem_shared>>
      tpu.enqueue_indirect_dma source(%arg10 : memref<128x64xf32, #tpu.memory_space<vmem>>) target(%dma_start3A_105 : memref<10240x64xf32, #tpu.memory_space<vmem_shared>>) offsets(%dma_start3A_102 : memref<128xi32, #tpu.memory_space<vmem>>) semaphore(%arg27 : memref<!tpu.dma_semaphore, #tpu.memory_space<semaphore_mem>>) {add = true}
      %ge3A_106 = arith.constant 4 : i32
      %ge3A_107 = arith.cmpi sge, %add3A_93, %ge3A_106 : i32
      %convert_element_type3A_108 = arith.extui %ge3A_107 : i1 to i32
      %cond3A_109 = arith.constant 0 : i32
      %cond3A_110 = arith.cmpi ne, %convert_element_type3A_108, %cond3A_109 : i32
      scf.if %cond3A_110 {
        %sub3A = arith.constant 4 : i32
        %sub3A_286 = arith.subi %add3A_93, %sub3A : i32
        %dma_wait3A_287 = arith.constant 0 : i32
        %dma_wait3A_288 = tpu.memref_slice %arg8[%sub3A_286, %dma_wait3A_287] : memref<80x128xi32, #tpu.memory_space<vmem>> -> memref<1x128xi32, #tpu.memory_space<vmem>>
        %dma_wait3A_289 = tpu.memref_squeeze %dma_wait3A_288 : memref<1x128xi32, #tpu.memory_space<vmem>> -> memref<128xi32, #tpu.memory_space<vmem>>
        %dma_wait3A_290 = arith.constant 0 : i32
        %dma_wait3A_291 = arith.constant 0 : i32
        %dma_wait3A_292 = tpu.memref_slice %arg17[%dma_wait3A_290, %dma_wait3A_291] : memref<10240x64xf32, #tpu.memory_space<vmem_shared>> -> memref<10240x64xf32, #tpu.memory_space<vmem_shared>>
        tpu.wait_indirect_dma semaphore(%arg31 : memref<!tpu.dma_semaphore, #tpu.memory_space<semaphore_mem>>) src(%arg14 : memref<128x64xf32, #tpu.memory_space<vmem>>) dst(%dma_wait3A_292 : memref<10240x64xf32, #tpu.memory_space<vmem_shared>>)
      } else {
      }
      %add3A_111 = arith.constant 4 : i32
      %add3A_112 = arith.addi %add3A_93, %add3A_111 : i32
      %lt3A_113 = arith.constant 80 : i32
      %lt3A_114 = arith.cmpi slt, %add3A_112, %lt3A_113 : i32
      %convert_element_type3A_115 = arith.extui %lt3A_114 : i1 to i32
      %cond3A_116 = arith.constant 0 : i32
      %cond3A_117 = arith.cmpi ne, %convert_element_type3A_115, %cond3A_116 : i32
      scf.if %cond3A_117 {
        %add3A_286 = arith.constant 4 : i32
        %add3A_287 = arith.addi %add3A_93, %add3A_286 : i32
        %dma_start3A_288 = arith.constant 0 : i32
        %dma_start3A_289 = tpu.memref_slice %arg7[%add3A_287, %dma_start3A_288] : memref<80x128xi32, #tpu.memory_space<vmem>> -> memref<1x128xi32, #tpu.memory_space<vmem>>
        %dma_start3A_290 = tpu.memref_squeeze %dma_start3A_289 : memref<1x128xi32, #tpu.memory_space<vmem>> -> memref<128xi32, #tpu.memory_space<vmem>>
        %dma_start3A_291 = arith.constant 0 : i32
        %dma_start3A_292 = arith.constant 0 : i32
        %dma_start3A_293 = tpu.memref_slice %arg2[%dma_start3A_291, %dma_start3A_292] : memref<20000x64xf32, #tpu.memory_space<hbm>> -> memref<20000x64xf32, #tpu.memory_space<hbm>>
        tpu.enqueue_indirect_dma source(%dma_start3A_293 : memref<20000x64xf32, #tpu.memory_space<hbm>>) target(%arg14 : memref<128x64xf32, #tpu.memory_space<vmem>>) offsets(%dma_start3A_290 : memref<128xi32, #tpu.memory_space<vmem>>) semaphore(%arg23 : memref<!tpu.dma_semaphore, #tpu.memory_space<semaphore_mem>>)
      } else {
      }
      %mul3A_118 = arith.constant 8 : i32
      %mul3A_119 = arith.muli %mul3A_118, %scan3A_65 : i32
      %add3A_120 = arith.constant 2 : i32
      %add3A_121 = arith.addi %mul3A_119, %add3A_120 : i32
      %dma_wait3A_122 = arith.constant 0 : i32
      %dma_wait3A_123 = tpu.memref_slice %arg7[%add3A_121, %dma_wait3A_122] : memref<80x128xi32, #tpu.memory_space<vmem>> -> memref<1x128xi32, #tpu.memory_space<vmem>>
      %dma_wait3A_124 = tpu.memref_squeeze %dma_wait3A_123 : memref<1x128xi32, #tpu.memory_space<vmem>> -> memref<128xi32, #tpu.memory_space<vmem>>
      %dma_wait3A_125 = arith.constant 0 : i32
      %dma_wait3A_126 = arith.constant 0 : i32
      %dma_wait3A_127 = tpu.memref_slice %arg2[%dma_wait3A_125, %dma_wait3A_126] : memref<20000x64xf32, #tpu.memory_space<hbm>> -> memref<20000x64xf32, #tpu.memory_space<hbm>>
      tpu.wait_indirect_dma semaphore(%arg20 : memref<!tpu.dma_semaphore, #tpu.memory_space<semaphore_mem>>) src(%dma_wait3A_127 : memref<20000x64xf32, #tpu.memory_space<hbm>>) dst(%arg11 : memref<128x64xf32, #tpu.memory_space<vmem>>)
      %dma_start3A_128 = arith.constant 0 : i32
      %dma_start3A_129 = tpu.memref_slice %arg8[%add3A_121, %dma_start3A_128] : memref<80x128xi32, #tpu.memory_space<vmem>> -> memref<1x128xi32, #tpu.memory_space<vmem>>
      %dma_start3A_130 = tpu.memref_squeeze %dma_start3A_129 : memref<1x128xi32, #tpu.memory_space<vmem>> -> memref<128xi32, #tpu.memory_space<vmem>>
      %dma_start3A_131 = arith.constant 0 : i32
      %dma_start3A_132 = arith.constant 0 : i32
      %dma_start3A_133 = tpu.memref_slice %arg17[%dma_start3A_131, %dma_start3A_132] : memref<10240x64xf32, #tpu.memory_space<vmem_shared>> -> memref<10240x64xf32, #tpu.memory_space<vmem_shared>>
      tpu.enqueue_indirect_dma source(%arg11 : memref<128x64xf32, #tpu.memory_space<vmem>>) target(%dma_start3A_133 : memref<10240x64xf32, #tpu.memory_space<vmem_shared>>) offsets(%dma_start3A_130 : memref<128xi32, #tpu.memory_space<vmem>>) semaphore(%arg28 : memref<!tpu.dma_semaphore, #tpu.memory_space<semaphore_mem>>) {add = true}
      %ge3A_134 = arith.constant 4 : i32
      %ge3A_135 = arith.cmpi sge, %add3A_121, %ge3A_134 : i32
      %convert_element_type3A_136 = arith.extui %ge3A_135 : i1 to i32
      %cond3A_137 = arith.constant 0 : i32
      %cond3A_138 = arith.cmpi ne, %convert_element_type3A_136, %cond3A_137 : i32
      scf.if %cond3A_138 {
        %sub3A = arith.constant 4 : i32
        %sub3A_286 = arith.subi %add3A_121, %sub3A : i32
        %dma_wait3A_287 = arith.constant 0 : i32
        %dma_wait3A_288 = tpu.memref_slice %arg8[%sub3A_286, %dma_wait3A_287] : memref<80x128xi32, #tpu.memory_space<vmem>> -> memref<1x128xi32, #tpu.memory_space<vmem>>
        %dma_wait3A_289 = tpu.memref_squeeze %dma_wait3A_288 : memref<1x128xi32, #tpu.memory_space<vmem>> -> memref<128xi32, #tpu.memory_space<vmem>>
        %dma_wait3A_290 = arith.constant 0 : i32
        %dma_wait3A_291 = arith.constant 0 : i32
        %dma_wait3A_292 = tpu.memref_slice %arg17[%dma_wait3A_290, %dma_wait3A_291] : memref<10240x64xf32, #tpu.memory_space<vmem_shared>> -> memref<10240x64xf32, #tpu.memory_space<vmem_shared>>
        tpu.wait_indirect_dma semaphore(%arg32 : memref<!tpu.dma_semaphore, #tpu.memory_space<semaphore_mem>>) src(%arg15 : memref<128x64xf32, #tpu.memory_space<vmem>>) dst(%dma_wait3A_292 : memref<10240x64xf32, #tpu.memory_space<vmem_shared>>)
      } else {
      }
      %add3A_139 = arith.constant 4 : i32
      %add3A_140 = arith.addi %add3A_121, %add3A_139 : i32
      %lt3A_141 = arith.constant 80 : i32
      %lt3A_142 = arith.cmpi slt, %add3A_140, %lt3A_141 : i32
      %convert_element_type3A_143 = arith.extui %lt3A_142 : i1 to i32
      %cond3A_144 = arith.constant 0 : i32
      %cond3A_145 = arith.cmpi ne, %convert_element_type3A_143, %cond3A_144 : i32
      scf.if %cond3A_145 {
        %add3A_286 = arith.constant 4 : i32
        %add3A_287 = arith.addi %add3A_121, %add3A_286 : i32
        %dma_start3A_288 = arith.constant 0 : i32
        %dma_start3A_289 = tpu.memref_slice %arg7[%add3A_287, %dma_start3A_288] : memref<80x128xi32, #tpu.memory_space<vmem>> -> memref<1x128xi32, #tpu.memory_space<vmem>>
        %dma_start3A_290 = tpu.memref_squeeze %dma_start3A_289 : memref<1x128xi32, #tpu.memory_space<vmem>> -> memref<128xi32, #tpu.memory_space<vmem>>
        %dma_start3A_291 = arith.constant 0 : i32
        %dma_start3A_292 = arith.constant 0 : i32
        %dma_start3A_293 = tpu.memref_slice %arg2[%dma_start3A_291, %dma_start3A_292] : memref<20000x64xf32, #tpu.memory_space<hbm>> -> memref<20000x64xf32, #tpu.memory_space<hbm>>
        tpu.enqueue_indirect_dma source(%dma_start3A_293 : memref<20000x64xf32, #tpu.memory_space<hbm>>) target(%arg15 : memref<128x64xf32, #tpu.memory_space<vmem>>) offsets(%dma_start3A_290 : memref<128xi32, #tpu.memory_space<vmem>>) semaphore(%arg24 : memref<!tpu.dma_semaphore, #tpu.memory_space<semaphore_mem>>)
      } else {
      }
      %mul3A_146 = arith.constant 8 : i32
      %mul3A_147 = arith.muli %mul3A_146, %scan3A_65 : i32
      %add3A_148 = arith.constant 3 : i32
      %add3A_149 = arith.addi %mul3A_147, %add3A_148 : i32
      %dma_wait3A_150 = arith.constant 0 : i32
      %dma_wait3A_151 = tpu.memref_slice %arg7[%add3A_149, %dma_wait3A_150] : memref<80x128xi32, #tpu.memory_space<vmem>> -> memref<1x128xi32, #tpu.memory_space<vmem>>
      %dma_wait3A_152 = tpu.memref_squeeze %dma_wait3A_151 : memref<1x128xi32, #tpu.memory_space<vmem>> -> memref<128xi32, #tpu.memory_space<vmem>>
      %dma_wait3A_153 = arith.constant 0 : i32
      %dma_wait3A_154 = arith.constant 0 : i32
      %dma_wait3A_155 = tpu.memref_slice %arg2[%dma_wait3A_153, %dma_wait3A_154] : memref<20000x64xf32, #tpu.memory_space<hbm>> -> memref<20000x64xf32, #tpu.memory_space<hbm>>
      tpu.wait_indirect_dma semaphore(%arg21 : memref<!tpu.dma_semaphore, #tpu.memory_space<semaphore_mem>>) src(%dma_wait3A_155 : memref<20000x64xf32, #tpu.memory_space<hbm>>) dst(%arg12 : memref<128x64xf32, #tpu.memory_space<vmem>>)
      %dma_start3A_156 = arith.constant 0 : i32
      %dma_start3A_157 = tpu.memref_slice %arg8[%add3A_149, %dma_start3A_156] : memref<80x128xi32, #tpu.memory_space<vmem>> -> memref<1x128xi32, #tpu.memory_space<vmem>>
      %dma_start3A_158 = tpu.memref_squeeze %dma_start3A_157 : memref<1x128xi32, #tpu.memory_space<vmem>> -> memref<128xi32, #tpu.memory_space<vmem>>
      %dma_start3A_159 = arith.constant 0 : i32
      %dma_start3A_160 = arith.constant 0 : i32
      %dma_start3A_161 = tpu.memref_slice %arg17[%dma_start3A_159, %dma_start3A_160] : memref<10240x64xf32, #tpu.memory_space<vmem_shared>> -> memref<10240x64xf32, #tpu.memory_space<vmem_shared>>
      tpu.enqueue_indirect_dma source(%arg12 : memref<128x64xf32, #tpu.memory_space<vmem>>) target(%dma_start3A_161 : memref<10240x64xf32, #tpu.memory_space<vmem_shared>>) offsets(%dma_start3A_158 : memref<128xi32, #tpu.memory_space<vmem>>) semaphore(%arg29 : memref<!tpu.dma_semaphore, #tpu.memory_space<semaphore_mem>>) {add = true}
      %ge3A_162 = arith.constant 4 : i32
      %ge3A_163 = arith.cmpi sge, %add3A_149, %ge3A_162 : i32
      %convert_element_type3A_164 = arith.extui %ge3A_163 : i1 to i32
      %cond3A_165 = arith.constant 0 : i32
      %cond3A_166 = arith.cmpi ne, %convert_element_type3A_164, %cond3A_165 : i32
      scf.if %cond3A_166 {
        %sub3A = arith.constant 4 : i32
        %sub3A_286 = arith.subi %add3A_149, %sub3A : i32
        %dma_wait3A_287 = arith.constant 0 : i32
        %dma_wait3A_288 = tpu.memref_slice %arg8[%sub3A_286, %dma_wait3A_287] : memref<80x128xi32, #tpu.memory_space<vmem>> -> memref<1x128xi32, #tpu.memory_space<vmem>>
        %dma_wait3A_289 = tpu.memref_squeeze %dma_wait3A_288 : memref<1x128xi32, #tpu.memory_space<vmem>> -> memref<128xi32, #tpu.memory_space<vmem>>
        %dma_wait3A_290 = arith.constant 0 : i32
        %dma_wait3A_291 = arith.constant 0 : i32
        %dma_wait3A_292 = tpu.memref_slice %arg17[%dma_wait3A_290, %dma_wait3A_291] : memref<10240x64xf32, #tpu.memory_space<vmem_shared>> -> memref<10240x64xf32, #tpu.memory_space<vmem_shared>>
        tpu.wait_indirect_dma semaphore(%arg33 : memref<!tpu.dma_semaphore, #tpu.memory_space<semaphore_mem>>) src(%arg16 : memref<128x64xf32, #tpu.memory_space<vmem>>) dst(%dma_wait3A_292 : memref<10240x64xf32, #tpu.memory_space<vmem_shared>>)
      } else {
      }
      %add3A_167 = arith.constant 4 : i32
      %add3A_168 = arith.addi %add3A_149, %add3A_167 : i32
      %lt3A_169 = arith.constant 80 : i32
      %lt3A_170 = arith.cmpi slt, %add3A_168, %lt3A_169 : i32
      %convert_element_type3A_171 = arith.extui %lt3A_170 : i1 to i32
      %cond3A_172 = arith.constant 0 : i32
      %cond3A_173 = arith.cmpi ne, %convert_element_type3A_171, %cond3A_172 : i32
      scf.if %cond3A_173 {
        %add3A_286 = arith.constant 4 : i32
        %add3A_287 = arith.addi %add3A_149, %add3A_286 : i32
        %dma_start3A_288 = arith.constant 0 : i32
        %dma_start3A_289 = tpu.memref_slice %arg7[%add3A_287, %dma_start3A_288] : memref<80x128xi32, #tpu.memory_space<vmem>> -> memref<1x128xi32, #tpu.memory_space<vmem>>
        %dma_start3A_290 = tpu.memref_squeeze %dma_start3A_289 : memref<1x128xi32, #tpu.memory_space<vmem>> -> memref<128xi32, #tpu.memory_space<vmem>>
        %dma_start3A_291 = arith.constant 0 : i32
        %dma_start3A_292 = arith.constant 0 : i32
        %dma_start3A_293 = tpu.memref_slice %arg2[%dma_start3A_291, %dma_start3A_292] : memref<20000x64xf32, #tpu.memory_space<hbm>> -> memref<20000x64xf32, #tpu.memory_space<hbm>>
        tpu.enqueue_indirect_dma source(%dma_start3A_293 : memref<20000x64xf32, #tpu.memory_space<hbm>>) target(%arg16 : memref<128x64xf32, #tpu.memory_space<vmem>>) offsets(%dma_start3A_290 : memref<128xi32, #tpu.memory_space<vmem>>) semaphore(%arg25 : memref<!tpu.dma_semaphore, #tpu.memory_space<semaphore_mem>>)
      } else {
      }
      %mul3A_174 = arith.constant 8 : i32
      %mul3A_175 = arith.muli %mul3A_174, %scan3A_65 : i32
      %add3A_176 = arith.constant 4 : i32
      %add3A_177 = arith.addi %mul3A_175, %add3A_176 : i32
      %dma_wait3A_178 = arith.constant 0 : i32
      %dma_wait3A_179 = tpu.memref_slice %arg7[%add3A_177, %dma_wait3A_178] : memref<80x128xi32, #tpu.memory_space<vmem>> -> memref<1x128xi32, #tpu.memory_space<vmem>>
      %dma_wait3A_180 = tpu.memref_squeeze %dma_wait3A_179 : memref<1x128xi32, #tpu.memory_space<vmem>> -> memref<128xi32, #tpu.memory_space<vmem>>
      %dma_wait3A_181 = arith.constant 0 : i32
      %dma_wait3A_182 = arith.constant 0 : i32
      %dma_wait3A_183 = tpu.memref_slice %arg2[%dma_wait3A_181, %dma_wait3A_182] : memref<20000x64xf32, #tpu.memory_space<hbm>> -> memref<20000x64xf32, #tpu.memory_space<hbm>>
      tpu.wait_indirect_dma semaphore(%arg22 : memref<!tpu.dma_semaphore, #tpu.memory_space<semaphore_mem>>) src(%dma_wait3A_183 : memref<20000x64xf32, #tpu.memory_space<hbm>>) dst(%arg13 : memref<128x64xf32, #tpu.memory_space<vmem>>)
      %dma_start3A_184 = arith.constant 0 : i32
      %dma_start3A_185 = tpu.memref_slice %arg8[%add3A_177, %dma_start3A_184] : memref<80x128xi32, #tpu.memory_space<vmem>> -> memref<1x128xi32, #tpu.memory_space<vmem>>
      %dma_start3A_186 = tpu.memref_squeeze %dma_start3A_185 : memref<1x128xi32, #tpu.memory_space<vmem>> -> memref<128xi32, #tpu.memory_space<vmem>>
      %dma_start3A_187 = arith.constant 0 : i32
      %dma_start3A_188 = arith.constant 0 : i32
      %dma_start3A_189 = tpu.memref_slice %arg17[%dma_start3A_187, %dma_start3A_188] : memref<10240x64xf32, #tpu.memory_space<vmem_shared>> -> memref<10240x64xf32, #tpu.memory_space<vmem_shared>>
      tpu.enqueue_indirect_dma source(%arg13 : memref<128x64xf32, #tpu.memory_space<vmem>>) target(%dma_start3A_189 : memref<10240x64xf32, #tpu.memory_space<vmem_shared>>) offsets(%dma_start3A_186 : memref<128xi32, #tpu.memory_space<vmem>>) semaphore(%arg30 : memref<!tpu.dma_semaphore, #tpu.memory_space<semaphore_mem>>) {add = true}
      %ge3A_190 = arith.constant 4 : i32
      %ge3A_191 = arith.cmpi sge, %add3A_177, %ge3A_190 : i32
      %convert_element_type3A_192 = arith.extui %ge3A_191 : i1 to i32
      %cond3A_193 = arith.constant 0 : i32
      %cond3A_194 = arith.cmpi ne, %convert_element_type3A_192, %cond3A_193 : i32
      scf.if %cond3A_194 {
        %sub3A = arith.constant 4 : i32
        %sub3A_286 = arith.subi %add3A_177, %sub3A : i32
        %dma_wait3A_287 = arith.constant 0 : i32
        %dma_wait3A_288 = tpu.memref_slice %arg8[%sub3A_286, %dma_wait3A_287] : memref<80x128xi32, #tpu.memory_space<vmem>> -> memref<1x128xi32, #tpu.memory_space<vmem>>
        %dma_wait3A_289 = tpu.memref_squeeze %dma_wait3A_288 : memref<1x128xi32, #tpu.memory_space<vmem>> -> memref<128xi32, #tpu.memory_space<vmem>>
        %dma_wait3A_290 = arith.constant 0 : i32
        %dma_wait3A_291 = arith.constant 0 : i32
        %dma_wait3A_292 = tpu.memref_slice %arg17[%dma_wait3A_290, %dma_wait3A_291] : memref<10240x64xf32, #tpu.memory_space<vmem_shared>> -> memref<10240x64xf32, #tpu.memory_space<vmem_shared>>
        tpu.wait_indirect_dma semaphore(%arg26 : memref<!tpu.dma_semaphore, #tpu.memory_space<semaphore_mem>>) src(%arg9 : memref<128x64xf32, #tpu.memory_space<vmem>>) dst(%dma_wait3A_292 : memref<10240x64xf32, #tpu.memory_space<vmem_shared>>)
      } else {
      }
      %add3A_195 = arith.constant 4 : i32
      %add3A_196 = arith.addi %add3A_177, %add3A_195 : i32
      %lt3A_197 = arith.constant 80 : i32
      %lt3A_198 = arith.cmpi slt, %add3A_196, %lt3A_197 : i32
      %convert_element_type3A_199 = arith.extui %lt3A_198 : i1 to i32
      %cond3A_200 = arith.constant 0 : i32
      %cond3A_201 = arith.cmpi ne, %convert_element_type3A_199, %cond3A_200 : i32
      scf.if %cond3A_201 {
        %add3A_286 = arith.constant 4 : i32
        %add3A_287 = arith.addi %add3A_177, %add3A_286 : i32
        %dma_start3A_288 = arith.constant 0 : i32
        %dma_start3A_289 = tpu.memref_slice %arg7[%add3A_287, %dma_start3A_288] : memref<80x128xi32, #tpu.memory_space<vmem>> -> memref<1x128xi32, #tpu.memory_space<vmem>>
        %dma_start3A_290 = tpu.memref_squeeze %dma_start3A_289 : memref<1x128xi32, #tpu.memory_space<vmem>> -> memref<128xi32, #tpu.memory_space<vmem>>
        %dma_start3A_291 = arith.constant 0 : i32
        %dma_start3A_292 = arith.constant 0 : i32
        %dma_start3A_293 = tpu.memref_slice %arg2[%dma_start3A_291, %dma_start3A_292] : memref<20000x64xf32, #tpu.memory_space<hbm>> -> memref<20000x64xf32, #tpu.memory_space<hbm>>
        tpu.enqueue_indirect_dma source(%dma_start3A_293 : memref<20000x64xf32, #tpu.memory_space<hbm>>) target(%arg9 : memref<128x64xf32, #tpu.memory_space<vmem>>) offsets(%dma_start3A_290 : memref<128xi32, #tpu.memory_space<vmem>>) semaphore(%arg18 : memref<!tpu.dma_semaphore, #tpu.memory_space<semaphore_mem>>)
      } else {
      }
      %mul3A_202 = arith.constant 8 : i32
      %mul3A_203 = arith.muli %mul3A_202, %scan3A_65 : i32
      %add3A_204 = arith.constant 5 : i32
      %add3A_205 = arith.addi %mul3A_203, %add3A_204 : i32
      %dma_wait3A_206 = arith.constant 0 : i32
      %dma_wait3A_207 = tpu.memref_slice %arg7[%add3A_205, %dma_wait3A_206] : memref<80x128xi32, #tpu.memory_space<vmem>> -> memref<1x128xi32, #tpu.memory_space<vmem>>
      %dma_wait3A_208 = tpu.memref_squeeze %dma_wait3A_207 : memref<1x128xi32, #tpu.memory_space<vmem>> -> memref<128xi32, #tpu.memory_space<vmem>>
      %dma_wait3A_209 = arith.constant 0 : i32
      %dma_wait3A_210 = arith.constant 0 : i32
      %dma_wait3A_211 = tpu.memref_slice %arg2[%dma_wait3A_209, %dma_wait3A_210] : memref<20000x64xf32, #tpu.memory_space<hbm>> -> memref<20000x64xf32, #tpu.memory_space<hbm>>
      tpu.wait_indirect_dma semaphore(%arg23 : memref<!tpu.dma_semaphore, #tpu.memory_space<semaphore_mem>>) src(%dma_wait3A_211 : memref<20000x64xf32, #tpu.memory_space<hbm>>) dst(%arg14 : memref<128x64xf32, #tpu.memory_space<vmem>>)
      %dma_start3A_212 = arith.constant 0 : i32
      %dma_start3A_213 = tpu.memref_slice %arg8[%add3A_205, %dma_start3A_212] : memref<80x128xi32, #tpu.memory_space<vmem>> -> memref<1x128xi32, #tpu.memory_space<vmem>>
      %dma_start3A_214 = tpu.memref_squeeze %dma_start3A_213 : memref<1x128xi32, #tpu.memory_space<vmem>> -> memref<128xi32, #tpu.memory_space<vmem>>
      %dma_start3A_215 = arith.constant 0 : i32
      %dma_start3A_216 = arith.constant 0 : i32
      %dma_start3A_217 = tpu.memref_slice %arg17[%dma_start3A_215, %dma_start3A_216] : memref<10240x64xf32, #tpu.memory_space<vmem_shared>> -> memref<10240x64xf32, #tpu.memory_space<vmem_shared>>
      tpu.enqueue_indirect_dma source(%arg14 : memref<128x64xf32, #tpu.memory_space<vmem>>) target(%dma_start3A_217 : memref<10240x64xf32, #tpu.memory_space<vmem_shared>>) offsets(%dma_start3A_214 : memref<128xi32, #tpu.memory_space<vmem>>) semaphore(%arg31 : memref<!tpu.dma_semaphore, #tpu.memory_space<semaphore_mem>>) {add = true}
      %ge3A_218 = arith.constant 4 : i32
      %ge3A_219 = arith.cmpi sge, %add3A_205, %ge3A_218 : i32
      %convert_element_type3A_220 = arith.extui %ge3A_219 : i1 to i32
      %cond3A_221 = arith.constant 0 : i32
      %cond3A_222 = arith.cmpi ne, %convert_element_type3A_220, %cond3A_221 : i32
      scf.if %cond3A_222 {
        %sub3A = arith.constant 4 : i32
        %sub3A_286 = arith.subi %add3A_205, %sub3A : i32
        %dma_wait3A_287 = arith.constant 0 : i32
        %dma_wait3A_288 = tpu.memref_slice %arg8[%sub3A_286, %dma_wait3A_287] : memref<80x128xi32, #tpu.memory_space<vmem>> -> memref<1x128xi32, #tpu.memory_space<vmem>>
        %dma_wait3A_289 = tpu.memref_squeeze %dma_wait3A_288 : memref<1x128xi32, #tpu.memory_space<vmem>> -> memref<128xi32, #tpu.memory_space<vmem>>
        %dma_wait3A_290 = arith.constant 0 : i32
        %dma_wait3A_291 = arith.constant 0 : i32
        %dma_wait3A_292 = tpu.memref_slice %arg17[%dma_wait3A_290, %dma_wait3A_291] : memref<10240x64xf32, #tpu.memory_space<vmem_shared>> -> memref<10240x64xf32, #tpu.memory_space<vmem_shared>>
        tpu.wait_indirect_dma semaphore(%arg27 : memref<!tpu.dma_semaphore, #tpu.memory_space<semaphore_mem>>) src(%arg10 : memref<128x64xf32, #tpu.memory_space<vmem>>) dst(%dma_wait3A_292 : memref<10240x64xf32, #tpu.memory_space<vmem_shared>>)
      } else {
      }
      %add3A_223 = arith.constant 4 : i32
      %add3A_224 = arith.addi %add3A_205, %add3A_223 : i32
      %lt3A_225 = arith.constant 80 : i32
      %lt3A_226 = arith.cmpi slt, %add3A_224, %lt3A_225 : i32
      %convert_element_type3A_227 = arith.extui %lt3A_226 : i1 to i32
      %cond3A_228 = arith.constant 0 : i32
      %cond3A_229 = arith.cmpi ne, %convert_element_type3A_227, %cond3A_228 : i32
      scf.if %cond3A_229 {
        %add3A_286 = arith.constant 4 : i32
        %add3A_287 = arith.addi %add3A_205, %add3A_286 : i32
        %dma_start3A_288 = arith.constant 0 : i32
        %dma_start3A_289 = tpu.memref_slice %arg7[%add3A_287, %dma_start3A_288] : memref<80x128xi32, #tpu.memory_space<vmem>> -> memref<1x128xi32, #tpu.memory_space<vmem>>
        %dma_start3A_290 = tpu.memref_squeeze %dma_start3A_289 : memref<1x128xi32, #tpu.memory_space<vmem>> -> memref<128xi32, #tpu.memory_space<vmem>>
        %dma_start3A_291 = arith.constant 0 : i32
        %dma_start3A_292 = arith.constant 0 : i32
        %dma_start3A_293 = tpu.memref_slice %arg2[%dma_start3A_291, %dma_start3A_292] : memref<20000x64xf32, #tpu.memory_space<hbm>> -> memref<20000x64xf32, #tpu.memory_space<hbm>>
        tpu.enqueue_indirect_dma source(%dma_start3A_293 : memref<20000x64xf32, #tpu.memory_space<hbm>>) target(%arg10 : memref<128x64xf32, #tpu.memory_space<vmem>>) offsets(%dma_start3A_290 : memref<128xi32, #tpu.memory_space<vmem>>) semaphore(%arg19 : memref<!tpu.dma_semaphore, #tpu.memory_space<semaphore_mem>>)
      } else {
      }
      %mul3A_230 = arith.constant 8 : i32
      %mul3A_231 = arith.muli %mul3A_230, %scan3A_65 : i32
      %add3A_232 = arith.constant 6 : i32
      %add3A_233 = arith.addi %mul3A_231, %add3A_232 : i32
      %dma_wait3A_234 = arith.constant 0 : i32
      %dma_wait3A_235 = tpu.memref_slice %arg7[%add3A_233, %dma_wait3A_234] : memref<80x128xi32, #tpu.memory_space<vmem>> -> memref<1x128xi32, #tpu.memory_space<vmem>>
      %dma_wait3A_236 = tpu.memref_squeeze %dma_wait3A_235 : memref<1x128xi32, #tpu.memory_space<vmem>> -> memref<128xi32, #tpu.memory_space<vmem>>
      %dma_wait3A_237 = arith.constant 0 : i32
      %dma_wait3A_238 = arith.constant 0 : i32
      %dma_wait3A_239 = tpu.memref_slice %arg2[%dma_wait3A_237, %dma_wait3A_238] : memref<20000x64xf32, #tpu.memory_space<hbm>> -> memref<20000x64xf32, #tpu.memory_space<hbm>>
      tpu.wait_indirect_dma semaphore(%arg24 : memref<!tpu.dma_semaphore, #tpu.memory_space<semaphore_mem>>) src(%dma_wait3A_239 : memref<20000x64xf32, #tpu.memory_space<hbm>>) dst(%arg15 : memref<128x64xf32, #tpu.memory_space<vmem>>)
      %dma_start3A_240 = arith.constant 0 : i32
      %dma_start3A_241 = tpu.memref_slice %arg8[%add3A_233, %dma_start3A_240] : memref<80x128xi32, #tpu.memory_space<vmem>> -> memref<1x128xi32, #tpu.memory_space<vmem>>
      %dma_start3A_242 = tpu.memref_squeeze %dma_start3A_241 : memref<1x128xi32, #tpu.memory_space<vmem>> -> memref<128xi32, #tpu.memory_space<vmem>>
      %dma_start3A_243 = arith.constant 0 : i32
      %dma_start3A_244 = arith.constant 0 : i32
      %dma_start3A_245 = tpu.memref_slice %arg17[%dma_start3A_243, %dma_start3A_244] : memref<10240x64xf32, #tpu.memory_space<vmem_shared>> -> memref<10240x64xf32, #tpu.memory_space<vmem_shared>>
      tpu.enqueue_indirect_dma source(%arg15 : memref<128x64xf32, #tpu.memory_space<vmem>>) target(%dma_start3A_245 : memref<10240x64xf32, #tpu.memory_space<vmem_shared>>) offsets(%dma_start3A_242 : memref<128xi32, #tpu.memory_space<vmem>>) semaphore(%arg32 : memref<!tpu.dma_semaphore, #tpu.memory_space<semaphore_mem>>) {add = true}
      %ge3A_246 = arith.constant 4 : i32
      %ge3A_247 = arith.cmpi sge, %add3A_233, %ge3A_246 : i32
      %convert_element_type3A_248 = arith.extui %ge3A_247 : i1 to i32
      %cond3A_249 = arith.constant 0 : i32
      %cond3A_250 = arith.cmpi ne, %convert_element_type3A_248, %cond3A_249 : i32
      scf.if %cond3A_250 {
        %sub3A = arith.constant 4 : i32
        %sub3A_286 = arith.subi %add3A_233, %sub3A : i32
        %dma_wait3A_287 = arith.constant 0 : i32
        %dma_wait3A_288 = tpu.memref_slice %arg8[%sub3A_286, %dma_wait3A_287] : memref<80x128xi32, #tpu.memory_space<vmem>> -> memref<1x128xi32, #tpu.memory_space<vmem>>
        %dma_wait3A_289 = tpu.memref_squeeze %dma_wait3A_288 : memref<1x128xi32, #tpu.memory_space<vmem>> -> memref<128xi32, #tpu.memory_space<vmem>>
        %dma_wait3A_290 = arith.constant 0 : i32
        %dma_wait3A_291 = arith.constant 0 : i32
        %dma_wait3A_292 = tpu.memref_slice %arg17[%dma_wait3A_290, %dma_wait3A_291] : memref<10240x64xf32, #tpu.memory_space<vmem_shared>> -> memref<10240x64xf32, #tpu.memory_space<vmem_shared>>
        tpu.wait_indirect_dma semaphore(%arg28 : memref<!tpu.dma_semaphore, #tpu.memory_space<semaphore_mem>>) src(%arg11 : memref<128x64xf32, #tpu.memory_space<vmem>>) dst(%dma_wait3A_292 : memref<10240x64xf32, #tpu.memory_space<vmem_shared>>)
      } else {
      }
      %add3A_251 = arith.constant 4 : i32
      %add3A_252 = arith.addi %add3A_233, %add3A_251 : i32
      %lt3A_253 = arith.constant 80 : i32
      %lt3A_254 = arith.cmpi slt, %add3A_252, %lt3A_253 : i32
      %convert_element_type3A_255 = arith.extui %lt3A_254 : i1 to i32
      %cond3A_256 = arith.constant 0 : i32
      %cond3A_257 = arith.cmpi ne, %convert_element_type3A_255, %cond3A_256 : i32
      scf.if %cond3A_257 {
        %add3A_286 = arith.constant 4 : i32
        %add3A_287 = arith.addi %add3A_233, %add3A_286 : i32
        %dma_start3A_288 = arith.constant 0 : i32
        %dma_start3A_289 = tpu.memref_slice %arg7[%add3A_287, %dma_start3A_288] : memref<80x128xi32, #tpu.memory_space<vmem>> -> memref<1x128xi32, #tpu.memory_space<vmem>>
        %dma_start3A_290 = tpu.memref_squeeze %dma_start3A_289 : memref<1x128xi32, #tpu.memory_space<vmem>> -> memref<128xi32, #tpu.memory_space<vmem>>
        %dma_start3A_291 = arith.constant 0 : i32
        %dma_start3A_292 = arith.constant 0 : i32
        %dma_start3A_293 = tpu.memref_slice %arg2[%dma_start3A_291, %dma_start3A_292] : memref<20000x64xf32, #tpu.memory_space<hbm>> -> memref<20000x64xf32, #tpu.memory_space<hbm>>
        tpu.enqueue_indirect_dma source(%dma_start3A_293 : memref<20000x64xf32, #tpu.memory_space<hbm>>) target(%arg11 : memref<128x64xf32, #tpu.memory_space<vmem>>) offsets(%dma_start3A_290 : memref<128xi32, #tpu.memory_space<vmem>>) semaphore(%arg20 : memref<!tpu.dma_semaphore, #tpu.memory_space<semaphore_mem>>)
      } else {
      }
      %mul3A_258 = arith.constant 8 : i32
      %mul3A_259 = arith.muli %mul3A_258, %scan3A_65 : i32
      %add3A_260 = arith.constant 7 : i32
      %add3A_261 = arith.addi %mul3A_259, %add3A_260 : i32
      %dma_wait3A_262 = arith.constant 0 : i32
      %dma_wait3A_263 = tpu.memref_slice %arg7[%add3A_261, %dma_wait3A_262] : memref<80x128xi32, #tpu.memory_space<vmem>> -> memref<1x128xi32, #tpu.memory_space<vmem>>
      %dma_wait3A_264 = tpu.memref_squeeze %dma_wait3A_263 : memref<1x128xi32, #tpu.memory_space<vmem>> -> memref<128xi32, #tpu.memory_space<vmem>>
      %dma_wait3A_265 = arith.constant 0 : i32
      %dma_wait3A_266 = arith.constant 0 : i32
      %dma_wait3A_267 = tpu.memref_slice %arg2[%dma_wait3A_265, %dma_wait3A_266] : memref<20000x64xf32, #tpu.memory_space<hbm>> -> memref<20000x64xf32, #tpu.memory_space<hbm>>
      tpu.wait_indirect_dma semaphore(%arg25 : memref<!tpu.dma_semaphore, #tpu.memory_space<semaphore_mem>>) src(%dma_wait3A_267 : memref<20000x64xf32, #tpu.memory_space<hbm>>) dst(%arg16 : memref<128x64xf32, #tpu.memory_space<vmem>>)
      %dma_start3A_268 = arith.constant 0 : i32
      %dma_start3A_269 = tpu.memref_slice %arg8[%add3A_261, %dma_start3A_268] : memref<80x128xi32, #tpu.memory_space<vmem>> -> memref<1x128xi32, #tpu.memory_space<vmem>>
      %dma_start3A_270 = tpu.memref_squeeze %dma_start3A_269 : memref<1x128xi32, #tpu.memory_space<vmem>> -> memref<128xi32, #tpu.memory_space<vmem>>
      %dma_start3A_271 = arith.constant 0 : i32
      %dma_start3A_272 = arith.constant 0 : i32
      %dma_start3A_273 = tpu.memref_slice %arg17[%dma_start3A_271, %dma_start3A_272] : memref<10240x64xf32, #tpu.memory_space<vmem_shared>> -> memref<10240x64xf32, #tpu.memory_space<vmem_shared>>
      tpu.enqueue_indirect_dma source(%arg16 : memref<128x64xf32, #tpu.memory_space<vmem>>) target(%dma_start3A_273 : memref<10240x64xf32, #tpu.memory_space<vmem_shared>>) offsets(%dma_start3A_270 : memref<128xi32, #tpu.memory_space<vmem>>) semaphore(%arg33 : memref<!tpu.dma_semaphore, #tpu.memory_space<semaphore_mem>>) {add = true}
      %ge3A_274 = arith.constant 4 : i32
      %ge3A_275 = arith.cmpi sge, %add3A_261, %ge3A_274 : i32
      %convert_element_type3A_276 = arith.extui %ge3A_275 : i1 to i32
      %cond3A_277 = arith.constant 0 : i32
      %cond3A_278 = arith.cmpi ne, %convert_element_type3A_276, %cond3A_277 : i32
      scf.if %cond3A_278 {
        %sub3A = arith.constant 4 : i32
        %sub3A_286 = arith.subi %add3A_261, %sub3A : i32
        %dma_wait3A_287 = arith.constant 0 : i32
        %dma_wait3A_288 = tpu.memref_slice %arg8[%sub3A_286, %dma_wait3A_287] : memref<80x128xi32, #tpu.memory_space<vmem>> -> memref<1x128xi32, #tpu.memory_space<vmem>>
        %dma_wait3A_289 = tpu.memref_squeeze %dma_wait3A_288 : memref<1x128xi32, #tpu.memory_space<vmem>> -> memref<128xi32, #tpu.memory_space<vmem>>
        %dma_wait3A_290 = arith.constant 0 : i32
        %dma_wait3A_291 = arith.constant 0 : i32
        %dma_wait3A_292 = tpu.memref_slice %arg17[%dma_wait3A_290, %dma_wait3A_291] : memref<10240x64xf32, #tpu.memory_space<vmem_shared>> -> memref<10240x64xf32, #tpu.memory_space<vmem_shared>>
        tpu.wait_indirect_dma semaphore(%arg29 : memref<!tpu.dma_semaphore, #tpu.memory_space<semaphore_mem>>) src(%arg12 : memref<128x64xf32, #tpu.memory_space<vmem>>) dst(%dma_wait3A_292 : memref<10240x64xf32, #tpu.memory_space<vmem_shared>>)
      } else {
      }
      %add3A_279 = arith.constant 4 : i32
      %add3A_280 = arith.addi %add3A_261, %add3A_279 : i32
      %lt3A_281 = arith.constant 80 : i32
      %lt3A_282 = arith.cmpi slt, %add3A_280, %lt3A_281 : i32
      %convert_element_type3A_283 = arith.extui %lt3A_282 : i1 to i32
      %cond3A_284 = arith.constant 0 : i32
      %cond3A_285 = arith.cmpi ne, %convert_element_type3A_283, %cond3A_284 : i32
      scf.if %cond3A_285 {
        %add3A_286 = arith.constant 4 : i32
        %add3A_287 = arith.addi %add3A_261, %add3A_286 : i32
        %dma_start3A_288 = arith.constant 0 : i32
        %dma_start3A_289 = tpu.memref_slice %arg7[%add3A_287, %dma_start3A_288] : memref<80x128xi32, #tpu.memory_space<vmem>> -> memref<1x128xi32, #tpu.memory_space<vmem>>
        %dma_start3A_290 = tpu.memref_squeeze %dma_start3A_289 : memref<1x128xi32, #tpu.memory_space<vmem>> -> memref<128xi32, #tpu.memory_space<vmem>>
        %dma_start3A_291 = arith.constant 0 : i32
        %dma_start3A_292 = arith.constant 0 : i32
        %dma_start3A_293 = tpu.memref_slice %arg2[%dma_start3A_291, %dma_start3A_292] : memref<20000x64xf32, #tpu.memory_space<hbm>> -> memref<20000x64xf32, #tpu.memory_space<hbm>>
        tpu.enqueue_indirect_dma source(%dma_start3A_293 : memref<20000x64xf32, #tpu.memory_space<hbm>>) target(%arg12 : memref<128x64xf32, #tpu.memory_space<vmem>>) offsets(%dma_start3A_290 : memref<128xi32, #tpu.memory_space<vmem>>) semaphore(%arg21 : memref<!tpu.dma_semaphore, #tpu.memory_space<semaphore_mem>>)
      } else {
      }
    }
    %scan3A_36 = arith.constant 10 : i32
    %dma_wait3A = arith.constant 76 : i32
    %dma_wait3A_37 = arith.constant 0 : i32
    %dma_wait3A_38 = tpu.memref_slice %arg8[%dma_wait3A, %dma_wait3A_37] : memref<80x128xi32, #tpu.memory_space<vmem>> -> memref<1x128xi32, #tpu.memory_space<vmem>>
    %dma_wait3A_39 = tpu.memref_squeeze %dma_wait3A_38 : memref<1x128xi32, #tpu.memory_space<vmem>> -> memref<128xi32, #tpu.memory_space<vmem>>
    %dma_wait3A_40 = arith.constant 0 : i32
    %dma_wait3A_41 = arith.constant 0 : i32
    %dma_wait3A_42 = tpu.memref_slice %arg17[%dma_wait3A_40, %dma_wait3A_41] : memref<10240x64xf32, #tpu.memory_space<vmem_shared>> -> memref<10240x64xf32, #tpu.memory_space<vmem_shared>>
    tpu.wait_indirect_dma semaphore(%arg30 : memref<!tpu.dma_semaphore, #tpu.memory_space<semaphore_mem>>) src(%arg13 : memref<128x64xf32, #tpu.memory_space<vmem>>) dst(%dma_wait3A_42 : memref<10240x64xf32, #tpu.memory_space<vmem_shared>>)
    %dma_wait3A_43 = arith.constant 77 : i32
    %dma_wait3A_44 = arith.constant 0 : i32
    %dma_wait3A_45 = tpu.memref_slice %arg8[%dma_wait3A_43, %dma_wait3A_44] : memref<80x128xi32, #tpu.memory_space<vmem>> -> memref<1x128xi32, #tpu.memory_space<vmem>>
    %dma_wait3A_46 = tpu.memref_squeeze %dma_wait3A_45 : memref<1x128xi32, #tpu.memory_space<vmem>> -> memref<128xi32, #tpu.memory_space<vmem>>
    %dma_wait3A_47 = arith.constant 0 : i32
    %dma_wait3A_48 = arith.constant 0 : i32
    %dma_wait3A_49 = tpu.memref_slice %arg17[%dma_wait3A_47, %dma_wait3A_48] : memref<10240x64xf32, #tpu.memory_space<vmem_shared>> -> memref<10240x64xf32, #tpu.memory_space<vmem_shared>>
    tpu.wait_indirect_dma semaphore(%arg31 : memref<!tpu.dma_semaphore, #tpu.memory_space<semaphore_mem>>) src(%arg14 : memref<128x64xf32, #tpu.memory_space<vmem>>) dst(%dma_wait3A_49 : memref<10240x64xf32, #tpu.memory_space<vmem_shared>>)
    %dma_wait3A_50 = arith.constant 78 : i32
    %dma_wait3A_51 = arith.constant 0 : i32
    %dma_wait3A_52 = tpu.memref_slice %arg8[%dma_wait3A_50, %dma_wait3A_51] : memref<80x128xi32, #tpu.memory_space<vmem>> -> memref<1x128xi32, #tpu.memory_space<vmem>>
    %dma_wait3A_53 = tpu.memref_squeeze %dma_wait3A_52 : memref<1x128xi32, #tpu.memory_space<vmem>> -> memref<128xi32, #tpu.memory_space<vmem>>
    %dma_wait3A_54 = arith.constant 0 : i32
    %dma_wait3A_55 = arith.constant 0 : i32
    %dma_wait3A_56 = tpu.memref_slice %arg17[%dma_wait3A_54, %dma_wait3A_55] : memref<10240x64xf32, #tpu.memory_space<vmem_shared>> -> memref<10240x64xf32, #tpu.memory_space<vmem_shared>>
    tpu.wait_indirect_dma semaphore(%arg32 : memref<!tpu.dma_semaphore, #tpu.memory_space<semaphore_mem>>) src(%arg15 : memref<128x64xf32, #tpu.memory_space<vmem>>) dst(%dma_wait3A_56 : memref<10240x64xf32, #tpu.memory_space<vmem_shared>>)
    %dma_wait3A_57 = arith.constant 79 : i32
    %dma_wait3A_58 = arith.constant 0 : i32
    %dma_wait3A_59 = tpu.memref_slice %arg8[%dma_wait3A_57, %dma_wait3A_58] : memref<80x128xi32, #tpu.memory_space<vmem>> -> memref<1x128xi32, #tpu.memory_space<vmem>>
    %dma_wait3A_60 = tpu.memref_squeeze %dma_wait3A_59 : memref<1x128xi32, #tpu.memory_space<vmem>> -> memref<128xi32, #tpu.memory_space<vmem>>
    %dma_wait3A_61 = arith.constant 0 : i32
    %dma_wait3A_62 = arith.constant 0 : i32
    %dma_wait3A_63 = tpu.memref_slice %arg17[%dma_wait3A_61, %dma_wait3A_62] : memref<10240x64xf32, #tpu.memory_space<vmem_shared>> -> memref<10240x64xf32, #tpu.memory_space<vmem_shared>>
    tpu.wait_indirect_dma semaphore(%arg33 : memref<!tpu.dma_semaphore, #tpu.memory_space<semaphore_mem>>) src(%arg16 : memref<128x64xf32, #tpu.memory_space<vmem>>) dst(%dma_wait3A_63 : memref<10240x64xf32, #tpu.memory_space<vmem_shared>>)
    %barrier3A_64 = arith.constant 0 : index
    tpu.barrier barrier_id(%barrier3A_64)
    "tpu.region"() ({
      %run_scoped3A = tpu.sem_alloc : memref<!tpu.dma_semaphore, #tpu.memory_space<semaphore_mem>>
      %dma_start3A_65 = arith.constant 0 : i32
      %dma_start3A_66 = tpu.memref_slice %arg6[%arg0, %mul3A_4, %dma_start3A_65] : memref<2x10240x64xf32, #tpu.memory_space<hbm>> -> memref<1x640x64xf32, #tpu.memory_space<hbm>>
      %dma_start3A_67 = tpu.memref_squeeze %dma_start3A_66 : memref<1x640x64xf32, #tpu.memory_space<hbm>> -> memref<640x64xf32, #tpu.memory_space<hbm>>
      %dma_start3A_68 = arith.constant 0 : i32
      %dma_start3A_69 = tpu.memref_slice %arg17[%mul3A_4, %dma_start3A_68] : memref<10240x64xf32, #tpu.memory_space<vmem_shared>> -> memref<640x64xf32, #tpu.memory_space<vmem_shared>>
      tpu.enqueue_dma source(%dma_start3A_69 : memref<640x64xf32, #tpu.memory_space<vmem_shared>>) target(%dma_start3A_67 : memref<640x64xf32, #tpu.memory_space<hbm>>) target_semaphore(%run_scoped3A : memref<!tpu.dma_semaphore, #tpu.memory_space<semaphore_mem>>)
      %dma_wait3A_70 = arith.constant 0 : i32
      %dma_wait3A_71 = tpu.memref_slice %arg6[%arg0, %mul3A_4, %dma_wait3A_70] : memref<2x10240x64xf32, #tpu.memory_space<hbm>> -> memref<1x640x64xf32, #tpu.memory_space<hbm>>
      %dma_wait3A_72 = tpu.memref_squeeze %dma_wait3A_71 : memref<1x640x64xf32, #tpu.memory_space<hbm>> -> memref<640x64xf32, #tpu.memory_space<hbm>>
      %dma_wait3A_73 = arith.constant 0 : i32
      %dma_wait3A_74 = tpu.memref_slice %arg17[%mul3A_4, %dma_wait3A_73] : memref<10240x64xf32, #tpu.memory_space<vmem_shared>> -> memref<640x64xf32, #tpu.memory_space<vmem_shared>>
      tpu.wait_dma2 semaphore(%run_scoped3A : memref<!tpu.dma_semaphore, #tpu.memory_space<semaphore_mem>>) src(%dma_wait3A_74 : memref<640x64xf32, #tpu.memory_space<vmem_shared>>) dst(%dma_wait3A_72 : memref<640x64xf32, #tpu.memory_space<hbm>>)
      tpu.yield
    }) : () -> ()
    return
  }
}

#map = affine_map<(d0, d1) -> (0, 0)>
#map1 = affine_map<(d0, d1) -> (0, 0, 0)>
module attributes {stable_mosaic.version = 14 : i64} {
  func.func @_agg_kernel(%arg0: i32, %arg1: i32, %arg2: memref<20000x64xf32, #tpu.memory_space<hbm>>, %arg3: memref<2560x128xi32, #tpu.memory_space<hbm>>, %arg4: memref<2560x128xi32, #tpu.memory_space<hbm>>, %arg5: memref<10240x64xf32, #tpu.memory_space<hbm>>, %arg6: memref<2x10240x64xf32, #tpu.memory_space<hbm>>, %arg7: memref<80x128xi32, #tpu.memory_space<vmem>>, %arg8: memref<80x128xi32, #tpu.memory_space<vmem>>, %arg9: memref<128x64xf32, #tpu.memory_space<vmem>>, %arg10: memref<128x64xf32, #tpu.memory_space<vmem>>, %arg11: memref<128x64xf32, #tpu.memory_space<vmem>>, %arg12: memref<128x64xf32, #tpu.memory_space<vmem>>, %arg13: memref<128x64xf32, #tpu.memory_space<vmem>>, %arg14: memref<128x64xf32, #tpu.memory_space<vmem>>, %arg15: memref<128x64xf32, #tpu.memory_space<vmem>>, %arg16: memref<128x64xf32, #tpu.memory_space<vmem>>, %arg17: memref<10240x64xf32, #tpu.memory_space<vmem_shared>>, %arg18: memref<!tpu.dma_semaphore, #tpu.memory_space<semaphore_mem>>, %arg19: memref<!tpu.dma_semaphore, #tpu.memory_space<semaphore_mem>>, %arg20: memref<!tpu.dma_semaphore, #tpu.memory_space<semaphore_mem>>, %arg21: memref<!tpu.dma_semaphore, #tpu.memory_space<semaphore_mem>>, %arg22: memref<!tpu.dma_semaphore, #tpu.memory_space<semaphore_mem>>, %arg23: memref<!tpu.dma_semaphore, #tpu.memory_space<semaphore_mem>>, %arg24: memref<!tpu.dma_semaphore, #tpu.memory_space<semaphore_mem>>, %arg25: memref<!tpu.dma_semaphore, #tpu.memory_space<semaphore_mem>>, %arg26: memref<!tpu.dma_semaphore, #tpu.memory_space<semaphore_mem>>, %arg27: memref<!tpu.dma_semaphore, #tpu.memory_space<semaphore_mem>>, %arg28: memref<!tpu.dma_semaphore, #tpu.memory_space<semaphore_mem>>, %arg29: memref<!tpu.dma_semaphore, #tpu.memory_space<semaphore_mem>>, %arg30: memref<!tpu.dma_semaphore, #tpu.memory_space<semaphore_mem>>, %arg31: memref<!tpu.dma_semaphore, #tpu.memory_space<semaphore_mem>>, %arg32: memref<!tpu.dma_semaphore, #tpu.memory_space<semaphore_mem>>, %arg33: memref<!tpu.dma_semaphore, #tpu.memory_space<semaphore_mem>>) attributes {dimension_semantics = [#tpu.dimension_semantics<core_parallel>, #tpu.dimension_semantics<subcore_parallel>], iteration_bounds = array<i64: 2, 16>, scalar_prefetch = 0 : i64, scratch_operands = 27 : i64, tpu.core_type = #tpu.core_type<sc_vector_subcore>, window_params = [{transform_indices = #map}, {transform_indices = #map}, {transform_indices = #map}, {transform_indices = #map}, {transform_indices = #map1}]} {
    %mul3A = arith.constant 2 : i32
    %mul3A_0 = arith.muli %arg1, %mul3A : i32
    %add3A = arith.addi %mul3A_0, %arg0 : i32
    %mul3A_1 = arith.constant 80 : i32
    %mul3A_2 = arith.muli %add3A, %mul3A_1 : i32
    %mul3A_3 = arith.constant 640 : i32
    %mul3A_4 = arith.muli %arg1, %mul3A_3 : i32
    "tpu.region"() ({
      %run_scoped3A = tpu.sem_alloc : memref<!tpu.dma_semaphore, #tpu.memory_space<semaphore_mem>>
      %dma_start3A_65 = arith.constant 0 : i32
      %dma_start3A_66 = tpu.memref_slice %arg17[%mul3A_4, %dma_start3A_65] : memref<10240x64xf32, #tpu.memory_space<vmem_shared>> -> memref<640x64xf32, #tpu.memory_space<vmem_shared>>
      %dma_start3A_67 = arith.constant 0 : i32
      %dma_start3A_68 = tpu.memref_slice %arg5[%mul3A_4, %dma_start3A_67] : memref<10240x64xf32, #tpu.memory_space<hbm>> -> memref<640x64xf32, #tpu.memory_space<hbm>>
      tpu.enqueue_dma source(%dma_start3A_68 : memref<640x64xf32, #tpu.memory_space<hbm>>) target(%dma_start3A_66 : memref<640x64xf32, #tpu.memory_space<vmem_shared>>) target_semaphore(%run_scoped3A : memref<!tpu.dma_semaphore, #tpu.memory_space<semaphore_mem>>)
      %dma_wait3A_69 = arith.constant 0 : i32
      %dma_wait3A_70 = tpu.memref_slice %arg17[%mul3A_4, %dma_wait3A_69] : memref<10240x64xf32, #tpu.memory_space<vmem_shared>> -> memref<640x64xf32, #tpu.memory_space<vmem_shared>>
      %dma_wait3A_71 = arith.constant 0 : i32
      %dma_wait3A_72 = tpu.memref_slice %arg5[%mul3A_4, %dma_wait3A_71] : memref<10240x64xf32, #tpu.memory_space<hbm>> -> memref<640x64xf32, #tpu.memory_space<hbm>>
      tpu.wait_dma2 semaphore(%run_scoped3A : memref<!tpu.dma_semaphore, #tpu.memory_space<semaphore_mem>>) src(%dma_wait3A_72 : memref<640x64xf32, #tpu.memory_space<hbm>>) dst(%dma_wait3A_70 : memref<640x64xf32, #tpu.memory_space<vmem_shared>>)
      tpu.yield
    }) : () -> ()
    "tpu.region"() ({
      %run_scoped3A = tpu.sem_alloc : memref<!tpu.dma_semaphore, #tpu.memory_space<semaphore_mem>>
      %dma_start3A_65 = arith.constant 0 : i32
      %dma_start3A_66 = tpu.memref_slice %arg3[%mul3A_2, %dma_start3A_65] : memref<2560x128xi32, #tpu.memory_space<hbm>> -> memref<80x128xi32, #tpu.memory_space<hbm>>
      %dma_start3A_67 = arith.constant 0 : i32
      %dma_start3A_68 = tpu.memref_slice %arg3[%mul3A_2, %dma_start3A_67] : memref<2560x128xi32, #tpu.memory_space<hbm>> -> memref<80x128xi32, #tpu.memory_space<hbm>>
      tpu.enqueue_dma source(%dma_start3A_68 : memref<80x128xi32, #tpu.memory_space<hbm>>) target(%arg7 : memref<80x128xi32, #tpu.memory_space<vmem>>) target_semaphore(%run_scoped3A : memref<!tpu.dma_semaphore, #tpu.memory_space<semaphore_mem>>)
      %dma_wait3A_69 = arith.constant 0 : i32
      %dma_wait3A_70 = tpu.memref_slice %arg3[%mul3A_2, %dma_wait3A_69] : memref<2560x128xi32, #tpu.memory_space<hbm>> -> memref<80x128xi32, #tpu.memory_space<hbm>>
      %dma_wait3A_71 = arith.constant 0 : i32
      %dma_wait3A_72 = tpu.memref_slice %arg3[%mul3A_2, %dma_wait3A_71] : memref<2560x128xi32, #tpu.memory_space<hbm>> -> memref<80x128xi32, #tpu.memory_space<hbm>>
      tpu.wait_dma2 semaphore(%run_scoped3A : memref<!tpu.dma_semaphore, #tpu.memory_space<semaphore_mem>>) src(%dma_wait3A_72 : memref<80x128xi32, #tpu.memory_space<hbm>>) dst(%arg7 : memref<80x128xi32, #tpu.memory_space<vmem>>)
      tpu.yield
    }) : () -> ()
    "tpu.region"() ({
      %run_scoped3A = tpu.sem_alloc : memref<!tpu.dma_semaphore, #tpu.memory_space<semaphore_mem>>
      %dma_start3A_65 = arith.constant 0 : i32
      %dma_start3A_66 = tpu.memref_slice %arg4[%mul3A_2, %dma_start3A_65] : memref<2560x128xi32, #tpu.memory_space<hbm>> -> memref<80x128xi32, #tpu.memory_space<hbm>>
      %dma_start3A_67 = arith.constant 0 : i32
      %dma_start3A_68 = tpu.memref_slice %arg4[%mul3A_2, %dma_start3A_67] : memref<2560x128xi32, #tpu.memory_space<hbm>> -> memref<80x128xi32, #tpu.memory_space<hbm>>
      tpu.enqueue_dma source(%dma_start3A_68 : memref<80x128xi32, #tpu.memory_space<hbm>>) target(%arg8 : memref<80x128xi32, #tpu.memory_space<vmem>>) target_semaphore(%run_scoped3A : memref<!tpu.dma_semaphore, #tpu.memory_space<semaphore_mem>>)
      %dma_wait3A_69 = arith.constant 0 : i32
      %dma_wait3A_70 = tpu.memref_slice %arg4[%mul3A_2, %dma_wait3A_69] : memref<2560x128xi32, #tpu.memory_space<hbm>> -> memref<80x128xi32, #tpu.memory_space<hbm>>
      %dma_wait3A_71 = arith.constant 0 : i32
      %dma_wait3A_72 = tpu.memref_slice %arg4[%mul3A_2, %dma_wait3A_71] : memref<2560x128xi32, #tpu.memory_space<hbm>> -> memref<80x128xi32, #tpu.memory_space<hbm>>
      tpu.wait_dma2 semaphore(%run_scoped3A : memref<!tpu.dma_semaphore, #tpu.memory_space<semaphore_mem>>) src(%dma_wait3A_72 : memref<80x128xi32, #tpu.memory_space<hbm>>) dst(%arg8 : memref<80x128xi32, #tpu.memory_space<vmem>>)
      tpu.yield
    }) : () -> ()
    %barrier3A = arith.constant 0 : index
    tpu.barrier barrier_id(%barrier3A)
    %dma_start3A = arith.constant 0 : i32
    %dma_start3A_5 = arith.constant 0 : i32
    %dma_start3A_6 = tpu.memref_slice %arg7[%dma_start3A, %dma_start3A_5] : memref<80x128xi32, #tpu.memory_space<vmem>> -> memref<1x128xi32, #tpu.memory_space<vmem>>
    %dma_start3A_7 = tpu.memref_squeeze %dma_start3A_6 : memref<1x128xi32, #tpu.memory_space<vmem>> -> memref<128xi32, #tpu.memory_space<vmem>>
    %dma_start3A_8 = arith.constant 0 : i32
    %dma_start3A_9 = arith.constant 0 : i32
    %dma_start3A_10 = tpu.memref_slice %arg2[%dma_start3A_8, %dma_start3A_9] : memref<20000x64xf32, #tpu.memory_space<hbm>> -> memref<20000x64xf32, #tpu.memory_space<hbm>>
    tpu.enqueue_indirect_dma source(%dma_start3A_10 : memref<20000x64xf32, #tpu.memory_space<hbm>>) target(%arg9 : memref<128x64xf32, #tpu.memory_space<vmem>>) offsets(%dma_start3A_7 : memref<128xi32, #tpu.memory_space<vmem>>) semaphore(%arg18 : memref<!tpu.dma_semaphore, #tpu.memory_space<semaphore_mem>>)
    %dma_start3A_11 = arith.constant 1 : i32
    %dma_start3A_12 = arith.constant 0 : i32
    %dma_start3A_13 = tpu.memref_slice %arg7[%dma_start3A_11, %dma_start3A_12] : memref<80x128xi32, #tpu.memory_space<vmem>> -> memref<1x128xi32, #tpu.memory_space<vmem>>
    %dma_start3A_14 = tpu.memref_squeeze %dma_start3A_13 : memref<1x128xi32, #tpu.memory_space<vmem>> -> memref<128xi32, #tpu.memory_space<vmem>>
    %dma_start3A_15 = arith.constant 0 : i32
    %dma_start3A_16 = arith.constant 0 : i32
    %dma_start3A_17 = tpu.memref_slice %arg2[%dma_start3A_15, %dma_start3A_16] : memref<20000x64xf32, #tpu.memory_space<hbm>> -> memref<20000x64xf32, #tpu.memory_space<hbm>>
    tpu.enqueue_indirect_dma source(%dma_start3A_17 : memref<20000x64xf32, #tpu.memory_space<hbm>>) target(%arg10 : memref<128x64xf32, #tpu.memory_space<vmem>>) offsets(%dma_start3A_14 : memref<128xi32, #tpu.memory_space<vmem>>) semaphore(%arg19 : memref<!tpu.dma_semaphore, #tpu.memory_space<semaphore_mem>>)
    %dma_start3A_18 = arith.constant 2 : i32
    %dma_start3A_19 = arith.constant 0 : i32
    %dma_start3A_20 = tpu.memref_slice %arg7[%dma_start3A_18, %dma_start3A_19] : memref<80x128xi32, #tpu.memory_space<vmem>> -> memref<1x128xi32, #tpu.memory_space<vmem>>
    %dma_start3A_21 = tpu.memref_squeeze %dma_start3A_20 : memref<1x128xi32, #tpu.memory_space<vmem>> -> memref<128xi32, #tpu.memory_space<vmem>>
    %dma_start3A_22 = arith.constant 0 : i32
    %dma_start3A_23 = arith.constant 0 : i32
    %dma_start3A_24 = tpu.memref_slice %arg2[%dma_start3A_22, %dma_start3A_23] : memref<20000x64xf32, #tpu.memory_space<hbm>> -> memref<20000x64xf32, #tpu.memory_space<hbm>>
    tpu.enqueue_indirect_dma source(%dma_start3A_24 : memref<20000x64xf32, #tpu.memory_space<hbm>>) target(%arg11 : memref<128x64xf32, #tpu.memory_space<vmem>>) offsets(%dma_start3A_21 : memref<128xi32, #tpu.memory_space<vmem>>) semaphore(%arg20 : memref<!tpu.dma_semaphore, #tpu.memory_space<semaphore_mem>>)
    %dma_start3A_25 = arith.constant 3 : i32
    %dma_start3A_26 = arith.constant 0 : i32
    %dma_start3A_27 = tpu.memref_slice %arg7[%dma_start3A_25, %dma_start3A_26] : memref<80x128xi32, #tpu.memory_space<vmem>> -> memref<1x128xi32, #tpu.memory_space<vmem>>
    %dma_start3A_28 = tpu.memref_squeeze %dma_start3A_27 : memref<1x128xi32, #tpu.memory_space<vmem>> -> memref<128xi32, #tpu.memory_space<vmem>>
    %dma_start3A_29 = arith.constant 0 : i32
    %dma_start3A_30 = arith.constant 0 : i32
    %dma_start3A_31 = tpu.memref_slice %arg2[%dma_start3A_29, %dma_start3A_30] : memref<20000x64xf32, #tpu.memory_space<hbm>> -> memref<20000x64xf32, #tpu.memory_space<hbm>>
    tpu.enqueue_indirect_dma source(%dma_start3A_31 : memref<20000x64xf32, #tpu.memory_space<hbm>>) target(%arg12 : memref<128x64xf32, #tpu.memory_space<vmem>>) offsets(%dma_start3A_28 : memref<128xi32, #tpu.memory_space<vmem>>) semaphore(%arg21 : memref<!tpu.dma_semaphore, #tpu.memory_space<semaphore_mem>>)
    %scan3A = arith.constant 0 : i32
    %scan3A_32 = arith.constant 0 : i32
    %scan3A_33 = arith.constant 10 : i32
    %scan3A_34 = arith.addi %scan3A_32, %scan3A_33 : i32
    %scan3A_35 = arith.constant 1 : i32
    scf.for %scan3A_65 = %scan3A_32 to %scan3A_34 step %scan3A_35  : i32 {
      %mul3A_66 = arith.constant 8 : i32
      %mul3A_67 = arith.muli %mul3A_66, %scan3A_65 : i32
      %add3A_68 = arith.constant 0 : i32
      %add3A_69 = arith.addi %mul3A_67, %add3A_68 : i32
      %dma_wait3A_70 = arith.constant 0 : i32
      %dma_wait3A_71 = tpu.memref_slice %arg7[%add3A_69, %dma_wait3A_70] : memref<80x128xi32, #tpu.memory_space<vmem>> -> memref<1x128xi32, #tpu.memory_space<vmem>>
      %dma_wait3A_72 = tpu.memref_squeeze %dma_wait3A_71 : memref<1x128xi32, #tpu.memory_space<vmem>> -> memref<128xi32, #tpu.memory_space<vmem>>
      %dma_wait3A_73 = arith.constant 0 : i32
      %dma_wait3A_74 = arith.constant 0 : i32
      %dma_wait3A_75 = tpu.memref_slice %arg2[%dma_wait3A_73, %dma_wait3A_74] : memref<20000x64xf32, #tpu.memory_space<hbm>> -> memref<20000x64xf32, #tpu.memory_space<hbm>>
      tpu.wait_indirect_dma semaphore(%arg18 : memref<!tpu.dma_semaphore, #tpu.memory_space<semaphore_mem>>) src(%dma_wait3A_75 : memref<20000x64xf32, #tpu.memory_space<hbm>>) dst(%arg9 : memref<128x64xf32, #tpu.memory_space<vmem>>)
      %dma_start3A_76 = arith.constant 0 : i32
      %dma_start3A_77 = tpu.memref_slice %arg8[%add3A_69, %dma_start3A_76] : memref<80x128xi32, #tpu.memory_space<vmem>> -> memref<1x128xi32, #tpu.memory_space<vmem>>
      %dma_start3A_78 = tpu.memref_squeeze %dma_start3A_77 : memref<1x128xi32, #tpu.memory_space<vmem>> -> memref<128xi32, #tpu.memory_space<vmem>>
      %dma_start3A_79 = arith.constant 0 : i32
      %dma_start3A_80 = arith.constant 0 : i32
      %dma_start3A_81 = tpu.memref_slice %arg17[%dma_start3A_79, %dma_start3A_80] : memref<10240x64xf32, #tpu.memory_space<vmem_shared>> -> memref<10240x64xf32, #tpu.memory_space<vmem_shared>>
      tpu.enqueue_indirect_dma source(%arg9 : memref<128x64xf32, #tpu.memory_space<vmem>>) target(%dma_start3A_81 : memref<10240x64xf32, #tpu.memory_space<vmem_shared>>) offsets(%dma_start3A_78 : memref<128xi32, #tpu.memory_space<vmem>>) semaphore(%arg26 : memref<!tpu.dma_semaphore, #tpu.memory_space<semaphore_mem>>) {add = true}
      %ge3A = arith.constant 4 : i32
      %ge3A_82 = arith.cmpi sge, %add3A_69, %ge3A : i32
      %convert_element_type3A = arith.extui %ge3A_82 : i1 to i32
      %cond3A = arith.constant 0 : i32
      %cond3A_83 = arith.cmpi ne, %convert_element_type3A, %cond3A : i32
      scf.if %cond3A_83 {
        %sub3A = arith.constant 4 : i32
        %sub3A_286 = arith.subi %add3A_69, %sub3A : i32
        %dma_wait3A_287 = arith.constant 0 : i32
        %dma_wait3A_288 = tpu.memref_slice %arg8[%sub3A_286, %dma_wait3A_287] : memref<80x128xi32, #tpu.memory_space<vmem>> -> memref<1x128xi32, #tpu.memory_space<vmem>>
        %dma_wait3A_289 = tpu.memref_squeeze %dma_wait3A_288 : memref<1x128xi32, #tpu.memory_space<vmem>> -> memref<128xi32, #tpu.memory_space<vmem>>
        %dma_wait3A_290 = arith.constant 0 : i32
        %dma_wait3A_291 = arith.constant 0 : i32
        %dma_wait3A_292 = tpu.memref_slice %arg17[%dma_wait3A_290, %dma_wait3A_291] : memref<10240x64xf32, #tpu.memory_space<vmem_shared>> -> memref<10240x64xf32, #tpu.memory_space<vmem_shared>>
        tpu.wait_indirect_dma semaphore(%arg30 : memref<!tpu.dma_semaphore, #tpu.memory_space<semaphore_mem>>) src(%arg13 : memref<128x64xf32, #tpu.memory_space<vmem>>) dst(%dma_wait3A_292 : memref<10240x64xf32, #tpu.memory_space<vmem_shared>>)
      } else {
      }
      %add3A_84 = arith.constant 4 : i32
      %add3A_85 = arith.addi %add3A_69, %add3A_84 : i32
      %lt3A = arith.constant 80 : i32
      %lt3A_86 = arith.cmpi slt, %add3A_85, %lt3A : i32
      %convert_element_type3A_87 = arith.extui %lt3A_86 : i1 to i32
      %cond3A_88 = arith.constant 0 : i32
      %cond3A_89 = arith.cmpi ne, %convert_element_type3A_87, %cond3A_88 : i32
      scf.if %cond3A_89 {
        %add3A_286 = arith.constant 4 : i32
        %add3A_287 = arith.addi %add3A_69, %add3A_286 : i32
        %dma_start3A_288 = arith.constant 0 : i32
        %dma_start3A_289 = tpu.memref_slice %arg7[%add3A_287, %dma_start3A_288] : memref<80x128xi32, #tpu.memory_space<vmem>> -> memref<1x128xi32, #tpu.memory_space<vmem>>
        %dma_start3A_290 = tpu.memref_squeeze %dma_start3A_289 : memref<1x128xi32, #tpu.memory_space<vmem>> -> memref<128xi32, #tpu.memory_space<vmem>>
        %dma_start3A_291 = arith.constant 0 : i32
        %dma_start3A_292 = arith.constant 0 : i32
        %dma_start3A_293 = tpu.memref_slice %arg2[%dma_start3A_291, %dma_start3A_292] : memref<20000x64xf32, #tpu.memory_space<hbm>> -> memref<20000x64xf32, #tpu.memory_space<hbm>>
        tpu.enqueue_indirect_dma source(%dma_start3A_293 : memref<20000x64xf32, #tpu.memory_space<hbm>>) target(%arg13 : memref<128x64xf32, #tpu.memory_space<vmem>>) offsets(%dma_start3A_290 : memref<128xi32, #tpu.memory_space<vmem>>) semaphore(%arg22 : memref<!tpu.dma_semaphore, #tpu.memory_space<semaphore_mem>>)
      } else {
      }
      %mul3A_90 = arith.constant 8 : i32
      %mul3A_91 = arith.muli %mul3A_90, %scan3A_65 : i32
      %add3A_92 = arith.constant 1 : i32
      %add3A_93 = arith.addi %mul3A_91, %add3A_92 : i32
      %dma_wait3A_94 = arith.constant 0 : i32
      %dma_wait3A_95 = tpu.memref_slice %arg7[%add3A_93, %dma_wait3A_94] : memref<80x128xi32, #tpu.memory_space<vmem>> -> memref<1x128xi32, #tpu.memory_space<vmem>>
      %dma_wait3A_96 = tpu.memref_squeeze %dma_wait3A_95 : memref<1x128xi32, #tpu.memory_space<vmem>> -> memref<128xi32, #tpu.memory_space<vmem>>
      %dma_wait3A_97 = arith.constant 0 : i32
      %dma_wait3A_98 = arith.constant 0 : i32
      %dma_wait3A_99 = tpu.memref_slice %arg2[%dma_wait3A_97, %dma_wait3A_98] : memref<20000x64xf32, #tpu.memory_space<hbm>> -> memref<20000x64xf32, #tpu.memory_space<hbm>>
      tpu.wait_indirect_dma semaphore(%arg19 : memref<!tpu.dma_semaphore, #tpu.memory_space<semaphore_mem>>) src(%dma_wait3A_99 : memref<20000x64xf32, #tpu.memory_space<hbm>>) dst(%arg10 : memref<128x64xf32, #tpu.memory_space<vmem>>)
      %dma_start3A_100 = arith.constant 0 : i32
      %dma_start3A_101 = tpu.memref_slice %arg8[%add3A_93, %dma_start3A_100] : memref<80x128xi32, #tpu.memory_space<vmem>> -> memref<1x128xi32, #tpu.memory_space<vmem>>
      %dma_start3A_102 = tpu.memref_squeeze %dma_start3A_101 : memref<1x128xi32, #tpu.memory_space<vmem>> -> memref<128xi32, #tpu.memory_space<vmem>>
      %dma_start3A_103 = arith.constant 0 : i32
      %dma_start3A_104 = arith.constant 0 : i32
      %dma_start3A_105 = tpu.memref_slice %arg17[%dma_start3A_103, %dma_start3A_104] : memref<10240x64xf32, #tpu.memory_space<vmem_shared>> -> memref<10240x64xf32, #tpu.memory_space<vmem_shared>>
      tpu.enqueue_indirect_dma source(%arg10 : memref<128x64xf32, #tpu.memory_space<vmem>>) target(%dma_start3A_105 : memref<10240x64xf32, #tpu.memory_space<vmem_shared>>) offsets(%dma_start3A_102 : memref<128xi32, #tpu.memory_space<vmem>>) semaphore(%arg27 : memref<!tpu.dma_semaphore, #tpu.memory_space<semaphore_mem>>) {add = true}
      %ge3A_106 = arith.constant 4 : i32
      %ge3A_107 = arith.cmpi sge, %add3A_93, %ge3A_106 : i32
      %convert_element_type3A_108 = arith.extui %ge3A_107 : i1 to i32
      %cond3A_109 = arith.constant 0 : i32
      %cond3A_110 = arith.cmpi ne, %convert_element_type3A_108, %cond3A_109 : i32
      scf.if %cond3A_110 {
        %sub3A = arith.constant 4 : i32
        %sub3A_286 = arith.subi %add3A_93, %sub3A : i32
        %dma_wait3A_287 = arith.constant 0 : i32
        %dma_wait3A_288 = tpu.memref_slice %arg8[%sub3A_286, %dma_wait3A_287] : memref<80x128xi32, #tpu.memory_space<vmem>> -> memref<1x128xi32, #tpu.memory_space<vmem>>
        %dma_wait3A_289 = tpu.memref_squeeze %dma_wait3A_288 : memref<1x128xi32, #tpu.memory_space<vmem>> -> memref<128xi32, #tpu.memory_space<vmem>>
        %dma_wait3A_290 = arith.constant 0 : i32
        %dma_wait3A_291 = arith.constant 0 : i32
        %dma_wait3A_292 = tpu.memref_slice %arg17[%dma_wait3A_290, %dma_wait3A_291] : memref<10240x64xf32, #tpu.memory_space<vmem_shared>> -> memref<10240x64xf32, #tpu.memory_space<vmem_shared>>
        tpu.wait_indirect_dma semaphore(%arg31 : memref<!tpu.dma_semaphore, #tpu.memory_space<semaphore_mem>>) src(%arg14 : memref<128x64xf32, #tpu.memory_space<vmem>>) dst(%dma_wait3A_292 : memref<10240x64xf32, #tpu.memory_space<vmem_shared>>)
      } else {
      }
      %add3A_111 = arith.constant 4 : i32
      %add3A_112 = arith.addi %add3A_93, %add3A_111 : i32
      %lt3A_113 = arith.constant 80 : i32
      %lt3A_114 = arith.cmpi slt, %add3A_112, %lt3A_113 : i32
      %convert_element_type3A_115 = arith.extui %lt3A_114 : i1 to i32
      %cond3A_116 = arith.constant 0 : i32
      %cond3A_117 = arith.cmpi ne, %convert_element_type3A_115, %cond3A_116 : i32
      scf.if %cond3A_117 {
        %add3A_286 = arith.constant 4 : i32
        %add3A_287 = arith.addi %add3A_93, %add3A_286 : i32
        %dma_start3A_288 = arith.constant 0 : i32
        %dma_start3A_289 = tpu.memref_slice %arg7[%add3A_287, %dma_start3A_288] : memref<80x128xi32, #tpu.memory_space<vmem>> -> memref<1x128xi32, #tpu.memory_space<vmem>>
        %dma_start3A_290 = tpu.memref_squeeze %dma_start3A_289 : memref<1x128xi32, #tpu.memory_space<vmem>> -> memref<128xi32, #tpu.memory_space<vmem>>
        %dma_start3A_291 = arith.constant 0 : i32
        %dma_start3A_292 = arith.constant 0 : i32
        %dma_start3A_293 = tpu.memref_slice %arg2[%dma_start3A_291, %dma_start3A_292] : memref<20000x64xf32, #tpu.memory_space<hbm>> -> memref<20000x64xf32, #tpu.memory_space<hbm>>
        tpu.enqueue_indirect_dma source(%dma_start3A_293 : memref<20000x64xf32, #tpu.memory_space<hbm>>) target(%arg14 : memref<128x64xf32, #tpu.memory_space<vmem>>) offsets(%dma_start3A_290 : memref<128xi32, #tpu.memory_space<vmem>>) semaphore(%arg23 : memref<!tpu.dma_semaphore, #tpu.memory_space<semaphore_mem>>)
      } else {
      }
      %mul3A_118 = arith.constant 8 : i32
      %mul3A_119 = arith.muli %mul3A_118, %scan3A_65 : i32
      %add3A_120 = arith.constant 2 : i32
      %add3A_121 = arith.addi %mul3A_119, %add3A_120 : i32
      %dma_wait3A_122 = arith.constant 0 : i32
      %dma_wait3A_123 = tpu.memref_slice %arg7[%add3A_121, %dma_wait3A_122] : memref<80x128xi32, #tpu.memory_space<vmem>> -> memref<1x128xi32, #tpu.memory_space<vmem>>
      %dma_wait3A_124 = tpu.memref_squeeze %dma_wait3A_123 : memref<1x128xi32, #tpu.memory_space<vmem>> -> memref<128xi32, #tpu.memory_space<vmem>>
      %dma_wait3A_125 = arith.constant 0 : i32
      %dma_wait3A_126 = arith.constant 0 : i32
      %dma_wait3A_127 = tpu.memref_slice %arg2[%dma_wait3A_125, %dma_wait3A_126] : memref<20000x64xf32, #tpu.memory_space<hbm>> -> memref<20000x64xf32, #tpu.memory_space<hbm>>
      tpu.wait_indirect_dma semaphore(%arg20 : memref<!tpu.dma_semaphore, #tpu.memory_space<semaphore_mem>>) src(%dma_wait3A_127 : memref<20000x64xf32, #tpu.memory_space<hbm>>) dst(%arg11 : memref<128x64xf32, #tpu.memory_space<vmem>>)
      %dma_start3A_128 = arith.constant 0 : i32
      %dma_start3A_129 = tpu.memref_slice %arg8[%add3A_121, %dma_start3A_128] : memref<80x128xi32, #tpu.memory_space<vmem>> -> memref<1x128xi32, #tpu.memory_space<vmem>>
      %dma_start3A_130 = tpu.memref_squeeze %dma_start3A_129 : memref<1x128xi32, #tpu.memory_space<vmem>> -> memref<128xi32, #tpu.memory_space<vmem>>
      %dma_start3A_131 = arith.constant 0 : i32
      %dma_start3A_132 = arith.constant 0 : i32
      %dma_start3A_133 = tpu.memref_slice %arg17[%dma_start3A_131, %dma_start3A_132] : memref<10240x64xf32, #tpu.memory_space<vmem_shared>> -> memref<10240x64xf32, #tpu.memory_space<vmem_shared>>
      tpu.enqueue_indirect_dma source(%arg11 : memref<128x64xf32, #tpu.memory_space<vmem>>) target(%dma_start3A_133 : memref<10240x64xf32, #tpu.memory_space<vmem_shared>>) offsets(%dma_start3A_130 : memref<128xi32, #tpu.memory_space<vmem>>) semaphore(%arg28 : memref<!tpu.dma_semaphore, #tpu.memory_space<semaphore_mem>>) {add = true}
      %ge3A_134 = arith.constant 4 : i32
      %ge3A_135 = arith.cmpi sge, %add3A_121, %ge3A_134 : i32
      %convert_element_type3A_136 = arith.extui %ge3A_135 : i1 to i32
      %cond3A_137 = arith.constant 0 : i32
      %cond3A_138 = arith.cmpi ne, %convert_element_type3A_136, %cond3A_137 : i32
      scf.if %cond3A_138 {
        %sub3A = arith.constant 4 : i32
        %sub3A_286 = arith.subi %add3A_121, %sub3A : i32
        %dma_wait3A_287 = arith.constant 0 : i32
        %dma_wait3A_288 = tpu.memref_slice %arg8[%sub3A_286, %dma_wait3A_287] : memref<80x128xi32, #tpu.memory_space<vmem>> -> memref<1x128xi32, #tpu.memory_space<vmem>>
        %dma_wait3A_289 = tpu.memref_squeeze %dma_wait3A_288 : memref<1x128xi32, #tpu.memory_space<vmem>> -> memref<128xi32, #tpu.memory_space<vmem>>
        %dma_wait3A_290 = arith.constant 0 : i32
        %dma_wait3A_291 = arith.constant 0 : i32
        %dma_wait3A_292 = tpu.memref_slice %arg17[%dma_wait3A_290, %dma_wait3A_291] : memref<10240x64xf32, #tpu.memory_space<vmem_shared>> -> memref<10240x64xf32, #tpu.memory_space<vmem_shared>>
        tpu.wait_indirect_dma semaphore(%arg32 : memref<!tpu.dma_semaphore, #tpu.memory_space<semaphore_mem>>) src(%arg15 : memref<128x64xf32, #tpu.memory_space<vmem>>) dst(%dma_wait3A_292 : memref<10240x64xf32, #tpu.memory_space<vmem_shared>>)
      } else {
      }
      %add3A_139 = arith.constant 4 : i32
      %add3A_140 = arith.addi %add3A_121, %add3A_139 : i32
      %lt3A_141 = arith.constant 80 : i32
      %lt3A_142 = arith.cmpi slt, %add3A_140, %lt3A_141 : i32
      %convert_element_type3A_143 = arith.extui %lt3A_142 : i1 to i32
      %cond3A_144 = arith.constant 0 : i32
      %cond3A_145 = arith.cmpi ne, %convert_element_type3A_143, %cond3A_144 : i32
      scf.if %cond3A_145 {
        %add3A_286 = arith.constant 4 : i32
        %add3A_287 = arith.addi %add3A_121, %add3A_286 : i32
        %dma_start3A_288 = arith.constant 0 : i32
        %dma_start3A_289 = tpu.memref_slice %arg7[%add3A_287, %dma_start3A_288] : memref<80x128xi32, #tpu.memory_space<vmem>> -> memref<1x128xi32, #tpu.memory_space<vmem>>
        %dma_start3A_290 = tpu.memref_squeeze %dma_start3A_289 : memref<1x128xi32, #tpu.memory_space<vmem>> -> memref<128xi32, #tpu.memory_space<vmem>>
        %dma_start3A_291 = arith.constant 0 : i32
        %dma_start3A_292 = arith.constant 0 : i32
        %dma_start3A_293 = tpu.memref_slice %arg2[%dma_start3A_291, %dma_start3A_292] : memref<20000x64xf32, #tpu.memory_space<hbm>> -> memref<20000x64xf32, #tpu.memory_space<hbm>>
        tpu.enqueue_indirect_dma source(%dma_start3A_293 : memref<20000x64xf32, #tpu.memory_space<hbm>>) target(%arg15 : memref<128x64xf32, #tpu.memory_space<vmem>>) offsets(%dma_start3A_290 : memref<128xi32, #tpu.memory_space<vmem>>) semaphore(%arg24 : memref<!tpu.dma_semaphore, #tpu.memory_space<semaphore_mem>>)
      } else {
      }
      %mul3A_146 = arith.constant 8 : i32
      %mul3A_147 = arith.muli %mul3A_146, %scan3A_65 : i32
      %add3A_148 = arith.constant 3 : i32
      %add3A_149 = arith.addi %mul3A_147, %add3A_148 : i32
      %dma_wait3A_150 = arith.constant 0 : i32
      %dma_wait3A_151 = tpu.memref_slice %arg7[%add3A_149, %dma_wait3A_150] : memref<80x128xi32, #tpu.memory_space<vmem>> -> memref<1x128xi32, #tpu.memory_space<vmem>>
      %dma_wait3A_152 = tpu.memref_squeeze %dma_wait3A_151 : memref<1x128xi32, #tpu.memory_space<vmem>> -> memref<128xi32, #tpu.memory_space<vmem>>
      %dma_wait3A_153 = arith.constant 0 : i32
      %dma_wait3A_154 = arith.constant 0 : i32
      %dma_wait3A_155 = tpu.memref_slice %arg2[%dma_wait3A_153, %dma_wait3A_154] : memref<20000x64xf32, #tpu.memory_space<hbm>> -> memref<20000x64xf32, #tpu.memory_space<hbm>>
      tpu.wait_indirect_dma semaphore(%arg21 : memref<!tpu.dma_semaphore, #tpu.memory_space<semaphore_mem>>) src(%dma_wait3A_155 : memref<20000x64xf32, #tpu.memory_space<hbm>>) dst(%arg12 : memref<128x64xf32, #tpu.memory_space<vmem>>)
      %dma_start3A_156 = arith.constant 0 : i32
      %dma_start3A_157 = tpu.memref_slice %arg8[%add3A_149, %dma_start3A_156] : memref<80x128xi32, #tpu.memory_space<vmem>> -> memref<1x128xi32, #tpu.memory_space<vmem>>
      %dma_start3A_158 = tpu.memref_squeeze %dma_start3A_157 : memref<1x128xi32, #tpu.memory_space<vmem>> -> memref<128xi32, #tpu.memory_space<vmem>>
      %dma_start3A_159 = arith.constant 0 : i32
      %dma_start3A_160 = arith.constant 0 : i32
      %dma_start3A_161 = tpu.memref_slice %arg17[%dma_start3A_159, %dma_start3A_160] : memref<10240x64xf32, #tpu.memory_space<vmem_shared>> -> memref<10240x64xf32, #tpu.memory_space<vmem_shared>>
      tpu.enqueue_indirect_dma source(%arg12 : memref<128x64xf32, #tpu.memory_space<vmem>>) target(%dma_start3A_161 : memref<10240x64xf32, #tpu.memory_space<vmem_shared>>) offsets(%dma_start3A_158 : memref<128xi32, #tpu.memory_space<vmem>>) semaphore(%arg29 : memref<!tpu.dma_semaphore, #tpu.memory_space<semaphore_mem>>) {add = true}
      %ge3A_162 = arith.constant 4 : i32
      %ge3A_163 = arith.cmpi sge, %add3A_149, %ge3A_162 : i32
      %convert_element_type3A_164 = arith.extui %ge3A_163 : i1 to i32
      %cond3A_165 = arith.constant 0 : i32
      %cond3A_166 = arith.cmpi ne, %convert_element_type3A_164, %cond3A_165 : i32
      scf.if %cond3A_166 {
        %sub3A = arith.constant 4 : i32
        %sub3A_286 = arith.subi %add3A_149, %sub3A : i32
        %dma_wait3A_287 = arith.constant 0 : i32
        %dma_wait3A_288 = tpu.memref_slice %arg8[%sub3A_286, %dma_wait3A_287] : memref<80x128xi32, #tpu.memory_space<vmem>> -> memref<1x128xi32, #tpu.memory_space<vmem>>
        %dma_wait3A_289 = tpu.memref_squeeze %dma_wait3A_288 : memref<1x128xi32, #tpu.memory_space<vmem>> -> memref<128xi32, #tpu.memory_space<vmem>>
        %dma_wait3A_290 = arith.constant 0 : i32
        %dma_wait3A_291 = arith.constant 0 : i32
        %dma_wait3A_292 = tpu.memref_slice %arg17[%dma_wait3A_290, %dma_wait3A_291] : memref<10240x64xf32, #tpu.memory_space<vmem_shared>> -> memref<10240x64xf32, #tpu.memory_space<vmem_shared>>
        tpu.wait_indirect_dma semaphore(%arg33 : memref<!tpu.dma_semaphore, #tpu.memory_space<semaphore_mem>>) src(%arg16 : memref<128x64xf32, #tpu.memory_space<vmem>>) dst(%dma_wait3A_292 : memref<10240x64xf32, #tpu.memory_space<vmem_shared>>)
      } else {
      }
      %add3A_167 = arith.constant 4 : i32
      %add3A_168 = arith.addi %add3A_149, %add3A_167 : i32
      %lt3A_169 = arith.constant 80 : i32
      %lt3A_170 = arith.cmpi slt, %add3A_168, %lt3A_169 : i32
      %convert_element_type3A_171 = arith.extui %lt3A_170 : i1 to i32
      %cond3A_172 = arith.constant 0 : i32
      %cond3A_173 = arith.cmpi ne, %convert_element_type3A_171, %cond3A_172 : i32
      scf.if %cond3A_173 {
        %add3A_286 = arith.constant 4 : i32
        %add3A_287 = arith.addi %add3A_149, %add3A_286 : i32
        %dma_start3A_288 = arith.constant 0 : i32
        %dma_start3A_289 = tpu.memref_slice %arg7[%add3A_287, %dma_start3A_288] : memref<80x128xi32, #tpu.memory_space<vmem>> -> memref<1x128xi32, #tpu.memory_space<vmem>>
        %dma_start3A_290 = tpu.memref_squeeze %dma_start3A_289 : memref<1x128xi32, #tpu.memory_space<vmem>> -> memref<128xi32, #tpu.memory_space<vmem>>
        %dma_start3A_291 = arith.constant 0 : i32
        %dma_start3A_292 = arith.constant 0 : i32
        %dma_start3A_293 = tpu.memref_slice %arg2[%dma_start3A_291, %dma_start3A_292] : memref<20000x64xf32, #tpu.memory_space<hbm>> -> memref<20000x64xf32, #tpu.memory_space<hbm>>
        tpu.enqueue_indirect_dma source(%dma_start3A_293 : memref<20000x64xf32, #tpu.memory_space<hbm>>) target(%arg16 : memref<128x64xf32, #tpu.memory_space<vmem>>) offsets(%dma_start3A_290 : memref<128xi32, #tpu.memory_space<vmem>>) semaphore(%arg25 : memref<!tpu.dma_semaphore, #tpu.memory_space<semaphore_mem>>)
      } else {
      }
      %mul3A_174 = arith.constant 8 : i32
      %mul3A_175 = arith.muli %mul3A_174, %scan3A_65 : i32
      %add3A_176 = arith.constant 4 : i32
      %add3A_177 = arith.addi %mul3A_175, %add3A_176 : i32
      %dma_wait3A_178 = arith.constant 0 : i32
      %dma_wait3A_179 = tpu.memref_slice %arg7[%add3A_177, %dma_wait3A_178] : memref<80x128xi32, #tpu.memory_space<vmem>> -> memref<1x128xi32, #tpu.memory_space<vmem>>
      %dma_wait3A_180 = tpu.memref_squeeze %dma_wait3A_179 : memref<1x128xi32, #tpu.memory_space<vmem>> -> memref<128xi32, #tpu.memory_space<vmem>>
      %dma_wait3A_181 = arith.constant 0 : i32
      %dma_wait3A_182 = arith.constant 0 : i32
      %dma_wait3A_183 = tpu.memref_slice %arg2[%dma_wait3A_181, %dma_wait3A_182] : memref<20000x64xf32, #tpu.memory_space<hbm>> -> memref<20000x64xf32, #tpu.memory_space<hbm>>
      tpu.wait_indirect_dma semaphore(%arg22 : memref<!tpu.dma_semaphore, #tpu.memory_space<semaphore_mem>>) src(%dma_wait3A_183 : memref<20000x64xf32, #tpu.memory_space<hbm>>) dst(%arg13 : memref<128x64xf32, #tpu.memory_space<vmem>>)
      %dma_start3A_184 = arith.constant 0 : i32
      %dma_start3A_185 = tpu.memref_slice %arg8[%add3A_177, %dma_start3A_184] : memref<80x128xi32, #tpu.memory_space<vmem>> -> memref<1x128xi32, #tpu.memory_space<vmem>>
      %dma_start3A_186 = tpu.memref_squeeze %dma_start3A_185 : memref<1x128xi32, #tpu.memory_space<vmem>> -> memref<128xi32, #tpu.memory_space<vmem>>
      %dma_start3A_187 = arith.constant 0 : i32
      %dma_start3A_188 = arith.constant 0 : i32
      %dma_start3A_189 = tpu.memref_slice %arg17[%dma_start3A_187, %dma_start3A_188] : memref<10240x64xf32, #tpu.memory_space<vmem_shared>> -> memref<10240x64xf32, #tpu.memory_space<vmem_shared>>
      tpu.enqueue_indirect_dma source(%arg13 : memref<128x64xf32, #tpu.memory_space<vmem>>) target(%dma_start3A_189 : memref<10240x64xf32, #tpu.memory_space<vmem_shared>>) offsets(%dma_start3A_186 : memref<128xi32, #tpu.memory_space<vmem>>) semaphore(%arg30 : memref<!tpu.dma_semaphore, #tpu.memory_space<semaphore_mem>>) {add = true}
      %ge3A_190 = arith.constant 4 : i32
      %ge3A_191 = arith.cmpi sge, %add3A_177, %ge3A_190 : i32
      %convert_element_type3A_192 = arith.extui %ge3A_191 : i1 to i32
      %cond3A_193 = arith.constant 0 : i32
      %cond3A_194 = arith.cmpi ne, %convert_element_type3A_192, %cond3A_193 : i32
      scf.if %cond3A_194 {
        %sub3A = arith.constant 4 : i32
        %sub3A_286 = arith.subi %add3A_177, %sub3A : i32
        %dma_wait3A_287 = arith.constant 0 : i32
        %dma_wait3A_288 = tpu.memref_slice %arg8[%sub3A_286, %dma_wait3A_287] : memref<80x128xi32, #tpu.memory_space<vmem>> -> memref<1x128xi32, #tpu.memory_space<vmem>>
        %dma_wait3A_289 = tpu.memref_squeeze %dma_wait3A_288 : memref<1x128xi32, #tpu.memory_space<vmem>> -> memref<128xi32, #tpu.memory_space<vmem>>
        %dma_wait3A_290 = arith.constant 0 : i32
        %dma_wait3A_291 = arith.constant 0 : i32
        %dma_wait3A_292 = tpu.memref_slice %arg17[%dma_wait3A_290, %dma_wait3A_291] : memref<10240x64xf32, #tpu.memory_space<vmem_shared>> -> memref<10240x64xf32, #tpu.memory_space<vmem_shared>>
        tpu.wait_indirect_dma semaphore(%arg26 : memref<!tpu.dma_semaphore, #tpu.memory_space<semaphore_mem>>) src(%arg9 : memref<128x64xf32, #tpu.memory_space<vmem>>) dst(%dma_wait3A_292 : memref<10240x64xf32, #tpu.memory_space<vmem_shared>>)
      } else {
      }
      %add3A_195 = arith.constant 4 : i32
      %add3A_196 = arith.addi %add3A_177, %add3A_195 : i32
      %lt3A_197 = arith.constant 80 : i32
      %lt3A_198 = arith.cmpi slt, %add3A_196, %lt3A_197 : i32
      %convert_element_type3A_199 = arith.extui %lt3A_198 : i1 to i32
      %cond3A_200 = arith.constant 0 : i32
      %cond3A_201 = arith.cmpi ne, %convert_element_type3A_199, %cond3A_200 : i32
      scf.if %cond3A_201 {
        %add3A_286 = arith.constant 4 : i32
        %add3A_287 = arith.addi %add3A_177, %add3A_286 : i32
        %dma_start3A_288 = arith.constant 0 : i32
        %dma_start3A_289 = tpu.memref_slice %arg7[%add3A_287, %dma_start3A_288] : memref<80x128xi32, #tpu.memory_space<vmem>> -> memref<1x128xi32, #tpu.memory_space<vmem>>
        %dma_start3A_290 = tpu.memref_squeeze %dma_start3A_289 : memref<1x128xi32, #tpu.memory_space<vmem>> -> memref<128xi32, #tpu.memory_space<vmem>>
        %dma_start3A_291 = arith.constant 0 : i32
        %dma_start3A_292 = arith.constant 0 : i32
        %dma_start3A_293 = tpu.memref_slice %arg2[%dma_start3A_291, %dma_start3A_292] : memref<20000x64xf32, #tpu.memory_space<hbm>> -> memref<20000x64xf32, #tpu.memory_space<hbm>>
        tpu.enqueue_indirect_dma source(%dma_start3A_293 : memref<20000x64xf32, #tpu.memory_space<hbm>>) target(%arg9 : memref<128x64xf32, #tpu.memory_space<vmem>>) offsets(%dma_start3A_290 : memref<128xi32, #tpu.memory_space<vmem>>) semaphore(%arg18 : memref<!tpu.dma_semaphore, #tpu.memory_space<semaphore_mem>>)
      } else {
      }
      %mul3A_202 = arith.constant 8 : i32
      %mul3A_203 = arith.muli %mul3A_202, %scan3A_65 : i32
      %add3A_204 = arith.constant 5 : i32
      %add3A_205 = arith.addi %mul3A_203, %add3A_204 : i32
      %dma_wait3A_206 = arith.constant 0 : i32
      %dma_wait3A_207 = tpu.memref_slice %arg7[%add3A_205, %dma_wait3A_206] : memref<80x128xi32, #tpu.memory_space<vmem>> -> memref<1x128xi32, #tpu.memory_space<vmem>>
      %dma_wait3A_208 = tpu.memref_squeeze %dma_wait3A_207 : memref<1x128xi32, #tpu.memory_space<vmem>> -> memref<128xi32, #tpu.memory_space<vmem>>
      %dma_wait3A_209 = arith.constant 0 : i32
      %dma_wait3A_210 = arith.constant 0 : i32
      %dma_wait3A_211 = tpu.memref_slice %arg2[%dma_wait3A_209, %dma_wait3A_210] : memref<20000x64xf32, #tpu.memory_space<hbm>> -> memref<20000x64xf32, #tpu.memory_space<hbm>>
      tpu.wait_indirect_dma semaphore(%arg23 : memref<!tpu.dma_semaphore, #tpu.memory_space<semaphore_mem>>) src(%dma_wait3A_211 : memref<20000x64xf32, #tpu.memory_space<hbm>>) dst(%arg14 : memref<128x64xf32, #tpu.memory_space<vmem>>)
      %dma_start3A_212 = arith.constant 0 : i32
      %dma_start3A_213 = tpu.memref_slice %arg8[%add3A_205, %dma_start3A_212] : memref<80x128xi32, #tpu.memory_space<vmem>> -> memref<1x128xi32, #tpu.memory_space<vmem>>
      %dma_start3A_214 = tpu.memref_squeeze %dma_start3A_213 : memref<1x128xi32, #tpu.memory_space<vmem>> -> memref<128xi32, #tpu.memory_space<vmem>>
      %dma_start3A_215 = arith.constant 0 : i32
      %dma_start3A_216 = arith.constant 0 : i32
      %dma_start3A_217 = tpu.memref_slice %arg17[%dma_start3A_215, %dma_start3A_216] : memref<10240x64xf32, #tpu.memory_space<vmem_shared>> -> memref<10240x64xf32, #tpu.memory_space<vmem_shared>>
      tpu.enqueue_indirect_dma source(%arg14 : memref<128x64xf32, #tpu.memory_space<vmem>>) target(%dma_start3A_217 : memref<10240x64xf32, #tpu.memory_space<vmem_shared>>) offsets(%dma_start3A_214 : memref<128xi32, #tpu.memory_space<vmem>>) semaphore(%arg31 : memref<!tpu.dma_semaphore, #tpu.memory_space<semaphore_mem>>) {add = true}
      %ge3A_218 = arith.constant 4 : i32
      %ge3A_219 = arith.cmpi sge, %add3A_205, %ge3A_218 : i32
      %convert_element_type3A_220 = arith.extui %ge3A_219 : i1 to i32
      %cond3A_221 = arith.constant 0 : i32
      %cond3A_222 = arith.cmpi ne, %convert_element_type3A_220, %cond3A_221 : i32
      scf.if %cond3A_222 {
        %sub3A = arith.constant 4 : i32
        %sub3A_286 = arith.subi %add3A_205, %sub3A : i32
        %dma_wait3A_287 = arith.constant 0 : i32
        %dma_wait3A_288 = tpu.memref_slice %arg8[%sub3A_286, %dma_wait3A_287] : memref<80x128xi32, #tpu.memory_space<vmem>> -> memref<1x128xi32, #tpu.memory_space<vmem>>
        %dma_wait3A_289 = tpu.memref_squeeze %dma_wait3A_288 : memref<1x128xi32, #tpu.memory_space<vmem>> -> memref<128xi32, #tpu.memory_space<vmem>>
        %dma_wait3A_290 = arith.constant 0 : i32
        %dma_wait3A_291 = arith.constant 0 : i32
        %dma_wait3A_292 = tpu.memref_slice %arg17[%dma_wait3A_290, %dma_wait3A_291] : memref<10240x64xf32, #tpu.memory_space<vmem_shared>> -> memref<10240x64xf32, #tpu.memory_space<vmem_shared>>
        tpu.wait_indirect_dma semaphore(%arg27 : memref<!tpu.dma_semaphore, #tpu.memory_space<semaphore_mem>>) src(%arg10 : memref<128x64xf32, #tpu.memory_space<vmem>>) dst(%dma_wait3A_292 : memref<10240x64xf32, #tpu.memory_space<vmem_shared>>)
      } else {
      }
      %add3A_223 = arith.constant 4 : i32
      %add3A_224 = arith.addi %add3A_205, %add3A_223 : i32
      %lt3A_225 = arith.constant 80 : i32
      %lt3A_226 = arith.cmpi slt, %add3A_224, %lt3A_225 : i32
      %convert_element_type3A_227 = arith.extui %lt3A_226 : i1 to i32
      %cond3A_228 = arith.constant 0 : i32
      %cond3A_229 = arith.cmpi ne, %convert_element_type3A_227, %cond3A_228 : i32
      scf.if %cond3A_229 {
        %add3A_286 = arith.constant 4 : i32
        %add3A_287 = arith.addi %add3A_205, %add3A_286 : i32
        %dma_start3A_288 = arith.constant 0 : i32
        %dma_start3A_289 = tpu.memref_slice %arg7[%add3A_287, %dma_start3A_288] : memref<80x128xi32, #tpu.memory_space<vmem>> -> memref<1x128xi32, #tpu.memory_space<vmem>>
        %dma_start3A_290 = tpu.memref_squeeze %dma_start3A_289 : memref<1x128xi32, #tpu.memory_space<vmem>> -> memref<128xi32, #tpu.memory_space<vmem>>
        %dma_start3A_291 = arith.constant 0 : i32
        %dma_start3A_292 = arith.constant 0 : i32
        %dma_start3A_293 = tpu.memref_slice %arg2[%dma_start3A_291, %dma_start3A_292] : memref<20000x64xf32, #tpu.memory_space<hbm>> -> memref<20000x64xf32, #tpu.memory_space<hbm>>
        tpu.enqueue_indirect_dma source(%dma_start3A_293 : memref<20000x64xf32, #tpu.memory_space<hbm>>) target(%arg10 : memref<128x64xf32, #tpu.memory_space<vmem>>) offsets(%dma_start3A_290 : memref<128xi32, #tpu.memory_space<vmem>>) semaphore(%arg19 : memref<!tpu.dma_semaphore, #tpu.memory_space<semaphore_mem>>)
      } else {
      }
      %mul3A_230 = arith.constant 8 : i32
      %mul3A_231 = arith.muli %mul3A_230, %scan3A_65 : i32
      %add3A_232 = arith.constant 6 : i32
      %add3A_233 = arith.addi %mul3A_231, %add3A_232 : i32
      %dma_wait3A_234 = arith.constant 0 : i32
      %dma_wait3A_235 = tpu.memref_slice %arg7[%add3A_233, %dma_wait3A_234] : memref<80x128xi32, #tpu.memory_space<vmem>> -> memref<1x128xi32, #tpu.memory_space<vmem>>
      %dma_wait3A_236 = tpu.memref_squeeze %dma_wait3A_235 : memref<1x128xi32, #tpu.memory_space<vmem>> -> memref<128xi32, #tpu.memory_space<vmem>>
      %dma_wait3A_237 = arith.constant 0 : i32
      %dma_wait3A_238 = arith.constant 0 : i32
      %dma_wait3A_239 = tpu.memref_slice %arg2[%dma_wait3A_237, %dma_wait3A_238] : memref<20000x64xf32, #tpu.memory_space<hbm>> -> memref<20000x64xf32, #tpu.memory_space<hbm>>
      tpu.wait_indirect_dma semaphore(%arg24 : memref<!tpu.dma_semaphore, #tpu.memory_space<semaphore_mem>>) src(%dma_wait3A_239 : memref<20000x64xf32, #tpu.memory_space<hbm>>) dst(%arg15 : memref<128x64xf32, #tpu.memory_space<vmem>>)
      %dma_start3A_240 = arith.constant 0 : i32
      %dma_start3A_241 = tpu.memref_slice %arg8[%add3A_233, %dma_start3A_240] : memref<80x128xi32, #tpu.memory_space<vmem>> -> memref<1x128xi32, #tpu.memory_space<vmem>>
      %dma_start3A_242 = tpu.memref_squeeze %dma_start3A_241 : memref<1x128xi32, #tpu.memory_space<vmem>> -> memref<128xi32, #tpu.memory_space<vmem>>
      %dma_start3A_243 = arith.constant 0 : i32
      %dma_start3A_244 = arith.constant 0 : i32
      %dma_start3A_245 = tpu.memref_slice %arg17[%dma_start3A_243, %dma_start3A_244] : memref<10240x64xf32, #tpu.memory_space<vmem_shared>> -> memref<10240x64xf32, #tpu.memory_space<vmem_shared>>
      tpu.enqueue_indirect_dma source(%arg15 : memref<128x64xf32, #tpu.memory_space<vmem>>) target(%dma_start3A_245 : memref<10240x64xf32, #tpu.memory_space<vmem_shared>>) offsets(%dma_start3A_242 : memref<128xi32, #tpu.memory_space<vmem>>) semaphore(%arg32 : memref<!tpu.dma_semaphore, #tpu.memory_space<semaphore_mem>>) {add = true}
      %ge3A_246 = arith.constant 4 : i32
      %ge3A_247 = arith.cmpi sge, %add3A_233, %ge3A_246 : i32
      %convert_element_type3A_248 = arith.extui %ge3A_247 : i1 to i32
      %cond3A_249 = arith.constant 0 : i32
      %cond3A_250 = arith.cmpi ne, %convert_element_type3A_248, %cond3A_249 : i32
      scf.if %cond3A_250 {
        %sub3A = arith.constant 4 : i32
        %sub3A_286 = arith.subi %add3A_233, %sub3A : i32
        %dma_wait3A_287 = arith.constant 0 : i32
        %dma_wait3A_288 = tpu.memref_slice %arg8[%sub3A_286, %dma_wait3A_287] : memref<80x128xi32, #tpu.memory_space<vmem>> -> memref<1x128xi32, #tpu.memory_space<vmem>>
        %dma_wait3A_289 = tpu.memref_squeeze %dma_wait3A_288 : memref<1x128xi32, #tpu.memory_space<vmem>> -> memref<128xi32, #tpu.memory_space<vmem>>
        %dma_wait3A_290 = arith.constant 0 : i32
        %dma_wait3A_291 = arith.constant 0 : i32
        %dma_wait3A_292 = tpu.memref_slice %arg17[%dma_wait3A_290, %dma_wait3A_291] : memref<10240x64xf32, #tpu.memory_space<vmem_shared>> -> memref<10240x64xf32, #tpu.memory_space<vmem_shared>>
        tpu.wait_indirect_dma semaphore(%arg28 : memref<!tpu.dma_semaphore, #tpu.memory_space<semaphore_mem>>) src(%arg11 : memref<128x64xf32, #tpu.memory_space<vmem>>) dst(%dma_wait3A_292 : memref<10240x64xf32, #tpu.memory_space<vmem_shared>>)
      } else {
      }
      %add3A_251 = arith.constant 4 : i32
      %add3A_252 = arith.addi %add3A_233, %add3A_251 : i32
      %lt3A_253 = arith.constant 80 : i32
      %lt3A_254 = arith.cmpi slt, %add3A_252, %lt3A_253 : i32
      %convert_element_type3A_255 = arith.extui %lt3A_254 : i1 to i32
      %cond3A_256 = arith.constant 0 : i32
      %cond3A_257 = arith.cmpi ne, %convert_element_type3A_255, %cond3A_256 : i32
      scf.if %cond3A_257 {
        %add3A_286 = arith.constant 4 : i32
        %add3A_287 = arith.addi %add3A_233, %add3A_286 : i32
        %dma_start3A_288 = arith.constant 0 : i32
        %dma_start3A_289 = tpu.memref_slice %arg7[%add3A_287, %dma_start3A_288] : memref<80x128xi32, #tpu.memory_space<vmem>> -> memref<1x128xi32, #tpu.memory_space<vmem>>
        %dma_start3A_290 = tpu.memref_squeeze %dma_start3A_289 : memref<1x128xi32, #tpu.memory_space<vmem>> -> memref<128xi32, #tpu.memory_space<vmem>>
        %dma_start3A_291 = arith.constant 0 : i32
        %dma_start3A_292 = arith.constant 0 : i32
        %dma_start3A_293 = tpu.memref_slice %arg2[%dma_start3A_291, %dma_start3A_292] : memref<20000x64xf32, #tpu.memory_space<hbm>> -> memref<20000x64xf32, #tpu.memory_space<hbm>>
        tpu.enqueue_indirect_dma source(%dma_start3A_293 : memref<20000x64xf32, #tpu.memory_space<hbm>>) target(%arg11 : memref<128x64xf32, #tpu.memory_space<vmem>>) offsets(%dma_start3A_290 : memref<128xi32, #tpu.memory_space<vmem>>) semaphore(%arg20 : memref<!tpu.dma_semaphore, #tpu.memory_space<semaphore_mem>>)
      } else {
      }
      %mul3A_258 = arith.constant 8 : i32
      %mul3A_259 = arith.muli %mul3A_258, %scan3A_65 : i32
      %add3A_260 = arith.constant 7 : i32
      %add3A_261 = arith.addi %mul3A_259, %add3A_260 : i32
      %dma_wait3A_262 = arith.constant 0 : i32
      %dma_wait3A_263 = tpu.memref_slice %arg7[%add3A_261, %dma_wait3A_262] : memref<80x128xi32, #tpu.memory_space<vmem>> -> memref<1x128xi32, #tpu.memory_space<vmem>>
      %dma_wait3A_264 = tpu.memref_squeeze %dma_wait3A_263 : memref<1x128xi32, #tpu.memory_space<vmem>> -> memref<128xi32, #tpu.memory_space<vmem>>
      %dma_wait3A_265 = arith.constant 0 : i32
      %dma_wait3A_266 = arith.constant 0 : i32
      %dma_wait3A_267 = tpu.memref_slice %arg2[%dma_wait3A_265, %dma_wait3A_266] : memref<20000x64xf32, #tpu.memory_space<hbm>> -> memref<20000x64xf32, #tpu.memory_space<hbm>>
      tpu.wait_indirect_dma semaphore(%arg25 : memref<!tpu.dma_semaphore, #tpu.memory_space<semaphore_mem>>) src(%dma_wait3A_267 : memref<20000x64xf32, #tpu.memory_space<hbm>>) dst(%arg16 : memref<128x64xf32, #tpu.memory_space<vmem>>)
      %dma_start3A_268 = arith.constant 0 : i32
      %dma_start3A_269 = tpu.memref_slice %arg8[%add3A_261, %dma_start3A_268] : memref<80x128xi32, #tpu.memory_space<vmem>> -> memref<1x128xi32, #tpu.memory_space<vmem>>
      %dma_start3A_270 = tpu.memref_squeeze %dma_start3A_269 : memref<1x128xi32, #tpu.memory_space<vmem>> -> memref<128xi32, #tpu.memory_space<vmem>>
      %dma_start3A_271 = arith.constant 0 : i32
      %dma_start3A_272 = arith.constant 0 : i32
      %dma_start3A_273 = tpu.memref_slice %arg17[%dma_start3A_271, %dma_start3A_272] : memref<10240x64xf32, #tpu.memory_space<vmem_shared>> -> memref<10240x64xf32, #tpu.memory_space<vmem_shared>>
      tpu.enqueue_indirect_dma source(%arg16 : memref<128x64xf32, #tpu.memory_space<vmem>>) target(%dma_start3A_273 : memref<10240x64xf32, #tpu.memory_space<vmem_shared>>) offsets(%dma_start3A_270 : memref<128xi32, #tpu.memory_space<vmem>>) semaphore(%arg33 : memref<!tpu.dma_semaphore, #tpu.memory_space<semaphore_mem>>) {add = true}
      %ge3A_274 = arith.constant 4 : i32
      %ge3A_275 = arith.cmpi sge, %add3A_261, %ge3A_274 : i32
      %convert_element_type3A_276 = arith.extui %ge3A_275 : i1 to i32
      %cond3A_277 = arith.constant 0 : i32
      %cond3A_278 = arith.cmpi ne, %convert_element_type3A_276, %cond3A_277 : i32
      scf.if %cond3A_278 {
        %sub3A = arith.constant 4 : i32
        %sub3A_286 = arith.subi %add3A_261, %sub3A : i32
        %dma_wait3A_287 = arith.constant 0 : i32
        %dma_wait3A_288 = tpu.memref_slice %arg8[%sub3A_286, %dma_wait3A_287] : memref<80x128xi32, #tpu.memory_space<vmem>> -> memref<1x128xi32, #tpu.memory_space<vmem>>
        %dma_wait3A_289 = tpu.memref_squeeze %dma_wait3A_288 : memref<1x128xi32, #tpu.memory_space<vmem>> -> memref<128xi32, #tpu.memory_space<vmem>>
        %dma_wait3A_290 = arith.constant 0 : i32
        %dma_wait3A_291 = arith.constant 0 : i32
        %dma_wait3A_292 = tpu.memref_slice %arg17[%dma_wait3A_290, %dma_wait3A_291] : memref<10240x64xf32, #tpu.memory_space<vmem_shared>> -> memref<10240x64xf32, #tpu.memory_space<vmem_shared>>
        tpu.wait_indirect_dma semaphore(%arg29 : memref<!tpu.dma_semaphore, #tpu.memory_space<semaphore_mem>>) src(%arg12 : memref<128x64xf32, #tpu.memory_space<vmem>>) dst(%dma_wait3A_292 : memref<10240x64xf32, #tpu.memory_space<vmem_shared>>)
      } else {
      }
      %add3A_279 = arith.constant 4 : i32
      %add3A_280 = arith.addi %add3A_261, %add3A_279 : i32
      %lt3A_281 = arith.constant 80 : i32
      %lt3A_282 = arith.cmpi slt, %add3A_280, %lt3A_281 : i32
      %convert_element_type3A_283 = arith.extui %lt3A_282 : i1 to i32
      %cond3A_284 = arith.constant 0 : i32
      %cond3A_285 = arith.cmpi ne, %convert_element_type3A_283, %cond3A_284 : i32
      scf.if %cond3A_285 {
        %add3A_286 = arith.constant 4 : i32
        %add3A_287 = arith.addi %add3A_261, %add3A_286 : i32
        %dma_start3A_288 = arith.constant 0 : i32
        %dma_start3A_289 = tpu.memref_slice %arg7[%add3A_287, %dma_start3A_288] : memref<80x128xi32, #tpu.memory_space<vmem>> -> memref<1x128xi32, #tpu.memory_space<vmem>>
        %dma_start3A_290 = tpu.memref_squeeze %dma_start3A_289 : memref<1x128xi32, #tpu.memory_space<vmem>> -> memref<128xi32, #tpu.memory_space<vmem>>
        %dma_start3A_291 = arith.constant 0 : i32
        %dma_start3A_292 = arith.constant 0 : i32
        %dma_start3A_293 = tpu.memref_slice %arg2[%dma_start3A_291, %dma_start3A_292] : memref<20000x64xf32, #tpu.memory_space<hbm>> -> memref<20000x64xf32, #tpu.memory_space<hbm>>
        tpu.enqueue_indirect_dma source(%dma_start3A_293 : memref<20000x64xf32, #tpu.memory_space<hbm>>) target(%arg12 : memref<128x64xf32, #tpu.memory_space<vmem>>) offsets(%dma_start3A_290 : memref<128xi32, #tpu.memory_space<vmem>>) semaphore(%arg21 : memref<!tpu.dma_semaphore, #tpu.memory_space<semaphore_mem>>)
      } else {
      }
    }
    %scan3A_36 = arith.constant 10 : i32
    %dma_wait3A = arith.constant 76 : i32
    %dma_wait3A_37 = arith.constant 0 : i32
    %dma_wait3A_38 = tpu.memref_slice %arg8[%dma_wait3A, %dma_wait3A_37] : memref<80x128xi32, #tpu.memory_space<vmem>> -> memref<1x128xi32, #tpu.memory_space<vmem>>
    %dma_wait3A_39 = tpu.memref_squeeze %dma_wait3A_38 : memref<1x128xi32, #tpu.memory_space<vmem>> -> memref<128xi32, #tpu.memory_space<vmem>>
    %dma_wait3A_40 = arith.constant 0 : i32
    %dma_wait3A_41 = arith.constant 0 : i32
    %dma_wait3A_42 = tpu.memref_slice %arg17[%dma_wait3A_40, %dma_wait3A_41] : memref<10240x64xf32, #tpu.memory_space<vmem_shared>> -> memref<10240x64xf32, #tpu.memory_space<vmem_shared>>
    tpu.wait_indirect_dma semaphore(%arg30 : memref<!tpu.dma_semaphore, #tpu.memory_space<semaphore_mem>>) src(%arg13 : memref<128x64xf32, #tpu.memory_space<vmem>>) dst(%dma_wait3A_42 : memref<10240x64xf32, #tpu.memory_space<vmem_shared>>)
    %dma_wait3A_43 = arith.constant 77 : i32
    %dma_wait3A_44 = arith.constant 0 : i32
    %dma_wait3A_45 = tpu.memref_slice %arg8[%dma_wait3A_43, %dma_wait3A_44] : memref<80x128xi32, #tpu.memory_space<vmem>> -> memref<1x128xi32, #tpu.memory_space<vmem>>
    %dma_wait3A_46 = tpu.memref_squeeze %dma_wait3A_45 : memref<1x128xi32, #tpu.memory_space<vmem>> -> memref<128xi32, #tpu.memory_space<vmem>>
    %dma_wait3A_47 = arith.constant 0 : i32
    %dma_wait3A_48 = arith.constant 0 : i32
    %dma_wait3A_49 = tpu.memref_slice %arg17[%dma_wait3A_47, %dma_wait3A_48] : memref<10240x64xf32, #tpu.memory_space<vmem_shared>> -> memref<10240x64xf32, #tpu.memory_space<vmem_shared>>
    tpu.wait_indirect_dma semaphore(%arg31 : memref<!tpu.dma_semaphore, #tpu.memory_space<semaphore_mem>>) src(%arg14 : memref<128x64xf32, #tpu.memory_space<vmem>>) dst(%dma_wait3A_49 : memref<10240x64xf32, #tpu.memory_space<vmem_shared>>)
    %dma_wait3A_50 = arith.constant 78 : i32
    %dma_wait3A_51 = arith.constant 0 : i32
    %dma_wait3A_52 = tpu.memref_slice %arg8[%dma_wait3A_50, %dma_wait3A_51] : memref<80x128xi32, #tpu.memory_space<vmem>> -> memref<1x128xi32, #tpu.memory_space<vmem>>
    %dma_wait3A_53 = tpu.memref_squeeze %dma_wait3A_52 : memref<1x128xi32, #tpu.memory_space<vmem>> -> memref<128xi32, #tpu.memory_space<vmem>>
    %dma_wait3A_54 = arith.constant 0 : i32
    %dma_wait3A_55 = arith.constant 0 : i32
    %dma_wait3A_56 = tpu.memref_slice %arg17[%dma_wait3A_54, %dma_wait3A_55] : memref<10240x64xf32, #tpu.memory_space<vmem_shared>> -> memref<10240x64xf32, #tpu.memory_space<vmem_shared>>
    tpu.wait_indirect_dma semaphore(%arg32 : memref<!tpu.dma_semaphore, #tpu.memory_space<semaphore_mem>>) src(%arg15 : memref<128x64xf32, #tpu.memory_space<vmem>>) dst(%dma_wait3A_56 : memref<10240x64xf32, #tpu.memory_space<vmem_shared>>)
    %dma_wait3A_57 = arith.constant 79 : i32
    %dma_wait3A_58 = arith.constant 0 : i32
    %dma_wait3A_59 = tpu.memref_slice %arg8[%dma_wait3A_57, %dma_wait3A_58] : memref<80x128xi32, #tpu.memory_space<vmem>> -> memref<1x128xi32, #tpu.memory_space<vmem>>
    %dma_wait3A_60 = tpu.memref_squeeze %dma_wait3A_59 : memref<1x128xi32, #tpu.memory_space<vmem>> -> memref<128xi32, #tpu.memory_space<vmem>>
    %dma_wait3A_61 = arith.constant 0 : i32
    %dma_wait3A_62 = arith.constant 0 : i32
    %dma_wait3A_63 = tpu.memref_slice %arg17[%dma_wait3A_61, %dma_wait3A_62] : memref<10240x64xf32, #tpu.memory_space<vmem_shared>> -> memref<10240x64xf32, #tpu.memory_space<vmem_shared>>
    tpu.wait_indirect_dma semaphore(%arg33 : memref<!tpu.dma_semaphore, #tpu.memory_space<semaphore_mem>>) src(%arg16 : memref<128x64xf32, #tpu.memory_space<vmem>>) dst(%dma_wait3A_63 : memref<10240x64xf32, #tpu.memory_space<vmem_shared>>)
    %barrier3A_64 = arith.constant 0 : index
    tpu.barrier barrier_id(%barrier3A_64)
    "tpu.region"() ({
      %run_scoped3A = tpu.sem_alloc : memref<!tpu.dma_semaphore, #tpu.memory_space<semaphore_mem>>
      %dma_start3A_65 = arith.constant 0 : i32
      %dma_start3A_66 = tpu.memref_slice %arg6[%arg0, %mul3A_4, %dma_start3A_65] : memref<2x10240x64xf32, #tpu.memory_space<hbm>> -> memref<1x640x64xf32, #tpu.memory_space<hbm>>
      %dma_start3A_67 = tpu.memref_squeeze %dma_start3A_66 : memref<1x640x64xf32, #tpu.memory_space<hbm>> -> memref<640x64xf32, #tpu.memory_space<hbm>>
      %dma_start3A_68 = arith.constant 0 : i32
      %dma_start3A_69 = tpu.memref_slice %arg17[%mul3A_4, %dma_start3A_68] : memref<10240x64xf32, #tpu.memory_space<vmem_shared>> -> memref<640x64xf32, #tpu.memory_space<vmem_shared>>
      tpu.enqueue_dma source(%dma_start3A_69 : memref<640x64xf32, #tpu.memory_space<vmem_shared>>) target(%dma_start3A_67 : memref<640x64xf32, #tpu.memory_space<hbm>>) target_semaphore(%run_scoped3A : memref<!tpu.dma_semaphore, #tpu.memory_space<semaphore_mem>>)
      %dma_wait3A_70 = arith.constant 0 : i32
      %dma_wait3A_71 = tpu.memref_slice %arg6[%arg0, %mul3A_4, %dma_wait3A_70] : memref<2x10240x64xf32, #tpu.memory_space<hbm>> -> memref<1x640x64xf32, #tpu.memory_space<hbm>>
      %dma_wait3A_72 = tpu.memref_squeeze %dma_wait3A_71 : memref<1x640x64xf32, #tpu.memory_space<hbm>> -> memref<640x64xf32, #tpu.memory_space<hbm>>
      %dma_wait3A_73 = arith.constant 0 : i32
      %dma_wait3A_74 = tpu.memref_slice %arg17[%mul3A_4, %dma_wait3A_73] : memref<10240x64xf32, #tpu.memory_space<vmem_shared>> -> memref<640x64xf32, #tpu.memory_space<vmem_shared>>
      tpu.wait_dma2 semaphore(%run_scoped3A : memref<!tpu.dma_semaphore, #tpu.memory_space<semaphore_mem>>) src(%dma_wait3A_74 : memref<640x64xf32, #tpu.memory_space<vmem_shared>>) dst(%dma_wait3A_72 : memref<640x64xf32, #tpu.memory_space<hbm>>)
      tpu.yield
    }) : () -> ()
    return
  }
}

#map = affine_map<(d0, d1) -> (0)>
#map1 = affine_map<(d0, d1) -> (0, 0)>
#map2 = affine_map<(d0, d1) -> (0, 0, 0)>
module attributes {stable_mosaic.version = 14 : i64} {
  func.func @_prep_kernel(%arg0: i32, %arg1: i32, %arg2: memref<10000xf32, #tpu.memory_space<hbm>>, %arg3: memref<2x320000xi32, #tpu.memory_space<hbm>>, %arg4: memref<10240x16xf32, #tpu.memory_space<hbm>>, %arg5: memref<2560x128xi32, #tpu.memory_space<hbm>>, %arg6: memref<2560x128xi32, #tpu.memory_space<hbm>>, %arg7: memref<2x10240x16xf32, #tpu.memory_space<hbm>>, %arg8: memref<10000xf32, #tpu.memory_space<vmem>>, %arg9: memref<10000xi32, #tpu.memory_space<vmem>>, %arg10: memref<10000xi32, #tpu.memory_space<vmem>>, %arg11: memref<80x128xi32, #tpu.memory_space<vmem>>, %arg12: memref<80x128xi32, #tpu.memory_space<vmem>>, %arg13: memref<128x16xf32, #tpu.memory_space<vmem>>, %arg14: memref<10240x16xf32, #tpu.memory_space<vmem_shared>>) attributes {dimension_semantics = [#tpu.dimension_semantics<core_parallel>, #tpu.dimension_semantics<subcore_parallel>], iteration_bounds = array<i64: 2, 16>, scalar_prefetch = 0 : i64, scratch_operands = 7 : i64, tpu.core_type = #tpu.core_type<sc_vector_subcore>, window_params = [{transform_indices = #map}, {transform_indices = #map1}, {transform_indices = #map1}, {transform_indices = #map1}, {transform_indices = #map1}, {transform_indices = #map2}]} {
    %mul3A = arith.constant 2 : i32
    %mul3A_0 = arith.muli %arg1, %mul3A : i32
    %add3A = arith.addi %mul3A_0, %arg0 : i32
    %mul3A_1 = arith.constant 10000 : i32
    %mul3A_2 = arith.muli %add3A, %mul3A_1 : i32
    %mul3A_3 = arith.constant 80 : i32
    %mul3A_4 = arith.muli %add3A, %mul3A_3 : i32
    %mul3A_5 = arith.constant 640 : i32
    %mul3A_6 = arith.muli %arg1, %mul3A_5 : i32
    "tpu.region"() ({
      %run_scoped3A_666 = tpu.sem_alloc : memref<!tpu.dma_semaphore, #tpu.memory_space<semaphore_mem>>
      %dma_start3A = arith.constant 0 : i32
      %dma_start3A_667 = tpu.memref_slice %arg14[%mul3A_6, %dma_start3A] : memref<10240x16xf32, #tpu.memory_space<vmem_shared>> -> memref<640x16xf32, #tpu.memory_space<vmem_shared>>
      %dma_start3A_668 = arith.constant 0 : i32
      %dma_start3A_669 = tpu.memref_slice %arg4[%mul3A_6, %dma_start3A_668] : memref<10240x16xf32, #tpu.memory_space<hbm>> -> memref<640x16xf32, #tpu.memory_space<hbm>>
      tpu.enqueue_dma source(%dma_start3A_669 : memref<640x16xf32, #tpu.memory_space<hbm>>) target(%dma_start3A_667 : memref<640x16xf32, #tpu.memory_space<vmem_shared>>) target_semaphore(%run_scoped3A_666 : memref<!tpu.dma_semaphore, #tpu.memory_space<semaphore_mem>>)
      %dma_wait3A = arith.constant 0 : i32
      %dma_wait3A_670 = tpu.memref_slice %arg14[%mul3A_6, %dma_wait3A] : memref<10240x16xf32, #tpu.memory_space<vmem_shared>> -> memref<640x16xf32, #tpu.memory_space<vmem_shared>>
      %dma_wait3A_671 = arith.constant 0 : i32
      %dma_wait3A_672 = tpu.memref_slice %arg4[%mul3A_6, %dma_wait3A_671] : memref<10240x16xf32, #tpu.memory_space<hbm>> -> memref<640x16xf32, #tpu.memory_space<hbm>>
      tpu.wait_dma2 semaphore(%run_scoped3A_666 : memref<!tpu.dma_semaphore, #tpu.memory_space<semaphore_mem>>) src(%dma_wait3A_672 : memref<640x16xf32, #tpu.memory_space<hbm>>) dst(%dma_wait3A_670 : memref<640x16xf32, #tpu.memory_space<vmem_shared>>)
      tpu.yield
    }) : () -> ()
    "tpu.region"() ({
      %run_scoped3A_666 = tpu.sem_alloc : memref<!tpu.dma_semaphore, #tpu.memory_space<semaphore_mem>>
      tpu.enqueue_dma source(%arg2 : memref<10000xf32, #tpu.memory_space<hbm>>) target(%arg8 : memref<10000xf32, #tpu.memory_space<vmem>>) target_semaphore(%run_scoped3A_666 : memref<!tpu.dma_semaphore, #tpu.memory_space<semaphore_mem>>)
      tpu.wait_dma2 semaphore(%run_scoped3A_666 : memref<!tpu.dma_semaphore, #tpu.memory_space<semaphore_mem>>) src(%arg2 : memref<10000xf32, #tpu.memory_space<hbm>>) dst(%arg8 : memref<10000xf32, #tpu.memory_space<vmem>>)
      tpu.yield
    }) : () -> ()
    %run_scoped3A = arith.constant 0 : i32
    "tpu.region"() ({
      %run_scoped3A_666 = tpu.sem_alloc : memref<!tpu.dma_semaphore, #tpu.memory_space<semaphore_mem>>
      %dma_start3A = tpu.memref_slice %arg3[%run_scoped3A, %mul3A_2] : memref<2x320000xi32, #tpu.memory_space<hbm>> -> memref<1x10000xi32, #tpu.memory_space<hbm>>
      %dma_start3A_667 = tpu.memref_squeeze %dma_start3A : memref<1x10000xi32, #tpu.memory_space<hbm>> -> memref<10000xi32, #tpu.memory_space<hbm>>
      %dma_start3A_668 = tpu.memref_slice %arg3[%run_scoped3A, %mul3A_2] : memref<2x320000xi32, #tpu.memory_space<hbm>> -> memref<1x10000xi32, #tpu.memory_space<hbm>>
      %dma_start3A_669 = tpu.memref_squeeze %dma_start3A_668 : memref<1x10000xi32, #tpu.memory_space<hbm>> -> memref<10000xi32, #tpu.memory_space<hbm>>
      tpu.enqueue_dma source(%dma_start3A_669 : memref<10000xi32, #tpu.memory_space<hbm>>) target(%arg9 : memref<10000xi32, #tpu.memory_space<vmem>>) target_semaphore(%run_scoped3A_666 : memref<!tpu.dma_semaphore, #tpu.memory_space<semaphore_mem>>)
      %dma_wait3A = tpu.memref_slice %arg3[%run_scoped3A, %mul3A_2] : memref<2x320000xi32, #tpu.memory_space<hbm>> -> memref<1x10000xi32, #tpu.memory_space<hbm>>
      %dma_wait3A_670 = tpu.memref_squeeze %dma_wait3A : memref<1x10000xi32, #tpu.memory_space<hbm>> -> memref<10000xi32, #tpu.memory_space<hbm>>
      %dma_wait3A_671 = tpu.memref_slice %arg3[%run_scoped3A, %mul3A_2] : memref<2x320000xi32, #tpu.memory_space<hbm>> -> memref<1x10000xi32, #tpu.memory_space<hbm>>
      %dma_wait3A_672 = tpu.memref_squeeze %dma_wait3A_671 : memref<1x10000xi32, #tpu.memory_space<hbm>> -> memref<10000xi32, #tpu.memory_space<hbm>>
      tpu.wait_dma2 semaphore(%run_scoped3A_666 : memref<!tpu.dma_semaphore, #tpu.memory_space<semaphore_mem>>) src(%dma_wait3A_672 : memref<10000xi32, #tpu.memory_space<hbm>>) dst(%arg9 : memref<10000xi32, #tpu.memory_space<vmem>>)
      tpu.yield
    }) : () -> ()
    %run_scoped3A_7 = arith.constant 1 : i32
    "tpu.region"() ({
      %run_scoped3A_666 = tpu.sem_alloc : memref<!tpu.dma_semaphore, #tpu.memory_space<semaphore_mem>>
      %dma_start3A = tpu.memref_slice %arg3[%run_scoped3A_7, %mul3A_2] : memref<2x320000xi32, #tpu.memory_space<hbm>> -> memref<1x10000xi32, #tpu.memory_space<hbm>>
      %dma_start3A_667 = tpu.memref_squeeze %dma_start3A : memref<1x10000xi32, #tpu.memory_space<hbm>> -> memref<10000xi32, #tpu.memory_space<hbm>>
      %dma_start3A_668 = tpu.memref_slice %arg3[%run_scoped3A_7, %mul3A_2] : memref<2x320000xi32, #tpu.memory_space<hbm>> -> memref<1x10000xi32, #tpu.memory_space<hbm>>
      %dma_start3A_669 = tpu.memref_squeeze %dma_start3A_668 : memref<1x10000xi32, #tpu.memory_space<hbm>> -> memref<10000xi32, #tpu.memory_space<hbm>>
      tpu.enqueue_dma source(%dma_start3A_669 : memref<10000xi32, #tpu.memory_space<hbm>>) target(%arg10 : memref<10000xi32, #tpu.memory_space<vmem>>) target_semaphore(%run_scoped3A_666 : memref<!tpu.dma_semaphore, #tpu.memory_space<semaphore_mem>>)
      %dma_wait3A = tpu.memref_slice %arg3[%run_scoped3A_7, %mul3A_2] : memref<2x320000xi32, #tpu.memory_space<hbm>> -> memref<1x10000xi32, #tpu.memory_space<hbm>>
      %dma_wait3A_670 = tpu.memref_squeeze %dma_wait3A : memref<1x10000xi32, #tpu.memory_space<hbm>> -> memref<10000xi32, #tpu.memory_space<hbm>>
      %dma_wait3A_671 = tpu.memref_slice %arg3[%run_scoped3A_7, %mul3A_2] : memref<2x320000xi32, #tpu.memory_space<hbm>> -> memref<1x10000xi32, #tpu.memory_space<hbm>>
      %dma_wait3A_672 = tpu.memref_squeeze %dma_wait3A_671 : memref<1x10000xi32, #tpu.memory_space<hbm>> -> memref<10000xi32, #tpu.memory_space<hbm>>
      tpu.wait_dma2 semaphore(%run_scoped3A_666 : memref<!tpu.dma_semaphore, #tpu.memory_space<semaphore_mem>>) src(%dma_wait3A_672 : memref<10000xi32, #tpu.memory_space<hbm>>) dst(%arg10 : memref<10000xi32, #tpu.memory_space<vmem>>)
      tpu.yield
    }) : () -> ()
    %scan3A = arith.constant 0 : i32
    %scan3A_8 = arith.constant 0 : i32
    %scan3A_9 = arith.constant 128 : i32
    %scan3A_10 = arith.addi %scan3A_8, %scan3A_9 : i32
    %scan3A_11 = arith.constant 1 : i32
    scf.for %scan3A_666 = %scan3A_8 to %scan3A_10 step %scan3A_11  : i32 {
      %broadcast_in_dim3A = arith.constant 1.000000e+00 : f32
      %broadcast_in_dim3A_667 = vector.broadcast %broadcast_in_dim3A : f32 to vector<16xf32>
      %swap3A_668 = arith.index_cast %scan3A_666 : i32 to index
      %swap3A_669 = arith.constant 0 : index
      %swap3A_670 = tpu.vector_load %arg13[%swap3A_668, %swap3A_669] {strides = array<i32>} : memref<128x16xf32, #tpu.memory_space<vmem>>, vector<16xf32>,
      tpu.vector_store %arg13[%swap3A_668, %swap3A_669], %broadcast_in_dim3A_667 {strides = array<i32>} : memref<128x16xf32, #tpu.memory_space<vmem>>, vector<16xf32>,
    }
    %scan3A_12 = arith.constant 128 : i32
    %barrier3A = arith.constant 0 : index
    tpu.barrier barrier_id(%barrier3A)
    %scan3A_13 = arith.constant 0 : i32
    %scan3A_14 = arith.constant 0 : i32
    %scan3A_15 = arith.constant 78 : i32
    %scan3A_16 = arith.addi %scan3A_14, %scan3A_15 : i32
    %scan3A_17 = arith.constant 1 : i32
    scf.for %scan3A_666 = %scan3A_14 to %scan3A_16 step %scan3A_17  : i32 {
      %mul3A_667 = arith.constant 128 : i32
      %mul3A_668 = arith.muli %scan3A_666, %mul3A_667 : i32
      %add3A_669 = arith.constant 0 : i32
      %add3A_670 = arith.addi %mul3A_668, %add3A_669 : i32
      %get3A_671 = arith.index_cast %add3A_670 : i32 to index
      %get3A_672 = tpu.vector_load %arg9[%get3A_671] {strides = array<i32>} : memref<10000xi32, #tpu.memory_space<vmem>>, vector<16xi32>,
      %mul3A_673 = arith.constant 128 : i32
      %mul3A_674 = arith.muli %scan3A_666, %mul3A_673 : i32
      %add3A_675 = arith.constant 0 : i32
      %add3A_676 = arith.addi %mul3A_674, %add3A_675 : i32
      %get3A_677 = arith.index_cast %add3A_676 : i32 to index
      %get3A_678 = tpu.vector_load %arg10[%get3A_677] {strides = array<i32>} : memref<10000xi32, #tpu.memory_space<vmem>>, vector<16xi32>,
      %gather3A_679 = tpu.vector_load_idx %arg8[%get3A_672] : memref<10000xf32, #tpu.memory_space<vmem>>[vector<16xi32>], vector<16xf32>,
      %gather3A_680 = tpu.vector_load_idx %arg8[%get3A_678] : memref<10000xf32, #tpu.memory_space<vmem>>[vector<16xi32>], vector<16xf32>,
      %gt3A_681 = arith.cmpf ogt, %gather3A_680, %gather3A_679 : vector<16xf32>
      %mul3A_682 = arith.constant 2 : i32
      %mul3A_683 = vector.broadcast %mul3A_682 : i32 to vector<16xi32>
      %mul3A_684 = arith.muli %mul3A_683, %get3A_672 : vector<16xi32>
      %add3A_685 = arith.constant 1 : i32
      %add3A_686 = vector.broadcast %add3A_685 : i32 to vector<16xi32>
      %add3A_687 = arith.addi %mul3A_684, %add3A_686 : vector<16xi32>
      %mul3A_688 = arith.constant 2 : i32
      %mul3A_689 = vector.broadcast %mul3A_688 : i32 to vector<16xi32>
      %mul3A_690 = arith.muli %mul3A_689, %get3A_672 : vector<16xi32>
      %select_n3A_691 = arith.select %gt3A_681, %add3A_687, %mul3A_690 : vector<16xi1>, vector<16xi32>
      %swap3A_692 = arith.index_cast %scan3A_666 : i32 to index
      %swap3A_693 = arith.constant 0 : index
      %swap3A_694 = tpu.vector_load %arg11[%swap3A_692, %swap3A_693] {strides = array<i32>} : memref<80x128xi32, #tpu.memory_space<vmem>>, vector<16xi32>,
      tpu.vector_store %arg11[%swap3A_692, %swap3A_693], %select_n3A_691 {strides = array<i32>} : memref<80x128xi32, #tpu.memory_space<vmem>>, vector<16xi32>,
      %swap3A_695 = arith.index_cast %scan3A_666 : i32 to index
      %swap3A_696 = arith.constant 0 : index
      %swap3A_697 = tpu.vector_load %arg12[%swap3A_695, %swap3A_696] {strides = array<i32>} : memref<80x128xi32, #tpu.memory_space<vmem>>, vector<16xi32>,
      tpu.vector_store %arg12[%swap3A_695, %swap3A_696], %get3A_678 {strides = array<i32>} : memref<80x128xi32, #tpu.memory_space<vmem>>, vector<16xi32>,
      %mul3A_698 = arith.constant 128 : i32
      %mul3A_699 = arith.muli %scan3A_666, %mul3A_698 : i32
      %add3A_700 = arith.constant 16 : i32
      %add3A_701 = arith.addi %mul3A_699, %add3A_700 : i32
      %get3A_702 = arith.index_cast %add3A_701 : i32 to index
      %get3A_703 = tpu.vector_load %arg9[%get3A_702] {strides = array<i32>} : memref<10000xi32, #tpu.memory_space<vmem>>, vector<16xi32>,
      %mul3A_704 = arith.constant 128 : i32
      %mul3A_705 = arith.muli %scan3A_666, %mul3A_704 : i32
      %add3A_706 = arith.constant 16 : i32
      %add3A_707 = arith.addi %mul3A_705, %add3A_706 : i32
      %get3A_708 = arith.index_cast %add3A_707 : i32 to index
      %get3A_709 = tpu.vector_load %arg10[%get3A_708] {strides = array<i32>} : memref<10000xi32, #tpu.memory_space<vmem>>, vector<16xi32>,
      %gather3A_710 = tpu.vector_load_idx %arg8[%get3A_703] : memref<10000xf32, #tpu.memory_space<vmem>>[vector<16xi32>], vector<16xf32>,
      %gather3A_711 = tpu.vector_load_idx %arg8[%get3A_709] : memref<10000xf32, #tpu.memory_space<vmem>>[vector<16xi32>], vector<16xf32>,
      %gt3A_712 = arith.cmpf ogt, %gather3A_711, %gather3A_710 : vector<16xf32>
      %mul3A_713 = arith.constant 2 : i32
      %mul3A_714 = vector.broadcast %mul3A_713 : i32 to vector<16xi32>
      %mul3A_715 = arith.muli %mul3A_714, %get3A_703 : vector<16xi32>
      %add3A_716 = arith.constant 1 : i32
      %add3A_717 = vector.broadcast %add3A_716 : i32 to vector<16xi32>
      %add3A_718 = arith.addi %mul3A_715, %add3A_717 : vector<16xi32>
      %mul3A_719 = arith.constant 2 : i32
      %mul3A_720 = vector.broadcast %mul3A_719 : i32 to vector<16xi32>
      %mul3A_721 = arith.muli %mul3A_720, %get3A_703 : vector<16xi32>
      %select_n3A_722 = arith.select %gt3A_712, %add3A_718, %mul3A_721 : vector<16xi1>, vector<16xi32>
      %swap3A_723 = arith.index_cast %scan3A_666 : i32 to index
      %swap3A_724 = arith.constant 16 : index
      %swap3A_725 = tpu.vector_load %arg11[%swap3A_723, %swap3A_724] {strides = array<i32>} : memref<80x128xi32, #tpu.memory_space<vmem>>, vector<16xi32>,
      tpu.vector_store %arg11[%swap3A_723, %swap3A_724], %select_n3A_722 {strides = array<i32>} : memref<80x128xi32, #tpu.memory_space<vmem>>, vector<16xi32>,
      %swap3A_726 = arith.index_cast %scan3A_666 : i32 to index
      %swap3A_727 = arith.constant 16 : index
      %swap3A_728 = tpu.vector_load %arg12[%swap3A_726, %swap3A_727] {strides = array<i32>} : memref<80x128xi32, #tpu.memory_space<vmem>>, vector<16xi32>,
      tpu.vector_store %arg12[%swap3A_726, %swap3A_727], %get3A_709 {strides = array<i32>} : memref<80x128xi32, #tpu.memory_space<vmem>>, vector<16xi32>,
      %mul3A_729 = arith.constant 128 : i32
      %mul3A_730 = arith.muli %scan3A_666, %mul3A_729 : i32
      %add3A_731 = arith.constant 32 : i32
      %add3A_732 = arith.addi %mul3A_730, %add3A_731 : i32
      %get3A_733 = arith.index_cast %add3A_732 : i32 to index
      %get3A_734 = tpu.vector_load %arg9[%get3A_733] {strides = array<i32>} : memref<10000xi32, #tpu.memory_space<vmem>>, vector<16xi32>,
      %mul3A_735 = arith.constant 128 : i32
      %mul3A_736 = arith.muli %scan3A_666, %mul3A_735 : i32
      %add3A_737 = arith.constant 32 : i32
      %add3A_738 = arith.addi %mul3A_736, %add3A_737 : i32
      %get3A_739 = arith.index_cast %add3A_738 : i32 to index
      %get3A_740 = tpu.vector_load %arg10[%get3A_739] {strides = array<i32>} : memref<10000xi32, #tpu.memory_space<vmem>>, vector<16xi32>,
      %gather3A_741 = tpu.vector_load_idx %arg8[%get3A_734] : memref<10000xf32, #tpu.memory_space<vmem>>[vector<16xi32>], vector<16xf32>,
      %gather3A_742 = tpu.vector_load_idx %arg8[%get3A_740] : memref<10000xf32, #tpu.memory_space<vmem>>[vector<16xi32>], vector<16xf32>,
      %gt3A_743 = arith.cmpf ogt, %gather3A_742, %gather3A_741 : vector<16xf32>
      %mul3A_744 = arith.constant 2 : i32
      %mul3A_745 = vector.broadcast %mul3A_744 : i32 to vector<16xi32>
      %mul3A_746 = arith.muli %mul3A_745, %get3A_734 : vector<16xi32>
      %add3A_747 = arith.constant 1 : i32
      %add3A_748 = vector.broadcast %add3A_747 : i32 to vector<16xi32>
      %add3A_749 = arith.addi %mul3A_746, %add3A_748 : vector<16xi32>
      %mul3A_750 = arith.constant 2 : i32
      %mul3A_751 = vector.broadcast %mul3A_750 : i32 to vector<16xi32>
      %mul3A_752 = arith.muli %mul3A_751, %get3A_734 : vector<16xi32>
      %select_n3A_753 = arith.select %gt3A_743, %add3A_749, %mul3A_752 : vector<16xi1>, vector<16xi32>
      %swap3A_754 = arith.index_cast %scan3A_666 : i32 to index
      %swap3A_755 = arith.constant 32 : index
      %swap3A_756 = tpu.vector_load %arg11[%swap3A_754, %swap3A_755] {strides = array<i32>} : memref<80x128xi32, #tpu.memory_space<vmem>>, vector<16xi32>,
      tpu.vector_store %arg11[%swap3A_754, %swap3A_755], %select_n3A_753 {strides = array<i32>} : memref<80x128xi32, #tpu.memory_space<vmem>>, vector<16xi32>,
      %swap3A_757 = arith.index_cast %scan3A_666 : i32 to index
      %swap3A_758 = arith.constant 32 : index
      %swap3A_759 = tpu.vector_load %arg12[%swap3A_757, %swap3A_758] {strides = array<i32>} : memref<80x128xi32, #tpu.memory_space<vmem>>, vector<16xi32>,
      tpu.vector_store %arg12[%swap3A_757, %swap3A_758], %get3A_740 {strides = array<i32>} : memref<80x128xi32, #tpu.memory_space<vmem>>, vector<16xi32>,
      %mul3A_760 = arith.constant 128 : i32
      %mul3A_761 = arith.muli %scan3A_666, %mul3A_760 : i32
      %add3A_762 = arith.constant 48 : i32
      %add3A_763 = arith.addi %mul3A_761, %add3A_762 : i32
      %get3A_764 = arith.index_cast %add3A_763 : i32 to index
      %get3A_765 = tpu.vector_load %arg9[%get3A_764] {strides = array<i32>} : memref<10000xi32, #tpu.memory_space<vmem>>, vector<16xi32>,
      %mul3A_766 = arith.constant 128 : i32
      %mul3A_767 = arith.muli %scan3A_666, %mul3A_766 : i32
      %add3A_768 = arith.constant 48 : i32
      %add3A_769 = arith.addi %mul3A_767, %add3A_768 : i32
      %get3A_770 = arith.index_cast %add3A_769 : i32 to index
      %get3A_771 = tpu.vector_load %arg10[%get3A_770] {strides = array<i32>} : memref<10000xi32, #tpu.memory_space<vmem>>, vector<16xi32>,
      %gather3A_772 = tpu.vector_load_idx %arg8[%get3A_765] : memref<10000xf32, #tpu.memory_space<vmem>>[vector<16xi32>], vector<16xf32>,
      %gather3A_773 = tpu.vector_load_idx %arg8[%get3A_771] : memref<10000xf32, #tpu.memory_space<vmem>>[vector<16xi32>], vector<16xf32>,
      %gt3A_774 = arith.cmpf ogt, %gather3A_773, %gather3A_772 : vector<16xf32>
      %mul3A_775 = arith.constant 2 : i32
      %mul3A_776 = vector.broadcast %mul3A_775 : i32 to vector<16xi32>
      %mul3A_777 = arith.muli %mul3A_776, %get3A_765 : vector<16xi32>
      %add3A_778 = arith.constant 1 : i32
      %add3A_779 = vector.broadcast %add3A_778 : i32 to vector<16xi32>
      %add3A_780 = arith.addi %mul3A_777, %add3A_779 : vector<16xi32>
      %mul3A_781 = arith.constant 2 : i32
      %mul3A_782 = vector.broadcast %mul3A_781 : i32 to vector<16xi32>
      %mul3A_783 = arith.muli %mul3A_782, %get3A_765 : vector<16xi32>
      %select_n3A_784 = arith.select %gt3A_774, %add3A_780, %mul3A_783 : vector<16xi1>, vector<16xi32>
      %swap3A_785 = arith.index_cast %scan3A_666 : i32 to index
      %swap3A_786 = arith.constant 48 : index
      %swap3A_787 = tpu.vector_load %arg11[%swap3A_785, %swap3A_786] {strides = array<i32>} : memref<80x128xi32, #tpu.memory_space<vmem>>, vector<16xi32>,
      tpu.vector_store %arg11[%swap3A_785, %swap3A_786], %select_n3A_784 {strides = array<i32>} : memref<80x128xi32, #tpu.memory_space<vmem>>, vector<16xi32>,
      %swap3A_788 = arith.index_cast %scan3A_666 : i32 to index
      %swap3A_789 = arith.constant 48 : index
      %swap3A_790 = tpu.vector_load %arg12[%swap3A_788, %swap3A_789] {strides = array<i32>} : memref<80x128xi32, #tpu.memory_space<vmem>>, vector<16xi32>,
      tpu.vector_store %arg12[%swap3A_788, %swap3A_789], %get3A_771 {strides = array<i32>} : memref<80x128xi32, #tpu.memory_space<vmem>>, vector<16xi32>,
      %mul3A_791 = arith.constant 128 : i32
      %mul3A_792 = arith.muli %scan3A_666, %mul3A_791 : i32
      %add3A_793 = arith.constant 64 : i32
      %add3A_794 = arith.addi %mul3A_792, %add3A_793 : i32
      %get3A_795 = arith.index_cast %add3A_794 : i32 to index
      %get3A_796 = tpu.vector_load %arg9[%get3A_795] {strides = array<i32>} : memref<10000xi32, #tpu.memory_space<vmem>>, vector<16xi32>,
      %mul3A_797 = arith.constant 128 : i32
      %mul3A_798 = arith.muli %scan3A_666, %mul3A_797 : i32
      %add3A_799 = arith.constant 64 : i32
      %add3A_800 = arith.addi %mul3A_798, %add3A_799 : i32
      %get3A_801 = arith.index_cast %add3A_800 : i32 to index
      %get3A_802 = tpu.vector_load %arg10[%get3A_801] {strides = array<i32>} : memref<10000xi32, #tpu.memory_space<vmem>>, vector<16xi32>,
      %gather3A_803 = tpu.vector_load_idx %arg8[%get3A_796] : memref<10000xf32, #tpu.memory_space<vmem>>[vector<16xi32>], vector<16xf32>,
      %gather3A_804 = tpu.vector_load_idx %arg8[%get3A_802] : memref<10000xf32, #tpu.memory_space<vmem>>[vector<16xi32>], vector<16xf32>,
      %gt3A_805 = arith.cmpf ogt, %gather3A_804, %gather3A_803 : vector<16xf32>
      %mul3A_806 = arith.constant 2 : i32
      %mul3A_807 = vector.broadcast %mul3A_806 : i32 to vector<16xi32>
      %mul3A_808 = arith.muli %mul3A_807, %get3A_796 : vector<16xi32>
      %add3A_809 = arith.constant 1 : i32
      %add3A_810 = vector.broadcast %add3A_809 : i32 to vector<16xi32>
      %add3A_811 = arith.addi %mul3A_808, %add3A_810 : vector<16xi32>
      %mul3A_812 = arith.constant 2 : i32
      %mul3A_813 = vector.broadcast %mul3A_812 : i32 to vector<16xi32>
      %mul3A_814 = arith.muli %mul3A_813, %get3A_796 : vector<16xi32>
      %select_n3A_815 = arith.select %gt3A_805, %add3A_811, %mul3A_814 : vector<16xi1>, vector<16xi32>
      %swap3A_816 = arith.index_cast %scan3A_666 : i32 to index
      %swap3A_817 = arith.constant 64 : index
      %swap3A_818 = tpu.vector_load %arg11[%swap3A_816, %swap3A_817] {strides = array<i32>} : memref<80x128xi32, #tpu.memory_space<vmem>>, vector<16xi32>,
      tpu.vector_store %arg11[%swap3A_816, %swap3A_817], %select_n3A_815 {strides = array<i32>} : memref<80x128xi32, #tpu.memory_space<vmem>>, vector<16xi32>,
      %swap3A_819 = arith.index_cast %scan3A_666 : i32 to index
      %swap3A_820 = arith.constant 64 : index
      %swap3A_821 = tpu.vector_load %arg12[%swap3A_819, %swap3A_820] {strides = array<i32>} : memref<80x128xi32, #tpu.memory_space<vmem>>, vector<16xi32>,
      tpu.vector_store %arg12[%swap3A_819, %swap3A_820], %get3A_802 {strides = array<i32>} : memref<80x128xi32, #tpu.memory_space<vmem>>, vector<16xi32>,
      %mul3A_822 = arith.constant 128 : i32
      %mul3A_823 = arith.muli %scan3A_666, %mul3A_822 : i32
      %add3A_824 = arith.constant 80 : i32
      %add3A_825 = arith.addi %mul3A_823, %add3A_824 : i32
      %get3A_826 = arith.index_cast %add3A_825 : i32 to index
      %get3A_827 = tpu.vector_load %arg9[%get3A_826] {strides = array<i32>} : memref<10000xi32, #tpu.memory_space<vmem>>, vector<16xi32>,
      %mul3A_828 = arith.constant 128 : i32
      %mul3A_829 = arith.muli %scan3A_666, %mul3A_828 : i32
      %add3A_830 = arith.constant 80 : i32
      %add3A_831 = arith.addi %mul3A_829, %add3A_830 : i32
      %get3A_832 = arith.index_cast %add3A_831 : i32 to index
      %get3A_833 = tpu.vector_load %arg10[%get3A_832] {strides = array<i32>} : memref<10000xi32, #tpu.memory_space<vmem>>, vector<16xi32>,
      %gather3A_834 = tpu.vector_load_idx %arg8[%get3A_827] : memref<10000xf32, #tpu.memory_space<vmem>>[vector<16xi32>], vector<16xf32>,
      %gather3A_835 = tpu.vector_load_idx %arg8[%get3A_833] : memref<10000xf32, #tpu.memory_space<vmem>>[vector<16xi32>], vector<16xf32>,
      %gt3A_836 = arith.cmpf ogt, %gather3A_835, %gather3A_834 : vector<16xf32>
      %mul3A_837 = arith.constant 2 : i32
      %mul3A_838 = vector.broadcast %mul3A_837 : i32 to vector<16xi32>
      %mul3A_839 = arith.muli %mul3A_838, %get3A_827 : vector<16xi32>
      %add3A_840 = arith.constant 1 : i32
      %add3A_841 = vector.broadcast %add3A_840 : i32 to vector<16xi32>
      %add3A_842 = arith.addi %mul3A_839, %add3A_841 : vector<16xi32>
      %mul3A_843 = arith.constant 2 : i32
      %mul3A_844 = vector.broadcast %mul3A_843 : i32 to vector<16xi32>
      %mul3A_845 = arith.muli %mul3A_844, %get3A_827 : vector<16xi32>
      %select_n3A_846 = arith.select %gt3A_836, %add3A_842, %mul3A_845 : vector<16xi1>, vector<16xi32>
      %swap3A_847 = arith.index_cast %scan3A_666 : i32 to index
      %swap3A_848 = arith.constant 80 : index
      %swap3A_849 = tpu.vector_load %arg11[%swap3A_847, %swap3A_848] {strides = array<i32>} : memref<80x128xi32, #tpu.memory_space<vmem>>, vector<16xi32>,
      tpu.vector_store %arg11[%swap3A_847, %swap3A_848], %select_n3A_846 {strides = array<i32>} : memref<80x128xi32, #tpu.memory_space<vmem>>, vector<16xi32>,
      %swap3A_850 = arith.index_cast %scan3A_666 : i32 to index
      %swap3A_851 = arith.constant 80 : index
      %swap3A_852 = tpu.vector_load %arg12[%swap3A_850, %swap3A_851] {strides = array<i32>} : memref<80x128xi32, #tpu.memory_space<vmem>>, vector<16xi32>,
      tpu.vector_store %arg12[%swap3A_850, %swap3A_851], %get3A_833 {strides = array<i32>} : memref<80x128xi32, #tpu.memory_space<vmem>>, vector<16xi32>,
      %mul3A_853 = arith.constant 128 : i32
      %mul3A_854 = arith.muli %scan3A_666, %mul3A_853 : i32
      %add3A_855 = arith.constant 96 : i32
      %add3A_856 = arith.addi %mul3A_854, %add3A_855 : i32
      %get3A_857 = arith.index_cast %add3A_856 : i32 to index
      %get3A_858 = tpu.vector_load %arg9[%get3A_857] {strides = array<i32>} : memref<10000xi32, #tpu.memory_space<vmem>>, vector<16xi32>,
      %mul3A_859 = arith.constant 128 : i32
      %mul3A_860 = arith.muli %scan3A_666, %mul3A_859 : i32
      %add3A_861 = arith.constant 96 : i32
      %add3A_862 = arith.addi %mul3A_860, %add3A_861 : i32
      %get3A_863 = arith.index_cast %add3A_862 : i32 to index
      %get3A_864 = tpu.vector_load %arg10[%get3A_863] {strides = array<i32>} : memref<10000xi32, #tpu.memory_space<vmem>>, vector<16xi32>,
      %gather3A_865 = tpu.vector_load_idx %arg8[%get3A_858] : memref<10000xf32, #tpu.memory_space<vmem>>[vector<16xi32>], vector<16xf32>,
      %gather3A_866 = tpu.vector_load_idx %arg8[%get3A_864] : memref<10000xf32, #tpu.memory_space<vmem>>[vector<16xi32>], vector<16xf32>,
      %gt3A_867 = arith.cmpf ogt, %gather3A_866, %gather3A_865 : vector<16xf32>
      %mul3A_868 = arith.constant 2 : i32
      %mul3A_869 = vector.broadcast %mul3A_868 : i32 to vector<16xi32>
      %mul3A_870 = arith.muli %mul3A_869, %get3A_858 : vector<16xi32>
      %add3A_871 = arith.constant 1 : i32
      %add3A_872 = vector.broadcast %add3A_871 : i32 to vector<16xi32>
      %add3A_873 = arith.addi %mul3A_870, %add3A_872 : vector<16xi32>
      %mul3A_874 = arith.constant 2 : i32
      %mul3A_875 = vector.broadcast %mul3A_874 : i32 to vector<16xi32>
      %mul3A_876 = arith.muli %mul3A_875, %get3A_858 : vector<16xi32>
      %select_n3A_877 = arith.select %gt3A_867, %add3A_873, %mul3A_876 : vector<16xi1>, vector<16xi32>
      %swap3A_878 = arith.index_cast %scan3A_666 : i32 to index
      %swap3A_879 = arith.constant 96 : index
      %swap3A_880 = tpu.vector_load %arg11[%swap3A_878, %swap3A_879] {strides = array<i32>} : memref<80x128xi32, #tpu.memory_space<vmem>>, vector<16xi32>,
      tpu.vector_store %arg11[%swap3A_878, %swap3A_879], %select_n3A_877 {strides = array<i32>} : memref<80x128xi32, #tpu.memory_space<vmem>>, vector<16xi32>,
      %swap3A_881 = arith.index_cast %scan3A_666 : i32 to index
      %swap3A_882 = arith.constant 96 : index
      %swap3A_883 = tpu.vector_load %arg12[%swap3A_881, %swap3A_882] {strides = array<i32>} : memref<80x128xi32, #tpu.memory_space<vmem>>, vector<16xi32>,
      tpu.vector_store %arg12[%swap3A_881, %swap3A_882], %get3A_864 {strides = array<i32>} : memref<80x128xi32, #tpu.memory_space<vmem>>, vector<16xi32>,
      %mul3A_884 = arith.constant 128 : i32
      %mul3A_885 = arith.muli %scan3A_666, %mul3A_884 : i32
      %add3A_886 = arith.constant 112 : i32
      %add3A_887 = arith.addi %mul3A_885, %add3A_886 : i32
      %get3A_888 = arith.index_cast %add3A_887 : i32 to index
      %get3A_889 = tpu.vector_load %arg9[%get3A_888] {strides = array<i32>} : memref<10000xi32, #tpu.memory_space<vmem>>, vector<16xi32>,
      %mul3A_890 = arith.constant 128 : i32
      %mul3A_891 = arith.muli %scan3A_666, %mul3A_890 : i32
      %add3A_892 = arith.constant 112 : i32
      %add3A_893 = arith.addi %mul3A_891, %add3A_892 : i32
      %get3A_894 = arith.index_cast %add3A_893 : i32 to index
      %get3A_895 = tpu.vector_load %arg10[%get3A_894] {strides = array<i32>} : memref<10000xi32, #tpu.memory_space<vmem>>, vector<16xi32>,
      %gather3A_896 = tpu.vector_load_idx %arg8[%get3A_889] : memref<10000xf32, #tpu.memory_space<vmem>>[vector<16xi32>], vector<16xf32>,
      %gather3A_897 = tpu.vector_load_idx %arg8[%get3A_895] : memref<10000xf32, #tpu.memory_space<vmem>>[vector<16xi32>], vector<16xf32>,
      %gt3A_898 = arith.cmpf ogt, %gather3A_897, %gather3A_896 : vector<16xf32>
      %mul3A_899 = arith.constant 2 : i32
      %mul3A_900 = vector.broadcast %mul3A_899 : i32 to vector<16xi32>
      %mul3A_901 = arith.muli %mul3A_900, %get3A_889 : vector<16xi32>
      %add3A_902 = arith.constant 1 : i32
      %add3A_903 = vector.broadcast %add3A_902 : i32 to vector<16xi32>
      %add3A_904 = arith.addi %mul3A_901, %add3A_903 : vector<16xi32>
      %mul3A_905 = arith.constant 2 : i32
      %mul3A_906 = vector.broadcast %mul3A_905 : i32 to vector<16xi32>
      %mul3A_907 = arith.muli %mul3A_906, %get3A_889 : vector<16xi32>
      %select_n3A_908 = arith.select %gt3A_898, %add3A_904, %mul3A_907 : vector<16xi1>, vector<16xi32>
      %swap3A_909 = arith.index_cast %scan3A_666 : i32 to index
      %swap3A_910 = arith.constant 112 : index
      %swap3A_911 = tpu.vector_load %arg11[%swap3A_909, %swap3A_910] {strides = array<i32>} : memref<80x128xi32, #tpu.memory_space<vmem>>, vector<16xi32>,
      tpu.vector_store %arg11[%swap3A_909, %swap3A_910], %select_n3A_908 {strides = array<i32>} : memref<80x128xi32, #tpu.memory_space<vmem>>, vector<16xi32>,
      %swap3A_912 = arith.index_cast %scan3A_666 : i32 to index
      %swap3A_913 = arith.constant 112 : index
      %swap3A_914 = tpu.vector_load %arg12[%swap3A_912, %swap3A_913] {strides = array<i32>} : memref<80x128xi32, #tpu.memory_space<vmem>>, vector<16xi32>,
      tpu.vector_store %arg12[%swap3A_912, %swap3A_913], %get3A_895 {strides = array<i32>} : memref<80x128xi32, #tpu.memory_space<vmem>>, vector<16xi32>,
      "tpu.region"() ({
        %run_scoped3A_915 = tpu.sem_alloc : memref<!tpu.dma_semaphore, #tpu.memory_space<semaphore_mem>>
        %dma_start3A = arith.constant 0 : i32
        %dma_start3A_916 = tpu.memref_slice %arg12[%scan3A_666, %dma_start3A] : memref<80x128xi32, #tpu.memory_space<vmem>> -> memref<1x128xi32, #tpu.memory_space<vmem>>
        %dma_start3A_917 = tpu.memref_squeeze %dma_start3A_916 : memref<1x128xi32, #tpu.memory_space<vmem>> -> memref<128xi32, #tpu.memory_space<vmem>>
        %dma_start3A_918 = arith.constant 0 : i32
        %dma_start3A_919 = arith.constant 0 : i32
        %dma_start3A_920 = tpu.memref_slice %arg14[%dma_start3A_918, %dma_start3A_919] : memref<10240x16xf32, #tpu.memory_space<vmem_shared>> -> memref<10240x16xf32, #tpu.memory_space<vmem_shared>>
        tpu.enqueue_indirect_dma source(%arg13 : memref<128x16xf32, #tpu.memory_space<vmem>>) target(%dma_start3A_920 : memref<10240x16xf32, #tpu.memory_space<vmem_shared>>) offsets(%dma_start3A_917 : memref<128xi32, #tpu.memory_space<vmem>>) semaphore(%run_scoped3A_915 : memref<!tpu.dma_semaphore, #tpu.memory_space<semaphore_mem>>) {add = true}
        %dma_wait3A = arith.constant 0 : i32
        %dma_wait3A_921 = tpu.memref_slice %arg12[%scan3A_666, %dma_wait3A] : memref<80x128xi32, #tpu.memory_space<vmem>> -> memref<1x128xi32, #tpu.memory_space<vmem>>
        %dma_wait3A_922 = tpu.memref_squeeze %dma_wait3A_921 : memref<1x128xi32, #tpu.memory_space<vmem>> -> memref<128xi32, #tpu.memory_space<vmem>>
        %dma_wait3A_923 = arith.constant 0 : i32
        %dma_wait3A_924 = arith.constant 0 : i32
        %dma_wait3A_925 = tpu.memref_slice %arg14[%dma_wait3A_923, %dma_wait3A_924] : memref<10240x16xf32, #tpu.memory_space<vmem_shared>> -> memref<10240x16xf32, #tpu.memory_space<vmem_shared>>
        tpu.wait_indirect_dma semaphore(%run_scoped3A_915 : memref<!tpu.dma_semaphore, #tpu.memory_space<semaphore_mem>>) src(%arg13 : memref<128x16xf32, #tpu.memory_space<vmem>>) dst(%dma_wait3A_925 : memref<10240x16xf32, #tpu.memory_space<vmem_shared>>)
        tpu.yield
      }) : () -> ()
    }
    %scan3A_18 = arith.constant 78 : i32
    %iota3A = tpu.iota {dimensions = array<i32: 0>} : vector<16xi32>
    %get3A = arith.constant 9984 : index
    %get3A_19 = tpu.vector_load %arg9[%get3A] {strides = array<i32>} : memref<10000xi32, #tpu.memory_space<vmem>>, vector<16xi32>,
    %get3A_20 = arith.constant 9984 : index
    %get3A_21 = tpu.vector_load %arg10[%get3A_20] {strides = array<i32>} : memref<10000xi32, #tpu.memory_space<vmem>>, vector<16xi32>,
    %gather3A = tpu.vector_load_idx %arg8[%get3A_19] : memref<10000xf32, #tpu.memory_space<vmem>>[vector<16xi32>], vector<16xf32>,
    %gather3A_22 = tpu.vector_load_idx %arg8[%get3A_21] : memref<10000xf32, #tpu.memory_space<vmem>>[vector<16xi32>], vector<16xf32>,
    %gt3A = arith.cmpf ogt, %gather3A_22, %gather3A : vector<16xf32>
    %mul3A_23 = arith.constant 2 : i32
    %mul3A_24 = vector.broadcast %mul3A_23 : i32 to vector<16xi32>
    %mul3A_25 = arith.muli %mul3A_24, %get3A_19 : vector<16xi32>
    %add3A_26 = arith.constant 1 : i32
    %add3A_27 = vector.broadcast %add3A_26 : i32 to vector<16xi32>
    %add3A_28 = arith.addi %mul3A_25, %add3A_27 : vector<16xi32>
    %mul3A_29 = arith.constant 2 : i32
    %mul3A_30 = vector.broadcast %mul3A_29 : i32 to vector<16xi32>
    %mul3A_31 = arith.muli %mul3A_30, %get3A_19 : vector<16xi32>
    %select_n3A = arith.select %gt3A, %add3A_28, %mul3A_31 : vector<16xi1>, vector<16xi32>
    %swap3A = arith.constant 78 : i32
    %swap3A_32 = arith.index_cast %swap3A : i32 to index
    %swap3A_33 = arith.constant 0 : index
    %swap3A_34 = tpu.vector_load %arg11[%swap3A_32, %swap3A_33] {strides = array<i32>} : memref<80x128xi32, #tpu.memory_space<vmem>>, vector<16xi32>,
    tpu.vector_store %arg11[%swap3A_32, %swap3A_33], %select_n3A {strides = array<i32>} : memref<80x128xi32, #tpu.memory_space<vmem>>, vector<16xi32>,
    %swap3A_35 = arith.constant 78 : i32
    %swap3A_36 = arith.index_cast %swap3A_35 : i32 to index
    %swap3A_37 = arith.constant 0 : index
    %swap3A_38 = tpu.vector_load %arg12[%swap3A_36, %swap3A_37] {strides = array<i32>} : memref<80x128xi32, #tpu.memory_space<vmem>>, vector<16xi32>,
    tpu.vector_store %arg12[%swap3A_36, %swap3A_37], %get3A_21 {strides = array<i32>} : memref<80x128xi32, #tpu.memory_space<vmem>>, vector<16xi32>,
    %mul3A_39 = arith.constant 131 : i32
    %mul3A_40 = arith.muli %add3A, %mul3A_39 : i32
    %add3A_41 = arith.constant 0 : i32
    %add3A_42 = arith.addi %mul3A_40, %add3A_41 : i32
    %add3A_43 = vector.broadcast %add3A_42 : i32 to vector<16xi32>
    %add3A_44 = arith.addi %add3A_43, %iota3A : vector<16xi32>
    %jit3A = arith.constant 10000 : i32
    %eq3A = arith.constant 0 : i32
    %eq3A_45 = arith.cmpi eq, %jit3A, %eq3A : i32
    %jit3A_46 = arith.constant 1 : i32
    %select_n3A_47 = arith.select %eq3A_45, %jit3A_46, %jit3A : i32
    %rem3A = vector.broadcast %select_n3A_47 : i32 to vector<16xi32>
    %rem3A_48 = arith.remsi %add3A_44, %rem3A : vector<16xi32>
    %ne3A = arith.constant 0 : i32
    %ne3A_49 = vector.broadcast %ne3A : i32 to vector<16xi32>
    %ne3A_50 = arith.cmpi ne, %rem3A_48, %ne3A_49 : vector<16xi32>
    %lt3A = arith.constant 0 : i32
    %lt3A_51 = vector.broadcast %lt3A : i32 to vector<16xi32>
    %lt3A_52 = arith.cmpi slt, %rem3A_48, %lt3A_51 : vector<16xi32>
    %lt3A_53 = arith.constant 0 : i32
    %lt3A_54 = arith.cmpi slt, %select_n3A_47, %lt3A_53 : i32
    %ne3A_55 = vector.broadcast %lt3A_54 : i1 to vector<16xi1>
    %ne3A_56 = vector.broadcast %ne3A_55 : vector<16xi1> to vector<16xi1>
    %ne3A_57 = arith.xori %lt3A_52, %ne3A_56 : vector<16xi1>
    %and3A = arith.andi %ne3A_57, %ne3A_50 : vector<16xi1>
    %add3A_58 = vector.broadcast %select_n3A_47 : i32 to vector<16xi32>
    %add3A_59 = arith.addi %rem3A_48, %add3A_58 : vector<16xi32>
    %select_n3A_60 = arith.select %and3A, %add3A_59, %rem3A_48 : vector<16xi1>, vector<16xi32>
    %mul3A_61 = arith.constant 2 : i32
    %mul3A_62 = vector.broadcast %mul3A_61 : i32 to vector<16xi32>
    %mul3A_63 = arith.muli %mul3A_62, %select_n3A_60 : vector<16xi32>
    %swap3A_64 = arith.constant 78 : i32
    %swap3A_65 = arith.index_cast %swap3A_64 : i32 to index
    %swap3A_66 = arith.constant 16 : index
    %swap3A_67 = tpu.vector_load %arg11[%swap3A_65, %swap3A_66] {strides = array<i32>} : memref<80x128xi32, #tpu.memory_space<vmem>>, vector<16xi32>,
    tpu.vector_store %arg11[%swap3A_65, %swap3A_66], %mul3A_63 {strides = array<i32>} : memref<80x128xi32, #tpu.memory_space<vmem>>, vector<16xi32>,
    %add3A_68 = arith.constant 10000 : i32
    %add3A_69 = vector.broadcast %add3A_68 : i32 to vector<16xi32>
    %add3A_70 = arith.addi %add3A_69, %iota3A : vector<16xi32>
    %swap3A_71 = arith.constant 78 : i32
    %swap3A_72 = arith.index_cast %swap3A_71 : i32 to index
    %swap3A_73 = arith.constant 16 : index
    %swap3A_74 = tpu.vector_load %arg12[%swap3A_72, %swap3A_73] {strides = array<i32>} : memref<80x128xi32, #tpu.memory_space<vmem>>, vector<16xi32>,
    tpu.vector_store %arg12[%swap3A_72, %swap3A_73], %add3A_70 {strides = array<i32>} : memref<80x128xi32, #tpu.memory_space<vmem>>, vector<16xi32>,
    %mul3A_75 = arith.constant 131 : i32
    %mul3A_76 = arith.muli %add3A, %mul3A_75 : i32
    %add3A_77 = arith.constant 16 : i32
    %add3A_78 = arith.addi %mul3A_76, %add3A_77 : i32
    %add3A_79 = vector.broadcast %add3A_78 : i32 to vector<16xi32>
    %add3A_80 = arith.addi %add3A_79, %iota3A : vector<16xi32>
    %jit3A_81 = arith.constant 10000 : i32
    %eq3A_82 = arith.constant 0 : i32
    %eq3A_83 = arith.cmpi eq, %jit3A_81, %eq3A_82 : i32
    %jit3A_84 = arith.constant 1 : i32
    %select_n3A_85 = arith.select %eq3A_83, %jit3A_84, %jit3A_81 : i32
    %rem3A_86 = vector.broadcast %select_n3A_85 : i32 to vector<16xi32>
    %rem3A_87 = arith.remsi %add3A_80, %rem3A_86 : vector<16xi32>
    %ne3A_88 = arith.constant 0 : i32
    %ne3A_89 = vector.broadcast %ne3A_88 : i32 to vector<16xi32>
    %ne3A_90 = arith.cmpi ne, %rem3A_87, %ne3A_89 : vector<16xi32>
    %lt3A_91 = arith.constant 0 : i32
    %lt3A_92 = vector.broadcast %lt3A_91 : i32 to vector<16xi32>
    %lt3A_93 = arith.cmpi slt, %rem3A_87, %lt3A_92 : vector<16xi32>
    %lt3A_94 = arith.constant 0 : i32
    %lt3A_95 = arith.cmpi slt, %select_n3A_85, %lt3A_94 : i32
    %ne3A_96 = vector.broadcast %lt3A_95 : i1 to vector<16xi1>
    %ne3A_97 = vector.broadcast %ne3A_96 : vector<16xi1> to vector<16xi1>
    %ne3A_98 = arith.xori %lt3A_93, %ne3A_97 : vector<16xi1>
    %and3A_99 = arith.andi %ne3A_98, %ne3A_90 : vector<16xi1>
    %add3A_100 = vector.broadcast %select_n3A_85 : i32 to vector<16xi32>
    %add3A_101 = arith.addi %rem3A_87, %add3A_100 : vector<16xi32>
    %select_n3A_102 = arith.select %and3A_99, %add3A_101, %rem3A_87 : vector<16xi1>, vector<16xi32>
    %mul3A_103 = arith.constant 2 : i32
    %mul3A_104 = vector.broadcast %mul3A_103 : i32 to vector<16xi32>
    %mul3A_105 = arith.muli %mul3A_104, %select_n3A_102 : vector<16xi32>
    %swap3A_106 = arith.constant 78 : i32
    %swap3A_107 = arith.index_cast %swap3A_106 : i32 to index
    %swap3A_108 = arith.constant 32 : index
    %swap3A_109 = tpu.vector_load %arg11[%swap3A_107, %swap3A_108] {strides = array<i32>} : memref<80x128xi32, #tpu.memory_space<vmem>>, vector<16xi32>,
    tpu.vector_store %arg11[%swap3A_107, %swap3A_108], %mul3A_105 {strides = array<i32>} : memref<80x128xi32, #tpu.memory_space<vmem>>, vector<16xi32>,
    %add3A_110 = arith.constant 10016 : i32
    %add3A_111 = vector.broadcast %add3A_110 : i32 to vector<16xi32>
    %add3A_112 = arith.addi %add3A_111, %iota3A : vector<16xi32>
    %swap3A_113 = arith.constant 78 : i32
    %swap3A_114 = arith.index_cast %swap3A_113 : i32 to index
    %swap3A_115 = arith.constant 32 : index
    %swap3A_116 = tpu.vector_load %arg12[%swap3A_114, %swap3A_115] {strides = array<i32>} : memref<80x128xi32, #tpu.memory_space<vmem>>, vector<16xi32>,
    tpu.vector_store %arg12[%swap3A_114, %swap3A_115], %add3A_112 {strides = array<i32>} : memref<80x128xi32, #tpu.memory_space<vmem>>, vector<16xi32>,
    %mul3A_117 = arith.constant 131 : i32
    %mul3A_118 = arith.muli %add3A, %mul3A_117 : i32
    %add3A_119 = arith.constant 32 : i32
    %add3A_120 = arith.addi %mul3A_118, %add3A_119 : i32
    %add3A_121 = vector.broadcast %add3A_120 : i32 to vector<16xi32>
    %add3A_122 = arith.addi %add3A_121, %iota3A : vector<16xi32>
    %jit3A_123 = arith.constant 10000 : i32
    %eq3A_124 = arith.constant 0 : i32
    %eq3A_125 = arith.cmpi eq, %jit3A_123, %eq3A_124 : i32
    %jit3A_126 = arith.constant 1 : i32
    %select_n3A_127 = arith.select %eq3A_125, %jit3A_126, %jit3A_123 : i32
    %rem3A_128 = vector.broadcast %select_n3A_127 : i32 to vector<16xi32>
    %rem3A_129 = arith.remsi %add3A_122, %rem3A_128 : vector<16xi32>
    %ne3A_130 = arith.constant 0 : i32
    %ne3A_131 = vector.broadcast %ne3A_130 : i32 to vector<16xi32>
    %ne3A_132 = arith.cmpi ne, %rem3A_129, %ne3A_131 : vector<16xi32>
    %lt3A_133 = arith.constant 0 : i32
    %lt3A_134 = vector.broadcast %lt3A_133 : i32 to vector<16xi32>
    %lt3A_135 = arith.cmpi slt, %rem3A_129, %lt3A_134 : vector<16xi32>
    %lt3A_136 = arith.constant 0 : i32
    %lt3A_137 = arith.cmpi slt, %select_n3A_127, %lt3A_136 : i32
    %ne3A_138 = vector.broadcast %lt3A_137 : i1 to vector<16xi1>
    %ne3A_139 = vector.broadcast %ne3A_138 : vector<16xi1> to vector<16xi1>
    %ne3A_140 = arith.xori %lt3A_135, %ne3A_139 : vector<16xi1>
    %and3A_141 = arith.andi %ne3A_140, %ne3A_132 : vector<16xi1>
    %add3A_142 = vector.broadcast %select_n3A_127 : i32 to vector<16xi32>
    %add3A_143 = arith.addi %rem3A_129, %add3A_142 : vector<16xi32>
    %select_n3A_144 = arith.select %and3A_141, %add3A_143, %rem3A_129 : vector<16xi1>, vector<16xi32>
    %mul3A_145 = arith.constant 2 : i32
    %mul3A_146 = vector.broadcast %mul3A_145 : i32 to vector<16xi32>
    %mul3A_147 = arith.muli %mul3A_146, %select_n3A_144 : vector<16xi32>
    %swap3A_148 = arith.constant 78 : i32
    %swap3A_149 = arith.index_cast %swap3A_148 : i32 to index
    %swap3A_150 = arith.constant 48 : index
    %swap3A_151 = tpu.vector_load %arg11[%swap3A_149, %swap3A_150] {strides = array<i32>} : memref<80x128xi32, #tpu.memory_space<vmem>>, vector<16xi32>,
    tpu.vector_store %arg11[%swap3A_149, %swap3A_150], %mul3A_147 {strides = array<i32>} : memref<80x128xi32, #tpu.memory_space<vmem>>, vector<16xi32>,
    %add3A_152 = arith.constant 10032 : i32
    %add3A_153 = vector.broadcast %add3A_152 : i32 to vector<16xi32>
    %add3A_154 = arith.addi %add3A_153, %iota3A : vector<16xi32>
    %swap3A_155 = arith.constant 78 : i32
    %swap3A_156 = arith.index_cast %swap3A_155 : i32 to index
    %swap3A_157 = arith.constant 48 : index
    %swap3A_158 = tpu.vector_load %arg12[%swap3A_156, %swap3A_157] {strides = array<i32>} : memref<80x128xi32, #tpu.memory_space<vmem>>, vector<16xi32>,
    tpu.vector_store %arg12[%swap3A_156, %swap3A_157], %add3A_154 {strides = array<i32>} : memref<80x128xi32, #tpu.memory_space<vmem>>, vector<16xi32>,
    %mul3A_159 = arith.constant 131 : i32
    %mul3A_160 = arith.muli %add3A, %mul3A_159 : i32
    %add3A_161 = arith.constant 48 : i32
    %add3A_162 = arith.addi %mul3A_160, %add3A_161 : i32
    %add3A_163 = vector.broadcast %add3A_162 : i32 to vector<16xi32>
    %add3A_164 = arith.addi %add3A_163, %iota3A : vector<16xi32>
    %jit3A_165 = arith.constant 10000 : i32
    %eq3A_166 = arith.constant 0 : i32
    %eq3A_167 = arith.cmpi eq, %jit3A_165, %eq3A_166 : i32
    %jit3A_168 = arith.constant 1 : i32
    %select_n3A_169 = arith.select %eq3A_167, %jit3A_168, %jit3A_165 : i32
    %rem3A_170 = vector.broadcast %select_n3A_169 : i32 to vector<16xi32>
    %rem3A_171 = arith.remsi %add3A_164, %rem3A_170 : vector<16xi32>
    %ne3A_172 = arith.constant 0 : i32
    %ne3A_173 = vector.broadcast %ne3A_172 : i32 to vector<16xi32>
    %ne3A_174 = arith.cmpi ne, %rem3A_171, %ne3A_173 : vector<16xi32>
    %lt3A_175 = arith.constant 0 : i32
    %lt3A_176 = vector.broadcast %lt3A_175 : i32 to vector<16xi32>
    %lt3A_177 = arith.cmpi slt, %rem3A_171, %lt3A_176 : vector<16xi32>
    %lt3A_178 = arith.constant 0 : i32
    %lt3A_179 = arith.cmpi slt, %select_n3A_169, %lt3A_178 : i32
    %ne3A_180 = vector.broadcast %lt3A_179 : i1 to vector<16xi1>
    %ne3A_181 = vector.broadcast %ne3A_180 : vector<16xi1> to vector<16xi1>
    %ne3A_182 = arith.xori %lt3A_177, %ne3A_181 : vector<16xi1>
    %and3A_183 = arith.andi %ne3A_182, %ne3A_174 : vector<16xi1>
    %add3A_184 = vector.broadcast %select_n3A_169 : i32 to vector<16xi32>
    %add3A_185 = arith.addi %rem3A_171, %add3A_184 : vector<16xi32>
    %select_n3A_186 = arith.select %and3A_183, %add3A_185, %rem3A_171 : vector<16xi1>, vector<16xi32>
    %mul3A_187 = arith.constant 2 : i32
    %mul3A_188 = vector.broadcast %mul3A_187 : i32 to vector<16xi32>
    %mul3A_189 = arith.muli %mul3A_188, %select_n3A_186 : vector<16xi32>
    %swap3A_190 = arith.constant 78 : i32
    %swap3A_191 = arith.index_cast %swap3A_190 : i32 to index
    %swap3A_192 = arith.constant 64 : index
    %swap3A_193 = tpu.vector_load %arg11[%swap3A_191, %swap3A_192] {strides = array<i32>} : memref<80x128xi32, #tpu.memory_space<vmem>>, vector<16xi32>,
    tpu.vector_store %arg11[%swap3A_191, %swap3A_192], %mul3A_189 {strides = array<i32>} : memref<80x128xi32, #tpu.memory_space<vmem>>, vector<16xi32>,
    %add3A_194 = arith.constant 10048 : i32
    %add3A_195 = vector.broadcast %add3A_194 : i32 to vector<16xi32>
    %add3A_196 = arith.addi %add3A_195, %iota3A : vector<16xi32>
    %swap3A_197 = arith.constant 78 : i32
    %swap3A_198 = arith.index_cast %swap3A_197 : i32 to index
    %swap3A_199 = arith.constant 64 : index
    %swap3A_200 = tpu.vector_load %arg12[%swap3A_198, %swap3A_199] {strides = array<i32>} : memref<80x128xi32, #tpu.memory_space<vmem>>, vector<16xi32>,
    tpu.vector_store %arg12[%swap3A_198, %swap3A_199], %add3A_196 {strides = array<i32>} : memref<80x128xi32, #tpu.memory_space<vmem>>, vector<16xi32>,
    %mul3A_201 = arith.constant 131 : i32
    %mul3A_202 = arith.muli %add3A, %mul3A_201 : i32
    %add3A_203 = arith.constant 64 : i32
    %add3A_204 = arith.addi %mul3A_202, %add3A_203 : i32
    %add3A_205 = vector.broadcast %add3A_204 : i32 to vector<16xi32>
    %add3A_206 = arith.addi %add3A_205, %iota3A : vector<16xi32>
    %jit3A_207 = arith.constant 10000 : i32
    %eq3A_208 = arith.constant 0 : i32
    %eq3A_209 = arith.cmpi eq, %jit3A_207, %eq3A_208 : i32
    %jit3A_210 = arith.constant 1 : i32
    %select_n3A_211 = arith.select %eq3A_209, %jit3A_210, %jit3A_207 : i32
    %rem3A_212 = vector.broadcast %select_n3A_211 : i32 to vector<16xi32>
    %rem3A_213 = arith.remsi %add3A_206, %rem3A_212 : vector<16xi32>
    %ne3A_214 = arith.constant 0 : i32
    %ne3A_215 = vector.broadcast %ne3A_214 : i32 to vector<16xi32>
    %ne3A_216 = arith.cmpi ne, %rem3A_213, %ne3A_215 : vector<16xi32>
    %lt3A_217 = arith.constant 0 : i32
    %lt3A_218 = vector.broadcast %lt3A_217 : i32 to vector<16xi32>
    %lt3A_219 = arith.cmpi slt, %rem3A_213, %lt3A_218 : vector<16xi32>
    %lt3A_220 = arith.constant 0 : i32
    %lt3A_221 = arith.cmpi slt, %select_n3A_211, %lt3A_220 : i32
    %ne3A_222 = vector.broadcast %lt3A_221 : i1 to vector<16xi1>
    %ne3A_223 = vector.broadcast %ne3A_222 : vector<16xi1> to vector<16xi1>
    %ne3A_224 = arith.xori %lt3A_219, %ne3A_223 : vector<16xi1>
    %and3A_225 = arith.andi %ne3A_224, %ne3A_216 : vector<16xi1>
    %add3A_226 = vector.broadcast %select_n3A_211 : i32 to vector<16xi32>
    %add3A_227 = arith.addi %rem3A_213, %add3A_226 : vector<16xi32>
    %select_n3A_228 = arith.select %and3A_225, %add3A_227, %rem3A_213 : vector<16xi1>, vector<16xi32>
    %mul3A_229 = arith.constant 2 : i32
    %mul3A_230 = vector.broadcast %mul3A_229 : i32 to vector<16xi32>
    %mul3A_231 = arith.muli %mul3A_230, %select_n3A_228 : vector<16xi32>
    %swap3A_232 = arith.constant 78 : i32
    %swap3A_233 = arith.index_cast %swap3A_232 : i32 to index
    %swap3A_234 = arith.constant 80 : index
    %swap3A_235 = tpu.vector_load %arg11[%swap3A_233, %swap3A_234] {strides = array<i32>} : memref<80x128xi32, #tpu.memory_space<vmem>>, vector<16xi32>,
    tpu.vector_store %arg11[%swap3A_233, %swap3A_234], %mul3A_231 {strides = array<i32>} : memref<80x128xi32, #tpu.memory_space<vmem>>, vector<16xi32>,
    %add3A_236 = arith.constant 10064 : i32
    %add3A_237 = vector.broadcast %add3A_236 : i32 to vector<16xi32>
    %add3A_238 = arith.addi %add3A_237, %iota3A : vector<16xi32>
    %swap3A_239 = arith.constant 78 : i32
    %swap3A_240 = arith.index_cast %swap3A_239 : i32 to index
    %swap3A_241 = arith.constant 80 : index
    %swap3A_242 = tpu.vector_load %arg12[%swap3A_240, %swap3A_241] {strides = array<i32>} : memref<80x128xi32, #tpu.memory_space<vmem>>, vector<16xi32>,
    tpu.vector_store %arg12[%swap3A_240, %swap3A_241], %add3A_238 {strides = array<i32>} : memref<80x128xi32, #tpu.memory_space<vmem>>, vector<16xi32>,
    %mul3A_243 = arith.constant 131 : i32
    %mul3A_244 = arith.muli %add3A, %mul3A_243 : i32
    %add3A_245 = arith.constant 80 : i32
    %add3A_246 = arith.addi %mul3A_244, %add3A_245 : i32
    %add3A_247 = vector.broadcast %add3A_246 : i32 to vector<16xi32>
    %add3A_248 = arith.addi %add3A_247, %iota3A : vector<16xi32>
    %jit3A_249 = arith.constant 10000 : i32
    %eq3A_250 = arith.constant 0 : i32
    %eq3A_251 = arith.cmpi eq, %jit3A_249, %eq3A_250 : i32
    %jit3A_252 = arith.constant 1 : i32
    %select_n3A_253 = arith.select %eq3A_251, %jit3A_252, %jit3A_249 : i32
    %rem3A_254 = vector.broadcast %select_n3A_253 : i32 to vector<16xi32>
    %rem3A_255 = arith.remsi %add3A_248, %rem3A_254 : vector<16xi32>
    %ne3A_256 = arith.constant 0 : i32
    %ne3A_257 = vector.broadcast %ne3A_256 : i32 to vector<16xi32>
    %ne3A_258 = arith.cmpi ne, %rem3A_255, %ne3A_257 : vector<16xi32>
    %lt3A_259 = arith.constant 0 : i32
    %lt3A_260 = vector.broadcast %lt3A_259 : i32 to vector<16xi32>
    %lt3A_261 = arith.cmpi slt, %rem3A_255, %lt3A_260 : vector<16xi32>
    %lt3A_262 = arith.constant 0 : i32
    %lt3A_263 = arith.cmpi slt, %select_n3A_253, %lt3A_262 : i32
    %ne3A_264 = vector.broadcast %lt3A_263 : i1 to vector<16xi1>
    %ne3A_265 = vector.broadcast %ne3A_264 : vector<16xi1> to vector<16xi1>
    %ne3A_266 = arith.xori %lt3A_261, %ne3A_265 : vector<16xi1>
    %and3A_267 = arith.andi %ne3A_266, %ne3A_258 : vector<16xi1>
    %add3A_268 = vector.broadcast %select_n3A_253 : i32 to vector<16xi32>
    %add3A_269 = arith.addi %rem3A_255, %add3A_268 : vector<16xi32>
    %select_n3A_270 = arith.select %and3A_267, %add3A_269, %rem3A_255 : vector<16xi1>, vector<16xi32>
    %mul3A_271 = arith.constant 2 : i32
    %mul3A_272 = vector.broadcast %mul3A_271 : i32 to vector<16xi32>
    %mul3A_273 = arith.muli %mul3A_272, %select_n3A_270 : vector<16xi32>
    %swap3A_274 = arith.constant 78 : i32
    %swap3A_275 = arith.index_cast %swap3A_274 : i32 to index
    %swap3A_276 = arith.constant 96 : index
    %swap3A_277 = tpu.vector_load %arg11[%swap3A_275, %swap3A_276] {strides = array<i32>} : memref<80x128xi32, #tpu.memory_space<vmem>>, vector<16xi32>,
    tpu.vector_store %arg11[%swap3A_275, %swap3A_276], %mul3A_273 {strides = array<i32>} : memref<80x128xi32, #tpu.memory_space<vmem>>, vector<16xi32>,
    %add3A_278 = arith.constant 10080 : i32
    %add3A_279 = vector.broadcast %add3A_278 : i32 to vector<16xi32>
    %add3A_280 = arith.addi %add3A_279, %iota3A : vector<16xi32>
    %swap3A_281 = arith.constant 78 : i32
    %swap3A_282 = arith.index_cast %swap3A_281 : i32 to index
    %swap3A_283 = arith.constant 96 : index
    %swap3A_284 = tpu.vector_load %arg12[%swap3A_282, %swap3A_283] {strides = array<i32>} : memref<80x128xi32, #tpu.memory_space<vmem>>, vector<16xi32>,
    tpu.vector_store %arg12[%swap3A_282, %swap3A_283], %add3A_280 {strides = array<i32>} : memref<80x128xi32, #tpu.memory_space<vmem>>, vector<16xi32>,
    %mul3A_285 = arith.constant 131 : i32
    %mul3A_286 = arith.muli %add3A, %mul3A_285 : i32
    %add3A_287 = arith.constant 96 : i32
    %add3A_288 = arith.addi %mul3A_286, %add3A_287 : i32
    %add3A_289 = vector.broadcast %add3A_288 : i32 to vector<16xi32>
    %add3A_290 = arith.addi %add3A_289, %iota3A : vector<16xi32>
    %jit3A_291 = arith.constant 10000 : i32
    %eq3A_292 = arith.constant 0 : i32
    %eq3A_293 = arith.cmpi eq, %jit3A_291, %eq3A_292 : i32
    %jit3A_294 = arith.constant 1 : i32
    %select_n3A_295 = arith.select %eq3A_293, %jit3A_294, %jit3A_291 : i32
    %rem3A_296 = vector.broadcast %select_n3A_295 : i32 to vector<16xi32>
    %rem3A_297 = arith.remsi %add3A_290, %rem3A_296 : vector<16xi32>
    %ne3A_298 = arith.constant 0 : i32
    %ne3A_299 = vector.broadcast %ne3A_298 : i32 to vector<16xi32>
    %ne3A_300 = arith.cmpi ne, %rem3A_297, %ne3A_299 : vector<16xi32>
    %lt3A_301 = arith.constant 0 : i32
    %lt3A_302 = vector.broadcast %lt3A_301 : i32 to vector<16xi32>
    %lt3A_303 = arith.cmpi slt, %rem3A_297, %lt3A_302 : vector<16xi32>
    %lt3A_304 = arith.constant 0 : i32
    %lt3A_305 = arith.cmpi slt, %select_n3A_295, %lt3A_304 : i32
    %ne3A_306 = vector.broadcast %lt3A_305 : i1 to vector<16xi1>
    %ne3A_307 = vector.broadcast %ne3A_306 : vector<16xi1> to vector<16xi1>
    %ne3A_308 = arith.xori %lt3A_303, %ne3A_307 : vector<16xi1>
    %and3A_309 = arith.andi %ne3A_308, %ne3A_300 : vector<16xi1>
    %add3A_310 = vector.broadcast %select_n3A_295 : i32 to vector<16xi32>
    %add3A_311 = arith.addi %rem3A_297, %add3A_310 : vector<16xi32>
    %select_n3A_312 = arith.select %and3A_309, %add3A_311, %rem3A_297 : vector<16xi1>, vector<16xi32>
    %mul3A_313 = arith.constant 2 : i32
    %mul3A_314 = vector.broadcast %mul3A_313 : i32 to vector<16xi32>
    %mul3A_315 = arith.muli %mul3A_314, %select_n3A_312 : vector<16xi32>
    %swap3A_316 = arith.constant 78 : i32
    %swap3A_317 = arith.index_cast %swap3A_316 : i32 to index
    %swap3A_318 = arith.constant 112 : index
    %swap3A_319 = tpu.vector_load %arg11[%swap3A_317, %swap3A_318] {strides = array<i32>} : memref<80x128xi32, #tpu.memory_space<vmem>>, vector<16xi32>,
    tpu.vector_store %arg11[%swap3A_317, %swap3A_318], %mul3A_315 {strides = array<i32>} : memref<80x128xi32, #tpu.memory_space<vmem>>, vector<16xi32>,
    %add3A_320 = arith.constant 10096 : i32
    %add3A_321 = vector.broadcast %add3A_320 : i32 to vector<16xi32>
    %add3A_322 = arith.addi %add3A_321, %iota3A : vector<16xi32>
    %swap3A_323 = arith.constant 78 : i32
    %swap3A_324 = arith.index_cast %swap3A_323 : i32 to index
    %swap3A_325 = arith.constant 112 : index
    %swap3A_326 = tpu.vector_load %arg12[%swap3A_324, %swap3A_325] {strides = array<i32>} : memref<80x128xi32, #tpu.memory_space<vmem>>, vector<16xi32>,
    tpu.vector_store %arg12[%swap3A_324, %swap3A_325], %add3A_322 {strides = array<i32>} : memref<80x128xi32, #tpu.memory_space<vmem>>, vector<16xi32>,
    %run_scoped3A_327 = arith.constant 78 : i32
    "tpu.region"() ({
      %run_scoped3A_666 = tpu.sem_alloc : memref<!tpu.dma_semaphore, #tpu.memory_space<semaphore_mem>>
      %dma_start3A = arith.constant 0 : i32
      %dma_start3A_667 = tpu.memref_slice %arg12[%run_scoped3A_327, %dma_start3A] : memref<80x128xi32, #tpu.memory_space<vmem>> -> memref<1x128xi32, #tpu.memory_space<vmem>>
      %dma_start3A_668 = tpu.memref_squeeze %dma_start3A_667 : memref<1x128xi32, #tpu.memory_space<vmem>> -> memref<128xi32, #tpu.memory_space<vmem>>
      %dma_start3A_669 = arith.constant 0 : i32
      %dma_start3A_670 = arith.constant 0 : i32
      %dma_start3A_671 = tpu.memref_slice %arg14[%dma_start3A_669, %dma_start3A_670] : memref<10240x16xf32, #tpu.memory_space<vmem_shared>> -> memref<10240x16xf32, #tpu.memory_space<vmem_shared>>
      tpu.enqueue_indirect_dma source(%arg13 : memref<128x16xf32, #tpu.memory_space<vmem>>) target(%dma_start3A_671 : memref<10240x16xf32, #tpu.memory_space<vmem_shared>>) offsets(%dma_start3A_668 : memref<128xi32, #tpu.memory_space<vmem>>) semaphore(%run_scoped3A_666 : memref<!tpu.dma_semaphore, #tpu.memory_space<semaphore_mem>>) {add = true}
      %dma_wait3A = arith.constant 0 : i32
      %dma_wait3A_672 = tpu.memref_slice %arg12[%run_scoped3A_327, %dma_wait3A] : memref<80x128xi32, #tpu.memory_space<vmem>> -> memref<1x128xi32, #tpu.memory_space<vmem>>
      %dma_wait3A_673 = tpu.memref_squeeze %dma_wait3A_672 : memref<1x128xi32, #tpu.memory_space<vmem>> -> memref<128xi32, #tpu.memory_space<vmem>>
      %dma_wait3A_674 = arith.constant 0 : i32
      %dma_wait3A_675 = arith.constant 0 : i32
      %dma_wait3A_676 = tpu.memref_slice %arg14[%dma_wait3A_674, %dma_wait3A_675] : memref<10240x16xf32, #tpu.memory_space<vmem_shared>> -> memref<10240x16xf32, #tpu.memory_space<vmem_shared>>
      tpu.wait_indirect_dma semaphore(%run_scoped3A_666 : memref<!tpu.dma_semaphore, #tpu.memory_space<semaphore_mem>>) src(%arg13 : memref<128x16xf32, #tpu.memory_space<vmem>>) dst(%dma_wait3A_676 : memref<10240x16xf32, #tpu.memory_space<vmem_shared>>)
      tpu.yield
    }) : () -> ()
    %mul3A_328 = arith.constant 131 : i32
    %mul3A_329 = arith.muli %add3A, %mul3A_328 : i32
    %add3A_330 = arith.constant 112 : i32
    %add3A_331 = arith.addi %mul3A_329, %add3A_330 : i32
    %add3A_332 = vector.broadcast %add3A_331 : i32 to vector<16xi32>
    %add3A_333 = arith.addi %add3A_332, %iota3A : vector<16xi32>
    %jit3A_334 = arith.constant 10000 : i32
    %eq3A_335 = arith.constant 0 : i32
    %eq3A_336 = arith.cmpi eq, %jit3A_334, %eq3A_335 : i32
    %jit3A_337 = arith.constant 1 : i32
    %select_n3A_338 = arith.select %eq3A_336, %jit3A_337, %jit3A_334 : i32
    %rem3A_339 = vector.broadcast %select_n3A_338 : i32 to vector<16xi32>
    %rem3A_340 = arith.remsi %add3A_333, %rem3A_339 : vector<16xi32>
    %ne3A_341 = arith.constant 0 : i32
    %ne3A_342 = vector.broadcast %ne3A_341 : i32 to vector<16xi32>
    %ne3A_343 = arith.cmpi ne, %rem3A_340, %ne3A_342 : vector<16xi32>
    %lt3A_344 = arith.constant 0 : i32
    %lt3A_345 = vector.broadcast %lt3A_344 : i32 to vector<16xi32>
    %lt3A_346 = arith.cmpi slt, %rem3A_340, %lt3A_345 : vector<16xi32>
    %lt3A_347 = arith.constant 0 : i32
    %lt3A_348 = arith.cmpi slt, %select_n3A_338, %lt3A_347 : i32
    %ne3A_349 = vector.broadcast %lt3A_348 : i1 to vector<16xi1>
    %ne3A_350 = vector.broadcast %ne3A_349 : vector<16xi1> to vector<16xi1>
    %ne3A_351 = arith.xori %lt3A_346, %ne3A_350 : vector<16xi1>
    %and3A_352 = arith.andi %ne3A_351, %ne3A_343 : vector<16xi1>
    %add3A_353 = vector.broadcast %select_n3A_338 : i32 to vector<16xi32>
    %add3A_354 = arith.addi %rem3A_340, %add3A_353 : vector<16xi32>
    %select_n3A_355 = arith.select %and3A_352, %add3A_354, %rem3A_340 : vector<16xi1>, vector<16xi32>
    %mul3A_356 = arith.constant 2 : i32
    %mul3A_357 = vector.broadcast %mul3A_356 : i32 to vector<16xi32>
    %mul3A_358 = arith.muli %mul3A_357, %select_n3A_355 : vector<16xi32>
    %swap3A_359 = arith.constant 79 : i32
    %swap3A_360 = arith.index_cast %swap3A_359 : i32 to index
    %swap3A_361 = arith.constant 0 : index
    %swap3A_362 = tpu.vector_load %arg11[%swap3A_360, %swap3A_361] {strides = array<i32>} : memref<80x128xi32, #tpu.memory_space<vmem>>, vector<16xi32>,
    tpu.vector_store %arg11[%swap3A_360, %swap3A_361], %mul3A_358 {strides = array<i32>} : memref<80x128xi32, #tpu.memory_space<vmem>>, vector<16xi32>,
    %add3A_363 = arith.constant 10112 : i32
    %add3A_364 = vector.broadcast %add3A_363 : i32 to vector<16xi32>
    %add3A_365 = arith.addi %add3A_364, %iota3A : vector<16xi32>
    %swap3A_366 = arith.constant 79 : i32
    %swap3A_367 = arith.index_cast %swap3A_366 : i32 to index
    %swap3A_368 = arith.constant 0 : index
    %swap3A_369 = tpu.vector_load %arg12[%swap3A_367, %swap3A_368] {strides = array<i32>} : memref<80x128xi32, #tpu.memory_space<vmem>>, vector<16xi32>,
    tpu.vector_store %arg12[%swap3A_367, %swap3A_368], %add3A_365 {strides = array<i32>} : memref<80x128xi32, #tpu.memory_space<vmem>>, vector<16xi32>,
    %mul3A_370 = arith.constant 131 : i32
    %mul3A_371 = arith.muli %add3A, %mul3A_370 : i32
    %add3A_372 = arith.constant 128 : i32
    %add3A_373 = arith.addi %mul3A_371, %add3A_372 : i32
    %add3A_374 = vector.broadcast %add3A_373 : i32 to vector<16xi32>
    %add3A_375 = arith.addi %add3A_374, %iota3A : vector<16xi32>
    %jit3A_376 = arith.constant 10000 : i32
    %eq3A_377 = arith.constant 0 : i32
    %eq3A_378 = arith.cmpi eq, %jit3A_376, %eq3A_377 : i32
    %jit3A_379 = arith.constant 1 : i32
    %select_n3A_380 = arith.select %eq3A_378, %jit3A_379, %jit3A_376 : i32
    %rem3A_381 = vector.broadcast %select_n3A_380 : i32 to vector<16xi32>
    %rem3A_382 = arith.remsi %add3A_375, %rem3A_381 : vector<16xi32>
    %ne3A_383 = arith.constant 0 : i32
    %ne3A_384 = vector.broadcast %ne3A_383 : i32 to vector<16xi32>
    %ne3A_385 = arith.cmpi ne, %rem3A_382, %ne3A_384 : vector<16xi32>
    %lt3A_386 = arith.constant 0 : i32
    %lt3A_387 = vector.broadcast %lt3A_386 : i32 to vector<16xi32>
    %lt3A_388 = arith.cmpi slt, %rem3A_382, %lt3A_387 : vector<16xi32>
    %lt3A_389 = arith.constant 0 : i32
    %lt3A_390 = arith.cmpi slt, %select_n3A_380, %lt3A_389 : i32
    %ne3A_391 = vector.broadcast %lt3A_390 : i1 to vector<16xi1>
    %ne3A_392 = vector.broadcast %ne3A_391 : vector<16xi1> to vector<16xi1>
    %ne3A_393 = arith.xori %lt3A_388, %ne3A_392 : vector<16xi1>
    %and3A_394 = arith.andi %ne3A_393, %ne3A_385 : vector<16xi1>
    %add3A_395 = vector.broadcast %select_n3A_380 : i32 to vector<16xi32>
    %add3A_396 = arith.addi %rem3A_382, %add3A_395 : vector<16xi32>
    %select_n3A_397 = arith.select %and3A_394, %add3A_396, %rem3A_382 : vector<16xi1>, vector<16xi32>
    %mul3A_398 = arith.constant 2 : i32
    %mul3A_399 = vector.broadcast %mul3A_398 : i32 to vector<16xi32>
    %mul3A_400 = arith.muli %mul3A_399, %select_n3A_397 : vector<16xi32>
    %swap3A_401 = arith.constant 79 : i32
    %swap3A_402 = arith.index_cast %swap3A_401 : i32 to index
    %swap3A_403 = arith.constant 16 : index
    %swap3A_404 = tpu.vector_load %arg11[%swap3A_402, %swap3A_403] {strides = array<i32>} : memref<80x128xi32, #tpu.memory_space<vmem>>, vector<16xi32>,
    tpu.vector_store %arg11[%swap3A_402, %swap3A_403], %mul3A_400 {strides = array<i32>} : memref<80x128xi32, #tpu.memory_space<vmem>>, vector<16xi32>,
    %add3A_405 = arith.constant 10128 : i32
    %add3A_406 = vector.broadcast %add3A_405 : i32 to vector<16xi32>
    %add3A_407 = arith.addi %add3A_406, %iota3A : vector<16xi32>
    %swap3A_408 = arith.constant 79 : i32
    %swap3A_409 = arith.index_cast %swap3A_408 : i32 to index
    %swap3A_410 = arith.constant 16 : index
    %swap3A_411 = tpu.vector_load %arg12[%swap3A_409, %swap3A_410] {strides = array<i32>} : memref<80x128xi32, #tpu.memory_space<vmem>>, vector<16xi32>,
    tpu.vector_store %arg12[%swap3A_409, %swap3A_410], %add3A_407 {strides = array<i32>} : memref<80x128xi32, #tpu.memory_space<vmem>>, vector<16xi32>,
    %mul3A_412 = arith.constant 131 : i32
    %mul3A_413 = arith.muli %add3A, %mul3A_412 : i32
    %add3A_414 = arith.constant 144 : i32
    %add3A_415 = arith.addi %mul3A_413, %add3A_414 : i32
    %add3A_416 = vector.broadcast %add3A_415 : i32 to vector<16xi32>
    %add3A_417 = arith.addi %add3A_416, %iota3A : vector<16xi32>
    %jit3A_418 = arith.constant 10000 : i32
    %eq3A_419 = arith.constant 0 : i32
    %eq3A_420 = arith.cmpi eq, %jit3A_418, %eq3A_419 : i32
    %jit3A_421 = arith.constant 1 : i32
    %select_n3A_422 = arith.select %eq3A_420, %jit3A_421, %jit3A_418 : i32
    %rem3A_423 = vector.broadcast %select_n3A_422 : i32 to vector<16xi32>
    %rem3A_424 = arith.remsi %add3A_417, %rem3A_423 : vector<16xi32>
    %ne3A_425 = arith.constant 0 : i32
    %ne3A_426 = vector.broadcast %ne3A_425 : i32 to vector<16xi32>
    %ne3A_427 = arith.cmpi ne, %rem3A_424, %ne3A_426 : vector<16xi32>
    %lt3A_428 = arith.constant 0 : i32
    %lt3A_429 = vector.broadcast %lt3A_428 : i32 to vector<16xi32>
    %lt3A_430 = arith.cmpi slt, %rem3A_424, %lt3A_429 : vector<16xi32>
    %lt3A_431 = arith.constant 0 : i32
    %lt3A_432 = arith.cmpi slt, %select_n3A_422, %lt3A_431 : i32
    %ne3A_433 = vector.broadcast %lt3A_432 : i1 to vector<16xi1>
    %ne3A_434 = vector.broadcast %ne3A_433 : vector<16xi1> to vector<16xi1>
    %ne3A_435 = arith.xori %lt3A_430, %ne3A_434 : vector<16xi1>
    %and3A_436 = arith.andi %ne3A_435, %ne3A_427 : vector<16xi1>
    %add3A_437 = vector.broadcast %select_n3A_422 : i32 to vector<16xi32>
    %add3A_438 = arith.addi %rem3A_424, %add3A_437 : vector<16xi32>
    %select_n3A_439 = arith.select %and3A_436, %add3A_438, %rem3A_424 : vector<16xi1>, vector<16xi32>
    %mul3A_440 = arith.constant 2 : i32
    %mul3A_441 = vector.broadcast %mul3A_440 : i32 to vector<16xi32>
    %mul3A_442 = arith.muli %mul3A_441, %select_n3A_439 : vector<16xi32>
    %swap3A_443 = arith.constant 79 : i32
    %swap3A_444 = arith.index_cast %swap3A_443 : i32 to index
    %swap3A_445 = arith.constant 32 : index
    %swap3A_446 = tpu.vector_load %arg11[%swap3A_444, %swap3A_445] {strides = array<i32>} : memref<80x128xi32, #tpu.memory_space<vmem>>, vector<16xi32>,
    tpu.vector_store %arg11[%swap3A_444, %swap3A_445], %mul3A_442 {strides = array<i32>} : memref<80x128xi32, #tpu.memory_space<vmem>>, vector<16xi32>,
    %add3A_447 = arith.constant 10144 : i32
    %add3A_448 = vector.broadcast %add3A_447 : i32 to vector<16xi32>
    %add3A_449 = arith.addi %add3A_448, %iota3A : vector<16xi32>
    %swap3A_450 = arith.constant 79 : i32
    %swap3A_451 = arith.index_cast %swap3A_450 : i32 to index
    %swap3A_452 = arith.constant 32 : index
    %swap3A_453 = tpu.vector_load %arg12[%swap3A_451, %swap3A_452] {strides = array<i32>} : memref<80x128xi32, #tpu.memory_space<vmem>>, vector<16xi32>,
    tpu.vector_store %arg12[%swap3A_451, %swap3A_452], %add3A_449 {strides = array<i32>} : memref<80x128xi32, #tpu.memory_space<vmem>>, vector<16xi32>,
    %mul3A_454 = arith.constant 131 : i32
    %mul3A_455 = arith.muli %add3A, %mul3A_454 : i32
    %add3A_456 = arith.constant 160 : i32
    %add3A_457 = arith.addi %mul3A_455, %add3A_456 : i32
    %add3A_458 = vector.broadcast %add3A_457 : i32 to vector<16xi32>
    %add3A_459 = arith.addi %add3A_458, %iota3A : vector<16xi32>
    %jit3A_460 = arith.constant 10000 : i32
    %eq3A_461 = arith.constant 0 : i32
    %eq3A_462 = arith.cmpi eq, %jit3A_460, %eq3A_461 : i32
    %jit3A_463 = arith.constant 1 : i32
    %select_n3A_464 = arith.select %eq3A_462, %jit3A_463, %jit3A_460 : i32
    %rem3A_465 = vector.broadcast %select_n3A_464 : i32 to vector<16xi32>
    %rem3A_466 = arith.remsi %add3A_459, %rem3A_465 : vector<16xi32>
    %ne3A_467 = arith.constant 0 : i32
    %ne3A_468 = vector.broadcast %ne3A_467 : i32 to vector<16xi32>
    %ne3A_469 = arith.cmpi ne, %rem3A_466, %ne3A_468 : vector<16xi32>
    %lt3A_470 = arith.constant 0 : i32
    %lt3A_471 = vector.broadcast %lt3A_470 : i32 to vector<16xi32>
    %lt3A_472 = arith.cmpi slt, %rem3A_466, %lt3A_471 : vector<16xi32>
    %lt3A_473 = arith.constant 0 : i32
    %lt3A_474 = arith.cmpi slt, %select_n3A_464, %lt3A_473 : i32
    %ne3A_475 = vector.broadcast %lt3A_474 : i1 to vector<16xi1>
    %ne3A_476 = vector.broadcast %ne3A_475 : vector<16xi1> to vector<16xi1>
    %ne3A_477 = arith.xori %lt3A_472, %ne3A_476 : vector<16xi1>
    %and3A_478 = arith.andi %ne3A_477, %ne3A_469 : vector<16xi1>
    %add3A_479 = vector.broadcast %select_n3A_464 : i32 to vector<16xi32>
    %add3A_480 = arith.addi %rem3A_466, %add3A_479 : vector<16xi32>
    %select_n3A_481 = arith.select %and3A_478, %add3A_480, %rem3A_466 : vector<16xi1>, vector<16xi32>
    %mul3A_482 = arith.constant 2 : i32
    %mul3A_483 = vector.broadcast %mul3A_482 : i32 to vector<16xi32>
    %mul3A_484 = arith.muli %mul3A_483, %select_n3A_481 : vector<16xi32>
    %swap3A_485 = arith.constant 79 : i32
    %swap3A_486 = arith.index_cast %swap3A_485 : i32 to index
    %swap3A_487 = arith.constant 48 : index
    %swap3A_488 = tpu.vector_load %arg11[%swap3A_486, %swap3A_487] {strides = array<i32>} : memref<80x128xi32, #tpu.memory_space<vmem>>, vector<16xi32>,
    tpu.vector_store %arg11[%swap3A_486, %swap3A_487], %mul3A_484 {strides = array<i32>} : memref<80x128xi32, #tpu.memory_space<vmem>>, vector<16xi32>,
    %add3A_489 = arith.constant 10160 : i32
    %add3A_490 = vector.broadcast %add3A_489 : i32 to vector<16xi32>
    %add3A_491 = arith.addi %add3A_490, %iota3A : vector<16xi32>
    %swap3A_492 = arith.constant 79 : i32
    %swap3A_493 = arith.index_cast %swap3A_492 : i32 to index
    %swap3A_494 = arith.constant 48 : index
    %swap3A_495 = tpu.vector_load %arg12[%swap3A_493, %swap3A_494] {strides = array<i32>} : memref<80x128xi32, #tpu.memory_space<vmem>>, vector<16xi32>,
    tpu.vector_store %arg12[%swap3A_493, %swap3A_494], %add3A_491 {strides = array<i32>} : memref<80x128xi32, #tpu.memory_space<vmem>>, vector<16xi32>,
    %mul3A_496 = arith.constant 131 : i32
    %mul3A_497 = arith.muli %add3A, %mul3A_496 : i32
    %add3A_498 = arith.constant 176 : i32
    %add3A_499 = arith.addi %mul3A_497, %add3A_498 : i32
    %add3A_500 = vector.broadcast %add3A_499 : i32 to vector<16xi32>
    %add3A_501 = arith.addi %add3A_500, %iota3A : vector<16xi32>
    %jit3A_502 = arith.constant 10000 : i32
    %eq3A_503 = arith.constant 0 : i32
    %eq3A_504 = arith.cmpi eq, %jit3A_502, %eq3A_503 : i32
    %jit3A_505 = arith.constant 1 : i32
    %select_n3A_506 = arith.select %eq3A_504, %jit3A_505, %jit3A_502 : i32
    %rem3A_507 = vector.broadcast %select_n3A_506 : i32 to vector<16xi32>
    %rem3A_508 = arith.remsi %add3A_501, %rem3A_507 : vector<16xi32>
    %ne3A_509 = arith.constant 0 : i32
    %ne3A_510 = vector.broadcast %ne3A_509 : i32 to vector<16xi32>
    %ne3A_511 = arith.cmpi ne, %rem3A_508, %ne3A_510 : vector<16xi32>
    %lt3A_512 = arith.constant 0 : i32
    %lt3A_513 = vector.broadcast %lt3A_512 : i32 to vector<16xi32>
    %lt3A_514 = arith.cmpi slt, %rem3A_508, %lt3A_513 : vector<16xi32>
    %lt3A_515 = arith.constant 0 : i32
    %lt3A_516 = arith.cmpi slt, %select_n3A_506, %lt3A_515 : i32
    %ne3A_517 = vector.broadcast %lt3A_516 : i1 to vector<16xi1>
    %ne3A_518 = vector.broadcast %ne3A_517 : vector<16xi1> to vector<16xi1>
    %ne3A_519 = arith.xori %lt3A_514, %ne3A_518 : vector<16xi1>
    %and3A_520 = arith.andi %ne3A_519, %ne3A_511 : vector<16xi1>
    %add3A_521 = vector.broadcast %select_n3A_506 : i32 to vector<16xi32>
    %add3A_522 = arith.addi %rem3A_508, %add3A_521 : vector<16xi32>
    %select_n3A_523 = arith.select %and3A_520, %add3A_522, %rem3A_508 : vector<16xi1>, vector<16xi32>
    %mul3A_524 = arith.constant 2 : i32
    %mul3A_525 = vector.broadcast %mul3A_524 : i32 to vector<16xi32>
    %mul3A_526 = arith.muli %mul3A_525, %select_n3A_523 : vector<16xi32>
    %swap3A_527 = arith.constant 79 : i32
    %swap3A_528 = arith.index_cast %swap3A_527 : i32 to index
    %swap3A_529 = arith.constant 64 : index
    %swap3A_530 = tpu.vector_load %arg11[%swap3A_528, %swap3A_529] {strides = array<i32>} : memref<80x128xi32, #tpu.memory_space<vmem>>, vector<16xi32>,
    tpu.vector_store %arg11[%swap3A_528, %swap3A_529], %mul3A_526 {strides = array<i32>} : memref<80x128xi32, #tpu.memory_space<vmem>>, vector<16xi32>,
    %add3A_531 = arith.constant 10176 : i32
    %add3A_532 = vector.broadcast %add3A_531 : i32 to vector<16xi32>
    %add3A_533 = arith.addi %add3A_532, %iota3A : vector<16xi32>
    %swap3A_534 = arith.constant 79 : i32
    %swap3A_535 = arith.index_cast %swap3A_534 : i32 to index
    %swap3A_536 = arith.constant 64 : index
    %swap3A_537 = tpu.vector_load %arg12[%swap3A_535, %swap3A_536] {strides = array<i32>} : memref<80x128xi32, #tpu.memory_space<vmem>>, vector<16xi32>,
    tpu.vector_store %arg12[%swap3A_535, %swap3A_536], %add3A_533 {strides = array<i32>} : memref<80x128xi32, #tpu.memory_space<vmem>>, vector<16xi32>,
    %mul3A_538 = arith.constant 131 : i32
    %mul3A_539 = arith.muli %add3A, %mul3A_538 : i32
    %add3A_540 = arith.constant 192 : i32
    %add3A_541 = arith.addi %mul3A_539, %add3A_540 : i32
    %add3A_542 = vector.broadcast %add3A_541 : i32 to vector<16xi32>
    %add3A_543 = arith.addi %add3A_542, %iota3A : vector<16xi32>
    %jit3A_544 = arith.constant 10000 : i32
    %eq3A_545 = arith.constant 0 : i32
    %eq3A_546 = arith.cmpi eq, %jit3A_544, %eq3A_545 : i32
    %jit3A_547 = arith.constant 1 : i32
    %select_n3A_548 = arith.select %eq3A_546, %jit3A_547, %jit3A_544 : i32
    %rem3A_549 = vector.broadcast %select_n3A_548 : i32 to vector<16xi32>
    %rem3A_550 = arith.remsi %add3A_543, %rem3A_549 : vector<16xi32>
    %ne3A_551 = arith.constant 0 : i32
    %ne3A_552 = vector.broadcast %ne3A_551 : i32 to vector<16xi32>
    %ne3A_553 = arith.cmpi ne, %rem3A_550, %ne3A_552 : vector<16xi32>
    %lt3A_554 = arith.constant 0 : i32
    %lt3A_555 = vector.broadcast %lt3A_554 : i32 to vector<16xi32>
    %lt3A_556 = arith.cmpi slt, %rem3A_550, %lt3A_555 : vector<16xi32>
    %lt3A_557 = arith.constant 0 : i32
    %lt3A_558 = arith.cmpi slt, %select_n3A_548, %lt3A_557 : i32
    %ne3A_559 = vector.broadcast %lt3A_558 : i1 to vector<16xi1>
    %ne3A_560 = vector.broadcast %ne3A_559 : vector<16xi1> to vector<16xi1>
    %ne3A_561 = arith.xori %lt3A_556, %ne3A_560 : vector<16xi1>
    %and3A_562 = arith.andi %ne3A_561, %ne3A_553 : vector<16xi1>
    %add3A_563 = vector.broadcast %select_n3A_548 : i32 to vector<16xi32>
    %add3A_564 = arith.addi %rem3A_550, %add3A_563 : vector<16xi32>
    %select_n3A_565 = arith.select %and3A_562, %add3A_564, %rem3A_550 : vector<16xi1>, vector<16xi32>
    %mul3A_566 = arith.constant 2 : i32
    %mul3A_567 = vector.broadcast %mul3A_566 : i32 to vector<16xi32>
    %mul3A_568 = arith.muli %mul3A_567, %select_n3A_565 : vector<16xi32>
    %swap3A_569 = arith.constant 79 : i32
    %swap3A_570 = arith.index_cast %swap3A_569 : i32 to index
    %swap3A_571 = arith.constant 80 : index
    %swap3A_572 = tpu.vector_load %arg11[%swap3A_570, %swap3A_571] {strides = array<i32>} : memref<80x128xi32, #tpu.memory_space<vmem>>, vector<16xi32>,
    tpu.vector_store %arg11[%swap3A_570, %swap3A_571], %mul3A_568 {strides = array<i32>} : memref<80x128xi32, #tpu.memory_space<vmem>>, vector<16xi32>,
    %add3A_573 = arith.constant 10192 : i32
    %add3A_574 = vector.broadcast %add3A_573 : i32 to vector<16xi32>
    %add3A_575 = arith.addi %add3A_574, %iota3A : vector<16xi32>
    %swap3A_576 = arith.constant 79 : i32
    %swap3A_577 = arith.index_cast %swap3A_576 : i32 to index
    %swap3A_578 = arith.constant 80 : index
    %swap3A_579 = tpu.vector_load %arg12[%swap3A_577, %swap3A_578] {strides = array<i32>} : memref<80x128xi32, #tpu.memory_space<vmem>>, vector<16xi32>,
    tpu.vector_store %arg12[%swap3A_577, %swap3A_578], %add3A_575 {strides = array<i32>} : memref<80x128xi32, #tpu.memory_space<vmem>>, vector<16xi32>,
    %mul3A_580 = arith.constant 131 : i32
    %mul3A_581 = arith.muli %add3A, %mul3A_580 : i32
    %add3A_582 = arith.constant 208 : i32
    %add3A_583 = arith.addi %mul3A_581, %add3A_582 : i32
    %add3A_584 = vector.broadcast %add3A_583 : i32 to vector<16xi32>
    %add3A_585 = arith.addi %add3A_584, %iota3A : vector<16xi32>
    %jit3A_586 = arith.constant 10000 : i32
    %eq3A_587 = arith.constant 0 : i32
    %eq3A_588 = arith.cmpi eq, %jit3A_586, %eq3A_587 : i32
    %jit3A_589 = arith.constant 1 : i32
    %select_n3A_590 = arith.select %eq3A_588, %jit3A_589, %jit3A_586 : i32
    %rem3A_591 = vector.broadcast %select_n3A_590 : i32 to vector<16xi32>
    %rem3A_592 = arith.remsi %add3A_585, %rem3A_591 : vector<16xi32>
    %ne3A_593 = arith.constant 0 : i32
    %ne3A_594 = vector.broadcast %ne3A_593 : i32 to vector<16xi32>
    %ne3A_595 = arith.cmpi ne, %rem3A_592, %ne3A_594 : vector<16xi32>
    %lt3A_596 = arith.constant 0 : i32
    %lt3A_597 = vector.broadcast %lt3A_596 : i32 to vector<16xi32>
    %lt3A_598 = arith.cmpi slt, %rem3A_592, %lt3A_597 : vector<16xi32>
    %lt3A_599 = arith.constant 0 : i32
    %lt3A_600 = arith.cmpi slt, %select_n3A_590, %lt3A_599 : i32
    %ne3A_601 = vector.broadcast %lt3A_600 : i1 to vector<16xi1>
    %ne3A_602 = vector.broadcast %ne3A_601 : vector<16xi1> to vector<16xi1>
    %ne3A_603 = arith.xori %lt3A_598, %ne3A_602 : vector<16xi1>
    %and3A_604 = arith.andi %ne3A_603, %ne3A_595 : vector<16xi1>
    %add3A_605 = vector.broadcast %select_n3A_590 : i32 to vector<16xi32>
    %add3A_606 = arith.addi %rem3A_592, %add3A_605 : vector<16xi32>
    %select_n3A_607 = arith.select %and3A_604, %add3A_606, %rem3A_592 : vector<16xi1>, vector<16xi32>
    %mul3A_608 = arith.constant 2 : i32
    %mul3A_609 = vector.broadcast %mul3A_608 : i32 to vector<16xi32>
    %mul3A_610 = arith.muli %mul3A_609, %select_n3A_607 : vector<16xi32>
    %swap3A_611 = arith.constant 79 : i32
    %swap3A_612 = arith.index_cast %swap3A_611 : i32 to index
    %swap3A_613 = arith.constant 96 : index
    %swap3A_614 = tpu.vector_load %arg11[%swap3A_612, %swap3A_613] {strides = array<i32>} : memref<80x128xi32, #tpu.memory_space<vmem>>, vector<16xi32>,
    tpu.vector_store %arg11[%swap3A_612, %swap3A_613], %mul3A_610 {strides = array<i32>} : memref<80x128xi32, #tpu.memory_space<vmem>>, vector<16xi32>,
    %add3A_615 = arith.constant 10208 : i32
    %add3A_616 = vector.broadcast %add3A_615 : i32 to vector<16xi32>
    %add3A_617 = arith.addi %add3A_616, %iota3A : vector<16xi32>
    %swap3A_618 = arith.constant 79 : i32
    %swap3A_619 = arith.index_cast %swap3A_618 : i32 to index
    %swap3A_620 = arith.constant 96 : index
    %swap3A_621 = tpu.vector_load %arg12[%swap3A_619, %swap3A_620] {strides = array<i32>} : memref<80x128xi32, #tpu.memory_space<vmem>>, vector<16xi32>,
    tpu.vector_store %arg12[%swap3A_619, %swap3A_620], %add3A_617 {strides = array<i32>} : memref<80x128xi32, #tpu.memory_space<vmem>>, vector<16xi32>,
    %mul3A_622 = arith.constant 131 : i32
    %mul3A_623 = arith.muli %add3A, %mul3A_622 : i32
    %add3A_624 = arith.constant 224 : i32
    %add3A_625 = arith.addi %mul3A_623, %add3A_624 : i32
    %add3A_626 = vector.broadcast %add3A_625 : i32 to vector<16xi32>
    %add3A_627 = arith.addi %add3A_626, %iota3A : vector<16xi32>
    %jit3A_628 = arith.constant 10000 : i32
    %eq3A_629 = arith.constant 0 : i32
    %eq3A_630 = arith.cmpi eq, %jit3A_628, %eq3A_629 : i32
    %jit3A_631 = arith.constant 1 : i32
    %select_n3A_632 = arith.select %eq3A_630, %jit3A_631, %jit3A_628 : i32
    %rem3A_633 = vector.broadcast %select_n3A_632 : i32 to vector<16xi32>
    %rem3A_634 = arith.remsi %add3A_627, %rem3A_633 : vector<16xi32>
    %ne3A_635 = arith.constant 0 : i32
    %ne3A_636 = vector.broadcast %ne3A_635 : i32 to vector<16xi32>
    %ne3A_637 = arith.cmpi ne, %rem3A_634, %ne3A_636 : vector<16xi32>
    %lt3A_638 = arith.constant 0 : i32
    %lt3A_639 = vector.broadcast %lt3A_638 : i32 to vector<16xi32>
    %lt3A_640 = arith.cmpi slt, %rem3A_634, %lt3A_639 : vector<16xi32>
    %lt3A_641 = arith.constant 0 : i32
    %lt3A_642 = arith.cmpi slt, %select_n3A_632, %lt3A_641 : i32
    %ne3A_643 = vector.broadcast %lt3A_642 : i1 to vector<16xi1>
    %ne3A_644 = vector.broadcast %ne3A_643 : vector<16xi1> to vector<16xi1>
    %ne3A_645 = arith.xori %lt3A_640, %ne3A_644 : vector<16xi1>
    %and3A_646 = arith.andi %ne3A_645, %ne3A_637 : vector<16xi1>
    %add3A_647 = vector.broadcast %select_n3A_632 : i32 to vector<16xi32>
    %add3A_648 = arith.addi %rem3A_634, %add3A_647 : vector<16xi32>
    %select_n3A_649 = arith.select %and3A_646, %add3A_648, %rem3A_634 : vector<16xi1>, vector<16xi32>
    %mul3A_650 = arith.constant 2 : i32
    %mul3A_651 = vector.broadcast %mul3A_650 : i32 to vector<16xi32>
    %mul3A_652 = arith.muli %mul3A_651, %select_n3A_649 : vector<16xi32>
    %swap3A_653 = arith.constant 79 : i32
    %swap3A_654 = arith.index_cast %swap3A_653 : i32 to index
    %swap3A_655 = arith.constant 112 : index
    %swap3A_656 = tpu.vector_load %arg11[%swap3A_654, %swap3A_655] {strides = array<i32>} : memref<80x128xi32, #tpu.memory_space<vmem>>, vector<16xi32>,
    tpu.vector_store %arg11[%swap3A_654, %swap3A_655], %mul3A_652 {strides = array<i32>} : memref<80x128xi32, #tpu.memory_space<vmem>>, vector<16xi32>,
    %add3A_657 = arith.constant 10224 : i32
    %add3A_658 = vector.broadcast %add3A_657 : i32 to vector<16xi32>
    %add3A_659 = arith.addi %add3A_658, %iota3A : vector<16xi32>
    %swap3A_660 = arith.constant 79 : i32
    %swap3A_661 = arith.index_cast %swap3A_660 : i32 to index
    %swap3A_662 = arith.constant 112 : index
    %swap3A_663 = tpu.vector_load %arg12[%swap3A_661, %swap3A_662] {strides = array<i32>} : memref<80x128xi32, #tpu.memory_space<vmem>>, vector<16xi32>,
    tpu.vector_store %arg12[%swap3A_661, %swap3A_662], %add3A_659 {strides = array<i32>} : memref<80x128xi32, #tpu.memory_space<vmem>>, vector<16xi32>,
    %run_scoped3A_664 = arith.constant 79 : i32
    "tpu.region"() ({
      %run_scoped3A_666 = tpu.sem_alloc : memref<!tpu.dma_semaphore, #tpu.memory_space<semaphore_mem>>
      %dma_start3A = arith.constant 0 : i32
      %dma_start3A_667 = tpu.memref_slice %arg12[%run_scoped3A_664, %dma_start3A] : memref<80x128xi32, #tpu.memory_space<vmem>> -> memref<1x128xi32, #tpu.memory_space<vmem>>
      %dma_start3A_668 = tpu.memref_squeeze %dma_start3A_667 : memref<1x128xi32, #tpu.memory_space<vmem>> -> memref<128xi32, #tpu.memory_space<vmem>>
      %dma_start3A_669 = arith.constant 0 : i32
      %dma_start3A_670 = arith.constant 0 : i32
      %dma_start3A_671 = tpu.memref_slice %arg14[%dma_start3A_669, %dma_start3A_670] : memref<10240x16xf32, #tpu.memory_space<vmem_shared>> -> memref<10240x16xf32, #tpu.memory_space<vmem_shared>>
      tpu.enqueue_indirect_dma source(%arg13 : memref<128x16xf32, #tpu.memory_space<vmem>>) target(%dma_start3A_671 : memref<10240x16xf32, #tpu.memory_space<vmem_shared>>) offsets(%dma_start3A_668 : memref<128xi32, #tpu.memory_space<vmem>>) semaphore(%run_scoped3A_666 : memref<!tpu.dma_semaphore, #tpu.memory_space<semaphore_mem>>) {add = true}
      %dma_wait3A = arith.constant 0 : i32
      %dma_wait3A_672 = tpu.memref_slice %arg12[%run_scoped3A_664, %dma_wait3A] : memref<80x128xi32, #tpu.memory_space<vmem>> -> memref<1x128xi32, #tpu.memory_space<vmem>>
      %dma_wait3A_673 = tpu.memref_squeeze %dma_wait3A_672 : memref<1x128xi32, #tpu.memory_space<vmem>> -> memref<128xi32, #tpu.memory_space<vmem>>
      %dma_wait3A_674 = arith.constant 0 : i32
      %dma_wait3A_675 = arith.constant 0 : i32
      %dma_wait3A_676 = tpu.memref_slice %arg14[%dma_wait3A_674, %dma_wait3A_675] : memref<10240x16xf32, #tpu.memory_space<vmem_shared>> -> memref<10240x16xf32, #tpu.memory_space<vmem_shared>>
      tpu.wait_indirect_dma semaphore(%run_scoped3A_666 : memref<!tpu.dma_semaphore, #tpu.memory_space<semaphore_mem>>) src(%arg13 : memref<128x16xf32, #tpu.memory_space<vmem>>) dst(%dma_wait3A_676 : memref<10240x16xf32, #tpu.memory_space<vmem_shared>>)
      tpu.yield
    }) : () -> ()
    "tpu.region"() ({
      %run_scoped3A_666 = tpu.sem_alloc : memref<!tpu.dma_semaphore, #tpu.memory_space<semaphore_mem>>
      %dma_start3A = arith.constant 0 : i32
      %dma_start3A_667 = tpu.memref_slice %arg5[%mul3A_4, %dma_start3A] : memref<2560x128xi32, #tpu.memory_space<hbm>> -> memref<80x128xi32, #tpu.memory_space<hbm>>
      %dma_start3A_668 = arith.constant 0 : i32
      %dma_start3A_669 = tpu.memref_slice %arg5[%mul3A_4, %dma_start3A_668] : memref<2560x128xi32, #tpu.memory_space<hbm>> -> memref<80x128xi32, #tpu.memory_space<hbm>>
      tpu.enqueue_dma source(%arg11 : memref<80x128xi32, #tpu.memory_space<vmem>>) target(%dma_start3A_669 : memref<80x128xi32, #tpu.memory_space<hbm>>) target_semaphore(%run_scoped3A_666 : memref<!tpu.dma_semaphore, #tpu.memory_space<semaphore_mem>>)
      %dma_wait3A = arith.constant 0 : i32
      %dma_wait3A_670 = tpu.memref_slice %arg5[%mul3A_4, %dma_wait3A] : memref<2560x128xi32, #tpu.memory_space<hbm>> -> memref<80x128xi32, #tpu.memory_space<hbm>>
      %dma_wait3A_671 = arith.constant 0 : i32
      %dma_wait3A_672 = tpu.memref_slice %arg5[%mul3A_4, %dma_wait3A_671] : memref<2560x128xi32, #tpu.memory_space<hbm>> -> memref<80x128xi32, #tpu.memory_space<hbm>>
      tpu.wait_dma2 semaphore(%run_scoped3A_666 : memref<!tpu.dma_semaphore, #tpu.memory_space<semaphore_mem>>) src(%arg11 : memref<80x128xi32, #tpu.memory_space<vmem>>) dst(%dma_wait3A_672 : memref<80x128xi32, #tpu.memory_space<hbm>>)
      tpu.yield
    }) : () -> ()
    "tpu.region"() ({
      %run_scoped3A_666 = tpu.sem_alloc : memref<!tpu.dma_semaphore, #tpu.memory_space<semaphore_mem>>
      %dma_start3A = arith.constant 0 : i32
      %dma_start3A_667 = tpu.memref_slice %arg6[%mul3A_4, %dma_start3A] : memref<2560x128xi32, #tpu.memory_space<hbm>> -> memref<80x128xi32, #tpu.memory_space<hbm>>
      %dma_start3A_668 = arith.constant 0 : i32
      %dma_start3A_669 = tpu.memref_slice %arg6[%mul3A_4, %dma_start3A_668] : memref<2560x128xi32, #tpu.memory_space<hbm>> -> memref<80x128xi32, #tpu.memory_space<hbm>>
      tpu.enqueue_dma source(%arg12 : memref<80x128xi32, #tpu.memory_space<vmem>>) target(%dma_start3A_669 : memref<80x128xi32, #tpu.memory_space<hbm>>) target_semaphore(%run_scoped3A_666 : memref<!tpu.dma_semaphore, #tpu.memory_space<semaphore_mem>>)
      %dma_wait3A = arith.constant 0 : i32
      %dma_wait3A_670 = tpu.memref_slice %arg6[%mul3A_4, %dma_wait3A] : memref<2560x128xi32, #tpu.memory_space<hbm>> -> memref<80x128xi32, #tpu.memory_space<hbm>>
      %dma_wait3A_671 = arith.constant 0 : i32
      %dma_wait3A_672 = tpu.memref_slice %arg6[%mul3A_4, %dma_wait3A_671] : memref<2560x128xi32, #tpu.memory_space<hbm>> -> memref<80x128xi32, #tpu.memory_space<hbm>>
      tpu.wait_dma2 semaphore(%run_scoped3A_666 : memref<!tpu.dma_semaphore, #tpu.memory_space<semaphore_mem>>) src(%arg12 : memref<80x128xi32, #tpu.memory_space<vmem>>) dst(%dma_wait3A_672 : memref<80x128xi32, #tpu.memory_space<hbm>>)
      tpu.yield
    }) : () -> ()
    %barrier3A_665 = arith.constant 0 : index
    tpu.barrier barrier_id(%barrier3A_665)
    "tpu.region"() ({
      %run_scoped3A_666 = tpu.sem_alloc : memref<!tpu.dma_semaphore, #tpu.memory_space<semaphore_mem>>
      %dma_start3A = arith.constant 0 : i32
      %dma_start3A_667 = tpu.memref_slice %arg7[%arg0, %mul3A_6, %dma_start3A] : memref<2x10240x16xf32, #tpu.memory_space<hbm>> -> memref<1x640x16xf32, #tpu.memory_space<hbm>>
      %dma_start3A_668 = tpu.memref_squeeze %dma_start3A_667 : memref<1x640x16xf32, #tpu.memory_space<hbm>> -> memref<640x16xf32, #tpu.memory_space<hbm>>
      %dma_start3A_669 = arith.constant 0 : i32
      %dma_start3A_670 = tpu.memref_slice %arg14[%mul3A_6, %dma_start3A_669] : memref<10240x16xf32, #tpu.memory_space<vmem_shared>> -> memref<640x16xf32, #tpu.memory_space<vmem_shared>>
      tpu.enqueue_dma source(%dma_start3A_670 : memref<640x16xf32, #tpu.memory_space<vmem_shared>>) target(%dma_start3A_668 : memref<640x16xf32, #tpu.memory_space<hbm>>) target_semaphore(%run_scoped3A_666 : memref<!tpu.dma_semaphore, #tpu.memory_space<semaphore_mem>>)
      %dma_wait3A = arith.constant 0 : i32
      %dma_wait3A_671 = tpu.memref_slice %arg7[%arg0, %mul3A_6, %dma_wait3A] : memref<2x10240x16xf32, #tpu.memory_space<hbm>> -> memref<1x640x16xf32, #tpu.memory_space<hbm>>
      %dma_wait3A_672 = tpu.memref_squeeze %dma_wait3A_671 : memref<1x640x16xf32, #tpu.memory_space<hbm>> -> memref<640x16xf32, #tpu.memory_space<hbm>>
      %dma_wait3A_673 = arith.constant 0 : i32
      %dma_wait3A_674 = tpu.memref_slice %arg14[%mul3A_6, %dma_wait3A_673] : memref<10240x16xf32, #tpu.memory_space<vmem_shared>> -> memref<640x16xf32, #tpu.memory_space<vmem_shared>>
      tpu.wait_dma2 semaphore(%run_scoped3A_666 : memref<!tpu.dma_semaphore, #tpu.memory_space<semaphore_mem>>) src(%dma_wait3A_674 : memref<640x16xf32, #tpu.memory_space<vmem_shared>>) dst(%dma_wait3A_672 : memref<640x16xf32, #tpu.memory_space<hbm>>)
      tpu.yield
    }) : () -> ()
    return
  }
}

#map = affine_map<(d0, d1) -> (0, 0)>
#map1 = affine_map<(d0, d1) -> (0, 0, 0)>
module attributes {stable_mosaic.version = 14 : i64} {
  func.func @_agg_kernel(%arg0: i32, %arg1: i32, %arg2: memref<20000x64xf32, #tpu.memory_space<hbm>>, %arg3: memref<2560x128xi32, #tpu.memory_space<hbm>>, %arg4: memref<2560x128xi32, #tpu.memory_space<hbm>>, %arg5: memref<10240x64xf32, #tpu.memory_space<hbm>>, %arg6: memref<2x10240x64xf32, #tpu.memory_space<hbm>>, %arg7: memref<80x128xi32, #tpu.memory_space<vmem>>, %arg8: memref<80x128xi32, #tpu.memory_space<vmem>>, %arg9: memref<128x64xf32, #tpu.memory_space<vmem>>, %arg10: memref<128x64xf32, #tpu.memory_space<vmem>>, %arg11: memref<128x64xf32, #tpu.memory_space<vmem>>, %arg12: memref<128x64xf32, #tpu.memory_space<vmem>>, %arg13: memref<128x64xf32, #tpu.memory_space<vmem>>, %arg14: memref<128x64xf32, #tpu.memory_space<vmem>>, %arg15: memref<128x64xf32, #tpu.memory_space<vmem>>, %arg16: memref<128x64xf32, #tpu.memory_space<vmem>>, %arg17: memref<10240x64xf32, #tpu.memory_space<vmem_shared>>, %arg18: memref<!tpu.dma_semaphore, #tpu.memory_space<semaphore_mem>>, %arg19: memref<!tpu.dma_semaphore, #tpu.memory_space<semaphore_mem>>, %arg20: memref<!tpu.dma_semaphore, #tpu.memory_space<semaphore_mem>>, %arg21: memref<!tpu.dma_semaphore, #tpu.memory_space<semaphore_mem>>, %arg22: memref<!tpu.dma_semaphore, #tpu.memory_space<semaphore_mem>>, %arg23: memref<!tpu.dma_semaphore, #tpu.memory_space<semaphore_mem>>, %arg24: memref<!tpu.dma_semaphore, #tpu.memory_space<semaphore_mem>>, %arg25: memref<!tpu.dma_semaphore, #tpu.memory_space<semaphore_mem>>, %arg26: memref<!tpu.dma_semaphore, #tpu.memory_space<semaphore_mem>>, %arg27: memref<!tpu.dma_semaphore, #tpu.memory_space<semaphore_mem>>, %arg28: memref<!tpu.dma_semaphore, #tpu.memory_space<semaphore_mem>>, %arg29: memref<!tpu.dma_semaphore, #tpu.memory_space<semaphore_mem>>, %arg30: memref<!tpu.dma_semaphore, #tpu.memory_space<semaphore_mem>>, %arg31: memref<!tpu.dma_semaphore, #tpu.memory_space<semaphore_mem>>, %arg32: memref<!tpu.dma_semaphore, #tpu.memory_space<semaphore_mem>>, %arg33: memref<!tpu.dma_semaphore, #tpu.memory_space<semaphore_mem>>) attributes {dimension_semantics = [#tpu.dimension_semantics<core_parallel>, #tpu.dimension_semantics<subcore_parallel>], iteration_bounds = array<i64: 2, 16>, scalar_prefetch = 0 : i64, scratch_operands = 27 : i64, tpu.core_type = #tpu.core_type<sc_vector_subcore>, window_params = [{transform_indices = #map}, {transform_indices = #map}, {transform_indices = #map}, {transform_indices = #map}, {transform_indices = #map1}]} {
    %mul3A = arith.constant 2 : i32
    %mul3A_0 = arith.muli %arg1, %mul3A : i32
    %add3A = arith.addi %mul3A_0, %arg0 : i32
    %mul3A_1 = arith.constant 80 : i32
    %mul3A_2 = arith.muli %add3A, %mul3A_1 : i32
    %mul3A_3 = arith.constant 640 : i32
    %mul3A_4 = arith.muli %arg1, %mul3A_3 : i32
    "tpu.region"() ({
      %run_scoped3A = tpu.sem_alloc : memref<!tpu.dma_semaphore, #tpu.memory_space<semaphore_mem>>
      %dma_start3A_65 = arith.constant 0 : i32
      %dma_start3A_66 = tpu.memref_slice %arg17[%mul3A_4, %dma_start3A_65] : memref<10240x64xf32, #tpu.memory_space<vmem_shared>> -> memref<640x64xf32, #tpu.memory_space<vmem_shared>>
      %dma_start3A_67 = arith.constant 0 : i32
      %dma_start3A_68 = tpu.memref_slice %arg5[%mul3A_4, %dma_start3A_67] : memref<10240x64xf32, #tpu.memory_space<hbm>> -> memref<640x64xf32, #tpu.memory_space<hbm>>
      tpu.enqueue_dma source(%dma_start3A_68 : memref<640x64xf32, #tpu.memory_space<hbm>>) target(%dma_start3A_66 : memref<640x64xf32, #tpu.memory_space<vmem_shared>>) target_semaphore(%run_scoped3A : memref<!tpu.dma_semaphore, #tpu.memory_space<semaphore_mem>>)
      %dma_wait3A_69 = arith.constant 0 : i32
      %dma_wait3A_70 = tpu.memref_slice %arg17[%mul3A_4, %dma_wait3A_69] : memref<10240x64xf32, #tpu.memory_space<vmem_shared>> -> memref<640x64xf32, #tpu.memory_space<vmem_shared>>
      %dma_wait3A_71 = arith.constant 0 : i32
      %dma_wait3A_72 = tpu.memref_slice %arg5[%mul3A_4, %dma_wait3A_71] : memref<10240x64xf32, #tpu.memory_space<hbm>> -> memref<640x64xf32, #tpu.memory_space<hbm>>
      tpu.wait_dma2 semaphore(%run_scoped3A : memref<!tpu.dma_semaphore, #tpu.memory_space<semaphore_mem>>) src(%dma_wait3A_72 : memref<640x64xf32, #tpu.memory_space<hbm>>) dst(%dma_wait3A_70 : memref<640x64xf32, #tpu.memory_space<vmem_shared>>)
      tpu.yield
    }) : () -> ()
    "tpu.region"() ({
      %run_scoped3A = tpu.sem_alloc : memref<!tpu.dma_semaphore, #tpu.memory_space<semaphore_mem>>
      %dma_start3A_65 = arith.constant 0 : i32
      %dma_start3A_66 = tpu.memref_slice %arg3[%mul3A_2, %dma_start3A_65] : memref<2560x128xi32, #tpu.memory_space<hbm>> -> memref<80x128xi32, #tpu.memory_space<hbm>>
      %dma_start3A_67 = arith.constant 0 : i32
      %dma_start3A_68 = tpu.memref_slice %arg3[%mul3A_2, %dma_start3A_67] : memref<2560x128xi32, #tpu.memory_space<hbm>> -> memref<80x128xi32, #tpu.memory_space<hbm>>
      tpu.enqueue_dma source(%dma_start3A_68 : memref<80x128xi32, #tpu.memory_space<hbm>>) target(%arg7 : memref<80x128xi32, #tpu.memory_space<vmem>>) target_semaphore(%run_scoped3A : memref<!tpu.dma_semaphore, #tpu.memory_space<semaphore_mem>>)
      %dma_wait3A_69 = arith.constant 0 : i32
      %dma_wait3A_70 = tpu.memref_slice %arg3[%mul3A_2, %dma_wait3A_69] : memref<2560x128xi32, #tpu.memory_space<hbm>> -> memref<80x128xi32, #tpu.memory_space<hbm>>
      %dma_wait3A_71 = arith.constant 0 : i32
      %dma_wait3A_72 = tpu.memref_slice %arg3[%mul3A_2, %dma_wait3A_71] : memref<2560x128xi32, #tpu.memory_space<hbm>> -> memref<80x128xi32, #tpu.memory_space<hbm>>
      tpu.wait_dma2 semaphore(%run_scoped3A : memref<!tpu.dma_semaphore, #tpu.memory_space<semaphore_mem>>) src(%dma_wait3A_72 : memref<80x128xi32, #tpu.memory_space<hbm>>) dst(%arg7 : memref<80x128xi32, #tpu.memory_space<vmem>>)
      tpu.yield
    }) : () -> ()
    "tpu.region"() ({
      %run_scoped3A = tpu.sem_alloc : memref<!tpu.dma_semaphore, #tpu.memory_space<semaphore_mem>>
      %dma_start3A_65 = arith.constant 0 : i32
      %dma_start3A_66 = tpu.memref_slice %arg4[%mul3A_2, %dma_start3A_65] : memref<2560x128xi32, #tpu.memory_space<hbm>> -> memref<80x128xi32, #tpu.memory_space<hbm>>
      %dma_start3A_67 = arith.constant 0 : i32
      %dma_start3A_68 = tpu.memref_slice %arg4[%mul3A_2, %dma_start3A_67] : memref<2560x128xi32, #tpu.memory_space<hbm>> -> memref<80x128xi32, #tpu.memory_space<hbm>>
      tpu.enqueue_dma source(%dma_start3A_68 : memref<80x128xi32, #tpu.memory_space<hbm>>) target(%arg8 : memref<80x128xi32, #tpu.memory_space<vmem>>) target_semaphore(%run_scoped3A : memref<!tpu.dma_semaphore, #tpu.memory_space<semaphore_mem>>)
      %dma_wait3A_69 = arith.constant 0 : i32
      %dma_wait3A_70 = tpu.memref_slice %arg4[%mul3A_2, %dma_wait3A_69] : memref<2560x128xi32, #tpu.memory_space<hbm>> -> memref<80x128xi32, #tpu.memory_space<hbm>>
      %dma_wait3A_71 = arith.constant 0 : i32
      %dma_wait3A_72 = tpu.memref_slice %arg4[%mul3A_2, %dma_wait3A_71] : memref<2560x128xi32, #tpu.memory_space<hbm>> -> memref<80x128xi32, #tpu.memory_space<hbm>>
      tpu.wait_dma2 semaphore(%run_scoped3A : memref<!tpu.dma_semaphore, #tpu.memory_space<semaphore_mem>>) src(%dma_wait3A_72 : memref<80x128xi32, #tpu.memory_space<hbm>>) dst(%arg8 : memref<80x128xi32, #tpu.memory_space<vmem>>)
      tpu.yield
    }) : () -> ()
    %barrier3A = arith.constant 0 : index
    tpu.barrier barrier_id(%barrier3A)
    %dma_start3A = arith.constant 0 : i32
    %dma_start3A_5 = arith.constant 0 : i32
    %dma_start3A_6 = tpu.memref_slice %arg7[%dma_start3A, %dma_start3A_5] : memref<80x128xi32, #tpu.memory_space<vmem>> -> memref<1x128xi32, #tpu.memory_space<vmem>>
    %dma_start3A_7 = tpu.memref_squeeze %dma_start3A_6 : memref<1x128xi32, #tpu.memory_space<vmem>> -> memref<128xi32, #tpu.memory_space<vmem>>
    %dma_start3A_8 = arith.constant 0 : i32
    %dma_start3A_9 = arith.constant 0 : i32
    %dma_start3A_10 = tpu.memref_slice %arg2[%dma_start3A_8, %dma_start3A_9] : memref<20000x64xf32, #tpu.memory_space<hbm>> -> memref<20000x64xf32, #tpu.memory_space<hbm>>
    tpu.enqueue_indirect_dma source(%dma_start3A_10 : memref<20000x64xf32, #tpu.memory_space<hbm>>) target(%arg9 : memref<128x64xf32, #tpu.memory_space<vmem>>) offsets(%dma_start3A_7 : memref<128xi32, #tpu.memory_space<vmem>>) semaphore(%arg18 : memref<!tpu.dma_semaphore, #tpu.memory_space<semaphore_mem>>)
    %dma_start3A_11 = arith.constant 1 : i32
    %dma_start3A_12 = arith.constant 0 : i32
    %dma_start3A_13 = tpu.memref_slice %arg7[%dma_start3A_11, %dma_start3A_12] : memref<80x128xi32, #tpu.memory_space<vmem>> -> memref<1x128xi32, #tpu.memory_space<vmem>>
    %dma_start3A_14 = tpu.memref_squeeze %dma_start3A_13 : memref<1x128xi32, #tpu.memory_space<vmem>> -> memref<128xi32, #tpu.memory_space<vmem>>
    %dma_start3A_15 = arith.constant 0 : i32
    %dma_start3A_16 = arith.constant 0 : i32
    %dma_start3A_17 = tpu.memref_slice %arg2[%dma_start3A_15, %dma_start3A_16] : memref<20000x64xf32, #tpu.memory_space<hbm>> -> memref<20000x64xf32, #tpu.memory_space<hbm>>
    tpu.enqueue_indirect_dma source(%dma_start3A_17 : memref<20000x64xf32, #tpu.memory_space<hbm>>) target(%arg10 : memref<128x64xf32, #tpu.memory_space<vmem>>) offsets(%dma_start3A_14 : memref<128xi32, #tpu.memory_space<vmem>>) semaphore(%arg19 : memref<!tpu.dma_semaphore, #tpu.memory_space<semaphore_mem>>)
    %dma_start3A_18 = arith.constant 2 : i32
    %dma_start3A_19 = arith.constant 0 : i32
    %dma_start3A_20 = tpu.memref_slice %arg7[%dma_start3A_18, %dma_start3A_19] : memref<80x128xi32, #tpu.memory_space<vmem>> -> memref<1x128xi32, #tpu.memory_space<vmem>>
    %dma_start3A_21 = tpu.memref_squeeze %dma_start3A_20 : memref<1x128xi32, #tpu.memory_space<vmem>> -> memref<128xi32, #tpu.memory_space<vmem>>
    %dma_start3A_22 = arith.constant 0 : i32
    %dma_start3A_23 = arith.constant 0 : i32
    %dma_start3A_24 = tpu.memref_slice %arg2[%dma_start3A_22, %dma_start3A_23] : memref<20000x64xf32, #tpu.memory_space<hbm>> -> memref<20000x64xf32, #tpu.memory_space<hbm>>
    tpu.enqueue_indirect_dma source(%dma_start3A_24 : memref<20000x64xf32, #tpu.memory_space<hbm>>) target(%arg11 : memref<128x64xf32, #tpu.memory_space<vmem>>) offsets(%dma_start3A_21 : memref<128xi32, #tpu.memory_space<vmem>>) semaphore(%arg20 : memref<!tpu.dma_semaphore, #tpu.memory_space<semaphore_mem>>)
    %dma_start3A_25 = arith.constant 3 : i32
    %dma_start3A_26 = arith.constant 0 : i32
    %dma_start3A_27 = tpu.memref_slice %arg7[%dma_start3A_25, %dma_start3A_26] : memref<80x128xi32, #tpu.memory_space<vmem>> -> memref<1x128xi32, #tpu.memory_space<vmem>>
    %dma_start3A_28 = tpu.memref_squeeze %dma_start3A_27 : memref<1x128xi32, #tpu.memory_space<vmem>> -> memref<128xi32, #tpu.memory_space<vmem>>
    %dma_start3A_29 = arith.constant 0 : i32
    %dma_start3A_30 = arith.constant 0 : i32
    %dma_start3A_31 = tpu.memref_slice %arg2[%dma_start3A_29, %dma_start3A_30] : memref<20000x64xf32, #tpu.memory_space<hbm>> -> memref<20000x64xf32, #tpu.memory_space<hbm>>
    tpu.enqueue_indirect_dma source(%dma_start3A_31 : memref<20000x64xf32, #tpu.memory_space<hbm>>) target(%arg12 : memref<128x64xf32, #tpu.memory_space<vmem>>) offsets(%dma_start3A_28 : memref<128xi32, #tpu.memory_space<vmem>>) semaphore(%arg21 : memref<!tpu.dma_semaphore, #tpu.memory_space<semaphore_mem>>)
    %scan3A = arith.constant 0 : i32
    %scan3A_32 = arith.constant 0 : i32
    %scan3A_33 = arith.constant 10 : i32
    %scan3A_34 = arith.addi %scan3A_32, %scan3A_33 : i32
    %scan3A_35 = arith.constant 1 : i32
    scf.for %scan3A_65 = %scan3A_32 to %scan3A_34 step %scan3A_35  : i32 {
      %mul3A_66 = arith.constant 8 : i32
      %mul3A_67 = arith.muli %mul3A_66, %scan3A_65 : i32
      %add3A_68 = arith.constant 0 : i32
      %add3A_69 = arith.addi %mul3A_67, %add3A_68 : i32
      %dma_wait3A_70 = arith.constant 0 : i32
      %dma_wait3A_71 = tpu.memref_slice %arg7[%add3A_69, %dma_wait3A_70] : memref<80x128xi32, #tpu.memory_space<vmem>> -> memref<1x128xi32, #tpu.memory_space<vmem>>
      %dma_wait3A_72 = tpu.memref_squeeze %dma_wait3A_71 : memref<1x128xi32, #tpu.memory_space<vmem>> -> memref<128xi32, #tpu.memory_space<vmem>>
      %dma_wait3A_73 = arith.constant 0 : i32
      %dma_wait3A_74 = arith.constant 0 : i32
      %dma_wait3A_75 = tpu.memref_slice %arg2[%dma_wait3A_73, %dma_wait3A_74] : memref<20000x64xf32, #tpu.memory_space<hbm>> -> memref<20000x64xf32, #tpu.memory_space<hbm>>
      tpu.wait_indirect_dma semaphore(%arg18 : memref<!tpu.dma_semaphore, #tpu.memory_space<semaphore_mem>>) src(%dma_wait3A_75 : memref<20000x64xf32, #tpu.memory_space<hbm>>) dst(%arg9 : memref<128x64xf32, #tpu.memory_space<vmem>>)
      %dma_start3A_76 = arith.constant 0 : i32
      %dma_start3A_77 = tpu.memref_slice %arg8[%add3A_69, %dma_start3A_76] : memref<80x128xi32, #tpu.memory_space<vmem>> -> memref<1x128xi32, #tpu.memory_space<vmem>>
      %dma_start3A_78 = tpu.memref_squeeze %dma_start3A_77 : memref<1x128xi32, #tpu.memory_space<vmem>> -> memref<128xi32, #tpu.memory_space<vmem>>
      %dma_start3A_79 = arith.constant 0 : i32
      %dma_start3A_80 = arith.constant 0 : i32
      %dma_start3A_81 = tpu.memref_slice %arg17[%dma_start3A_79, %dma_start3A_80] : memref<10240x64xf32, #tpu.memory_space<vmem_shared>> -> memref<10240x64xf32, #tpu.memory_space<vmem_shared>>
      tpu.enqueue_indirect_dma source(%arg9 : memref<128x64xf32, #tpu.memory_space<vmem>>) target(%dma_start3A_81 : memref<10240x64xf32, #tpu.memory_space<vmem_shared>>) offsets(%dma_start3A_78 : memref<128xi32, #tpu.memory_space<vmem>>) semaphore(%arg26 : memref<!tpu.dma_semaphore, #tpu.memory_space<semaphore_mem>>) {add = true}
      %ge3A = arith.constant 4 : i32
      %ge3A_82 = arith.cmpi sge, %add3A_69, %ge3A : i32
      %convert_element_type3A = arith.extui %ge3A_82 : i1 to i32
      %cond3A = arith.constant 0 : i32
      %cond3A_83 = arith.cmpi ne, %convert_element_type3A, %cond3A : i32
      scf.if %cond3A_83 {
        %sub3A = arith.constant 4 : i32
        %sub3A_286 = arith.subi %add3A_69, %sub3A : i32
        %dma_wait3A_287 = arith.constant 0 : i32
        %dma_wait3A_288 = tpu.memref_slice %arg8[%sub3A_286, %dma_wait3A_287] : memref<80x128xi32, #tpu.memory_space<vmem>> -> memref<1x128xi32, #tpu.memory_space<vmem>>
        %dma_wait3A_289 = tpu.memref_squeeze %dma_wait3A_288 : memref<1x128xi32, #tpu.memory_space<vmem>> -> memref<128xi32, #tpu.memory_space<vmem>>
        %dma_wait3A_290 = arith.constant 0 : i32
        %dma_wait3A_291 = arith.constant 0 : i32
        %dma_wait3A_292 = tpu.memref_slice %arg17[%dma_wait3A_290, %dma_wait3A_291] : memref<10240x64xf32, #tpu.memory_space<vmem_shared>> -> memref<10240x64xf32, #tpu.memory_space<vmem_shared>>
        tpu.wait_indirect_dma semaphore(%arg30 : memref<!tpu.dma_semaphore, #tpu.memory_space<semaphore_mem>>) src(%arg13 : memref<128x64xf32, #tpu.memory_space<vmem>>) dst(%dma_wait3A_292 : memref<10240x64xf32, #tpu.memory_space<vmem_shared>>)
      } else {
      }
      %add3A_84 = arith.constant 4 : i32
      %add3A_85 = arith.addi %add3A_69, %add3A_84 : i32
      %lt3A = arith.constant 80 : i32
      %lt3A_86 = arith.cmpi slt, %add3A_85, %lt3A : i32
      %convert_element_type3A_87 = arith.extui %lt3A_86 : i1 to i32
      %cond3A_88 = arith.constant 0 : i32
      %cond3A_89 = arith.cmpi ne, %convert_element_type3A_87, %cond3A_88 : i32
      scf.if %cond3A_89 {
        %add3A_286 = arith.constant 4 : i32
        %add3A_287 = arith.addi %add3A_69, %add3A_286 : i32
        %dma_start3A_288 = arith.constant 0 : i32
        %dma_start3A_289 = tpu.memref_slice %arg7[%add3A_287, %dma_start3A_288] : memref<80x128xi32, #tpu.memory_space<vmem>> -> memref<1x128xi32, #tpu.memory_space<vmem>>
        %dma_start3A_290 = tpu.memref_squeeze %dma_start3A_289 : memref<1x128xi32, #tpu.memory_space<vmem>> -> memref<128xi32, #tpu.memory_space<vmem>>
        %dma_start3A_291 = arith.constant 0 : i32
        %dma_start3A_292 = arith.constant 0 : i32
        %dma_start3A_293 = tpu.memref_slice %arg2[%dma_start3A_291, %dma_start3A_292] : memref<20000x64xf32, #tpu.memory_space<hbm>> -> memref<20000x64xf32, #tpu.memory_space<hbm>>
        tpu.enqueue_indirect_dma source(%dma_start3A_293 : memref<20000x64xf32, #tpu.memory_space<hbm>>) target(%arg13 : memref<128x64xf32, #tpu.memory_space<vmem>>) offsets(%dma_start3A_290 : memref<128xi32, #tpu.memory_space<vmem>>) semaphore(%arg22 : memref<!tpu.dma_semaphore, #tpu.memory_space<semaphore_mem>>)
      } else {
      }
      %mul3A_90 = arith.constant 8 : i32
      %mul3A_91 = arith.muli %mul3A_90, %scan3A_65 : i32
      %add3A_92 = arith.constant 1 : i32
      %add3A_93 = arith.addi %mul3A_91, %add3A_92 : i32
      %dma_wait3A_94 = arith.constant 0 : i32
      %dma_wait3A_95 = tpu.memref_slice %arg7[%add3A_93, %dma_wait3A_94] : memref<80x128xi32, #tpu.memory_space<vmem>> -> memref<1x128xi32, #tpu.memory_space<vmem>>
      %dma_wait3A_96 = tpu.memref_squeeze %dma_wait3A_95 : memref<1x128xi32, #tpu.memory_space<vmem>> -> memref<128xi32, #tpu.memory_space<vmem>>
      %dma_wait3A_97 = arith.constant 0 : i32
      %dma_wait3A_98 = arith.constant 0 : i32
      %dma_wait3A_99 = tpu.memref_slice %arg2[%dma_wait3A_97, %dma_wait3A_98] : memref<20000x64xf32, #tpu.memory_space<hbm>> -> memref<20000x64xf32, #tpu.memory_space<hbm>>
      tpu.wait_indirect_dma semaphore(%arg19 : memref<!tpu.dma_semaphore, #tpu.memory_space<semaphore_mem>>) src(%dma_wait3A_99 : memref<20000x64xf32, #tpu.memory_space<hbm>>) dst(%arg10 : memref<128x64xf32, #tpu.memory_space<vmem>>)
      %dma_start3A_100 = arith.constant 0 : i32
      %dma_start3A_101 = tpu.memref_slice %arg8[%add3A_93, %dma_start3A_100] : memref<80x128xi32, #tpu.memory_space<vmem>> -> memref<1x128xi32, #tpu.memory_space<vmem>>
      %dma_start3A_102 = tpu.memref_squeeze %dma_start3A_101 : memref<1x128xi32, #tpu.memory_space<vmem>> -> memref<128xi32, #tpu.memory_space<vmem>>
      %dma_start3A_103 = arith.constant 0 : i32
      %dma_start3A_104 = arith.constant 0 : i32
      %dma_start3A_105 = tpu.memref_slice %arg17[%dma_start3A_103, %dma_start3A_104] : memref<10240x64xf32, #tpu.memory_space<vmem_shared>> -> memref<10240x64xf32, #tpu.memory_space<vmem_shared>>
      tpu.enqueue_indirect_dma source(%arg10 : memref<128x64xf32, #tpu.memory_space<vmem>>) target(%dma_start3A_105 : memref<10240x64xf32, #tpu.memory_space<vmem_shared>>) offsets(%dma_start3A_102 : memref<128xi32, #tpu.memory_space<vmem>>) semaphore(%arg27 : memref<!tpu.dma_semaphore, #tpu.memory_space<semaphore_mem>>) {add = true}
      %ge3A_106 = arith.constant 4 : i32
      %ge3A_107 = arith.cmpi sge, %add3A_93, %ge3A_106 : i32
      %convert_element_type3A_108 = arith.extui %ge3A_107 : i1 to i32
      %cond3A_109 = arith.constant 0 : i32
      %cond3A_110 = arith.cmpi ne, %convert_element_type3A_108, %cond3A_109 : i32
      scf.if %cond3A_110 {
        %sub3A = arith.constant 4 : i32
        %sub3A_286 = arith.subi %add3A_93, %sub3A : i32
        %dma_wait3A_287 = arith.constant 0 : i32
        %dma_wait3A_288 = tpu.memref_slice %arg8[%sub3A_286, %dma_wait3A_287] : memref<80x128xi32, #tpu.memory_space<vmem>> -> memref<1x128xi32, #tpu.memory_space<vmem>>
        %dma_wait3A_289 = tpu.memref_squeeze %dma_wait3A_288 : memref<1x128xi32, #tpu.memory_space<vmem>> -> memref<128xi32, #tpu.memory_space<vmem>>
        %dma_wait3A_290 = arith.constant 0 : i32
        %dma_wait3A_291 = arith.constant 0 : i32
        %dma_wait3A_292 = tpu.memref_slice %arg17[%dma_wait3A_290, %dma_wait3A_291] : memref<10240x64xf32, #tpu.memory_space<vmem_shared>> -> memref<10240x64xf32, #tpu.memory_space<vmem_shared>>
        tpu.wait_indirect_dma semaphore(%arg31 : memref<!tpu.dma_semaphore, #tpu.memory_space<semaphore_mem>>) src(%arg14 : memref<128x64xf32, #tpu.memory_space<vmem>>) dst(%dma_wait3A_292 : memref<10240x64xf32, #tpu.memory_space<vmem_shared>>)
      } else {
      }
      %add3A_111 = arith.constant 4 : i32
      %add3A_112 = arith.addi %add3A_93, %add3A_111 : i32
      %lt3A_113 = arith.constant 80 : i32
      %lt3A_114 = arith.cmpi slt, %add3A_112, %lt3A_113 : i32
      %convert_element_type3A_115 = arith.extui %lt3A_114 : i1 to i32
      %cond3A_116 = arith.constant 0 : i32
      %cond3A_117 = arith.cmpi ne, %convert_element_type3A_115, %cond3A_116 : i32
      scf.if %cond3A_117 {
        %add3A_286 = arith.constant 4 : i32
        %add3A_287 = arith.addi %add3A_93, %add3A_286 : i32
        %dma_start3A_288 = arith.constant 0 : i32
        %dma_start3A_289 = tpu.memref_slice %arg7[%add3A_287, %dma_start3A_288] : memref<80x128xi32, #tpu.memory_space<vmem>> -> memref<1x128xi32, #tpu.memory_space<vmem>>
        %dma_start3A_290 = tpu.memref_squeeze %dma_start3A_289 : memref<1x128xi32, #tpu.memory_space<vmem>> -> memref<128xi32, #tpu.memory_space<vmem>>
        %dma_start3A_291 = arith.constant 0 : i32
        %dma_start3A_292 = arith.constant 0 : i32
        %dma_start3A_293 = tpu.memref_slice %arg2[%dma_start3A_291, %dma_start3A_292] : memref<20000x64xf32, #tpu.memory_space<hbm>> -> memref<20000x64xf32, #tpu.memory_space<hbm>>
        tpu.enqueue_indirect_dma source(%dma_start3A_293 : memref<20000x64xf32, #tpu.memory_space<hbm>>) target(%arg14 : memref<128x64xf32, #tpu.memory_space<vmem>>) offsets(%dma_start3A_290 : memref<128xi32, #tpu.memory_space<vmem>>) semaphore(%arg23 : memref<!tpu.dma_semaphore, #tpu.memory_space<semaphore_mem>>)
      } else {
      }
      %mul3A_118 = arith.constant 8 : i32
      %mul3A_119 = arith.muli %mul3A_118, %scan3A_65 : i32
      %add3A_120 = arith.constant 2 : i32
      %add3A_121 = arith.addi %mul3A_119, %add3A_120 : i32
      %dma_wait3A_122 = arith.constant 0 : i32
      %dma_wait3A_123 = tpu.memref_slice %arg7[%add3A_121, %dma_wait3A_122] : memref<80x128xi32, #tpu.memory_space<vmem>> -> memref<1x128xi32, #tpu.memory_space<vmem>>
      %dma_wait3A_124 = tpu.memref_squeeze %dma_wait3A_123 : memref<1x128xi32, #tpu.memory_space<vmem>> -> memref<128xi32, #tpu.memory_space<vmem>>
      %dma_wait3A_125 = arith.constant 0 : i32
      %dma_wait3A_126 = arith.constant 0 : i32
      %dma_wait3A_127 = tpu.memref_slice %arg2[%dma_wait3A_125, %dma_wait3A_126] : memref<20000x64xf32, #tpu.memory_space<hbm>> -> memref<20000x64xf32, #tpu.memory_space<hbm>>
      tpu.wait_indirect_dma semaphore(%arg20 : memref<!tpu.dma_semaphore, #tpu.memory_space<semaphore_mem>>) src(%dma_wait3A_127 : memref<20000x64xf32, #tpu.memory_space<hbm>>) dst(%arg11 : memref<128x64xf32, #tpu.memory_space<vmem>>)
      %dma_start3A_128 = arith.constant 0 : i32
      %dma_start3A_129 = tpu.memref_slice %arg8[%add3A_121, %dma_start3A_128] : memref<80x128xi32, #tpu.memory_space<vmem>> -> memref<1x128xi32, #tpu.memory_space<vmem>>
      %dma_start3A_130 = tpu.memref_squeeze %dma_start3A_129 : memref<1x128xi32, #tpu.memory_space<vmem>> -> memref<128xi32, #tpu.memory_space<vmem>>
      %dma_start3A_131 = arith.constant 0 : i32
      %dma_start3A_132 = arith.constant 0 : i32
      %dma_start3A_133 = tpu.memref_slice %arg17[%dma_start3A_131, %dma_start3A_132] : memref<10240x64xf32, #tpu.memory_space<vmem_shared>> -> memref<10240x64xf32, #tpu.memory_space<vmem_shared>>
      tpu.enqueue_indirect_dma source(%arg11 : memref<128x64xf32, #tpu.memory_space<vmem>>) target(%dma_start3A_133 : memref<10240x64xf32, #tpu.memory_space<vmem_shared>>) offsets(%dma_start3A_130 : memref<128xi32, #tpu.memory_space<vmem>>) semaphore(%arg28 : memref<!tpu.dma_semaphore, #tpu.memory_space<semaphore_mem>>) {add = true}
      %ge3A_134 = arith.constant 4 : i32
      %ge3A_135 = arith.cmpi sge, %add3A_121, %ge3A_134 : i32
      %convert_element_type3A_136 = arith.extui %ge3A_135 : i1 to i32
      %cond3A_137 = arith.constant 0 : i32
      %cond3A_138 = arith.cmpi ne, %convert_element_type3A_136, %cond3A_137 : i32
      scf.if %cond3A_138 {
        %sub3A = arith.constant 4 : i32
        %sub3A_286 = arith.subi %add3A_121, %sub3A : i32
        %dma_wait3A_287 = arith.constant 0 : i32
        %dma_wait3A_288 = tpu.memref_slice %arg8[%sub3A_286, %dma_wait3A_287] : memref<80x128xi32, #tpu.memory_space<vmem>> -> memref<1x128xi32, #tpu.memory_space<vmem>>
        %dma_wait3A_289 = tpu.memref_squeeze %dma_wait3A_288 : memref<1x128xi32, #tpu.memory_space<vmem>> -> memref<128xi32, #tpu.memory_space<vmem>>
        %dma_wait3A_290 = arith.constant 0 : i32
        %dma_wait3A_291 = arith.constant 0 : i32
        %dma_wait3A_292 = tpu.memref_slice %arg17[%dma_wait3A_290, %dma_wait3A_291] : memref<10240x64xf32, #tpu.memory_space<vmem_shared>> -> memref<10240x64xf32, #tpu.memory_space<vmem_shared>>
        tpu.wait_indirect_dma semaphore(%arg32 : memref<!tpu.dma_semaphore, #tpu.memory_space<semaphore_mem>>) src(%arg15 : memref<128x64xf32, #tpu.memory_space<vmem>>) dst(%dma_wait3A_292 : memref<10240x64xf32, #tpu.memory_space<vmem_shared>>)
      } else {
      }
      %add3A_139 = arith.constant 4 : i32
      %add3A_140 = arith.addi %add3A_121, %add3A_139 : i32
      %lt3A_141 = arith.constant 80 : i32
      %lt3A_142 = arith.cmpi slt, %add3A_140, %lt3A_141 : i32
      %convert_element_type3A_143 = arith.extui %lt3A_142 : i1 to i32
      %cond3A_144 = arith.constant 0 : i32
      %cond3A_145 = arith.cmpi ne, %convert_element_type3A_143, %cond3A_144 : i32
      scf.if %cond3A_145 {
        %add3A_286 = arith.constant 4 : i32
        %add3A_287 = arith.addi %add3A_121, %add3A_286 : i32
        %dma_start3A_288 = arith.constant 0 : i32
        %dma_start3A_289 = tpu.memref_slice %arg7[%add3A_287, %dma_start3A_288] : memref<80x128xi32, #tpu.memory_space<vmem>> -> memref<1x128xi32, #tpu.memory_space<vmem>>
        %dma_start3A_290 = tpu.memref_squeeze %dma_start3A_289 : memref<1x128xi32, #tpu.memory_space<vmem>> -> memref<128xi32, #tpu.memory_space<vmem>>
        %dma_start3A_291 = arith.constant 0 : i32
        %dma_start3A_292 = arith.constant 0 : i32
        %dma_start3A_293 = tpu.memref_slice %arg2[%dma_start3A_291, %dma_start3A_292] : memref<20000x64xf32, #tpu.memory_space<hbm>> -> memref<20000x64xf32, #tpu.memory_space<hbm>>
        tpu.enqueue_indirect_dma source(%dma_start3A_293 : memref<20000x64xf32, #tpu.memory_space<hbm>>) target(%arg15 : memref<128x64xf32, #tpu.memory_space<vmem>>) offsets(%dma_start3A_290 : memref<128xi32, #tpu.memory_space<vmem>>) semaphore(%arg24 : memref<!tpu.dma_semaphore, #tpu.memory_space<semaphore_mem>>)
      } else {
      }
      %mul3A_146 = arith.constant 8 : i32
      %mul3A_147 = arith.muli %mul3A_146, %scan3A_65 : i32
      %add3A_148 = arith.constant 3 : i32
      %add3A_149 = arith.addi %mul3A_147, %add3A_148 : i32
      %dma_wait3A_150 = arith.constant 0 : i32
      %dma_wait3A_151 = tpu.memref_slice %arg7[%add3A_149, %dma_wait3A_150] : memref<80x128xi32, #tpu.memory_space<vmem>> -> memref<1x128xi32, #tpu.memory_space<vmem>>
      %dma_wait3A_152 = tpu.memref_squeeze %dma_wait3A_151 : memref<1x128xi32, #tpu.memory_space<vmem>> -> memref<128xi32, #tpu.memory_space<vmem>>
      %dma_wait3A_153 = arith.constant 0 : i32
      %dma_wait3A_154 = arith.constant 0 : i32
      %dma_wait3A_155 = tpu.memref_slice %arg2[%dma_wait3A_153, %dma_wait3A_154] : memref<20000x64xf32, #tpu.memory_space<hbm>> -> memref<20000x64xf32, #tpu.memory_space<hbm>>
      tpu.wait_indirect_dma semaphore(%arg21 : memref<!tpu.dma_semaphore, #tpu.memory_space<semaphore_mem>>) src(%dma_wait3A_155 : memref<20000x64xf32, #tpu.memory_space<hbm>>) dst(%arg12 : memref<128x64xf32, #tpu.memory_space<vmem>>)
      %dma_start3A_156 = arith.constant 0 : i32
      %dma_start3A_157 = tpu.memref_slice %arg8[%add3A_149, %dma_start3A_156] : memref<80x128xi32, #tpu.memory_space<vmem>> -> memref<1x128xi32, #tpu.memory_space<vmem>>
      %dma_start3A_158 = tpu.memref_squeeze %dma_start3A_157 : memref<1x128xi32, #tpu.memory_space<vmem>> -> memref<128xi32, #tpu.memory_space<vmem>>
      %dma_start3A_159 = arith.constant 0 : i32
      %dma_start3A_160 = arith.constant 0 : i32
      %dma_start3A_161 = tpu.memref_slice %arg17[%dma_start3A_159, %dma_start3A_160] : memref<10240x64xf32, #tpu.memory_space<vmem_shared>> -> memref<10240x64xf32, #tpu.memory_space<vmem_shared>>
      tpu.enqueue_indirect_dma source(%arg12 : memref<128x64xf32, #tpu.memory_space<vmem>>) target(%dma_start3A_161 : memref<10240x64xf32, #tpu.memory_space<vmem_shared>>) offsets(%dma_start3A_158 : memref<128xi32, #tpu.memory_space<vmem>>) semaphore(%arg29 : memref<!tpu.dma_semaphore, #tpu.memory_space<semaphore_mem>>) {add = true}
      %ge3A_162 = arith.constant 4 : i32
      %ge3A_163 = arith.cmpi sge, %add3A_149, %ge3A_162 : i32
      %convert_element_type3A_164 = arith.extui %ge3A_163 : i1 to i32
      %cond3A_165 = arith.constant 0 : i32
      %cond3A_166 = arith.cmpi ne, %convert_element_type3A_164, %cond3A_165 : i32
      scf.if %cond3A_166 {
        %sub3A = arith.constant 4 : i32
        %sub3A_286 = arith.subi %add3A_149, %sub3A : i32
        %dma_wait3A_287 = arith.constant 0 : i32
        %dma_wait3A_288 = tpu.memref_slice %arg8[%sub3A_286, %dma_wait3A_287] : memref<80x128xi32, #tpu.memory_space<vmem>> -> memref<1x128xi32, #tpu.memory_space<vmem>>
        %dma_wait3A_289 = tpu.memref_squeeze %dma_wait3A_288 : memref<1x128xi32, #tpu.memory_space<vmem>> -> memref<128xi32, #tpu.memory_space<vmem>>
        %dma_wait3A_290 = arith.constant 0 : i32
        %dma_wait3A_291 = arith.constant 0 : i32
        %dma_wait3A_292 = tpu.memref_slice %arg17[%dma_wait3A_290, %dma_wait3A_291] : memref<10240x64xf32, #tpu.memory_space<vmem_shared>> -> memref<10240x64xf32, #tpu.memory_space<vmem_shared>>
        tpu.wait_indirect_dma semaphore(%arg33 : memref<!tpu.dma_semaphore, #tpu.memory_space<semaphore_mem>>) src(%arg16 : memref<128x64xf32, #tpu.memory_space<vmem>>) dst(%dma_wait3A_292 : memref<10240x64xf32, #tpu.memory_space<vmem_shared>>)
      } else {
      }
      %add3A_167 = arith.constant 4 : i32
      %add3A_168 = arith.addi %add3A_149, %add3A_167 : i32
      %lt3A_169 = arith.constant 80 : i32
      %lt3A_170 = arith.cmpi slt, %add3A_168, %lt3A_169 : i32
      %convert_element_type3A_171 = arith.extui %lt3A_170 : i1 to i32
      %cond3A_172 = arith.constant 0 : i32
      %cond3A_173 = arith.cmpi ne, %convert_element_type3A_171, %cond3A_172 : i32
      scf.if %cond3A_173 {
        %add3A_286 = arith.constant 4 : i32
        %add3A_287 = arith.addi %add3A_149, %add3A_286 : i32
        %dma_start3A_288 = arith.constant 0 : i32
        %dma_start3A_289 = tpu.memref_slice %arg7[%add3A_287, %dma_start3A_288] : memref<80x128xi32, #tpu.memory_space<vmem>> -> memref<1x128xi32, #tpu.memory_space<vmem>>
        %dma_start3A_290 = tpu.memref_squeeze %dma_start3A_289 : memref<1x128xi32, #tpu.memory_space<vmem>> -> memref<128xi32, #tpu.memory_space<vmem>>
        %dma_start3A_291 = arith.constant 0 : i32
        %dma_start3A_292 = arith.constant 0 : i32
        %dma_start3A_293 = tpu.memref_slice %arg2[%dma_start3A_291, %dma_start3A_292] : memref<20000x64xf32, #tpu.memory_space<hbm>> -> memref<20000x64xf32, #tpu.memory_space<hbm>>
        tpu.enqueue_indirect_dma source(%dma_start3A_293 : memref<20000x64xf32, #tpu.memory_space<hbm>>) target(%arg16 : memref<128x64xf32, #tpu.memory_space<vmem>>) offsets(%dma_start3A_290 : memref<128xi32, #tpu.memory_space<vmem>>) semaphore(%arg25 : memref<!tpu.dma_semaphore, #tpu.memory_space<semaphore_mem>>)
      } else {
      }
      %mul3A_174 = arith.constant 8 : i32
      %mul3A_175 = arith.muli %mul3A_174, %scan3A_65 : i32
      %add3A_176 = arith.constant 4 : i32
      %add3A_177 = arith.addi %mul3A_175, %add3A_176 : i32
      %dma_wait3A_178 = arith.constant 0 : i32
      %dma_wait3A_179 = tpu.memref_slice %arg7[%add3A_177, %dma_wait3A_178] : memref<80x128xi32, #tpu.memory_space<vmem>> -> memref<1x128xi32, #tpu.memory_space<vmem>>
      %dma_wait3A_180 = tpu.memref_squeeze %dma_wait3A_179 : memref<1x128xi32, #tpu.memory_space<vmem>> -> memref<128xi32, #tpu.memory_space<vmem>>
      %dma_wait3A_181 = arith.constant 0 : i32
      %dma_wait3A_182 = arith.constant 0 : i32
      %dma_wait3A_183 = tpu.memref_slice %arg2[%dma_wait3A_181, %dma_wait3A_182] : memref<20000x64xf32, #tpu.memory_space<hbm>> -> memref<20000x64xf32, #tpu.memory_space<hbm>>
      tpu.wait_indirect_dma semaphore(%arg22 : memref<!tpu.dma_semaphore, #tpu.memory_space<semaphore_mem>>) src(%dma_wait3A_183 : memref<20000x64xf32, #tpu.memory_space<hbm>>) dst(%arg13 : memref<128x64xf32, #tpu.memory_space<vmem>>)
      %dma_start3A_184 = arith.constant 0 : i32
      %dma_start3A_185 = tpu.memref_slice %arg8[%add3A_177, %dma_start3A_184] : memref<80x128xi32, #tpu.memory_space<vmem>> -> memref<1x128xi32, #tpu.memory_space<vmem>>
      %dma_start3A_186 = tpu.memref_squeeze %dma_start3A_185 : memref<1x128xi32, #tpu.memory_space<vmem>> -> memref<128xi32, #tpu.memory_space<vmem>>
      %dma_start3A_187 = arith.constant 0 : i32
      %dma_start3A_188 = arith.constant 0 : i32
      %dma_start3A_189 = tpu.memref_slice %arg17[%dma_start3A_187, %dma_start3A_188] : memref<10240x64xf32, #tpu.memory_space<vmem_shared>> -> memref<10240x64xf32, #tpu.memory_space<vmem_shared>>
      tpu.enqueue_indirect_dma source(%arg13 : memref<128x64xf32, #tpu.memory_space<vmem>>) target(%dma_start3A_189 : memref<10240x64xf32, #tpu.memory_space<vmem_shared>>) offsets(%dma_start3A_186 : memref<128xi32, #tpu.memory_space<vmem>>) semaphore(%arg30 : memref<!tpu.dma_semaphore, #tpu.memory_space<semaphore_mem>>) {add = true}
      %ge3A_190 = arith.constant 4 : i32
      %ge3A_191 = arith.cmpi sge, %add3A_177, %ge3A_190 : i32
      %convert_element_type3A_192 = arith.extui %ge3A_191 : i1 to i32
      %cond3A_193 = arith.constant 0 : i32
      %cond3A_194 = arith.cmpi ne, %convert_element_type3A_192, %cond3A_193 : i32
      scf.if %cond3A_194 {
        %sub3A = arith.constant 4 : i32
        %sub3A_286 = arith.subi %add3A_177, %sub3A : i32
        %dma_wait3A_287 = arith.constant 0 : i32
        %dma_wait3A_288 = tpu.memref_slice %arg8[%sub3A_286, %dma_wait3A_287] : memref<80x128xi32, #tpu.memory_space<vmem>> -> memref<1x128xi32, #tpu.memory_space<vmem>>
        %dma_wait3A_289 = tpu.memref_squeeze %dma_wait3A_288 : memref<1x128xi32, #tpu.memory_space<vmem>> -> memref<128xi32, #tpu.memory_space<vmem>>
        %dma_wait3A_290 = arith.constant 0 : i32
        %dma_wait3A_291 = arith.constant 0 : i32
        %dma_wait3A_292 = tpu.memref_slice %arg17[%dma_wait3A_290, %dma_wait3A_291] : memref<10240x64xf32, #tpu.memory_space<vmem_shared>> -> memref<10240x64xf32, #tpu.memory_space<vmem_shared>>
        tpu.wait_indirect_dma semaphore(%arg26 : memref<!tpu.dma_semaphore, #tpu.memory_space<semaphore_mem>>) src(%arg9 : memref<128x64xf32, #tpu.memory_space<vmem>>) dst(%dma_wait3A_292 : memref<10240x64xf32, #tpu.memory_space<vmem_shared>>)
      } else {
      }
      %add3A_195 = arith.constant 4 : i32
      %add3A_196 = arith.addi %add3A_177, %add3A_195 : i32
      %lt3A_197 = arith.constant 80 : i32
      %lt3A_198 = arith.cmpi slt, %add3A_196, %lt3A_197 : i32
      %convert_element_type3A_199 = arith.extui %lt3A_198 : i1 to i32
      %cond3A_200 = arith.constant 0 : i32
      %cond3A_201 = arith.cmpi ne, %convert_element_type3A_199, %cond3A_200 : i32
      scf.if %cond3A_201 {
        %add3A_286 = arith.constant 4 : i32
        %add3A_287 = arith.addi %add3A_177, %add3A_286 : i32
        %dma_start3A_288 = arith.constant 0 : i32
        %dma_start3A_289 = tpu.memref_slice %arg7[%add3A_287, %dma_start3A_288] : memref<80x128xi32, #tpu.memory_space<vmem>> -> memref<1x128xi32, #tpu.memory_space<vmem>>
        %dma_start3A_290 = tpu.memref_squeeze %dma_start3A_289 : memref<1x128xi32, #tpu.memory_space<vmem>> -> memref<128xi32, #tpu.memory_space<vmem>>
        %dma_start3A_291 = arith.constant 0 : i32
        %dma_start3A_292 = arith.constant 0 : i32
        %dma_start3A_293 = tpu.memref_slice %arg2[%dma_start3A_291, %dma_start3A_292] : memref<20000x64xf32, #tpu.memory_space<hbm>> -> memref<20000x64xf32, #tpu.memory_space<hbm>>
        tpu.enqueue_indirect_dma source(%dma_start3A_293 : memref<20000x64xf32, #tpu.memory_space<hbm>>) target(%arg9 : memref<128x64xf32, #tpu.memory_space<vmem>>) offsets(%dma_start3A_290 : memref<128xi32, #tpu.memory_space<vmem>>) semaphore(%arg18 : memref<!tpu.dma_semaphore, #tpu.memory_space<semaphore_mem>>)
      } else {
      }
      %mul3A_202 = arith.constant 8 : i32
      %mul3A_203 = arith.muli %mul3A_202, %scan3A_65 : i32
      %add3A_204 = arith.constant 5 : i32
      %add3A_205 = arith.addi %mul3A_203, %add3A_204 : i32
      %dma_wait3A_206 = arith.constant 0 : i32
      %dma_wait3A_207 = tpu.memref_slice %arg7[%add3A_205, %dma_wait3A_206] : memref<80x128xi32, #tpu.memory_space<vmem>> -> memref<1x128xi32, #tpu.memory_space<vmem>>
      %dma_wait3A_208 = tpu.memref_squeeze %dma_wait3A_207 : memref<1x128xi32, #tpu.memory_space<vmem>> -> memref<128xi32, #tpu.memory_space<vmem>>
      %dma_wait3A_209 = arith.constant 0 : i32
      %dma_wait3A_210 = arith.constant 0 : i32
      %dma_wait3A_211 = tpu.memref_slice %arg2[%dma_wait3A_209, %dma_wait3A_210] : memref<20000x64xf32, #tpu.memory_space<hbm>> -> memref<20000x64xf32, #tpu.memory_space<hbm>>
      tpu.wait_indirect_dma semaphore(%arg23 : memref<!tpu.dma_semaphore, #tpu.memory_space<semaphore_mem>>) src(%dma_wait3A_211 : memref<20000x64xf32, #tpu.memory_space<hbm>>) dst(%arg14 : memref<128x64xf32, #tpu.memory_space<vmem>>)
      %dma_start3A_212 = arith.constant 0 : i32
      %dma_start3A_213 = tpu.memref_slice %arg8[%add3A_205, %dma_start3A_212] : memref<80x128xi32, #tpu.memory_space<vmem>> -> memref<1x128xi32, #tpu.memory_space<vmem>>
      %dma_start3A_214 = tpu.memref_squeeze %dma_start3A_213 : memref<1x128xi32, #tpu.memory_space<vmem>> -> memref<128xi32, #tpu.memory_space<vmem>>
      %dma_start3A_215 = arith.constant 0 : i32
      %dma_start3A_216 = arith.constant 0 : i32
      %dma_start3A_217 = tpu.memref_slice %arg17[%dma_start3A_215, %dma_start3A_216] : memref<10240x64xf32, #tpu.memory_space<vmem_shared>> -> memref<10240x64xf32, #tpu.memory_space<vmem_shared>>
      tpu.enqueue_indirect_dma source(%arg14 : memref<128x64xf32, #tpu.memory_space<vmem>>) target(%dma_start3A_217 : memref<10240x64xf32, #tpu.memory_space<vmem_shared>>) offsets(%dma_start3A_214 : memref<128xi32, #tpu.memory_space<vmem>>) semaphore(%arg31 : memref<!tpu.dma_semaphore, #tpu.memory_space<semaphore_mem>>) {add = true}
      %ge3A_218 = arith.constant 4 : i32
      %ge3A_219 = arith.cmpi sge, %add3A_205, %ge3A_218 : i32
      %convert_element_type3A_220 = arith.extui %ge3A_219 : i1 to i32
      %cond3A_221 = arith.constant 0 : i32
      %cond3A_222 = arith.cmpi ne, %convert_element_type3A_220, %cond3A_221 : i32
      scf.if %cond3A_222 {
        %sub3A = arith.constant 4 : i32
        %sub3A_286 = arith.subi %add3A_205, %sub3A : i32
        %dma_wait3A_287 = arith.constant 0 : i32
        %dma_wait3A_288 = tpu.memref_slice %arg8[%sub3A_286, %dma_wait3A_287] : memref<80x128xi32, #tpu.memory_space<vmem>> -> memref<1x128xi32, #tpu.memory_space<vmem>>
        %dma_wait3A_289 = tpu.memref_squeeze %dma_wait3A_288 : memref<1x128xi32, #tpu.memory_space<vmem>> -> memref<128xi32, #tpu.memory_space<vmem>>
        %dma_wait3A_290 = arith.constant 0 : i32
        %dma_wait3A_291 = arith.constant 0 : i32
        %dma_wait3A_292 = tpu.memref_slice %arg17[%dma_wait3A_290, %dma_wait3A_291] : memref<10240x64xf32, #tpu.memory_space<vmem_shared>> -> memref<10240x64xf32, #tpu.memory_space<vmem_shared>>
        tpu.wait_indirect_dma semaphore(%arg27 : memref<!tpu.dma_semaphore, #tpu.memory_space<semaphore_mem>>) src(%arg10 : memref<128x64xf32, #tpu.memory_space<vmem>>) dst(%dma_wait3A_292 : memref<10240x64xf32, #tpu.memory_space<vmem_shared>>)
      } else {
      }
      %add3A_223 = arith.constant 4 : i32
      %add3A_224 = arith.addi %add3A_205, %add3A_223 : i32
      %lt3A_225 = arith.constant 80 : i32
      %lt3A_226 = arith.cmpi slt, %add3A_224, %lt3A_225 : i32
      %convert_element_type3A_227 = arith.extui %lt3A_226 : i1 to i32
      %cond3A_228 = arith.constant 0 : i32
      %cond3A_229 = arith.cmpi ne, %convert_element_type3A_227, %cond3A_228 : i32
      scf.if %cond3A_229 {
        %add3A_286 = arith.constant 4 : i32
        %add3A_287 = arith.addi %add3A_205, %add3A_286 : i32
        %dma_start3A_288 = arith.constant 0 : i32
        %dma_start3A_289 = tpu.memref_slice %arg7[%add3A_287, %dma_start3A_288] : memref<80x128xi32, #tpu.memory_space<vmem>> -> memref<1x128xi32, #tpu.memory_space<vmem>>
        %dma_start3A_290 = tpu.memref_squeeze %dma_start3A_289 : memref<1x128xi32, #tpu.memory_space<vmem>> -> memref<128xi32, #tpu.memory_space<vmem>>
        %dma_start3A_291 = arith.constant 0 : i32
        %dma_start3A_292 = arith.constant 0 : i32
        %dma_start3A_293 = tpu.memref_slice %arg2[%dma_start3A_291, %dma_start3A_292] : memref<20000x64xf32, #tpu.memory_space<hbm>> -> memref<20000x64xf32, #tpu.memory_space<hbm>>
        tpu.enqueue_indirect_dma source(%dma_start3A_293 : memref<20000x64xf32, #tpu.memory_space<hbm>>) target(%arg10 : memref<128x64xf32, #tpu.memory_space<vmem>>) offsets(%dma_start3A_290 : memref<128xi32, #tpu.memory_space<vmem>>) semaphore(%arg19 : memref<!tpu.dma_semaphore, #tpu.memory_space<semaphore_mem>>)
      } else {
      }
      %mul3A_230 = arith.constant 8 : i32
      %mul3A_231 = arith.muli %mul3A_230, %scan3A_65 : i32
      %add3A_232 = arith.constant 6 : i32
      %add3A_233 = arith.addi %mul3A_231, %add3A_232 : i32
      %dma_wait3A_234 = arith.constant 0 : i32
      %dma_wait3A_235 = tpu.memref_slice %arg7[%add3A_233, %dma_wait3A_234] : memref<80x128xi32, #tpu.memory_space<vmem>> -> memref<1x128xi32, #tpu.memory_space<vmem>>
      %dma_wait3A_236 = tpu.memref_squeeze %dma_wait3A_235 : memref<1x128xi32, #tpu.memory_space<vmem>> -> memref<128xi32, #tpu.memory_space<vmem>>
      %dma_wait3A_237 = arith.constant 0 : i32
      %dma_wait3A_238 = arith.constant 0 : i32
      %dma_wait3A_239 = tpu.memref_slice %arg2[%dma_wait3A_237, %dma_wait3A_238] : memref<20000x64xf32, #tpu.memory_space<hbm>> -> memref<20000x64xf32, #tpu.memory_space<hbm>>
      tpu.wait_indirect_dma semaphore(%arg24 : memref<!tpu.dma_semaphore, #tpu.memory_space<semaphore_mem>>) src(%dma_wait3A_239 : memref<20000x64xf32, #tpu.memory_space<hbm>>) dst(%arg15 : memref<128x64xf32, #tpu.memory_space<vmem>>)
      %dma_start3A_240 = arith.constant 0 : i32
      %dma_start3A_241 = tpu.memref_slice %arg8[%add3A_233, %dma_start3A_240] : memref<80x128xi32, #tpu.memory_space<vmem>> -> memref<1x128xi32, #tpu.memory_space<vmem>>
      %dma_start3A_242 = tpu.memref_squeeze %dma_start3A_241 : memref<1x128xi32, #tpu.memory_space<vmem>> -> memref<128xi32, #tpu.memory_space<vmem>>
      %dma_start3A_243 = arith.constant 0 : i32
      %dma_start3A_244 = arith.constant 0 : i32
      %dma_start3A_245 = tpu.memref_slice %arg17[%dma_start3A_243, %dma_start3A_244] : memref<10240x64xf32, #tpu.memory_space<vmem_shared>> -> memref<10240x64xf32, #tpu.memory_space<vmem_shared>>
      tpu.enqueue_indirect_dma source(%arg15 : memref<128x64xf32, #tpu.memory_space<vmem>>) target(%dma_start3A_245 : memref<10240x64xf32, #tpu.memory_space<vmem_shared>>) offsets(%dma_start3A_242 : memref<128xi32, #tpu.memory_space<vmem>>) semaphore(%arg32 : memref<!tpu.dma_semaphore, #tpu.memory_space<semaphore_mem>>) {add = true}
      %ge3A_246 = arith.constant 4 : i32
      %ge3A_247 = arith.cmpi sge, %add3A_233, %ge3A_246 : i32
      %convert_element_type3A_248 = arith.extui %ge3A_247 : i1 to i32
      %cond3A_249 = arith.constant 0 : i32
      %cond3A_250 = arith.cmpi ne, %convert_element_type3A_248, %cond3A_249 : i32
      scf.if %cond3A_250 {
        %sub3A = arith.constant 4 : i32
        %sub3A_286 = arith.subi %add3A_233, %sub3A : i32
        %dma_wait3A_287 = arith.constant 0 : i32
        %dma_wait3A_288 = tpu.memref_slice %arg8[%sub3A_286, %dma_wait3A_287] : memref<80x128xi32, #tpu.memory_space<vmem>> -> memref<1x128xi32, #tpu.memory_space<vmem>>
        %dma_wait3A_289 = tpu.memref_squeeze %dma_wait3A_288 : memref<1x128xi32, #tpu.memory_space<vmem>> -> memref<128xi32, #tpu.memory_space<vmem>>
        %dma_wait3A_290 = arith.constant 0 : i32
        %dma_wait3A_291 = arith.constant 0 : i32
        %dma_wait3A_292 = tpu.memref_slice %arg17[%dma_wait3A_290, %dma_wait3A_291] : memref<10240x64xf32, #tpu.memory_space<vmem_shared>> -> memref<10240x64xf32, #tpu.memory_space<vmem_shared>>
        tpu.wait_indirect_dma semaphore(%arg28 : memref<!tpu.dma_semaphore, #tpu.memory_space<semaphore_mem>>) src(%arg11 : memref<128x64xf32, #tpu.memory_space<vmem>>) dst(%dma_wait3A_292 : memref<10240x64xf32, #tpu.memory_space<vmem_shared>>)
      } else {
      }
      %add3A_251 = arith.constant 4 : i32
      %add3A_252 = arith.addi %add3A_233, %add3A_251 : i32
      %lt3A_253 = arith.constant 80 : i32
      %lt3A_254 = arith.cmpi slt, %add3A_252, %lt3A_253 : i32
      %convert_element_type3A_255 = arith.extui %lt3A_254 : i1 to i32
      %cond3A_256 = arith.constant 0 : i32
      %cond3A_257 = arith.cmpi ne, %convert_element_type3A_255, %cond3A_256 : i32
      scf.if %cond3A_257 {
        %add3A_286 = arith.constant 4 : i32
        %add3A_287 = arith.addi %add3A_233, %add3A_286 : i32
        %dma_start3A_288 = arith.constant 0 : i32
        %dma_start3A_289 = tpu.memref_slice %arg7[%add3A_287, %dma_start3A_288] : memref<80x128xi32, #tpu.memory_space<vmem>> -> memref<1x128xi32, #tpu.memory_space<vmem>>
        %dma_start3A_290 = tpu.memref_squeeze %dma_start3A_289 : memref<1x128xi32, #tpu.memory_space<vmem>> -> memref<128xi32, #tpu.memory_space<vmem>>
        %dma_start3A_291 = arith.constant 0 : i32
        %dma_start3A_292 = arith.constant 0 : i32
        %dma_start3A_293 = tpu.memref_slice %arg2[%dma_start3A_291, %dma_start3A_292] : memref<20000x64xf32, #tpu.memory_space<hbm>> -> memref<20000x64xf32, #tpu.memory_space<hbm>>
        tpu.enqueue_indirect_dma source(%dma_start3A_293 : memref<20000x64xf32, #tpu.memory_space<hbm>>) target(%arg11 : memref<128x64xf32, #tpu.memory_space<vmem>>) offsets(%dma_start3A_290 : memref<128xi32, #tpu.memory_space<vmem>>) semaphore(%arg20 : memref<!tpu.dma_semaphore, #tpu.memory_space<semaphore_mem>>)
      } else {
      }
      %mul3A_258 = arith.constant 8 : i32
      %mul3A_259 = arith.muli %mul3A_258, %scan3A_65 : i32
      %add3A_260 = arith.constant 7 : i32
      %add3A_261 = arith.addi %mul3A_259, %add3A_260 : i32
      %dma_wait3A_262 = arith.constant 0 : i32
      %dma_wait3A_263 = tpu.memref_slice %arg7[%add3A_261, %dma_wait3A_262] : memref<80x128xi32, #tpu.memory_space<vmem>> -> memref<1x128xi32, #tpu.memory_space<vmem>>
      %dma_wait3A_264 = tpu.memref_squeeze %dma_wait3A_263 : memref<1x128xi32, #tpu.memory_space<vmem>> -> memref<128xi32, #tpu.memory_space<vmem>>
      %dma_wait3A_265 = arith.constant 0 : i32
      %dma_wait3A_266 = arith.constant 0 : i32
      %dma_wait3A_267 = tpu.memref_slice %arg2[%dma_wait3A_265, %dma_wait3A_266] : memref<20000x64xf32, #tpu.memory_space<hbm>> -> memref<20000x64xf32, #tpu.memory_space<hbm>>
      tpu.wait_indirect_dma semaphore(%arg25 : memref<!tpu.dma_semaphore, #tpu.memory_space<semaphore_mem>>) src(%dma_wait3A_267 : memref<20000x64xf32, #tpu.memory_space<hbm>>) dst(%arg16 : memref<128x64xf32, #tpu.memory_space<vmem>>)
      %dma_start3A_268 = arith.constant 0 : i32
      %dma_start3A_269 = tpu.memref_slice %arg8[%add3A_261, %dma_start3A_268] : memref<80x128xi32, #tpu.memory_space<vmem>> -> memref<1x128xi32, #tpu.memory_space<vmem>>
      %dma_start3A_270 = tpu.memref_squeeze %dma_start3A_269 : memref<1x128xi32, #tpu.memory_space<vmem>> -> memref<128xi32, #tpu.memory_space<vmem>>
      %dma_start3A_271 = arith.constant 0 : i32
      %dma_start3A_272 = arith.constant 0 : i32
      %dma_start3A_273 = tpu.memref_slice %arg17[%dma_start3A_271, %dma_start3A_272] : memref<10240x64xf32, #tpu.memory_space<vmem_shared>> -> memref<10240x64xf32, #tpu.memory_space<vmem_shared>>
      tpu.enqueue_indirect_dma source(%arg16 : memref<128x64xf32, #tpu.memory_space<vmem>>) target(%dma_start3A_273 : memref<10240x64xf32, #tpu.memory_space<vmem_shared>>) offsets(%dma_start3A_270 : memref<128xi32, #tpu.memory_space<vmem>>) semaphore(%arg33 : memref<!tpu.dma_semaphore, #tpu.memory_space<semaphore_mem>>) {add = true}
      %ge3A_274 = arith.constant 4 : i32
      %ge3A_275 = arith.cmpi sge, %add3A_261, %ge3A_274 : i32
      %convert_element_type3A_276 = arith.extui %ge3A_275 : i1 to i32
      %cond3A_277 = arith.constant 0 : i32
      %cond3A_278 = arith.cmpi ne, %convert_element_type3A_276, %cond3A_277 : i32
      scf.if %cond3A_278 {
        %sub3A = arith.constant 4 : i32
        %sub3A_286 = arith.subi %add3A_261, %sub3A : i32
        %dma_wait3A_287 = arith.constant 0 : i32
        %dma_wait3A_288 = tpu.memref_slice %arg8[%sub3A_286, %dma_wait3A_287] : memref<80x128xi32, #tpu.memory_space<vmem>> -> memref<1x128xi32, #tpu.memory_space<vmem>>
        %dma_wait3A_289 = tpu.memref_squeeze %dma_wait3A_288 : memref<1x128xi32, #tpu.memory_space<vmem>> -> memref<128xi32, #tpu.memory_space<vmem>>
        %dma_wait3A_290 = arith.constant 0 : i32
        %dma_wait3A_291 = arith.constant 0 : i32
        %dma_wait3A_292 = tpu.memref_slice %arg17[%dma_wait3A_290, %dma_wait3A_291] : memref<10240x64xf32, #tpu.memory_space<vmem_shared>> -> memref<10240x64xf32, #tpu.memory_space<vmem_shared>>
        tpu.wait_indirect_dma semaphore(%arg29 : memref<!tpu.dma_semaphore, #tpu.memory_space<semaphore_mem>>) src(%arg12 : memref<128x64xf32, #tpu.memory_space<vmem>>) dst(%dma_wait3A_292 : memref<10240x64xf32, #tpu.memory_space<vmem_shared>>)
      } else {
      }
      %add3A_279 = arith.constant 4 : i32
      %add3A_280 = arith.addi %add3A_261, %add3A_279 : i32
      %lt3A_281 = arith.constant 80 : i32
      %lt3A_282 = arith.cmpi slt, %add3A_280, %lt3A_281 : i32
      %convert_element_type3A_283 = arith.extui %lt3A_282 : i1 to i32
      %cond3A_284 = arith.constant 0 : i32
      %cond3A_285 = arith.cmpi ne, %convert_element_type3A_283, %cond3A_284 : i32
      scf.if %cond3A_285 {
        %add3A_286 = arith.constant 4 : i32
        %add3A_287 = arith.addi %add3A_261, %add3A_286 : i32
        %dma_start3A_288 = arith.constant 0 : i32
        %dma_start3A_289 = tpu.memref_slice %arg7[%add3A_287, %dma_start3A_288] : memref<80x128xi32, #tpu.memory_space<vmem>> -> memref<1x128xi32, #tpu.memory_space<vmem>>
        %dma_start3A_290 = tpu.memref_squeeze %dma_start3A_289 : memref<1x128xi32, #tpu.memory_space<vmem>> -> memref<128xi32, #tpu.memory_space<vmem>>
        %dma_start3A_291 = arith.constant 0 : i32
        %dma_start3A_292 = arith.constant 0 : i32
        %dma_start3A_293 = tpu.memref_slice %arg2[%dma_start3A_291, %dma_start3A_292] : memref<20000x64xf32, #tpu.memory_space<hbm>> -> memref<20000x64xf32, #tpu.memory_space<hbm>>
        tpu.enqueue_indirect_dma source(%dma_start3A_293 : memref<20000x64xf32, #tpu.memory_space<hbm>>) target(%arg12 : memref<128x64xf32, #tpu.memory_space<vmem>>) offsets(%dma_start3A_290 : memref<128xi32, #tpu.memory_space<vmem>>) semaphore(%arg21 : memref<!tpu.dma_semaphore, #tpu.memory_space<semaphore_mem>>)
      } else {
      }
    }
    %scan3A_36 = arith.constant 10 : i32
    %dma_wait3A = arith.constant 76 : i32
    %dma_wait3A_37 = arith.constant 0 : i32
    %dma_wait3A_38 = tpu.memref_slice %arg8[%dma_wait3A, %dma_wait3A_37] : memref<80x128xi32, #tpu.memory_space<vmem>> -> memref<1x128xi32, #tpu.memory_space<vmem>>
    %dma_wait3A_39 = tpu.memref_squeeze %dma_wait3A_38 : memref<1x128xi32, #tpu.memory_space<vmem>> -> memref<128xi32, #tpu.memory_space<vmem>>
    %dma_wait3A_40 = arith.constant 0 : i32
    %dma_wait3A_41 = arith.constant 0 : i32
    %dma_wait3A_42 = tpu.memref_slice %arg17[%dma_wait3A_40, %dma_wait3A_41] : memref<10240x64xf32, #tpu.memory_space<vmem_shared>> -> memref<10240x64xf32, #tpu.memory_space<vmem_shared>>
    tpu.wait_indirect_dma semaphore(%arg30 : memref<!tpu.dma_semaphore, #tpu.memory_space<semaphore_mem>>) src(%arg13 : memref<128x64xf32, #tpu.memory_space<vmem>>) dst(%dma_wait3A_42 : memref<10240x64xf32, #tpu.memory_space<vmem_shared>>)
    %dma_wait3A_43 = arith.constant 77 : i32
    %dma_wait3A_44 = arith.constant 0 : i32
    %dma_wait3A_45 = tpu.memref_slice %arg8[%dma_wait3A_43, %dma_wait3A_44] : memref<80x128xi32, #tpu.memory_space<vmem>> -> memref<1x128xi32, #tpu.memory_space<vmem>>
    %dma_wait3A_46 = tpu.memref_squeeze %dma_wait3A_45 : memref<1x128xi32, #tpu.memory_space<vmem>> -> memref<128xi32, #tpu.memory_space<vmem>>
    %dma_wait3A_47 = arith.constant 0 : i32
    %dma_wait3A_48 = arith.constant 0 : i32
    %dma_wait3A_49 = tpu.memref_slice %arg17[%dma_wait3A_47, %dma_wait3A_48] : memref<10240x64xf32, #tpu.memory_space<vmem_shared>> -> memref<10240x64xf32, #tpu.memory_space<vmem_shared>>
    tpu.wait_indirect_dma semaphore(%arg31 : memref<!tpu.dma_semaphore, #tpu.memory_space<semaphore_mem>>) src(%arg14 : memref<128x64xf32, #tpu.memory_space<vmem>>) dst(%dma_wait3A_49 : memref<10240x64xf32, #tpu.memory_space<vmem_shared>>)
    %dma_wait3A_50 = arith.constant 78 : i32
    %dma_wait3A_51 = arith.constant 0 : i32
    %dma_wait3A_52 = tpu.memref_slice %arg8[%dma_wait3A_50, %dma_wait3A_51] : memref<80x128xi32, #tpu.memory_space<vmem>> -> memref<1x128xi32, #tpu.memory_space<vmem>>
    %dma_wait3A_53 = tpu.memref_squeeze %dma_wait3A_52 : memref<1x128xi32, #tpu.memory_space<vmem>> -> memref<128xi32, #tpu.memory_space<vmem>>
    %dma_wait3A_54 = arith.constant 0 : i32
    %dma_wait3A_55 = arith.constant 0 : i32
    %dma_wait3A_56 = tpu.memref_slice %arg17[%dma_wait3A_54, %dma_wait3A_55] : memref<10240x64xf32, #tpu.memory_space<vmem_shared>> -> memref<10240x64xf32, #tpu.memory_space<vmem_shared>>
    tpu.wait_indirect_dma semaphore(%arg32 : memref<!tpu.dma_semaphore, #tpu.memory_space<semaphore_mem>>) src(%arg15 : memref<128x64xf32, #tpu.memory_space<vmem>>) dst(%dma_wait3A_56 : memref<10240x64xf32, #tpu.memory_space<vmem_shared>>)
    %dma_wait3A_57 = arith.constant 79 : i32
    %dma_wait3A_58 = arith.constant 0 : i32
    %dma_wait3A_59 = tpu.memref_slice %arg8[%dma_wait3A_57, %dma_wait3A_58] : memref<80x128xi32, #tpu.memory_space<vmem>> -> memref<1x128xi32, #tpu.memory_space<vmem>>
    %dma_wait3A_60 = tpu.memref_squeeze %dma_wait3A_59 : memref<1x128xi32, #tpu.memory_space<vmem>> -> memref<128xi32, #tpu.memory_space<vmem>>
    %dma_wait3A_61 = arith.constant 0 : i32
    %dma_wait3A_62 = arith.constant 0 : i32
    %dma_wait3A_63 = tpu.memref_slice %arg17[%dma_wait3A_61, %dma_wait3A_62] : memref<10240x64xf32, #tpu.memory_space<vmem_shared>> -> memref<10240x64xf32, #tpu.memory_space<vmem_shared>>
    tpu.wait_indirect_dma semaphore(%arg33 : memref<!tpu.dma_semaphore, #tpu.memory_space<semaphore_mem>>) src(%arg16 : memref<128x64xf32, #tpu.memory_space<vmem>>) dst(%dma_wait3A_63 : memref<10240x64xf32, #tpu.memory_space<vmem_shared>>)
    %barrier3A_64 = arith.constant 0 : index
    tpu.barrier barrier_id(%barrier3A_64)
    "tpu.region"() ({
      %run_scoped3A = tpu.sem_alloc : memref<!tpu.dma_semaphore, #tpu.memory_space<semaphore_mem>>
      %dma_start3A_65 = arith.constant 0 : i32
      %dma_start3A_66 = tpu.memref_slice %arg6[%arg0, %mul3A_4, %dma_start3A_65] : memref<2x10240x64xf32, #tpu.memory_space<hbm>> -> memref<1x640x64xf32, #tpu.memory_space<hbm>>
      %dma_start3A_67 = tpu.memref_squeeze %dma_start3A_66 : memref<1x640x64xf32, #tpu.memory_space<hbm>> -> memref<640x64xf32, #tpu.memory_space<hbm>>
      %dma_start3A_68 = arith.constant 0 : i32
      %dma_start3A_69 = tpu.memref_slice %arg17[%mul3A_4, %dma_start3A_68] : memref<10240x64xf32, #tpu.memory_space<vmem_shared>> -> memref<640x64xf32, #tpu.memory_space<vmem_shared>>
      tpu.enqueue_dma source(%dma_start3A_69 : memref<640x64xf32, #tpu.memory_space<vmem_shared>>) target(%dma_start3A_67 : memref<640x64xf32, #tpu.memory_space<hbm>>) target_semaphore(%run_scoped3A : memref<!tpu.dma_semaphore, #tpu.memory_space<semaphore_mem>>)
      %dma_wait3A_70 = arith.constant 0 : i32
      %dma_wait3A_71 = tpu.memref_slice %arg6[%arg0, %mul3A_4, %dma_wait3A_70] : memref<2x10240x64xf32, #tpu.memory_space<hbm>> -> memref<1x640x64xf32, #tpu.memory_space<hbm>>
      %dma_wait3A_72 = tpu.memref_squeeze %dma_wait3A_71 : memref<1x640x64xf32, #tpu.memory_space<hbm>> -> memref<640x64xf32, #tpu.memory_space<hbm>>
      %dma_wait3A_73 = arith.constant 0 : i32
      %dma_wait3A_74 = tpu.memref_slice %arg17[%mul3A_4, %dma_wait3A_73] : memref<10240x64xf32, #tpu.memory_space<vmem_shared>> -> memref<640x64xf32, #tpu.memory_space<vmem_shared>>
      tpu.wait_dma2 semaphore(%run_scoped3A : memref<!tpu.dma_semaphore, #tpu.memory_space<semaphore_mem>>) src(%dma_wait3A_74 : memref<640x64xf32, #tpu.memory_space<vmem_shared>>) dst(%dma_wait3A_72 : memref<640x64xf32, #tpu.memory_space<hbm>>)
      tpu.yield
    }) : () -> ()
    return
  }
}

module attributes {stable_mosaic.version = 14 : i64} {
  func.func @_mm1_body(%arg0: i32, %arg1: memref<2000x128xf32, #tpu.memory_space<vmem>>, %arg2: memref<128x128xf32, #tpu.memory_space<vmem>>, %arg3: memref<2000x128xf32, #tpu.memory_space<vmem>>) attributes {dimension_semantics = [#tpu.dimension_semantics<arbitrary>], iteration_bounds = array<i64: 5>, scalar_prefetch = 0 : i64, scratch_operands = 0 : i64, tpu.core_type = #tpu.core_type<tc>, window_params = [{transform_indices = @transform_0, window_bounds = array<i64: 2000, 128>}, {pipeline_mode = #tpu.pipeline_mode<synchronous>, transform_indices = @transform_1, window_bounds = array<i64: 128, 128>}, {transform_indices = @transform_2, window_bounds = array<i64: 2000, 128>}]} {
    %get3A = arith.constant 0 : index
    %get3A_0 = arith.constant 0 : index
    %get3A_1 = vector.load %arg1[%get3A, %get3A_0] : memref<2000x128xf32, #tpu.memory_space<vmem>>, vector<2000x128xf32>
    %get3A_2 = arith.constant 0 : index
    %get3A_3 = arith.constant 0 : index
    %get3A_4 = vector.load %arg2[%get3A_2, %get3A_3] : memref<128x128xf32, #tpu.memory_space<vmem>>, vector<128x128xf32>
    %dot_general3A = arith.constant dense<0.000000e+00> : vector<2000x128xf32>
    %dot_general3A_5 = tpu.matmul %get3A_1, %get3A_4, %dot_general3A {dimension_numbers = #tpu.dot_dimension_numbers<[1], [0], [0], [1], [0, 0, 1, 1], [], []>, transpose_lhs_hint = false} : vector<2000x128xf32>, vector<128x128xf32>, vector<2000x128xf32> -> vector<2000x128xf32>
    %swap3A = arith.constant 0 : index
    %swap3A_6 = arith.constant 0 : index
    %swap3A_7 = vector.load %arg3[%swap3A, %swap3A_6] : memref<2000x128xf32, #tpu.memory_space<vmem>>, vector<2000x128xf32>
    tpu.vector_store %arg3[%swap3A, %swap3A_6], %dot_general3A_5 {strides = array<i32>} : memref<2000x128xf32, #tpu.memory_space<vmem>>, vector<2000x128xf32>,
    return
  }
  func.func @transform_0(%arg0: i32) -> (i32, i32) {
    %c0_i32 = arith.constant 0 : i32
    %c0_i32_0 = arith.constant 0 : i32
    return %arg0, %c0_i32 : i32, i32
  }
  func.func @transform_1(%arg0: i32) -> (i32, i32) {
    %c0_i32 = arith.constant 0 : i32
    %c0_i32_0 = arith.constant 0 : i32
    %c0_i32_1 = arith.constant 0 : i32
    return %c0_i32, %c0_i32_0 : i32, i32
  }
  func.func @transform_2(%arg0: i32) -> (i32, i32) {
    %c0_i32 = arith.constant 0 : i32
    %c0_i32_0 = arith.constant 0 : i32
    return %arg0, %c0_i32 : i32, i32
  }
}

module attributes {stable_mosaic.version = 14 : i64} {
  func.func @_deg_body(%arg0: i32, %arg1: memref<2x1000x32xf32, #tpu.memory_space<vmem>>, %arg2: memref<1000x128xf32, #tpu.memory_space<vmem>>) attributes {dimension_semantics = [#tpu.dimension_semantics<arbitrary>], iteration_bounds = array<i64: 5>, scalar_prefetch = 0 : i64, scratch_operands = 0 : i64, tpu.core_type = #tpu.core_type<tc>, window_params = [{transform_indices = @transform_0, window_bounds = array<i64: 2, 1000, 32>}, {transform_indices = @transform_1, window_bounds = array<i64: 1000, 128>}]} {
    %get3A = arith.constant 0 : index
    %get3A_0 = arith.constant 0 : index
    %get3A_1 = arith.constant 0 : index
    %get3A_2 = vector.load %arg1[%get3A, %get3A_0, %get3A_1] : memref<2x1000x32xf32, #tpu.memory_space<vmem>>, vector<1x1000x32xf32>
    %get3A_3 = vector.shape_cast %get3A_2 : vector<1x1000x32xf32> to vector<1000x32xf32>
    %get3A_4 = arith.constant 1 : index
    %get3A_5 = arith.constant 0 : index
    %get3A_6 = arith.constant 0 : index
    %get3A_7 = vector.load %arg1[%get3A_4, %get3A_5, %get3A_6] : memref<2x1000x32xf32, #tpu.memory_space<vmem>>, vector<1x1000x32xf32>
    %get3A_8 = vector.shape_cast %get3A_7 : vector<1x1000x32xf32> to vector<1000x32xf32>
    %add3A = arith.addf %get3A_3, %get3A_8 : vector<1000x32xf32>
    %max3A = arith.constant 1.000000e+00 : f32
    %max3A_9 = vector.broadcast %max3A : f32 to vector<1000x32xf32>
    %max3A_10 = arith.maximumf %add3A, %max3A_9 : vector<1000x32xf32>
    %div3A = arith.constant 1.000000e+00 : f32
    %div3A_11 = vector.broadcast %div3A : f32 to vector<1000x32xf32>
    %div3A_12 = arith.divf %div3A_11, %max3A_10 : vector<1000x32xf32>
    %iota3A = tpu.iota {dimensions = array<i32: 0>} : vector<32x128xi32>
    %iota3A_13 = tpu.iota {dimensions = array<i32: 1>} : vector<32x128xi32>
    %jit3A = arith.constant 16 : i32
    %div3A_14 = vector.broadcast %jit3A : i32 to vector<32x128xi32>
    %div3A_15 = arith.divsi %iota3A, %div3A_14 : vector<32x128xi32>
    %sign3A = arith.constant 0 : i32
    %sign3A_16 = vector.broadcast %sign3A : i32 to vector<32x128xi32>
    %sign3A_17 = arith.cmpi sgt, %iota3A, %sign3A_16 : vector<32x128xi32>
    %sign3A_18 = arith.extui %sign3A_17 : vector<32x128xi1> to vector<32x128xi32>
    %sign3A_19 = arith.constant 0 : i32
    %sign3A_20 = vector.broadcast %sign3A_19 : i32 to vector<32x128xi32>
    %sign3A_21 = arith.cmpi slt, %iota3A, %sign3A_20 : vector<32x128xi32>
    %sign3A_22 = arith.extui %sign3A_21 : vector<32x128xi1> to vector<32x128xi32>
    %sign3A_23 = arith.subi %sign3A_18, %sign3A_22 : vector<32x128xi32>
    %sign3A_24 = arith.constant 0 : i32
    %sign3A_25 = arith.cmpi sgt, %jit3A, %sign3A_24 : i32
    %sign3A_26 = arith.extui %sign3A_25 : i1 to i32
    %sign3A_27 = arith.constant 0 : i32
    %sign3A_28 = arith.cmpi slt, %jit3A, %sign3A_27 : i32
    %sign3A_29 = arith.extui %sign3A_28 : i1 to i32
    %sign3A_30 = arith.subi %sign3A_26, %sign3A_29 : i32
    %ne3A = vector.broadcast %sign3A_30 : i32 to vector<32x128xi32>
    %ne3A_31 = arith.cmpi ne, %sign3A_23, %ne3A : vector<32x128xi32>
    %rem3A = vector.broadcast %jit3A : i32 to vector<32x128xi32>
    %rem3A_32 = arith.remsi %iota3A, %rem3A : vector<32x128xi32>
    %ne3A_33 = arith.constant 0 : i32
    %ne3A_34 = vector.broadcast %ne3A_33 : i32 to vector<32x128xi32>
    %ne3A_35 = arith.cmpi ne, %rem3A_32, %ne3A_34 : vector<32x128xi32>
    %and3A = arith.andi %ne3A_31, %ne3A_35 : vector<32x128xi1>
    %sub3A = arith.constant 1 : i32
    %sub3A_36 = vector.broadcast %sub3A : i32 to vector<32x128xi32>
    %sub3A_37 = arith.subi %div3A_15, %sub3A_36 : vector<32x128xi32>
    %select_n3A = arith.select %and3A, %sub3A_37, %div3A_15 : vector<32x128xi1>, vector<32x128xi32>
    %jit3A_38 = arith.constant 64 : i32
    %div3A_39 = vector.broadcast %jit3A_38 : i32 to vector<32x128xi32>
    %div3A_40 = arith.divsi %iota3A_13, %div3A_39 : vector<32x128xi32>
    %sign3A_41 = arith.constant 0 : i32
    %sign3A_42 = vector.broadcast %sign3A_41 : i32 to vector<32x128xi32>
    %sign3A_43 = arith.cmpi sgt, %iota3A_13, %sign3A_42 : vector<32x128xi32>
    %sign3A_44 = arith.extui %sign3A_43 : vector<32x128xi1> to vector<32x128xi32>
    %sign3A_45 = arith.constant 0 : i32
    %sign3A_46 = vector.broadcast %sign3A_45 : i32 to vector<32x128xi32>
    %sign3A_47 = arith.cmpi slt, %iota3A_13, %sign3A_46 : vector<32x128xi32>
    %sign3A_48 = arith.extui %sign3A_47 : vector<32x128xi1> to vector<32x128xi32>
    %sign3A_49 = arith.subi %sign3A_44, %sign3A_48 : vector<32x128xi32>
    %sign3A_50 = arith.constant 0 : i32
    %sign3A_51 = arith.cmpi sgt, %jit3A_38, %sign3A_50 : i32
    %sign3A_52 = arith.extui %sign3A_51 : i1 to i32
    %sign3A_53 = arith.constant 0 : i32
    %sign3A_54 = arith.cmpi slt, %jit3A_38, %sign3A_53 : i32
    %sign3A_55 = arith.extui %sign3A_54 : i1 to i32
    %sign3A_56 = arith.subi %sign3A_52, %sign3A_55 : i32
    %ne3A_57 = vector.broadcast %sign3A_56 : i32 to vector<32x128xi32>
    %ne3A_58 = arith.cmpi ne, %sign3A_49, %ne3A_57 : vector<32x128xi32>
    %rem3A_59 = vector.broadcast %jit3A_38 : i32 to vector<32x128xi32>
    %rem3A_60 = arith.remsi %iota3A_13, %rem3A_59 : vector<32x128xi32>
    %ne3A_61 = arith.constant 0 : i32
    %ne3A_62 = vector.broadcast %ne3A_61 : i32 to vector<32x128xi32>
    %ne3A_63 = arith.cmpi ne, %rem3A_60, %ne3A_62 : vector<32x128xi32>
    %and3A_64 = arith.andi %ne3A_58, %ne3A_63 : vector<32x128xi1>
    %sub3A_65 = arith.constant 1 : i32
    %sub3A_66 = vector.broadcast %sub3A_65 : i32 to vector<32x128xi32>
    %sub3A_67 = arith.subi %div3A_40, %sub3A_66 : vector<32x128xi32>
    %select_n3A_68 = arith.select %and3A_64, %sub3A_67, %div3A_40 : vector<32x128xi1>, vector<32x128xi32>
    %eq3A = arith.cmpi eq, %select_n3A, %select_n3A_68 : vector<32x128xi32>
    %jit3A_69 = arith.constant 6.250000e-02 : f32
    %jit3A_70 = arith.constant 0.000000e+00 : f32
    %broadcast_in_dim3A = vector.broadcast %jit3A_69 : f32 to vector<32x128xf32>
    %broadcast_in_dim3A_71 = vector.broadcast %jit3A_70 : f32 to vector<32x128xf32>
    %select_n3A_72 = arith.select %eq3A, %broadcast_in_dim3A, %broadcast_in_dim3A_71 : vector<32x128xi1>, vector<32x128xf32>
    %dot_general3A = arith.constant dense<0.000000e+00> : vector<1000x128xf32>
    %dot_general3A_73 = tpu.matmul %div3A_12, %select_n3A_72, %dot_general3A {dimension_numbers = #tpu.dot_dimension_numbers<[1], [0], [0], [1], [0, 0, 1, 1], [], []>, precision = #tpu.contract_precision<fp32>, transpose_lhs_hint = false} : vector<1000x32xf32>, vector<32x128xf32>, vector<1000x128xf32> -> vector<1000x128xf32>
    %swap3A = arith.constant 0 : index
    %swap3A_74 = arith.constant 0 : index
    %swap3A_75 = vector.load %arg2[%swap3A, %swap3A_74] : memref<1000x128xf32, #tpu.memory_space<vmem>>, vector<1000x128xf32>
    tpu.vector_store %arg2[%swap3A, %swap3A_74], %dot_general3A_73 {strides = array<i32>} : memref<1000x128xf32, #tpu.memory_space<vmem>>, vector<1000x128xf32>,
    return
  }
  func.func @transform_0(%arg0: i32) -> (i32, i32, i32) {
    %c0_i32 = arith.constant 0 : i32
    %c0_i32_0 = arith.constant 0 : i32
    %c0_i32_1 = arith.constant 0 : i32
    return %c0_i32, %arg0, %c0_i32_0 : i32, i32, i32
  }
  func.func @transform_1(%arg0: i32) -> (i32, i32) {
    %c0_i32 = arith.constant 0 : i32
    %c0_i32_0 = arith.constant 0 : i32
    return %arg0, %c0_i32 : i32, i32
  }
}

module attributes {stable_mosaic.version = 14 : i64} {
  func.func @_mid_body(%arg0: i32, %arg1: memref<2x1000x128xf32, #tpu.memory_space<vmem>>, %arg2: memref<1000x128xf32, #tpu.memory_space<vmem>>, %arg3: memref<1x128xf32, #tpu.memory_space<vmem>>, %arg4: memref<64x128xf32, #tpu.memory_space<vmem>>, %arg5: memref<2000x128xf32, #tpu.memory_space<vmem>>) attributes {dimension_semantics = [#tpu.dimension_semantics<arbitrary>], iteration_bounds = array<i64: 5>, scalar_prefetch = 0 : i64, scratch_operands = 0 : i64, tpu.core_type = #tpu.core_type<tc>, window_params = [{transform_indices = @transform_0, window_bounds = array<i64: 2, 1000, 128>}, {transform_indices = @transform_1, window_bounds = array<i64: 1000, 128>}, {pipeline_mode = #tpu.pipeline_mode<synchronous>, transform_indices = @transform_2, window_bounds = array<i64: 1, 128>}, {pipeline_mode = #tpu.pipeline_mode<synchronous>, transform_indices = @transform_3, window_bounds = array<i64: 64, 128>}, {transform_indices = @transform_4, window_bounds = array<i64: 2000, 128>}]} {
    %get3A = arith.constant 0 : index
    %get3A_0 = arith.constant 0 : index
    %get3A_1 = arith.constant 0 : index
    %get3A_2 = vector.load %arg1[%get3A, %get3A_0, %get3A_1] : memref<2x1000x128xf32, #tpu.memory_space<vmem>>, vector<2x1000x128xf32>
    %get3A_3 = arith.constant 0 : index
    %get3A_4 = arith.constant 0 : index
    %get3A_5 = vector.load %arg2[%get3A_3, %get3A_4] : memref<1000x128xf32, #tpu.memory_space<vmem>>, vector<1000x128xf32>
    %get3A_6 = arith.constant 0 : index
    %get3A_7 = arith.constant 0 : index
    %get3A_8 = vector.load %arg3[%get3A_6, %get3A_7] : memref<1x128xf32, #tpu.memory_space<vmem>>, vector<1x128xf32>
    %slice3A = vector.extract_strided_slice %get3A_2 {offsets = [0, 0, 0], sizes = [1, 1000, 128], strides = [1, 1, 1]} : vector<2x1000x128xf32> to vector<1x1000x128xf32>
    %squeeze3A = vector.shape_cast %slice3A : vector<1x1000x128xf32> to vector<1000x128xf32>
    %slice3A_9 = vector.extract_strided_slice %get3A_2 {offsets = [1, 0, 0], sizes = [1, 1000, 128], strides = [1, 1, 1]} : vector<2x1000x128xf32> to vector<1x1000x128xf32>
    %squeeze3A_10 = vector.shape_cast %slice3A_9 : vector<1x1000x128xf32> to vector<1000x128xf32>
    %add3A = arith.addf %squeeze3A, %squeeze3A_10 : vector<1000x128xf32>
    %mul3A = arith.mulf %add3A, %get3A_5 : vector<1000x128xf32>
    %add3A_11 = vector.broadcast %get3A_8 : vector<1x128xf32> to vector<1000x128xf32>
    %add3A_12 = arith.addf %mul3A, %add3A_11 : vector<1000x128xf32>
    %gt3A = arith.constant 0.000000e+00 : f32
    %gt3A_13 = vector.broadcast %gt3A : f32 to vector<1000x128xf32>
    %gt3A_14 = arith.cmpf ogt, %add3A_12, %gt3A_13 : vector<1000x128xf32>
    %exp3A = math.exp %add3A_12 : vector<1000x128xf32>
    %sub3A = arith.constant 1.000000e+00 : f32
    %sub3A_15 = vector.broadcast %sub3A : f32 to vector<1000x128xf32>
    %sub3A_16 = arith.subf %exp3A, %sub3A_15 : vector<1000x128xf32>
    %select_n3A = arith.select %gt3A_14, %add3A_12, %sub3A_16 : vector<1000x128xi1>, vector<1000x128xf32>
    %slice3A_17 = vector.extract_strided_slice %select_n3A {offsets = [0, 0], sizes = [1000, 64], strides = [1, 1]} : vector<1000x128xf32> to vector<1000x64xf32>
    %get3A_18 = arith.constant 0 : index
    %get3A_19 = arith.constant 0 : index
    %get3A_20 = vector.load %arg4[%get3A_18, %get3A_19] : memref<64x128xf32, #tpu.memory_space<vmem>>, vector<64x128xf32>
    %dot_general3A = arith.constant dense<0.000000e+00> : vector<1000x128xf32>
    %dot_general3A_21 = tpu.matmul %slice3A_17, %get3A_20, %dot_general3A {dimension_numbers = #tpu.dot_dimension_numbers<[1], [0], [0], [1], [0, 0, 1, 1], [], []>, transpose_lhs_hint = false} : vector<1000x64xf32>, vector<64x128xf32>, vector<1000x128xf32> -> vector<1000x128xf32>
    %slice3A_22 = vector.extract_strided_slice %select_n3A {offsets = [0, 64], sizes = [1000, 64], strides = [1, 1]} : vector<1000x128xf32> to vector<1000x64xf32>
    %get3A_23 = arith.constant 0 : index
    %get3A_24 = arith.constant 0 : index
    %get3A_25 = vector.load %arg4[%get3A_23, %get3A_24] : memref<64x128xf32, #tpu.memory_space<vmem>>, vector<64x128xf32>
    %dot_general3A_26 = arith.constant dense<0.000000e+00> : vector<1000x128xf32>
    %dot_general3A_27 = tpu.matmul %slice3A_22, %get3A_25, %dot_general3A_26 {dimension_numbers = #tpu.dot_dimension_numbers<[1], [0], [0], [1], [0, 0, 1, 1], [], []>, transpose_lhs_hint = false} : vector<1000x64xf32>, vector<64x128xf32>, vector<1000x128xf32> -> vector<1000x128xf32>
    %stack3A = vector.shape_cast %dot_general3A_21 : vector<1000x128xf32> to vector<1000x1x128xf32>
    %stack3A_28 = vector.shape_cast %dot_general3A_27 : vector<1000x128xf32> to vector<1000x1x128xf32>
    %stack3A_29 = tpu.concatenate %stack3A, %stack3A_28 in 1 : vector<1000x1x128xf32>, vector<1000x1x128xf32> -> vector<1000x2x128xf32>
    %reshape3A = vector.shape_cast %stack3A_29 : vector<1000x2x128xf32> to vector<2000x128xf32>
    %swap3A = arith.constant 0 : index
    %swap3A_30 = arith.constant 0 : index
    %swap3A_31 = vector.load %arg5[%swap3A, %swap3A_30] : memref<2000x128xf32, #tpu.memory_space<vmem>>, vector<2000x128xf32>
    tpu.vector_store %arg5[%swap3A, %swap3A_30], %reshape3A {strides = array<i32>} : memref<2000x128xf32, #tpu.memory_space<vmem>>, vector<2000x128xf32>,
    return
  }
  func.func @transform_0(%arg0: i32) -> (i32, i32, i32) {
    %c0_i32 = arith.constant 0 : i32
    %c0_i32_0 = arith.constant 0 : i32
    %c0_i32_1 = arith.constant 0 : i32
    return %c0_i32, %arg0, %c0_i32_0 : i32, i32, i32
  }
  func.func @transform_1(%arg0: i32) -> (i32, i32) {
    %c0_i32 = arith.constant 0 : i32
    %c0_i32_0 = arith.constant 0 : i32
    return %arg0, %c0_i32 : i32, i32
  }
  func.func @transform_2(%arg0: i32) -> (i32, i32) {
    %c0_i32 = arith.constant 0 : i32
    %c0_i32_0 = arith.constant 0 : i32
    %c0_i32_1 = arith.constant 0 : i32
    return %c0_i32, %c0_i32_0 : i32, i32
  }
  func.func @transform_3(%arg0: i32) -> (i32, i32) {
    %c0_i32 = arith.constant 0 : i32
    %c0_i32_0 = arith.constant 0 : i32
    %c0_i32_1 = arith.constant 0 : i32
    return %c0_i32, %c0_i32_0 : i32, i32
  }
  func.func @transform_4(%arg0: i32) -> (i32, i32) {
    %c0_i32 = arith.constant 0 : i32
    %c0_i32_0 = arith.constant 0 : i32
    return %arg0, %c0_i32 : i32, i32
  }
}

module attributes {stable_mosaic.version = 14 : i64} {
  func.func @_fin_body(%arg0: i32, %arg1: memref<2x1000x128xf32, #tpu.memory_space<vmem>>, %arg2: memref<1000x128xf32, #tpu.memory_space<vmem>>, %arg3: memref<1x128xf32, #tpu.memory_space<vmem>>, %arg4: memref<128x80xf32, #tpu.memory_space<vmem>>, %arg5: memref<1x80xf32, #tpu.memory_space<vmem>>, %arg6: memref<1000x80xf32, #tpu.memory_space<vmem>>) attributes {dimension_semantics = [#tpu.dimension_semantics<arbitrary>], iteration_bounds = array<i64: 5>, scalar_prefetch = 0 : i64, scratch_operands = 0 : i64, tpu.core_type = #tpu.core_type<tc>, window_params = [{transform_indices = @transform_0, window_bounds = array<i64: 2, 1000, 128>}, {transform_indices = @transform_1, window_bounds = array<i64: 1000, 128>}, {pipeline_mode = #tpu.pipeline_mode<synchronous>, transform_indices = @transform_2, window_bounds = array<i64: 1, 128>}, {pipeline_mode = #tpu.pipeline_mode<synchronous>, transform_indices = @transform_3, window_bounds = array<i64: 128, 80>}, {pipeline_mode = #tpu.pipeline_mode<synchronous>, transform_indices = @transform_4, window_bounds = array<i64: 1, 80>}, {transform_indices = @transform_5, window_bounds = array<i64: 1000, 80>}]} {
    %get3A = arith.constant 0 : index
    %get3A_0 = arith.constant 0 : index
    %get3A_1 = arith.constant 0 : index
    %get3A_2 = vector.load %arg1[%get3A, %get3A_0, %get3A_1] : memref<2x1000x128xf32, #tpu.memory_space<vmem>>, vector<2x1000x128xf32>
    %get3A_3 = arith.constant 0 : index
    %get3A_4 = arith.constant 0 : index
    %get3A_5 = vector.load %arg2[%get3A_3, %get3A_4] : memref<1000x128xf32, #tpu.memory_space<vmem>>, vector<1000x128xf32>
    %get3A_6 = arith.constant 0 : index
    %get3A_7 = arith.constant 0 : index
    %get3A_8 = vector.load %arg3[%get3A_6, %get3A_7] : memref<1x128xf32, #tpu.memory_space<vmem>>, vector<1x128xf32>
    %slice3A = vector.extract_strided_slice %get3A_2 {offsets = [0, 0, 0], sizes = [1, 1000, 128], strides = [1, 1, 1]} : vector<2x1000x128xf32> to vector<1x1000x128xf32>
    %squeeze3A = vector.shape_cast %slice3A : vector<1x1000x128xf32> to vector<1000x128xf32>
    %slice3A_9 = vector.extract_strided_slice %get3A_2 {offsets = [1, 0, 0], sizes = [1, 1000, 128], strides = [1, 1, 1]} : vector<2x1000x128xf32> to vector<1x1000x128xf32>
    %squeeze3A_10 = vector.shape_cast %slice3A_9 : vector<1x1000x128xf32> to vector<1000x128xf32>
    %add3A = arith.addf %squeeze3A, %squeeze3A_10 : vector<1000x128xf32>
    %mul3A = arith.mulf %add3A, %get3A_5 : vector<1000x128xf32>
    %add3A_11 = vector.broadcast %get3A_8 : vector<1x128xf32> to vector<1000x128xf32>
    %add3A_12 = arith.addf %mul3A, %add3A_11 : vector<1000x128xf32>
    %get3A_13 = arith.constant 0 : index
    %get3A_14 = arith.constant 0 : index
    %get3A_15 = vector.load %arg4[%get3A_13, %get3A_14] : memref<128x80xf32, #tpu.memory_space<vmem>>, vector<128x80xf32>
    %dot_general3A = arith.constant dense<0.000000e+00> : vector<1000x80xf32>
    %dot_general3A_16 = tpu.matmul %add3A_12, %get3A_15, %dot_general3A {dimension_numbers = #tpu.dot_dimension_numbers<[1], [0], [0], [1], [0, 0, 1, 1], [], []>, transpose_lhs_hint = false} : vector<1000x128xf32>, vector<128x80xf32>, vector<1000x80xf32> -> vector<1000x80xf32>
    %get3A_17 = arith.constant 0 : index
    %get3A_18 = arith.constant 0 : index
    %get3A_19 = vector.load %arg5[%get3A_17, %get3A_18] : memref<1x80xf32, #tpu.memory_space<vmem>>, vector<1x80xf32>
    %add3A_20 = vector.broadcast %get3A_19 : vector<1x80xf32> to vector<1000x80xf32>
    %add3A_21 = arith.addf %dot_general3A_16, %add3A_20 : vector<1000x80xf32>
    %swap3A = arith.constant 0 : index
    %swap3A_22 = arith.constant 0 : index
    %swap3A_23 = vector.load %arg6[%swap3A, %swap3A_22] : memref<1000x80xf32, #tpu.memory_space<vmem>>, vector<1000x80xf32>
    tpu.vector_store %arg6[%swap3A, %swap3A_22], %add3A_21 {strides = array<i32>} : memref<1000x80xf32, #tpu.memory_space<vmem>>, vector<1000x80xf32>,
    return
  }
  func.func @transform_0(%arg0: i32) -> (i32, i32, i32) {
    %c0_i32 = arith.constant 0 : i32
    %c0_i32_0 = arith.constant 0 : i32
    %c0_i32_1 = arith.constant 0 : i32
    return %c0_i32, %arg0, %c0_i32_0 : i32, i32, i32
  }
  func.func @transform_1(%arg0: i32) -> (i32, i32) {
    %c0_i32 = arith.constant 0 : i32
    %c0_i32_0 = arith.constant 0 : i32
    return %arg0, %c0_i32 : i32, i32
  }
  func.func @transform_2(%arg0: i32) -> (i32, i32) {
    %c0_i32 = arith.constant 0 : i32
    %c0_i32_0 = arith.constant 0 : i32
    %c0_i32_1 = arith.constant 0 : i32
    return %c0_i32, %c0_i32_0 : i32, i32
  }
  func.func @transform_3(%arg0: i32) -> (i32, i32) {
    %c0_i32 = arith.constant 0 : i32
    %c0_i32_0 = arith.constant 0 : i32
    %c0_i32_1 = arith.constant 0 : i32
    return %c0_i32, %c0_i32_0 : i32, i32
  }
  func.func @transform_4(%arg0: i32) -> (i32, i32) {
    %c0_i32 = arith.constant 0 : i32
    %c0_i32_0 = arith.constant 0 : i32
    %c0_i32_1 = arith.constant 0 : i32
    return %c0_i32, %c0_i32_0 : i32, i32
  }
  func.func @transform_5(%arg0: i32) -> (i32, i32) {
    %c0_i32 = arith.constant 0 : i32
    %c0_i32_0 = arith.constant 0 : i32
    return %arg0, %c0_i32 : i32, i32
  }
}

</mosaic_0001>

<sc_bundles>
// kernel: kernel.11.cloned.1.call-start
scs
__scs_entry_jumppad:
0x0: {  	(pc) =	sbr.rel $0x88, $3  }
0x1: {  	(tag) =	ssettag $0x0;
	lr =	simm.s32 $0x1  }
0x2: {  	[smem:$0x3F96] =	sst lr;
	_ =	strace $0xD0000000  }
0x3: {  	_ = 	snop  }
0x4: {  	_ = 	snop  }
0x5: {  	_ = 	snop  }
0x6: {  	_ = 	snop  }
0x7: {  	_ = 	snop  }
__scs_overlays_trampoline_lowered:
0x8: {  	[smem:$0x3FA5] =	sst s0  }
0x9: {  	[smem:$0x3FA6] =	sst s1  }
0xa: {  	[smem:$0x3FA7] =	sst s2  }
0xb: {  	[smem:$0x3FA8] =	sst s3  }
0xc: {  	[smem:$0x3FA9] =	sst s4  }
0xd: {  	[smem:$0x3FAA] =	sst s5  }
0xe: {  	[smem:$0x3FAB] =	sst s6  }
0xf: {  	[smem:$0x3FAC] =	sst s7  }
0x10: {  	[smem:$0x3FAD] =	sst s8  }
0x11: {  	[smem:$0x3FAE] =	sst s9;
	s0 =	simm.s32 @!p0 $0x0  }
0x12: {  	s1 =	sld [smem:$0x3F94];
	s0 =	simm.s32 @p0 $0x1  }
0x13: {  	[smem:$0x3FAF] =	sst s0;
	s0 =	simm.s32 @!p1 $0x0  }
0x14: {  	s2 =	sld [smem:$0x3F93];
	s0 =	simm.s32 @p1 $0x1  }
0x15: {  	[smem:$0x3FB0] =	sst s0;
	s0 =	simm.s32 @!p2 $0x0  }
0x16: {  	s3 =	sld [smem:$0x3FDB];
	s0 =	simm.s32 @p2 $0x1  }
0x17: {  	s4 =	simm.s32 $0x1BF5;
	[smem:$0x3FB2] =	sst s0  }
0x18: {  	s0 =	sld [smem:$0x3F95];
	_ =	swait.ge [sflag:s4], $0x0  }
0x19: {  	s7 =	sld [smem:$0x3F96]  }
0x1a: {  	s8 =	sadd.s32 $0xFFFFE003, lr  }
0x1b: {  	s9 =	sadd.s32 $0xFFFFFEF7, lr;
	s5 =	simm.s32 $0xFFFFFFFF;
	p2 =	slt.u32 s8, $0xFFFFF086  }
0x1c: {  	p1 =	slt.u32 s9, $0xF7A;
	s5 =	simm.s32 @!p2 $0x0  }
0x1d: {  	s5 =	simm.s32 @p1 $0x1;
	p0 =	seq.s32 s7, s2  }
0x1e: {  	s7 =	smul.u32 @!p0 $0xF7A, s2;
	p2 =	seq.s32 @!p0 s5, $0x0  }
0x1f: {  	s9 =	smul.u32 $0xF7A, s1;
	s8 =	simm.s32 @!p0 $0x1BF5;
	p2 =	por !p2, p0  }
0x20: {  	[sflag:s8] =	ssyncset.s32 @!p0 $0xFFFFF086;
	s6 =	sadd.s32 @!p0 s3, s7;
	s7 =	simm.s32 @!p0 $0x108  }
0x21: {  	s3 =	sadd.s32 s3, s9;
	s6 =	sadd.s32 @!p0 $0x88, s6;
	s7 =	simm.s32 @p2 $0x1082  }
0x22: {  	[simem:s7], [sflag:s8] =	dma.local @!p0 [hbm:s6], $0xF7A  }
0x23: {  	s9 =	sor.u32 $0xD0000000, s2;
	s6 =	simm.s32 $0x108;
	_ =	swait.ge @!p0 [sflag:s8], $0x0  }
0x24: {  	s3 =	sadd.s32 $0x88, s3;
	s6 =	simm.s32 @!p1 $0x1082;
	[sflag:s4] =	ssyncset.s32 $0xFFFFF086  }
0x25: {  	[simem:s6], [sflag:s4] =	dma.local [hbm:s3], $0xF7A  }
0x26: {  	[smem:$0x3F96] =	sst s1;
	(tag) =	ssettag s2;
	_ =	strace s9  }
0x27: {  	s1 =	sld [smem:$0x3FA6]  }
0x28: {  	s2 =	sld [smem:$0x3FA7]  }
0x29: {  	s4 =	sld [smem:$0x3FA9]  }
0x2a: {  	p0 =	seq.s32 s5, $0x0;
	s5 =	sld [smem:$0x3FAA]  }
0x2b: {  	s6 =	sld [smem:$0x3FAB]  }
0x2c: {  	s7 =	sld [smem:$0x3FAC]  }
0x2d: {  	s3 =	simm.s32 $0x108;
	s8 =	sld [smem:$0x3FAD]  }
0x2e: {  	s3 =	simm.s32 @!p0 $0x1082;
	s9 =	sld [smem:$0x3FAE]  }
0x2f: {  	lr =	sadd.s32 s0, s3;
	s0 =	sld [smem:$0x3FA5]  }
0x30: {  	s3 =	sld [smem:$0x3FA8]  }
0x31: {  	[smem:$0x3FB1] =	sst s10  }
0x32: {  	s10 =	sld [smem:$0x3FAF];
	_ =	sdelay $0x3  }
0x33: {  	p0 =	seq.s32 s10, $0x1;
	s10 =	sld [smem:$0x3FB1];
	_ =	sdelay $0x3  }
0x34: {  	[smem:$0x3FB1] =	sst s10  }
0x35: {  	s10 =	sld [smem:$0x3FB0];
	_ =	sdelay $0x3  }
0x36: {  	p1 =	seq.s32 s10, $0x1;
	s10 =	sld [smem:$0x3FB1];
	_ =	sdelay $0x3  }
0x37: {  	[smem:$0x3FB1] =	sst s10  }
0x38: {  	s10 =	sld [smem:$0x3FB2]  }
0x39: {  	_ = 	snop;
	(pc) =	sbr.ind lr, $3  }
0x3a: {  	_ = 	snop  }
0x3b: {  	_ = 	snop  }
0x3c: {  	p2 =	seq.s32 s10, $0x1;
	s10 =	sld [smem:$0x3FB1]  }
0x3d: {  	_ =	shalt  }
0x3e: {  	_ =	shalt  }
0x3f: {  	_ =	shalt  }
0x40: {  	_ =	shalt  }
0x41: {  	_ =	shalt  }
0x42: {  	_ =	shalt  }
0x43: {  	_ =	shalt  }
0x44: {  	_ =	shalt  }
0x45: {  	_ =	shalt  }
0x46: {  	_ =	shalt  }
0x47: {  	_ =	shalt  }
0x48: {  	_ =	shalt  }
0x49: {  	_ =	shalt  }
0x4a: {  	_ =	shalt  }
0x4b: {  	_ =	shalt  }
0x4c: {  	_ =	shalt  }
0x4d: {  	_ =	shalt  }
0x4e: {  	_ =	shalt  }
0x4f: {  	_ =	shalt  }
0x50: {  	_ =	shalt  }
0x51: {  	_ =	shalt  }
0x52: {  	_ =	shalt  }
0x53: {  	_ =	shalt  }
0x54: {  	_ =	shalt  }
0x55: {  	_ =	shalt  }
0x56: {  	_ =	shalt  }
0x57: {  	_ =	shalt  }
0x58: {  	_ =	shalt  }
0x59: {  	_ =	shalt  }
0x5a: {  	_ =	shalt  }
0x5b: {  	_ =	shalt  }
0x5c: {  	_ =	shalt  }
0x5d: {  	_ =	shalt  }
0x5e: {  	_ =	shalt  }
0x5f: {  	_ =	shalt  }
0x60: {  	_ =	shalt  }
0x61: {  	_ =	shalt  }
0x62: {  	_ =	shalt  }
0x63: {  	_ =	shalt  }
0x64: {  	_ =	shalt  }
0x65: {  	_ =	shalt  }
0x66: {  	_ =	shalt  }
0x67: {  	_ =	shalt  }
0x68: {  	_ =	shalt  }
0x69: {  	_ =	shalt  }
0x6a: {  	_ =	shalt  }
0x6b: {  	_ =	shalt  }
0x6c: {  	_ =	shalt  }
0x6d: {  	_ =	shalt  }
0x6e: {  	_ =	shalt  }
0x6f: {  	_ =	shalt  }
0x70: {  	_ =	shalt  }
0x71: {  	_ =	shalt  }
0x72: {  	_ =	shalt  }
0x73: {  	_ =	shalt  }
0x74: {  	_ =	shalt  }
0x75: {  	_ =	shalt  }
0x76: {  	_ =	shalt  }
0x77: {  	_ =	shalt  }
0x78: {  	_ =	shalt  }
0x79: {  	_ =	shalt  }
0x7a: {  	_ =	shalt  }
0x7b: {  	_ =	shalt  }
0x7c: {  	_ =	shalt  }
0x7d: {  	_ =	shalt  }
0x7e: {  	_ =	shalt  }
0x7f: {  	_ =	shalt  }
0x80: {  	_ =	shalt  }
0x81: {  	_ =	shalt  }
0x82: {  	_ =	shalt  }
0x83: {  	_ =	shalt  }
0x84: {  	_ =	shalt  }
0x85: {  	_ =	shalt  }
0x86: {  	_ =	shalt  }
0x87: {  	_ =	shalt  }
.Lfunc_end0:
.L_simem_size_0:
called_computation_lowered:
.L_overlay_start_0:
0x88: {  	s2 =	sld [smem:$0x3FD9]  }
0x89: {  	s3 =	sld [smem:$0x3FFE];
	_ =	sdelay $0x1  }
0x8a: {  	s1 =	srdreg.scid  }
0x8b: {  	s0 =	sand.u32 $0x1, s1  }
0x8c: {  	s17 =	sshll.u32 s0, $0xA;
	s2 =	sadd.s32 s3, s2  }
0x8d: {  	s2 =	sadd.s32 s2, s17  }
0x8e: {  	[smem:$0x3FBD] =	sst s2  }
0x8f: {  	_ = 	snop  }
0x90: {  	s2 =	sld [smem:$0x3FC8]  }
0x91: {  	s18 =	sld [smem:$0x3FD0];
	(tm) =	ssettm $0x1  }
0x92: {  	s4 =	sld [smem:$0x3FFB];
	_ =	sdelay $0x3  }
0x93: {  	_ =	strace s4  }
0x94: {  	s4 =	sld [smem:$0x3FFC];
	_ =	sdelay $0x3  }
0x95: {  	_ =	strace s4  }
0x96: {  	s4 =	sld [smem:$0x3FFD];
	_ =	sdelay $0x3  }
0x97: {  	_ =	strace s4  }
0x98: {  	_ =	strace $0x8FFFFFFF  }
0x99: {  	s19 =	sld [smem:$0x3FDB];
	_ =	sdelay $0x1  }
0x9a: {  	s5 =	simm.s32 $_scs_section_size  }
0x9b: {  	s6 =	simm.s32 $_size__tile_overlayer_lowered;
	s7 =	simm.s32 $_tile_overlayer_lowered  }
0x9c: {  	s22 =	simm.s32 $0x1BFF;
	s21 =	sshll.u32 s7, $0x1;
	s4 =	sadd.s32 s5, s19  }
0x9d: {  	s8 =	simm.s32 $0x0;
	s20 =	sshll.u32 s6, $0x1;
	s6 =	sadd.s32 s21, s4  }
0x9e: {  	[timem:s8], [sflag:s22] =	dma.local [hbm:s6], s20  }
0x9f: {  	_ =	swait.ge [sflag:s22], s20  }
0xa0: {  	s5 =	ssub.s32 $0x0, s20;
	[sflag:s22] =	ssyncset.done $0x0  }
0xa1: {  	[sflag:s22] =	ssyncadd.s32 s5;
	_ =	sdelay $0x1  }
0xa2: {  	s23 =	simm.s32 $0x1B8B  }
0xa3: {  	_ =	swait.ge [sflag:s23], $0x1  }
0xa4: {  	[sflag:s23] =	ssyncset.done $0x0  }
0xa5: {  	s25 =	simm.s32 $0x1B8E;
	s24 =	sld [smem:$0x3FFE];
	[sflag:s23] =	ssyncadd.s32 $0xFFFFFFFF  }
0xa6: {  	s26 =	simm.s32 $execute0_lowered;
	[smem:$0x3FD2] =	sst s25  }
0xa7: {  	s6 =	sshll.u32 s26, $0x1;
	_ =	strace $0x80000046;
	[dreg:$0x1] =	wrdreg $0xFFFFFFFF  }
0xa8: {  	s28 =	simm.s32 $_size_execute0_lowered;
	s4 =	sadd.s32 s4, s6;
	[dreg:$0x0] =	wrdreg $0x0  }
0xa9: {  	s6 =	sshll.u32 s28, $0x1;
	[dreg:$0x2] =	wrdreg s4  }
0xaa: {  	[dreg:$0x3] =	wrdreg s6  }
0xab: {  	[dreg:$0x4] =	wrdreg $0xC0  }
0xac: {  	_ =	task [dreg:s8], $0x5FFFF  }
0xad: {  	[dreg:$0x1] =	wrdreg $0xFFFFFFFF  }
0xae: {  	[dreg:$0x0] =	wrdreg $0x60  }
0xaf: {  	[dreg:$0x2] =	wrdreg s2  }
0xb0: {  	[dreg:$0x3] =	wrdreg s24  }
0xb1: {  	[dreg:$0x4] =	wrdreg s18  }
0xb2: {  	[dreg:$0x5] =	wrdreg $0xCD300  }
0xb3: {  	[dreg:$0x6] =	wrdreg $0x9  }
0xb4: {  	_ =	task.clear_ibuf [dreg:s8], $0x7FFFF;
	_ =	strace $0x90000046  }
0xb5: {  	s29 =	simm.s32 $0x9;
	_ =	strace $0x80000048  }
0xb6: {  	_ =	swait.ge [sflag:s29], $0x1  }
0xb7: {  	[sflag:s29] =	ssyncadd.s32 $0xFFFFFFFF  }
0xb8: {  	_ =	strace $0x90000048  }
0xb9: {  	_ =	sfence  }
0xba: {  	s30 =	sld [smem:$0x0];
	_ =	sdelay $0x2  }
0xbb: {  	s31 =	sshll.u32 s1, $0xD;
	s1 =	sshrl.u32 s1, $0x2  }
0xbc: {  	s3 =	sand.u32 $0x4000, s31;
	s1 =	sadd.s32 s1, s30  }
0xbd: {  	s0 =	sor.u32 s3, s0;
	s1 =	sshll.u32 s1, $0x11  }
0xbe: {  	s0 =	sor.u32 s1, s0  }
0xbf: {  	s0 =	sadd.s32 $0x8F2B, s0  }
0xc0: {  	[sflag:s0] =	ssyncadd.remote.s32 $0x1  }
0xc1: {  	_ =	sfence.sel $0xFFFF  }
0xc2: {  	[dreg:$0x0] =	wrdreg $0xFFFFFFFF;
	(pc) =	sbr.abs _section_cstart, $3  }
0xc3: {  	[dreg:$0x1] =	wrdreg $0xFFFFFFFF  }
0xc4: {  	_ =	task.clear_ibuf [dreg:s8], $0x2FFFF;
	_ =	strace $0x9FFFFFFF  }
0xc5: {  	(tm) =	ssettm $0x7FFFFFFF  }
tec
execute0_lowered:
.L_overlay_start_1:
0x0: {  	(tag) =	ssettag $0x1  }
0x1: {  	s1 =	srdreg.scid;
	s0 =	stileid.u32  }
0x2: {  	s5 =	sand.u32 $0x1, s1;
	s14 =	sshll.u32 s0, $0x1  }
0x3: {  	s6 =	sor.u32 s5, s14  }
0x4: {  	v31 =	vlaneseq.u32;
	s2 =	smul.u32 $0x83, s6  }
0x5: {  	v3 =	vmul.u32 $0x2, v31;
	v20 =	vor.u32 $0x2740, v31;
	v21 =	vor.u32 $0x2750, v31  }
0x6: {  	v22 =	vor.u32 $0x2760, v31;
	v23 =	vor.u32 $0x2770, v31;
	v24 =	vor.u32 $0x2780, v31;
	s15 =	sadd.s32 $0x10, s2  }
0x7: {  	v25 =	vor.u32 $0x2790, v31;
	v26 =	vor.u32 $0x27A0, v31;
	v1 =	vadd.s32 s15, v31  }
0x8: {  	v27 =	vor.u32 $0x27B0, v31;
	v28 =	vor.u32 $0x27C0, v31;
	v0 =	vmulhi.u32 $0xD1B71759, v1  }
0x9: {  	v29 =	vor.u32 $0x27D0, v31;
	v30 =	vor.u32 $0x27E0, v31;
	v2 =	vmov s2;
	s16 =	sadd.s32 $0x20, s2;
	s18 =	sadd.s32 $0x40, s2  }
0xa: {  	v5 =	vadd.s32 s16, v31;
	v6 =	vadd.s32 s18, v31;
	v0 =	vshrl.u32 v0, $0xD  }
0xb: {  	s19 =	sadd.s32 $0x50, s2;
	s22 =	sadd.s32 $0x80, s2;
	v4 =	vmul.u32 $0x2710, v0;
	v0 =	vshll.u32 v2, $0x1;
	v2 =	vmulhi.u32 $0xD1B71759, v5  }
0xc: {  	s17 =	sadd.s32 $0x30, s2;
	v8 =	vadd.s32 s19, v31;
	v10 =	vadd.s32 s22, v31;
	v7 =	vmulhi.u32 $0xD1B71759, v6  }
0xd: {  	v0 =	vadd.s32 v3, v0;
	v3 =	vadd.s32 s17, v31;
	v2 =	vshrl.u32 v2, $0xD  }
0xe: {  	s23 =	sadd.s32 $0x90, s2;
	s25 =	sadd.s32 $0xC0, s2;
	v1 =	vsub.s32 v1, v4;
	v4 =	vmulhi.u32 $0xD1B71759, v3;
	v2 =	vmul.u32 $0x2710, v2  }
0xf: {  	v13 =	vadd.s32 s23, v31;
	v14 =	vadd.s32 s25, v31;
	v9 =	vmulhi.u32 $0xD1B71759, v8  }
0x10: {  	v4 =	vshrl.u32 v4, $0xD;
	v2 =	vsub.s32 v5, v2;
	v5 =	vshrl.u32 v7, $0xD  }
0x11: {  	s20 =	sadd.s32 $0x60, s2;
	v4 =	vmul.u32 $0x2710, v4;
	v7 =	vshrl.u32 v9, $0xD;
	v5 =	vmul.u32 $0x2710, v5  }
0x12: {  	v12 =	vmulhi.u32 $0xD1B71759, v10;
	v9 =	vadd.s32 s20, v31;
	v7 =	vmul.u32 $0x2710, v7  }
0x13: {  	s21 =	sadd.s32 $0x70, s2;
	v3 =	vsub.s32 v3, v4;
	v4 =	vsub.s32 v6, v5;
	v5 =	vmulhi.u32 $0xD1B71759, v9  }
0x14: {  	s4 =	sadd.s32 $0xD0, s2;
	v16 =	vmulhi.u32 $0xD1B71759, v14;
	v6 =	vsub.s32 v8, v7;
	v7 =	vadd.s32 s21, v31  }
0x15: {  	s10 =	sadd.s32 $0xE0, s2;
	v17 =	vadd.s32 s4, v31;
	v8 =	vmulhi.u32 $0xD1B71759, v7;
	v5 =	vshrl.u32 v5, $0xD  }
0x16: {  	v18 =	vadd.s32 s10, v31;
	v12 =	vshrl.u32 v12, $0xD;
	v11 =	vmul.u32 $0x2710, v5  }
0x17: {  	v16 =	vshrl.u32 v16, $0xD;
	v5 =	vshll.u32 v6, $0x1;
	v6 =	vshrl.u32 v8, $0xD  }
0x18: {  	s7 =	rddreg [dreg:$0x1];
	v8 =	vmulhi.u32 $0xD1B71759, v13;
	v9 =	vsub.s32 v9, v11;
	v11 =	vmul.u32 $0x2710, v6  }
0x19: {  	s9 =	rddreg [dreg:$0x2];
	s11 =	smul.u32 $0x2800, s0;
	s24 =	sadd.s32 $0xA0, s2;
	v16 =	vmul.u32 $0x2710, v16;
	v6 =	vshll.u32 v9, $0x1;
	v9 =	vmul.u32 $0x2710, v12  }
0x1a: {  	s1 =	rddreg [dreg:$0x0];
	s31 =	sshll.u32 s0, $0x6;
	s26 =	smul.u32 $0x28000, s5;
	v8 =	vshrl.u32 v8, $0xD;
	v12 =	vadd.s32 s24, v31;
	v7 =	vsub.s32 v7, v11  }
0x1b: {  	s5 =	ssub.s32 $0x2, s5;
	s8 =	smul.u32 $0x2710, s6;
	s12 =	sshrl.u32 s11, $0x3;
	v11 =	vmul.u32 $0x2710, v8;
	v8 =	vsub.s32 v10, v9;
	v9 =	vmulhi.u32 $0xD1B71759, v12  }
0x1c: {  	s13 =	smul.u32 $0x500, s6;
	s30 =	sshrl.u32 s5, $0x1;
	s3 =	sadd.s32 $0xB0, s2;
	v1 =	vshll.u32 v1, $0x1;
	v2 =	vshll.u32 v2, $0x1;
	v3 =	vshll.u32 v3, $0x1  }
0x1d: {  	s28 =	sadd.s32 s11, s26;
	s29 =	sadd.s32 s12, s7;
	s12 =	ssub.s32 s5, s30;
	v10 =	vsub.s32 v13, v11;
	v11 =	vadd.s32 s3, v31;
	v9 =	vshrl.u32 v9, $0xD  }
0x1e: {  	s2 =	rddreg [dreg:$0x4];
	s8 =	sshrl.u32 s8, $0x3;
	s6 =	sshrl.u32 s28, $0x3;
	v4 =	vshll.u32 v4, $0x1;
	v13 =	vmulhi.u32 $0xD1B71759, v11;
	v15 =	vmul.u32 $0x2710, v9  }
0x1f: {  	s14 =	sadd.s32 s13, s7;
	s5 =	sadd.s32 $0x17A00, s29;
	s9 =	sadd.s32 s9, s13;
	v7 =	vshll.u32 v7, $0x1;
	v9 =	vshll.u32 v10, $0x1;
	v10 =	vmulhi.u32 $0xD1B71759, v17  }
0x20: {  	s12 =	smax.u32 s12, $0x1;
	s4 =	simm.s32 $0x0;
	s8 =	sadd.s32 s8, s7;
	v8 =	vshll.u32 v8, $0x1;
	v13 =	vshrl.u32 v13, $0xD;
	v12 =	vsub.s32 v12, v15  }
0x21: {  	s15 =	sadd.s32 s6, s7;
	s6 =	sor.u32 $0x1C01, s31;
	s10 =	sadd.s32 $0x26A00, s14;
	v15 =	vmulhi.u32 $0xD1B71759, v18;
	v13 =	vmul.u32 $0x2710, v13;
	v10 =	vshrl.u32 v10, $0xD  }
0x22: {  	s14 =	simm.s32 $0x1;
	s18 =	simm.s32 $0xC530;
	s19 =	simm.s32 $0xC430;
	v19 =	vmul.u32 $0x2710, v10;
	v10 =	vshll.u32 v12, $0x1;
	v12 =	vsub.s32 v14, v16  }
0x23: {  	s22 =	simm.s32 $0x9D30;
	s23 =	simm.s32 $0x0;
	[smem:$0x7FF] =	sst s4;
	v16 =	vimm.s32 $0x0;
	v15 =	vshrl.u32 v15, $0xD;
	v11 =	vsub.s32 v11, v13  }
0x24: {  	s7 =	sadd.s32 $0x4000, s8;
	s8 =	sadd.s32 $0xDC40, s8;
	s17 =	simm.s32 $0x80;
	v12 =	vshll.u32 v12, $0x1;
	v15 =	vmul.u32 $0x2710, v15;
	v11 =	vshll.u32 v11, $0x1  }
0x25: {  	s20 =	simm.s32 $0xC4B0;
	s21 =	simm.s32 $0x7530;
	s3 =	rddreg [dreg:$0x3];
	v13 =	vsub.s32 v17, v19;
	v17 =	vor.u32 $0x2710, v31;
	v19 =	vor.u32 $0x2730, v31  }
0x26: {  	_ =	strace $0x80000047;
	s16 =	sadd.s32 s11, s3;
	s11 =	sadd.s32 $0x1CA00, s15;
	v13 =	vshll.u32 v13, $0x1;
	v14 =	vsub.s32 v18, v15;
	v15 =	vimm.f32 $1.000000000e+00  }
0x27: {  	s15 =	simm.s32 $0x2710;
	s13 =	sshrl.u32 s16, $0x3;
	s16 =	simm.s32 $0x4E20;
	v18 =	vor.u32 $0x2720, v31;
	v31 =	vor.u32 $0x27F0, v31;
	v14 =	vshll.u32 v14, $0x1  }
.LBB2_1:
0x28: {  	[spmem:s13], [sflag:s6] =	dma.local [hbm:s5], $0x500  }
0x29: {  	_ =	swait.ge [sflag:s14], $0x500  }
0x2a: {  	[sflag:s14] =	ssyncset.done $0x0  }
0x2b: {  	[sflag:s14] =	ssyncadd.s32 $0xFFFFFB00  }
0x2c: {  	[tilespmem:s4], [sflag:$0x1] =	stream.linear.gather [hbm4b:s1+s4], $0x2710, $0x38;
	[tilespmem:$0xF530] =	vst v63  }
0x2d: {  	_ =	swait.ge [sflag:s14], $0x2710  }
0x2e: {  	[sflag:s14] =	ssyncset.done $0x0  }
0x2f: {  	[sflag:s14] =	ssyncadd.s32 $0xFFFFD8F0  }
0x30: {  	[tilespmem:s15], [sflag:$0x1] =	stream.linear.gather [hbm4b:s7+s4], $0x2710, $0x38;
	[tilespmem:$0xF530] =	vst v63  }
0x31: {  	_ =	swait.ge [sflag:s14], $0x2710  }
0x32: {  	[sflag:s14] =	ssyncset.done $0x0  }
0x33: {  	[sflag:s14] =	ssyncadd.s32 $0xFFFFD8F0  }
0x34: {  	[tilespmem:s16], [sflag:$0x1] =	stream.linear.gather [hbm4b:s8+s4], $0x2710, $0x38;
	[tilespmem:$0xF530] =	vst v63  }
0x35: {  	_ =	swait.ge [sflag:s14], $0x2710  }
0x36: {  	[sflag:s14] =	ssyncset.done $0x0  }
0x37: {  	s24 =	simm.s32 $0x40;
	s25 =	simm.s32 $0x0;
	[sflag:s14] =	ssyncadd.s32 $0xFFFFD8F0  }
.LBB2_2:
0x38: {  	p0 =	sne.s32 s24, $0x1FC0;
	[tilespmem:s25+$0xC530] =	vst v15;
	s25 =	smov.u32 s24;
	s24 =	sadd.s32 $0x40, s24  }
.Ltmp0:
0x39: {  	(pc) =	sbr.rel @p0 .LBB2_2-.Ltmp0, $2  }
0x3a: {  	_ =	sdelay $0x2  }
0x3b: {  	s25 =	sshra.s32 s25, $0x2  }
0x3c: {  	[tilespmem:s25+$0xC530] =	vst v15  }
0x3d: {  	s24 =	simm.s32 $0x0;
	[bflag:$0x0] =	sbarrier.arrive $0xFFFF  }
0x3e: {  	v32 =	vld [tilespmem:s24+$0x2710]  }
0x3f: {  	v33 =	vld [tilespmem:s24+$0x4E20];
	_ =	sdelay $0x6  }
0x40: {  	v34 =	vld.idx.msk [tilespmem:v32+s4+$0x0], $0xffff  }
0x41: {  	v35 =	vld.idx.msk [tilespmem:v33+s4+$0x0], $0xffff  }
0x42: {  	v36 =	vld [tilespmem:s24+$0x2720]  }
0x43: {  	v37 =	vld [tilespmem:s24+$0x4E30];
	_ =	sdelay $0x2  }
0x44: {  	vm0 =	vgt.f32 v35, v34  }
0x45: {  	v32 =	vshll.u32 v32, $0x1;
	v34 =	vsel vm0, $0x1, v16  }
0x46: {  	[tilespmem:s24+$0x9D30] =	vst v33;
	v32 =	vor.u32 v34, v32  }
0x47: {  	[tilespmem:s24+$0x7530] =	vst v32  }
0x48: {  	v32 =	vld.idx.msk [tilespmem:v36+s4+$0x0], $0xffff  }
0x49: {  	v33 =	vld.idx.msk [tilespmem:v37+s4+$0x0], $0xffff  }
0x4a: {  	v41 =	vld [tilespmem:s24+$0x2730]  }
0x4b: {  	v42 =	vld [tilespmem:s24+$0x4E40];
	_ =	sdelay $0x2  }
0x4c: {  	vm10 =	vgt.f32 v33, v32  }
0x4d: {  	v43 =	vshll.u32 v36, $0x1;
	v33 =	vsel vm10, $0x1, v16  }
0x4e: {  	[tilespmem:s24+$0x9D40] =	vst v37;
	v32 =	vor.u32 v33, v43  }
0x4f: {  	[tilespmem:s24+$0x7540] =	vst v32  }
0x50: {  	v32 =	vld.idx.msk [tilespmem:v41+s4+$0x0], $0xffff  }
0x51: {  	v44 =	vld.idx.msk [tilespmem:v42+s4+$0x0], $0xffff  }
0x52: {  	v45 =	vld [tilespmem:s24+$0x2740]  }
0x53: {  	v46 =	vld [tilespmem:s24+$0x4E50];
	_ =	sdelay $0x2  }
0x54: {  	vm11 =	vgt.f32 v44, v32  }
0x55: {  	v47 =	vshll.u32 v41, $0x1;
	v33 =	vsel vm11, $0x1, v16  }
0x56: {  	[tilespmem:s24+$0x9D50] =	vst v42;
	v32 =	vor.u32 v33, v47  }
0x57: {  	[tilespmem:s24+$0x7550] =	vst v32  }
0x58: {  	v32 =	vld.idx.msk [tilespmem:v45+s4+$0x0], $0xffff  }
0x59: {  	v48 =	vld.idx.msk [tilespmem:v46+s4+$0x0], $0xffff  }
0x5a: {  	v49 =	vld [tilespmem:s24+$0x2750]  }
0x5b: {  	v50 =	vld [tilespmem:s24+$0x4E60];
	_ =	sdelay $0x2  }
0x5c: {  	vm12 =	vgt.f32 v48, v32  }
0x5d: {  	v51 =	vshll.u32 v45, $0x1;
	v33 =	vsel vm12, $0x1, v16  }
0x5e: {  	[tilespmem:s24+$0x9D60] =	vst v46;
	v32 =	vor.u32 v33, v51  }
0x5f: {  	[tilespmem:s24+$0x7560] =	vst v32  }
0x60: {  	v32 =	vld.idx.msk [tilespmem:v49+s4+$0x0], $0xffff  }
0x61: {  	v52 =	vld.idx.msk [tilespmem:v50+s4+$0x0], $0xffff  }
0x62: {  	v53 =	vld [tilespmem:s24+$0x2760]  }
0x63: {  	v54 =	vld [tilespmem:s24+$0x4E70];
	_ =	sdelay $0x2  }
0x64: {  	vm13 =	vgt.f32 v52, v32  }
0x65: {  	v55 =	vshll.u32 v49, $0x1;
	v33 =	vsel vm13, $0x1, v16  }
0x66: {  	[tilespmem:s24+$0x9D70] =	vst v50;
	v32 =	vor.u32 v33, v55  }
0x67: {  	[tilespmem:s24+$0x7570] =	vst v32  }
0x68: {  	v32 =	vld.idx.msk [tilespmem:v53+s4+$0x0], $0xffff  }
0x69: {  	v56 =	vld.idx.msk [tilespmem:v54+s4+$0x0], $0xffff  }
0x6a: {  	v57 =	vld [tilespmem:s24+$0x2770]  }
0x6b: {  	v58 =	vld [tilespmem:s24+$0x4E80];
	_ =	sdelay $0x2  }
0x6c: {  	vm14 =	vgt.f32 v56, v32  }
0x6d: {  	v59 =	vshll.u32 v53, $0x1;
	v33 =	vsel vm14, $0x1, v16  }
0x6e: {  	[tilespmem:s24+$0x9D80] =	vst v54;
	v32 =	vor.u32 v33, v59  }
0x6f: {  	[tilespmem:s24+$0x7580] =	vst v32  }
0x70: {  	v32 =	vld.idx.msk [tilespmem:v57+s4+$0x0], $0xffff  }
0x71: {  	v60 =	vld.idx.msk [tilespmem:v58+s4+$0x0], $0xffff  }
0x72: {  	v61 =	vld [tilespmem:s24+$0x2780]  }
0x73: {  	v62 =	vld [tilespmem:s24+$0x4E90];
	_ =	sdelay $0x2  }
0x74: {  	vm15 =	vgt.f32 v60, v32  }
0x75: {  	v63 =	vshll.u32 v57, $0x1;
	v33 =	vsel vm15, $0x1, v16  }
0x76: {  	[tilespmem:s24+$0x9D90] =	vst v58;
	v32 =	vor.u32 v33, v63  }
0x77: {  	[tilespmem:s24+$0x7590] =	vst v32  }
0x78: {  	v33 =	vld.idx.msk [tilespmem:v61+s4+$0x0], $0xffff  }
0x79: {  	v34 =	vld.idx.msk [tilespmem:v62+s4+$0x0], $0xffff  }
0x7a: {  	s25 =	simm.s32 $0x200;
	s26 =	simm.s32 $0x9D30;
	v32 =	vshll.u32 v61, $0x1;
	[tilespmem:s24+$0x9DA0] =	vst v62  }
.LBB2_4:
0x7b: {  	_ =	sdelay $0x1  }
0x7c: {  	p0 =	sne.s32 s25, $0x9A00;
	s28 =	smov.u32 s25;
	s25 =	sadd.s32 $0x200, s25  }
0x7d: {  	vm0 =	vgt.f32 v34, v33  }
0x7e: {  	v33 =	vsel vm0, $0x1, v16  }
0x7f: {  	v32 =	vor.u32 v33, v32  }
0x80: {  	[tilespmem:s24+$0x75A0] =	vst v32  }
0x81: {  	[spmem:s3] =	stream.indirect.scatter.add.f32 [tilespmem:s18], [sflag:$0x1], $0x10, s26, s17, $0xb8;
	[tilespmem:$0xF530] =	vst v63  }
0x82: {  	_ =	swait.ge [sflag:s14], $0x800  }
0x83: {  	[sflag:s14] =	ssyncset.done $0x0  }
0x84: {  	s24 =	sshra.s32 s28, $0x2;
	[sflag:s14] =	ssyncadd.s32 $0xFFFFF800  }
0x85: {  	v32 =	vld [tilespmem:s24+$0x2710]  }
0x86: {  	v33 =	vld [tilespmem:s24+$0x4E20];
	_ =	sdelay $0x6  }
0x87: {  	v34 =	vld.idx.msk [tilespmem:v32+s4+$0x0], $0xffff  }
0x88: {  	v35 =	vld.idx.msk [tilespmem:v33+s4+$0x0], $0xffff;
	_ =	sdelay $0x1  }
0x89: {  	v36 =	vld [tilespmem:s24+$0x2720]  }
0x8a: {  	v37 =	vld [tilespmem:s24+$0x4E30];
	_ =	sdelay $0x2  }
0x8b: {  	v32 =	vshll.u32 v32, $0x1;
	vm0 =	vgt.f32 v35, v34  }
0x8c: {  	v34 =	vsel vm0, $0x1, v16  }
0x8d: {  	v32 =	vor.u32 v34, v32;
	[tilespmem:s24+$0x9D30] =	vst v33  }
0x8e: {  	[tilespmem:s24+$0x7530] =	vst v32  }
0x8f: {  	v32 =	vld.idx.msk [tilespmem:v36+s4+$0x0], $0xffff  }
0x90: {  	v33 =	vld.idx.msk [tilespmem:v37+s4+$0x0], $0xffff;
	_ =	sdelay $0x1  }
0x91: {  	v34 =	vld [tilespmem:s24+$0x2730]  }
0x92: {  	v35 =	vld [tilespmem:s24+$0x4E40];
	_ =	sdelay $0x1  }
0x93: {  	v36 =	vshll.u32 v36, $0x1  }
0x94: {  	vm0 =	vgt.f32 v33, v32  }
0x95: {  	v32 =	vsel vm0, $0x1, v16  }
0x96: {  	v32 =	vor.u32 v32, v36;
	[tilespmem:s24+$0x9D40] =	vst v37  }
0x97: {  	[tilespmem:s24+$0x7540] =	vst v32  }
0x98: {  	v32 =	vld.idx.msk [tilespmem:v34+s4+$0x0], $0xffff  }
0x99: {  	v33 =	vld.idx.msk [tilespmem:v35+s4+$0x0], $0xffff;
	_ =	sdelay $0x1  }
0x9a: {  	v36 =	vld [tilespmem:s24+$0x2740]  }
0x9b: {  	v37 =	vld [tilespmem:s24+$0x4E50]  }
0x9c: {  	v34 =	vshll.u32 v34, $0x1;
	_ =	sdelay $0x1  }
0x9d: {  	vm0 =	vgt.f32 v33, v32  }
0x9e: {  	v32 =	vsel vm0, $0x1, v16  }
0x9f: {  	v32 =	vor.u32 v32, v34;
	[tilespmem:s24+$0x9D50] =	vst v35  }
0xa0: {  	[tilespmem:s24+$0x7550] =	vst v32  }
0xa1: {  	v32 =	vld.idx.msk [tilespmem:v36+s4+$0x0], $0xffff  }
0xa2: {  	v33 =	vld.idx.msk [tilespmem:v37+s4+$0x0], $0xffff;
	_ =	sdelay $0x1  }
0xa3: {  	v34 =	vld [tilespmem:s24+$0x2750]  }
0xa4: {  	v35 =	vshll.u32 v36, $0x1;
	v36 =	vld [tilespmem:s24+$0x4E60];
	_ =	sdelay $0x2  }
0xa5: {  	vm0 =	vgt.f32 v33, v32  }
0xa6: {  	v32 =	vsel vm0, $0x1, v16  }
0xa7: {  	v32 =	vor.u32 v32, v35;
	[tilespmem:s24+$0x9D60] =	vst v37  }
0xa8: {  	[tilespmem:s24+$0x7560] =	vst v32  }
0xa9: {  	v32 =	vld.idx.msk [tilespmem:v34+s4+$0x0], $0xffff  }
0xaa: {  	v33 =	vld.idx.msk [tilespmem:v36+s4+$0x0], $0xffff  }
0xab: {  	[tilespmem:s24+$0x9D70] =	vst v36  }
0xac: {  	v34 =	vshll.u32 v34, $0x1;
	v35 =	vld [tilespmem:s24+$0x2760]  }
0xad: {  	v36 =	vld [tilespmem:s24+$0x4E70];
	_ =	sdelay $0x2  }
0xae: {  	vm0 =	vgt.f32 v33, v32  }
0xaf: {  	v32 =	vsel vm0, $0x1, v16  }
0xb0: {  	v32 =	vor.u32 v32, v34  }
0xb1: {  	[tilespmem:s24+$0x7570] =	vst v32  }
0xb2: {  	v32 =	vld.idx.msk [tilespmem:v35+s4+$0x0], $0xffff  }
0xb3: {  	v33 =	vld.idx.msk [tilespmem:v36+s4+$0x0], $0xffff  }
0xb4: {  	v34 =	vshll.u32 v35, $0x1;
	[tilespmem:s24+$0x9D80] =	vst v36  }
0xb5: {  	v35 =	vld [tilespmem:s24+$0x2770]  }
0xb6: {  	v36 =	vld [tilespmem:s24+$0x4E80];
	_ =	sdelay $0x2  }
0xb7: {  	vm0 =	vgt.f32 v33, v32  }
0xb8: {  	v32 =	vsel vm0, $0x1, v16  }
0xb9: {  	v32 =	vor.u32 v32, v34  }
0xba: {  	[tilespmem:s24+$0x7580] =	vst v32  }
0xbb: {  	v32 =	vld.idx.msk [tilespmem:v35+s4+$0x0], $0xffff  }
0xbc: {  	v34 =	vshll.u32 v35, $0x1;
	v33 =	vld.idx.msk [tilespmem:v36+s4+$0x0], $0xffff  }
0xbd: {  	[tilespmem:s24+$0x9D90] =	vst v36;
	v35 =	vld [tilespmem:s24+$0x4E90]  }
0xbe: {  	v36 =	vld [tilespmem:s24+$0x2780];
	_ =	sdelay $0x3  }
0xbf: {  	vm0 =	vgt.f32 v33, v32  }
0xc0: {  	v32 =	vsel vm0, $0x1, v16  }
.Ltmp1:
0xc1: {  	v32 =	vor.u32 v32, v34;
	(pc) =	sbr.rel @p0 .LBB2_4-.Ltmp1, $4  }
0xc2: {  	[tilespmem:s24+$0x7590] =	vst v32  }
0xc3: {  	v32 =	vshll.u32 v36, $0x1;
	v33 =	vld.idx.msk [tilespmem:v36+s4+$0x0], $0xffff  }
0xc4: {  	v34 =	vld.idx.msk [tilespmem:v35+s4+$0x0], $0xffff  }
0xc5: {  	s26 =	sadd.s32 $0x9D30, s24;
	[tilespmem:s24+$0x9DA0] =	vst v35  }
0xc6: {  	_ =	sdelay $0x2  }
0xc7: {  	vm0 =	vgt.f32 v34, v33  }
0xc8: {  	v33 =	vsel vm0, $0x1, v16  }
0xc9: {  	v32 =	vor.u32 v33, v32  }
0xca: {  	[tilespmem:s24+$0x75A0] =	vst v32  }
0xcb: {  	[spmem:s3] =	stream.indirect.scatter.add.f32 [tilespmem:s18], [sflag:$0x1], $0x10, s26, s17, $0xb8;
	[tilespmem:$0xF530] =	vst v63  }
0xcc: {  	_ =	swait.ge [sflag:s14], $0x800  }
0xcd: {  	[sflag:s14] =	ssyncset.done $0x0  }
0xce: {  	[sflag:s14] =	ssyncadd.s32 $0xFFFFF800  }
0xcf: {  	v61 =	vld [tilespmem:$0x4E10]  }
0xd0: {  	v62 =	vld [tilespmem:$0x7520];
	_ =	sdelay $0x6  }
0xd1: {  	v63 =	vld.idx.msk [tilespmem:v61+s4+$0x0], $0xffff  }
0xd2: {  	v35 =	vld.idx.msk [tilespmem:v62+s4+$0x0], $0xffff;
	[tilespmem:$0xC430] =	vst v62  }
0xd3: {  	[tilespmem:$0x9C40] =	vst v0  }
0xd4: {  	[tilespmem:$0xC440] =	vst v17  }
0xd5: {  	[tilespmem:$0x9C50] =	vst v1  }
0xd6: {  	[tilespmem:$0xC450] =	vst v18  }
0xd7: {  	[tilespmem:$0x9C60] =	vst v2  }
0xd8: {  	[tilespmem:$0xC460] =	vst v19  }
0xd9: {  	[tilespmem:$0x9C70] =	vst v3  }
0xda: {  	[tilespmem:$0xC470] =	vst v20  }
0xdb: {  	[tilespmem:$0x9C80] =	vst v4  }
0xdc: {  	[tilespmem:$0xC480] =	vst v21  }
0xdd: {  	[tilespmem:$0x9C90] =	vst v5  }
0xde: {  	[tilespmem:$0xC490] =	vst v22;
	vm15 =	vgt.f32 v35, v63  }
0xdf: {  	v32 =	vshll.u32 v61, $0x1;
	[tilespmem:$0x9CA0] =	vst v6;
	v34 =	vsel vm15, $0x1, v16  }
0xe0: {  	[tilespmem:$0xC4A0] =	vst v23;
	v32 =	vor.u32 v34, v32  }
0xe1: {  	[tilespmem:$0x9C30] =	vst v32  }
0xe2: {  	[spmem:s3] =	stream.indirect.scatter.add.f32 [tilespmem:s18], [sflag:$0x1], $0x10, s19, s17, $0xb8;
	[tilespmem:$0xF530] =	vst v63  }
0xe3: {  	_ =	swait.ge [sflag:s14], $0x800  }
0xe4: {  	[sflag:s14] =	ssyncset.done $0x0  }
0xe5: {  	[sflag:s14] =	ssyncadd.s32 $0xFFFFF800  }
0xe6: {  	[tilespmem:$0x9CB0] =	vst v7  }
0xe7: {  	[tilespmem:$0xC4B0] =	vst v24  }
0xe8: {  	[tilespmem:$0x9CC0] =	vst v8  }
0xe9: {  	[tilespmem:$0xC4C0] =	vst v25  }
0xea: {  	[tilespmem:$0x9CD0] =	vst v9  }
0xeb: {  	[tilespmem:$0xC4D0] =	vst v26  }
0xec: {  	[tilespmem:$0x9CE0] =	vst v10  }
0xed: {  	[tilespmem:$0xC4E0] =	vst v27  }
0xee: {  	[tilespmem:$0x9CF0] =	vst v11  }
0xef: {  	[tilespmem:$0xC4F0] =	vst v28  }
0xf0: {  	[tilespmem:$0x9D00] =	vst v12  }
0xf1: {  	[tilespmem:$0xC500] =	vst v29  }
0xf2: {  	[tilespmem:$0x9D10] =	vst v13  }
0xf3: {  	[tilespmem:$0xC510] =	vst v30  }
0xf4: {  	[tilespmem:$0x9D20] =	vst v14  }
0xf5: {  	[tilespmem:$0xC520] =	vst v31  }
0xf6: {  	[spmem:s3] =	stream.indirect.scatter.add.f32 [tilespmem:s18], [sflag:$0x1], $0x10, s20, s17, $0xb8;
	[tilespmem:$0xF530] =	vst v63  }
0xf7: {  	_ =	swait.ge [sflag:s14], $0x800  }
0xf8: {  	[sflag:s14] =	ssyncset.done $0x0  }
0xf9: {  	[sflag:s14] =	ssyncadd.s32 $0xFFFFF800  }
0xfa: {  	[hbm4b:s9+s4] =	stream.linear.scatter [tilespmem:s21], [sflag:$0x1], $0x2800, $0x38;
	[tilespmem:$0xF530] =	vst v63  }
0xfb: {  	_ =	swait.ge [sflag:s14], $0x2800  }
0xfc: {  	[sflag:s14] =	ssyncset.done $0x0  }
0xfd: {  	[sflag:s14] =	ssyncadd.s32 $0xFFFFD800  }
0xfe: {  	[hbm4b:s10+s4] =	stream.linear.scatter [tilespmem:s22], [sflag:$0x1], $0x2800, $0x38;
	[tilespmem:$0xF530] =	vst v63  }
0xff: {  	_ =	swait.ge [sflag:s14], $0x2800  }
0x100: {  	s23 =	sadd.s32 $0x1, s23;
	[sflag:s14] =	ssyncset.done $0x0  }
0x101: {  	p0 =	sne.s32 s23, s12;
	[sflag:s14] =	ssyncadd.s32 $0xFFFFD800  }
.Ltmp2:
0x102: {  	[bflag:$0x0] =	sbarrier.arrive $0xFFFF;
	(pc) =	sbr.rel @p0 .LBB2_1-.Ltmp2, $4  }
0x103: {  	[hbm:s11], [sflag:s6] =	dma.local [spmem:s13], $0x500  }
0x104: {  	_ =	swait.ge [sflag:s14], $0x500  }
0x105: {  	[sflag:s14] =	ssyncset.done $0x0  }
0x106: {  	[sflag:s14] =	ssyncadd.s32 $0xFFFFFB00  }
0x107: {  	_ =	sfence.sel $0x180000  }
0x108: {  	[bflag:$0x0] =	sbarrier.arrive $0xFFFF  }
0x109: {  	p0 =	sne.s32 s0, $0x0;
	_ =	strace $0x90000047  }
0x10a: {  	s0 =	sadd.s32 @!p0 $0x100000, s2;
	[bflag:$0x2] =	sbarrier.arrive $0xFFFF  }
0x10b: {  	[sflag:s0] =	ssyncadd.tile.s32 @!p0 $0x1;
	_ =	shalt  }
.Lfunc_end2:
_tile_overlayer_lowered:
.L_overlay_start_2:
0x10c: {  	(tag) =	ssettag $0x2  }
0x10d: {  	s0 =	rddreg [dreg:$0x0];
	s2 =	stileid.u32  }
0x10e: {  	s1 =	rddreg [dreg:$0x1];
	p0 =	sne.s32 s2, $0x0  }
0x10f: {  	s3 =	rddreg [dreg:$0x2];
	[bflag:$0x3] =	sbarrier.arrive $0xFFFF;
	s2 =	simm.s32 @!p0 $0x1C01  }
0x110: {  	[timem:s3], [sflag:s2] =	dma.local @!p0 [hbm:s0], s1  }
0x111: {  	s0 =	simm.s32 @!p0 $0x1  }
0x112: {  	_ =	swait.ge @!p0 [sflag:s0], s1  }
0x113: {  	s1 =	ssub.s32 @!p0 $0x0, s1;
	[sflag:s0] =	ssyncset.done @!p0 $0x0  }
0x114: {  	[sflag:s0] =	ssyncadd.s32 @!p0 s1  }
0x115: {  	[bflag:$0x3] =	sbarrier.arrive $0xFFFF  }
0x116: {  	_ =	shalt  }

// kernel: kernel.14.cloned.1.call-start
scs
__scs_entry_jumppad:
0x0: {  	(pc) =	sbr.rel $0x88, $3  }
0x1: {  	(tag) =	ssettag $0x0;
	lr =	simm.s32 $0x1  }
0x2: {  	[smem:$0x3F96] =	sst lr;
	_ =	strace $0xD0000000  }
0x3: {  	_ = 	snop  }
0x4: {  	_ = 	snop  }
0x5: {  	_ = 	snop  }
0x6: {  	_ = 	snop  }
0x7: {  	_ = 	snop  }
__scs_overlays_trampoline_lowered:
0x8: {  	[smem:$0x3FA5] =	sst s0  }
0x9: {  	[smem:$0x3FA6] =	sst s1  }
0xa: {  	[smem:$0x3FA7] =	sst s2  }
0xb: {  	[smem:$0x3FA8] =	sst s3  }
0xc: {  	[smem:$0x3FA9] =	sst s4  }
0xd: {  	[smem:$0x3FAA] =	sst s5  }
0xe: {  	[smem:$0x3FAB] =	sst s6  }
0xf: {  	[smem:$0x3FAC] =	sst s7  }
0x10: {  	[smem:$0x3FAD] =	sst s8  }
0x11: {  	[smem:$0x3FAE] =	sst s9;
	s0 =	simm.s32 @!p0 $0x0  }
0x12: {  	s1 =	sld [smem:$0x3F94];
	s0 =	simm.s32 @p0 $0x1  }
0x13: {  	[smem:$0x3FAF] =	sst s0;
	s0 =	simm.s32 @!p1 $0x0  }
0x14: {  	s2 =	sld [smem:$0x3F93];
	s0 =	simm.s32 @p1 $0x1  }
0x15: {  	[smem:$0x3FB0] =	sst s0;
	s0 =	simm.s32 @!p2 $0x0  }
0x16: {  	s3 =	sld [smem:$0x3FDB];
	s0 =	simm.s32 @p2 $0x1  }
0x17: {  	s4 =	simm.s32 $0x1BF5;
	[smem:$0x3FB2] =	sst s0  }
0x18: {  	s0 =	sld [smem:$0x3F95];
	_ =	swait.ge [sflag:s4], $0x0  }
0x19: {  	s7 =	sld [smem:$0x3F96]  }
0x1a: {  	s8 =	sadd.s32 $0xFFFFE003, lr  }
0x1b: {  	s9 =	sadd.s32 $0xFFFFFEF7, lr;
	s5 =	simm.s32 $0xFFFFFFFF;
	p2 =	slt.u32 s8, $0xFFFFF086  }
0x1c: {  	p1 =	slt.u32 s9, $0xF7A;
	s5 =	simm.s32 @!p2 $0x0  }
0x1d: {  	s5 =	simm.s32 @p1 $0x1;
	p0 =	seq.s32 s7, s2  }
0x1e: {  	s7 =	smul.u32 @!p0 $0xF7A, s2;
	p2 =	seq.s32 @!p0 s5, $0x0  }
0x1f: {  	s9 =	smul.u32 $0xF7A, s1;
	s8 =	simm.s32 @!p0 $0x1BF5;
	p2 =	por !p2, p0  }
0x20: {  	[sflag:s8] =	ssyncset.s32 @!p0 $0xFFFFF086;
	s6 =	sadd.s32 @!p0 s3, s7;
	s7 =	simm.s32 @!p0 $0x108  }
0x21: {  	s3 =	sadd.s32 s3, s9;
	s6 =	sadd.s32 @!p0 $0x88, s6;
	s7 =	simm.s32 @p2 $0x1082  }
0x22: {  	[simem:s7], [sflag:s8] =	dma.local @!p0 [hbm:s6], $0xF7A  }
0x23: {  	s9 =	sor.u32 $0xD0000000, s2;
	s6 =	simm.s32 $0x108;
	_ =	swait.ge @!p0 [sflag:s8], $0x0  }
0x24: {  	s3 =	sadd.s32 $0x88, s3;
	s6 =	simm.s32 @!p1 $0x1082;
	[sflag:s4] =	ssyncset.s32 $0xFFFFF086  }
0x25: {  	[simem:s6], [sflag:s4] =	dma.local [hbm:s3], $0xF7A  }
0x26: {  	[smem:$0x3F96] =	sst s1;
	(tag) =	ssettag s2;
	_ =	strace s9  }
0x27: {  	s1 =	sld [smem:$0x3FA6]  }
0x28: {  	s2 =	sld [smem:$0x3FA7]  }
0x29: {  	s4 =	sld [smem:$0x3FA9]  }
0x2a: {  	p0 =	seq.s32 s5, $0x0;
	s5 =	sld [smem:$0x3FAA]  }
0x2b: {  	s6 =	sld [smem:$0x3FAB]  }
0x2c: {  	s7 =	sld [smem:$0x3FAC]  }
0x2d: {  	s3 =	simm.s32 $0x108;
	s8 =	sld [smem:$0x3FAD]  }
0x2e: {  	s3 =	simm.s32 @!p0 $0x1082;
	s9 =	sld [smem:$0x3FAE]  }
0x2f: {  	lr =	sadd.s32 s0, s3;
	s0 =	sld [smem:$0x3FA5]  }
0x30: {  	s3 =	sld [smem:$0x3FA8]  }
0x31: {  	[smem:$0x3FB1] =	sst s10  }
0x32: {  	s10 =	sld [smem:$0x3FAF];
	_ =	sdelay $0x3  }
0x33: {  	p0 =	seq.s32 s10, $0x1;
	s10 =	sld [smem:$0x3FB1];
	_ =	sdelay $0x3  }
0x34: {  	[smem:$0x3FB1] =	sst s10  }
0x35: {  	s10 =	sld [smem:$0x3FB0];
	_ =	sdelay $0x3  }
0x36: {  	p1 =	seq.s32 s10, $0x1;
	s10 =	sld [smem:$0x3FB1];
	_ =	sdelay $0x3  }
0x37: {  	[smem:$0x3FB1] =	sst s10  }
0x38: {  	s10 =	sld [smem:$0x3FB2]  }
0x39: {  	_ = 	snop;
	(pc) =	sbr.ind lr, $3  }
0x3a: {  	_ = 	snop  }
0x3b: {  	_ = 	snop  }
0x3c: {  	p2 =	seq.s32 s10, $0x1;
	s10 =	sld [smem:$0x3FB1]  }
0x3d: {  	_ =	shalt  }
0x3e: {  	_ =	shalt  }
0x3f: {  	_ =	shalt  }
0x40: {  	_ =	shalt  }
0x41: {  	_ =	shalt  }
0x42: {  	_ =	shalt  }
0x43: {  	_ =	shalt  }
0x44: {  	_ =	shalt  }
0x45: {  	_ =	shalt  }
0x46: {  	_ =	shalt  }
0x47: {  	_ =	shalt  }
0x48: {  	_ =	shalt  }
0x49: {  	_ =	shalt  }
0x4a: {  	_ =	shalt  }
0x4b: {  	_ =	shalt  }
0x4c: {  	_ =	shalt  }
0x4d: {  	_ =	shalt  }
0x4e: {  	_ =	shalt  }
0x4f: {  	_ =	shalt  }
0x50: {  	_ =	shalt  }
0x51: {  	_ =	shalt  }
0x52: {  	_ =	shalt  }
0x53: {  	_ =	shalt  }
0x54: {  	_ =	shalt  }
0x55: {  	_ =	shalt  }
0x56: {  	_ =	shalt  }
0x57: {  	_ =	shalt  }
0x58: {  	_ =	shalt  }
0x59: {  	_ =	shalt  }
0x5a: {  	_ =	shalt  }
0x5b: {  	_ =	shalt  }
0x5c: {  	_ =	shalt  }
0x5d: {  	_ =	shalt  }
0x5e: {  	_ =	shalt  }
0x5f: {  	_ =	shalt  }
0x60: {  	_ =	shalt  }
0x61: {  	_ =	shalt  }
0x62: {  	_ =	shalt  }
0x63: {  	_ =	shalt  }
0x64: {  	_ =	shalt  }
0x65: {  	_ =	shalt  }
0x66: {  	_ =	shalt  }
0x67: {  	_ =	shalt  }
0x68: {  	_ =	shalt  }
0x69: {  	_ =	shalt  }
0x6a: {  	_ =	shalt  }
0x6b: {  	_ =	shalt  }
0x6c: {  	_ =	shalt  }
0x6d: {  	_ =	shalt  }
0x6e: {  	_ =	shalt  }
0x6f: {  	_ =	shalt  }
0x70: {  	_ =	shalt  }
0x71: {  	_ =	shalt  }
0x72: {  	_ =	shalt  }
0x73: {  	_ =	shalt  }
0x74: {  	_ =	shalt  }
0x75: {  	_ =	shalt  }
0x76: {  	_ =	shalt  }
0x77: {  	_ =	shalt  }
0x78: {  	_ =	shalt  }
0x79: {  	_ =	shalt  }
0x7a: {  	_ =	shalt  }
0x7b: {  	_ =	shalt  }
0x7c: {  	_ =	shalt  }
0x7d: {  	_ =	shalt  }
0x7e: {  	_ =	shalt  }
0x7f: {  	_ =	shalt  }
0x80: {  	_ =	shalt  }
0x81: {  	_ =	shalt  }
0x82: {  	_ =	shalt  }
0x83: {  	_ =	shalt  }
0x84: {  	_ =	shalt  }
0x85: {  	_ =	shalt  }
0x86: {  	_ =	shalt  }
0x87: {  	_ =	shalt  }
.Lfunc_end0:
.L_simem_size_0:
called_computation.1_lowered:
.L_overlay_start_0:
0x88: {  	s2 =	sld [smem:$0x3FD9]  }
0x89: {  	s3 =	sld [smem:$0x3FFE];
	_ =	sdelay $0x1  }
0x8a: {  	s1 =	srdreg.scid  }
0x8b: {  	s0 =	sand.u32 $0x1, s1  }
0x8c: {  	s17 =	sshll.u32 s0, $0xA;
	s2 =	sadd.s32 s3, s2  }
0x8d: {  	s2 =	sadd.s32 s2, s17  }
0x8e: {  	[smem:$0x3FBD] =	sst s2  }
0x8f: {  	_ = 	snop  }
0x90: {  	s2 =	sld [smem:$0x3FD0];
	(tm) =	ssettm $0x1  }
0x91: {  	s18 =	sld [smem:$0x3FFB];
	_ =	sdelay $0x3  }
0x92: {  	_ =	strace s18  }
0x93: {  	s3 =	sld [smem:$0x3FFC];
	_ =	sdelay $0x3  }
0x94: {  	_ =	strace s3  }
0x95: {  	s3 =	sld [smem:$0x3FFD];
	_ =	sdelay $0x3  }
0x96: {  	_ =	strace s3  }
0x97: {  	_ =	strace $0x8FFFFFFF  }
0x98: {  	s19 =	sld [smem:$0x3FDB];
	_ =	sdelay $0x1  }
0x99: {  	s4 =	simm.s32 $_scs_section_size  }
0x9a: {  	s5 =	simm.s32 $_size__tile_overlayer_lowered;
	s6 =	simm.s32 $_tile_overlayer_lowered  }
0x9b: {  	s22 =	simm.s32 $0x1BFF;
	s21 =	sshll.u32 s6, $0x1;
	s3 =	sadd.s32 s4, s19  }
0x9c: {  	s7 =	simm.s32 $0x0;
	s20 =	sshll.u32 s5, $0x1;
	s5 =	sadd.s32 s21, s3  }
0x9d: {  	[timem:s7], [sflag:s22] =	dma.local [hbm:s5], s20  }
0x9e: {  	_ =	swait.ge [sflag:s22], s20  }
0x9f: {  	s4 =	ssub.s32 $0x0, s20;
	[sflag:s22] =	ssyncset.done $0x0  }
0xa0: {  	[sflag:s22] =	ssyncadd.s32 s4;
	_ =	sdelay $0x1  }
0xa1: {  	s23 =	simm.s32 $0x1B8B  }
0xa2: {  	_ =	swait.ge [sflag:s23], $0x1  }
0xa3: {  	[sflag:s23] =	ssyncset.done $0x0  }
0xa4: {  	s25 =	simm.s32 $0x1B8E;
	s24 =	sld [smem:$0x3FFE];
	[sflag:s23] =	ssyncadd.s32 $0xFFFFFFFF  }
0xa5: {  	s26 =	simm.s32 $execute0_lowered;
	[smem:$0x3FD2] =	sst s25  }
0xa6: {  	s5 =	sshll.u32 s26, $0x1;
	_ =	strace $0x80000049;
	[dreg:$0x1] =	wrdreg $0xFFFFFFFF  }
0xa7: {  	s28 =	simm.s32 $_size_execute0_lowered;
	s3 =	sadd.s32 s3, s5;
	[dreg:$0x0] =	wrdreg $0x0  }
0xa8: {  	s5 =	sshll.u32 s28, $0x1;
	[dreg:$0x2] =	wrdreg s3  }
0xa9: {  	[dreg:$0x3] =	wrdreg s5  }
0xaa: {  	[dreg:$0x4] =	wrdreg $0xC0  }
0xab: {  	_ =	task [dreg:s7], $0x5FFFF  }
0xac: {  	[dreg:$0x1] =	wrdreg $0xFFFFFFFF  }
0xad: {  	[dreg:$0x0] =	wrdreg $0x60  }
0xae: {  	[dreg:$0x2] =	wrdreg s24  }
0xaf: {  	[dreg:$0x3] =	wrdreg s2  }
0xb0: {  	[dreg:$0x4] =	wrdreg $0x150000  }
0xb1: {  	[dreg:$0x5] =	wrdreg $0x9  }
0xb2: {  	_ =	task.clear_ibuf [dreg:s7], $0x6FFFF;
	_ =	strace $0x90000049  }
0xb3: {  	s29 =	simm.s32 $0x9;
	_ =	strace $0x8000004B  }
0xb4: {  	_ =	swait.ge [sflag:s29], $0x1  }
0xb5: {  	[sflag:s29] =	ssyncadd.s32 $0xFFFFFFFF  }
0xb6: {  	_ =	strace $0x9000004B  }
0xb7: {  	_ =	sfence  }
0xb8: {  	s30 =	sld [smem:$0x0];
	_ =	sdelay $0x2  }
0xb9: {  	s31 =	sshll.u32 s1, $0xD;
	s1 =	sshrl.u32 s1, $0x2  }
0xba: {  	s3 =	sand.u32 $0x4000, s31;
	s1 =	sadd.s32 s1, s30  }
0xbb: {  	s0 =	sor.u32 s3, s0;
	s1 =	sshll.u32 s1, $0x11  }
0xbc: {  	s0 =	sor.u32 s1, s0  }
0xbd: {  	s0 =	sadd.s32 $0x8F2B, s0  }
0xbe: {  	[sflag:s0] =	ssyncadd.remote.s32 $0x1  }
0xbf: {  	_ =	sfence.sel $0xFFFF  }
0xc0: {  	[dreg:$0x0] =	wrdreg $0xFFFFFFFF;
	(pc) =	sbr.abs _section_cstart, $3  }
0xc1: {  	[dreg:$0x1] =	wrdreg $0xFFFFFFFF  }
0xc2: {  	_ =	task.clear_ibuf [dreg:s7], $0x2FFFF;
	_ =	strace $0x9FFFFFFF  }
0xc3: {  	(tm) =	ssettm $0x7FFFFFFF  }
tec
execute0_lowered:
.L_overlay_start_1:
0x0: {  	(tag) =	ssettag $0x1  }
0x1: {  	s0 =	srdreg.scid  }
0x2: {  	s11 =	stileid.u32;
	s1 =	rddreg [dreg:$0x0]  }
0x3: {  	s3 =	rddreg [dreg:$0x1];
	s22 =	simm.s32 $0x0;
	s12 =	simm.s32 $0x11  }
0x4: {  	s14 =	simm.s32 $0x80;
	s15 =	simm.s32 $0x5000;
	s16 =	simm.s32 $0x7000  }
0x5: {  	s18 =	simm.s32 $0x9000;
	s20 =	simm.s32 $0xB000;
	s21 =	simm.s32 $0x1  }
0x6: {  	s28 =	simm.s32 $0x4;
	s29 =	simm.s32 $0x13000;
	s30 =	simm.s32 $0x5  }
0x7: {  	s31 =	simm.s32 $0x9;
	s13 =	simm.s32 $0x8;
	s17 =	simm.s32 $0xC  }
0x8: {  	s0 =	sand.u32 $0x1, s0;
	s2 =	sshll.u32 s11, $0x1;
	s6 =	smul.u32 $0xA000, s11  }
0x9: {  	[smem:$0x7FF] =	sst s22;
	s23 =	sshll.u32 s11, $0x6;
	s22 =	simm.s32 $0xD000  }
0xa: {  	s4 =	sor.u32 s0, s2;
	s2 =	rddreg [dreg:$0x2];
	s7 =	smul.u32 $0xA0000, s0  }
0xb: {  	_ =	strace $0x8000004A;
	s0 =	ssub.s32 $0x2, s0;
	s5 =	smul.u32 $0x500, s4  }
0xc: {  	s4 =	sadd.s32 $0x30A00, s1;
	s9 =	sshrl.u32 s6, $0x3;
	s10 =	sshrl.u32 s0, $0x1  }
0xd: {  	s24 =	sadd.s32 s6, s2;
	s7 =	sadd.s32 s6, s7;
	s9 =	sadd.s32 s9, s1  }
0xe: {  	s0 =	ssub.s32 s0, s10;
	s6 =	sor.u32 $0x1C11, s23;
	s11 =	sshrl.u32 s24, $0x3  }
0xf: {  	s23 =	simm.s32 $0x2;
	s24 =	simm.s32 $0xF000;
	s8 =	sadd.s32 s5, s1  }
0x10: {  	s7 =	sshrl.u32 s7, $0x3;
	s25 =	sadd.s32 $0x4000, s9;
	s3 =	sadd.s32 s3, s5  }
.Ltmp0:
0x11: {  	s0 =	smax.u32 s0, $0x1;
	[dreg:$0x4] =	wrdreg s25;
	(pc) =	sbr.rel .LBB2_1-.Ltmp0, $4  }
0x12: {  	s9 =	simm.s32 $0x0;
	s1 =	sadd.s32 s7, s1;
	[dreg:$0x5] =	wrdreg s3  }
0x13: {  	s26 =	sadd.s32 $0x26A00, s8;
	[dreg:$0x8] =	wrdreg s0;
	s25 =	simm.s32 $0x3  }
0x14: {  	s0 =	simm.s32 $0xB;
	[dreg:$0x6] =	wrdreg s26;
	s1 =	sadd.s32 $0x57C00, s1  }
0x15: {  	s26 =	simm.s32 $0x11000;
	[dreg:$0x7] =	wrdreg s1;
	s1 =	simm.s32 $0x7  }
.LBB2_4:
0x16: {  	_ =	swait.ge [sflag:s13], $0x2000  }
0x17: {  	[sflag:s13] =	ssyncset.done $0x0  }
0x18: {  	[sflag:s13] =	ssyncadd.s32 $0xFFFFE000  }
0x19: {  	[spmem:s2] =	stream.indirect.scatter.add.f32 [tilespmem:s29], [sflag:$0x10], $0x40, s19, s14, $0xb8;
	[tilespmem:$0x1F000] =	vst v63  }
0x1a: {  	_ =	swait.ge [sflag:s17], $0x2000  }
0x1b: {  	[sflag:s17] =	ssyncset.done $0x0  }
0x1c: {  	s3 =	simm.s32 $0xD;
	[sflag:s17] =	ssyncadd.s32 $0xFFFFE000  }
0x1d: {  	_ =	swait.ge [sflag:s3], $0x2000  }
0x1e: {  	[sflag:s3] =	ssyncset.done $0x0  }
0x1f: {  	s5 =	simm.s32 $0xE;
	[sflag:s3] =	ssyncadd.s32 $0xFFFFE000  }
0x20: {  	_ =	swait.ge [sflag:s5], $0x2000  }
0x21: {  	[sflag:s5] =	ssyncset.done $0x0  }
0x22: {  	s7 =	simm.s32 $0xF;
	[sflag:s5] =	ssyncadd.s32 $0xFFFFE000  }
0x23: {  	_ =	swait.ge [sflag:s7], $0x2000  }
0x24: {  	[sflag:s7] =	ssyncset.done $0x0  }
0x25: {  	s8 =	simm.s32 $0x10;
	[sflag:s7] =	ssyncadd.s32 $0xFFFFE000  }
0x26: {  	_ =	swait.ge [sflag:s8], $0x2000  }
0x27: {  	[sflag:s8] =	ssyncset.done $0x0  }
0x28: {  	[sflag:s8] =	ssyncadd.s32 $0xFFFFE000  }
0x29: {  	[bflag:$0x0] =	sbarrier.arrive $0xFFFF  }
0x2a: {  	s10 =	rddreg [dreg:$0x7]  }
0x2b: {  	[hbm:s10], [sflag:s6] =	dma.local [spmem:s11], $0x1400  }
0x2c: {  	_ =	swait.ge [sflag:s12], $0x1400  }
0x2d: {  	s9 =	sadd.s32 $0x1, s9;
	s19 =	rddreg [dreg:$0x8]  }
0x2e: {  	p0 =	sne.s32 s9, s19  }
.Ltmp1:
0x2f: {  	_ = 	snop;
	(pc) =	sbr.rel @!p0 .LBB2_5-.Ltmp1, $3  }
0x30: {  	_ =	sdelay $0x1  }
0x31: {  	[sflag:s12] =	ssyncset.done $0x0  }
0x32: {  	[sflag:s12] =	ssyncadd.s32 $0xFFFFEC00  }
.LBB2_1:
0x33: {  	s3 =	rddreg [dreg:$0x4]  }
0x34: {  	[spmem:s11], [sflag:s6] =	dma.local [hbm:s3], $0x1400  }
0x35: {  	_ =	swait.ge [sflag:s12], $0x1400  }
0x36: {  	[sflag:s12] =	ssyncset.done $0x0  }
0x37: {  	s19 =	simm.s32 $0x0;
	s5 =	rddreg [dreg:$0x5];
	[sflag:s12] =	ssyncadd.s32 $0xFFFFEC00  }
0x38: {  	[tilespmem:s19], [sflag:$0x11] =	stream.linear.gather [hbm4b:s5+s19], $0x2800, $0x38;
	[tilespmem:$0x1F000] =	vst v63  }
0x39: {  	_ =	swait.ge [sflag:s12], $0x2800  }
0x3a: {  	[sflag:s12] =	ssyncset.done $0x0  }
0x3b: {  	s7 =	simm.s32 $0x2800;
	s8 =	rddreg [dreg:$0x6];
	[sflag:s12] =	ssyncadd.s32 $0xFFFFD800  }
0x3c: {  	[tilespmem:s7], [sflag:$0x11] =	stream.linear.gather [hbm4b:s8+s19], $0x2800, $0x38;
	[tilespmem:$0x1F000] =	vst v63  }
0x3d: {  	_ =	swait.ge [sflag:s12], $0x2800  }
0x3e: {  	[sflag:s12] =	ssyncset.done $0x0  }
0x3f: {  	[sflag:s12] =	ssyncadd.s32 $0xFFFFD800  }
0x40: {  	[bflag:$0x0] =	sbarrier.arrive $0xFFFF  }
0x41: {  	[tilespmem:s15], [sflag:$0x1] =	stream.indirect.gather [hbm4b:s4+s14], $0x40, s19, s14, $0xb8;
	[tilespmem:$0x1F000] =	vst v63  }
0x42: {  	_ = 	snop  }
0x43: {  	[tilespmem:s16], [sflag:$0x2] =	stream.indirect.gather [hbm4b:s4+s14], $0x40, s14, s14, $0xb8;
	[tilespmem:$0x1F000] =	vst v63  }
0x44: {  	s10 =	simm.s32 $0x100  }
0x45: {  	[tilespmem:s18], [sflag:$0x3] =	stream.indirect.gather [hbm4b:s4+s14], $0x40, s10, s14, $0xb8;
	[tilespmem:$0x1F000] =	vst v63  }
0x46: {  	s19 =	simm.s32 $0x180;
	s10 =	simm.s32 $0x0  }
0x47: {  	[tilespmem:s20], [sflag:$0x4] =	stream.indirect.gather [hbm4b:s4+s14], $0x40, s19, s14, $0xb8;
	[tilespmem:$0x1F000] =	vst v63  }
.LBB2_2:
0x48: {  	_ =	swait.ge [sflag:s21], $0x2000  }
0x49: {  	s3 =	sshra.s32 s10, $0x2;
	[sflag:s21] =	ssyncset.done $0x0  }
0x4a: {  	p0 =	seq.s32 s10, $0x0;
	s19 =	sadd.s32 $0x2800, s3;
	[sflag:s21] =	ssyncadd.s32 $0xFFFFE000  }
0x4b: {  	[spmem:s2] =	stream.indirect.scatter.add.f32 [tilespmem:s15], [sflag:$0x9], $0x40, s19, s14, $0xb8;
	[tilespmem:$0x1F000] =	vst v63  }
0x4c: {  	s19 =	simm.s32 @!p0 $0xD  }
0x4d: {  	_ =	swait.ge @!p0 [sflag:s19], $0x2000  }
0x4e: {  	[sflag:s19] =	ssyncset.done @!p0 $0x0  }
0x4f: {  	s7 =	sadd.s32 $0x200, s3;
	[sflag:s19] =	ssyncadd.s32 @!p0 $0xFFFFE000  }
0x50: {  	[tilespmem:s22], [sflag:$0x5] =	stream.indirect.gather [hbm4b:s4+s14], $0x40, s7, s14, $0xb8;
	[tilespmem:$0x1F000] =	vst v63  }
0x51: {  	_ =	swait.ge [sflag:s23], $0x2000  }
0x52: {  	[sflag:s23] =	ssyncset.done $0x0  }
0x53: {  	s8 =	sadd.s32 $0x2880, s3;
	s19 =	simm.s32 @!p0 $0xE;
	[sflag:s23] =	ssyncadd.s32 $0xFFFFE000  }
0x54: {  	[spmem:s2] =	stream.indirect.scatter.add.f32 [tilespmem:s16], [sflag:$0xA], $0x40, s8, s14, $0xb8;
	[tilespmem:$0x1F000] =	vst v63  }
0x55: {  	_ =	swait.ge @!p0 [sflag:s19], $0x2000  }
0x56: {  	[sflag:s19] =	ssyncset.done @!p0 $0x0  }
0x57: {  	s5 =	sadd.s32 $0x280, s3;
	[sflag:s19] =	ssyncadd.s32 @!p0 $0xFFFFE000  }
0x58: {  	[tilespmem:s24], [sflag:$0x6] =	stream.indirect.gather [hbm4b:s4+s14], $0x40, s5, s14, $0xb8;
	[tilespmem:$0x1F000] =	vst v63  }
0x59: {  	_ =	swait.ge [sflag:s25], $0x2000  }
0x5a: {  	[sflag:s25] =	ssyncset.done $0x0  }
0x5b: {  	s7 =	sadd.s32 $0x2900, s3;
	s19 =	simm.s32 @!p0 $0xF;
	[sflag:s25] =	ssyncadd.s32 $0xFFFFE000  }
0x5c: {  	[spmem:s2] =	stream.indirect.scatter.add.f32 [tilespmem:s18], [sflag:$0xB], $0x40, s7, s14, $0xb8;
	[tilespmem:$0x1F000] =	vst v63  }
0x5d: {  	_ =	swait.ge @!p0 [sflag:s19], $0x2000  }
0x5e: {  	[sflag:s19] =	ssyncset.done @!p0 $0x0  }
0x5f: {  	s8 =	sadd.s32 $0x300, s3;
	[sflag:s19] =	ssyncadd.s32 @!p0 $0xFFFFE000  }
0x60: {  	[tilespmem:s26], [sflag:$0x7] =	stream.indirect.gather [hbm4b:s4+s14], $0x40, s8, s14, $0xb8;
	[tilespmem:$0x1F000] =	vst v63  }
0x61: {  	_ =	swait.ge [sflag:s28], $0x2000  }
0x62: {  	[sflag:s28] =	ssyncset.done $0x0  }
0x63: {  	s5 =	sadd.s32 $0x2980, s3;
	s19 =	simm.s32 @!p0 $0x10;
	[sflag:s28] =	ssyncadd.s32 $0xFFFFE000  }
0x64: {  	[spmem:s2] =	stream.indirect.scatter.add.f32 [tilespmem:s20], [sflag:$0xC], $0x40, s5, s14, $0xb8;
	[tilespmem:$0x1F000] =	vst v63  }
0x65: {  	_ =	swait.ge @!p0 [sflag:s19], $0x2000  }
0x66: {  	[sflag:s19] =	ssyncset.done @!p0 $0x0  }
0x67: {  	s7 =	sadd.s32 $0x380, s3;
	[sflag:s19] =	ssyncadd.s32 @!p0 $0xFFFFE000  }
0x68: {  	[tilespmem:s29], [sflag:$0x8] =	stream.indirect.gather [hbm4b:s4+s14], $0x40, s7, s14, $0xb8;
	[tilespmem:$0x1F000] =	vst v63  }
0x69: {  	_ =	swait.ge [sflag:s30], $0x2000  }
0x6a: {  	[sflag:s30] =	ssyncset.done $0x0  }
0x6b: {  	s8 =	sadd.s32 $0x2A00, s3;
	[sflag:s30] =	ssyncadd.s32 $0xFFFFE000  }
0x6c: {  	[spmem:s2] =	stream.indirect.scatter.add.f32 [tilespmem:s22], [sflag:$0xD], $0x40, s8, s14, $0xb8;
	[tilespmem:$0x1F000] =	vst v63  }
0x6d: {  	_ =	swait.ge [sflag:s31], $0x2000  }
0x6e: {  	p0 =	seq.s32 s10, $0x9000;
	[sflag:s31] =	ssyncset.done $0x0  }
0x6f: {  	s19 =	simm.s32 @p0 $0x6;
	[sflag:s31] =	ssyncadd.s32 $0xFFFFE000  }
0x70: {  	_ =	swait.ge @p0 [sflag:s19], $0x2000  }
0x71: {  	[sflag:s19] =	ssyncset.done @p0 $0x0  }
0x72: {  	[sflag:s19] =	ssyncadd.s32 @p0 $0xFFFFE000;
	s19 =	sshra.s32 @p0 s10, $0x2  }
0x73: {  	s5 =	simm.s32 @p0 $0x80;
	s7 =	simm.s32 @p0 $0xF000;
	s19 =	sadd.s32 @p0 $0x2A80, s19  }
0x74: {  	[spmem:s2] =	stream.indirect.scatter.add.f32 @p0 [tilespmem:s7], [sflag:$0xE], $0x40, s19, s5, $0xb8;
	[tilespmem:$0x1F000] =	vst v63  }
0x75: {  	s5 =	simm.s32 @p0 $0xA  }
0x76: {  	_ =	swait.ge @p0 [sflag:s5], $0x2000  }
0x77: {  	[sflag:s5] =	ssyncset.done @p0 $0x0  }
0x78: {  	[sflag:s5] =	ssyncadd.s32 @p0 $0xFFFFE000;
	s5 =	sshra.s32 @!p0 s10, $0x2  }
0x79: {  	s8 =	simm.s32 @!p0 $0x5000;
	s19 =	simm.s32 @!p0 $0x80;
	s7 =	sadd.s32 @!p0 $0x400, s5  }
0x7a: {  	[tilespmem:s8], [sflag:$0x1] =	stream.indirect.gather @!p0 [hbm4b:s4+s19], $0x40, s7, s19, $0xb8;
	[tilespmem:$0x1F000] =	vst v63  }
0x7b: {  	s7 =	simm.s32 @!p0 $0x6  }
0x7c: {  	_ =	swait.ge @!p0 [sflag:s7], $0x2000  }
0x7d: {  	[sflag:s7] =	ssyncset.done @!p0 $0x0  }
0x7e: {  	s8 =	simm.s32 @!p0 $0xF000;
	[sflag:s7] =	ssyncadd.s32 @!p0 $0xFFFFE000;
	s7 =	sadd.s32 @!p0 $0x2A80, s5  }
0x7f: {  	[spmem:s2] =	stream.indirect.scatter.add.f32 @!p0 [tilespmem:s8], [sflag:$0xE], $0x40, s7, s19, $0xb8;
	[tilespmem:$0x1F000] =	vst v63  }
0x80: {  	s7 =	simm.s32 @!p0 $0xA  }
0x81: {  	_ =	swait.ge @!p0 [sflag:s7], $0x2000  }
0x82: {  	[sflag:s7] =	ssyncset.done @!p0 $0x0  }
0x83: {  	s5 =	sadd.s32 @!p0 $0x480, s5;
	[sflag:s7] =	ssyncadd.s32 @!p0 $0xFFFFE000;
	s7 =	simm.s32 @!p0 $0x7000  }
0x84: {  	[tilespmem:s7], [sflag:$0x2] =	stream.indirect.gather @!p0 [hbm4b:s4+s19], $0x40, s5, s19, $0xb8;
	[tilespmem:$0x1F000] =	vst v63  }
0x85: {  	_ =	swait.ge [sflag:s1], $0x2000  }
0x86: {  	[sflag:s1] =	ssyncset.done $0x0  }
.Ltmp2:
0x87: {  	s19 =	sadd.s32 $0x2B00, s3;
	[sflag:s1] =	ssyncadd.s32 $0xFFFFE000;
	(pc) =	sbr.rel @p0 .LBB2_4-.Ltmp2, $4  }
0x88: {  	[spmem:s2] =	stream.indirect.scatter.add.f32 [tilespmem:s26], [sflag:$0xF], $0x40, s19, s14, $0xb8;
	[tilespmem:$0x1F000] =	vst v63  }
0x89: {  	_ =	swait.ge [sflag:s0], $0x2000  }
0x8a: {  	[sflag:s0] =	ssyncset.done $0x0  }
0x8b: {  	s19 =	sadd.s32 $0x2B80, s3;
	[sflag:s0] =	ssyncadd.s32 $0xFFFFE000  }
0x8c: {  	s5 =	sadd.s32 $0x500, s3  }
0x8d: {  	[tilespmem:s18], [sflag:$0x3] =	stream.indirect.gather [hbm4b:s4+s14], $0x40, s5, s14, $0xb8;
	[tilespmem:$0x1F000] =	vst v63  }
0x8e: {  	_ =	swait.ge [sflag:s13], $0x2000  }
0x8f: {  	[sflag:s13] =	ssyncset.done $0x0  }
0x90: {  	[sflag:s13] =	ssyncadd.s32 $0xFFFFE000  }
0x91: {  	[spmem:s2] =	stream.indirect.scatter.add.f32 [tilespmem:s29], [sflag:$0x10], $0x40, s19, s14, $0xb8;
	[tilespmem:$0x1F000] =	vst v63  }
.Ltmp3:
0x92: {  	_ = 	snop;
	(pc) =	sbr.rel .LBB2_2-.Ltmp3, $4  }
0x93: {  	_ =	swait.ge [sflag:s17], $0x2000  }
0x94: {  	[sflag:s17] =	ssyncset.done $0x0  }
0x95: {  	s10 =	sadd.s32 $0x1000, s10;
	s19 =	sadd.s32 $0x580, s3;
	[sflag:s17] =	ssyncadd.s32 $0xFFFFE000  }
0x96: {  	[tilespmem:s20], [sflag:$0x4] =	stream.indirect.gather [hbm4b:s4+s14], $0x40, s19, s14, $0xb8;
	[tilespmem:$0x1F000] =	vst v63  }
.LBB2_5:
0x97: {  	_ =	sfence.sel $0x180000  }
0x98: {  	[bflag:$0x0] =	sbarrier.arrive $0xFFFF  }
0x99: {  	_ =	strace $0x9000004A  }
0x9a: {  	s0 =	stileid.u32;
	[bflag:$0x2] =	sbarrier.arrive $0xFFFF  }
0x9b: {  	p0 =	sne.s32 s0, $0x0;
	s0 =	rddreg [dreg:$0x3]  }
0x9c: {  	s0 =	sadd.s32 @!p0 $0x100000, s0  }
0x9d: {  	[sflag:s0] =	ssyncadd.tile.s32 @!p0 $0x1;
	_ =	shalt  }
.Lfunc_end2:
_tile_overlayer_lowered:
.L_overlay_start_2:
0x9e: {  	(tag) =	ssettag $0x2  }
0x9f: {  	s0 =	rddreg [dreg:$0x0];
	s2 =	stileid.u32  }
0xa0: {  	s1 =	rddreg [dreg:$0x1];
	p0 =	sne.s32 s2, $0x0  }
0xa1: {  	s3 =	rddreg [dreg:$0x2];
	[bflag:$0x3] =	sbarrier.arrive $0xFFFF;
	s2 =	simm.s32 @!p0 $0x1C11  }
0xa2: {  	[timem:s3], [sflag:s2] =	dma.local @!p0 [hbm:s0], s1  }
0xa3: {  	s0 =	simm.s32 @!p0 $0x11  }
0xa4: {  	_ =	swait.ge @!p0 [sflag:s0], s1  }
0xa5: {  	s1 =	ssub.s32 @!p0 $0x0, s1;
	[sflag:s0] =	ssyncset.done @!p0 $0x0  }
0xa6: {  	[sflag:s0] =	ssyncadd.s32 @!p0 s1  }
0xa7: {  	[bflag:$0x3] =	sbarrier.arrive $0xFFFF  }
0xa8: {  	_ =	shalt  }

// kernel: kernel.17.cloned.1.call-start
scs
__scs_entry_jumppad:
0x0: {  	(pc) =	sbr.rel $0x88, $3  }
0x1: {  	(tag) =	ssettag $0x0;
	lr =	simm.s32 $0x1  }
0x2: {  	[smem:$0x3F96] =	sst lr;
	_ =	strace $0xD0000000  }
0x3: {  	_ = 	snop  }
0x4: {  	_ = 	snop  }
0x5: {  	_ = 	snop  }
0x6: {  	_ = 	snop  }
0x7: {  	_ = 	snop  }
__scs_overlays_trampoline_lowered:
0x8: {  	[smem:$0x3FA5] =	sst s0  }
0x9: {  	[smem:$0x3FA6] =	sst s1  }
0xa: {  	[smem:$0x3FA7] =	sst s2  }
0xb: {  	[smem:$0x3FA8] =	sst s3  }
0xc: {  	[smem:$0x3FA9] =	sst s4  }
0xd: {  	[smem:$0x3FAA] =	sst s5  }
0xe: {  	[smem:$0x3FAB] =	sst s6  }
0xf: {  	[smem:$0x3FAC] =	sst s7  }
0x10: {  	[smem:$0x3FAD] =	sst s8  }
0x11: {  	[smem:$0x3FAE] =	sst s9;
	s0 =	simm.s32 @!p0 $0x0  }
0x12: {  	s1 =	sld [smem:$0x3F94];
	s0 =	simm.s32 @p0 $0x1  }
0x13: {  	[smem:$0x3FAF] =	sst s0;
	s0 =	simm.s32 @!p1 $0x0  }
0x14: {  	s2 =	sld [smem:$0x3F93];
	s0 =	simm.s32 @p1 $0x1  }
0x15: {  	[smem:$0x3FB0] =	sst s0;
	s0 =	simm.s32 @!p2 $0x0  }
0x16: {  	s3 =	sld [smem:$0x3FDB];
	s0 =	simm.s32 @p2 $0x1  }
0x17: {  	s4 =	simm.s32 $0x1BF5;
	[smem:$0x3FB2] =	sst s0  }
0x18: {  	s0 =	sld [smem:$0x3F95];
	_ =	swait.ge [sflag:s4], $0x0  }
0x19: {  	s7 =	sld [smem:$0x3F96]  }
0x1a: {  	s8 =	sadd.s32 $0xFFFFE003, lr  }
0x1b: {  	s9 =	sadd.s32 $0xFFFFFEF7, lr;
	s5 =	simm.s32 $0xFFFFFFFF;
	p2 =	slt.u32 s8, $0xFFFFF086  }
0x1c: {  	p1 =	slt.u32 s9, $0xF7A;
	s5 =	simm.s32 @!p2 $0x0  }
0x1d: {  	s5 =	simm.s32 @p1 $0x1;
	p0 =	seq.s32 s7, s2  }
0x1e: {  	s7 =	smul.u32 @!p0 $0xF7A, s2;
	p2 =	seq.s32 @!p0 s5, $0x0  }
0x1f: {  	s9 =	smul.u32 $0xF7A, s1;
	s8 =	simm.s32 @!p0 $0x1BF5;
	p2 =	por !p2, p0  }
0x20: {  	[sflag:s8] =	ssyncset.s32 @!p0 $0xFFFFF086;
	s6 =	sadd.s32 @!p0 s3, s7;
	s7 =	simm.s32 @!p0 $0x108  }
0x21: {  	s3 =	sadd.s32 s3, s9;
	s6 =	sadd.s32 @!p0 $0x88, s6;
	s7 =	simm.s32 @p2 $0x1082  }
0x22: {  	[simem:s7], [sflag:s8] =	dma.local @!p0 [hbm:s6], $0xF7A  }
0x23: {  	s9 =	sor.u32 $0xD0000000, s2;
	s6 =	simm.s32 $0x108;
	_ =	swait.ge @!p0 [sflag:s8], $0x0  }
0x24: {  	s3 =	sadd.s32 $0x88, s3;
	s6 =	simm.s32 @!p1 $0x1082;
	[sflag:s4] =	ssyncset.s32 $0xFFFFF086  }
0x25: {  	[simem:s6], [sflag:s4] =	dma.local [hbm:s3], $0xF7A  }
0x26: {  	[smem:$0x3F96] =	sst s1;
	(tag) =	ssettag s2;
	_ =	strace s9  }
0x27: {  	s1 =	sld [smem:$0x3FA6]  }
0x28: {  	s2 =	sld [smem:$0x3FA7]  }
0x29: {  	s4 =	sld [smem:$0x3FA9]  }
0x2a: {  	p0 =	seq.s32 s5, $0x0;
	s5 =	sld [smem:$0x3FAA]  }
0x2b: {  	s6 =	sld [smem:$0x3FAB]  }
0x2c: {  	s7 =	sld [smem:$0x3FAC]  }
0x2d: {  	s3 =	simm.s32 $0x108;
	s8 =	sld [smem:$0x3FAD]  }
0x2e: {  	s3 =	simm.s32 @!p0 $0x1082;
	s9 =	sld [smem:$0x3FAE]  }
0x2f: {  	lr =	sadd.s32 s0, s3;
	s0 =	sld [smem:$0x3FA5]  }
0x30: {  	s3 =	sld [smem:$0x3FA8]  }
0x31: {  	[smem:$0x3FB1] =	sst s10  }
0x32: {  	s10 =	sld [smem:$0x3FAF];
	_ =	sdelay $0x3  }
0x33: {  	p0 =	seq.s32 s10, $0x1;
	s10 =	sld [smem:$0x3FB1];
	_ =	sdelay $0x3  }
0x34: {  	[smem:$0x3FB1] =	sst s10  }
0x35: {  	s10 =	sld [smem:$0x3FB0];
	_ =	sdelay $0x3  }
0x36: {  	p1 =	seq.s32 s10, $0x1;
	s10 =	sld [smem:$0x3FB1];
	_ =	sdelay $0x3  }
0x37: {  	[smem:$0x3FB1] =	sst s10  }
0x38: {  	s10 =	sld [smem:$0x3FB2]  }
0x39: {  	_ = 	snop;
	(pc) =	sbr.ind lr, $3  }
0x3a: {  	_ = 	snop  }
0x3b: {  	_ = 	snop  }
0x3c: {  	p2 =	seq.s32 s10, $0x1;
	s10 =	sld [smem:$0x3FB1]  }
0x3d: {  	_ =	shalt  }
0x3e: {  	_ =	shalt  }
0x3f: {  	_ =	shalt  }
0x40: {  	_ =	shalt  }
0x41: {  	_ =	shalt  }
0x42: {  	_ =	shalt  }
0x43: {  	_ =	shalt  }
0x44: {  	_ =	shalt  }
0x45: {  	_ =	shalt  }
0x46: {  	_ =	shalt  }
0x47: {  	_ =	shalt  }
0x48: {  	_ =	shalt  }
0x49: {  	_ =	shalt  }
0x4a: {  	_ =	shalt  }
0x4b: {  	_ =	shalt  }
0x4c: {  	_ =	shalt  }
0x4d: {  	_ =	shalt  }
0x4e: {  	_ =	shalt  }
0x4f: {  	_ =	shalt  }
0x50: {  	_ =	shalt  }
0x51: {  	_ =	shalt  }
0x52: {  	_ =	shalt  }
0x53: {  	_ =	shalt  }
0x54: {  	_ =	shalt  }
0x55: {  	_ =	shalt  }
0x56: {  	_ =	shalt  }
0x57: {  	_ =	shalt  }
0x58: {  	_ =	shalt  }
0x59: {  	_ =	shalt  }
0x5a: {  	_ =	shalt  }
0x5b: {  	_ =	shalt  }
0x5c: {  	_ =	shalt  }
0x5d: {  	_ =	shalt  }
0x5e: {  	_ =	shalt  }
0x5f: {  	_ =	shalt  }
0x60: {  	_ =	shalt  }
0x61: {  	_ =	shalt  }
0x62: {  	_ =	shalt  }
0x63: {  	_ =	shalt  }
0x64: {  	_ =	shalt  }
0x65: {  	_ =	shalt  }
0x66: {  	_ =	shalt  }
0x67: {  	_ =	shalt  }
0x68: {  	_ =	shalt  }
0x69: {  	_ =	shalt  }
0x6a: {  	_ =	shalt  }
0x6b: {  	_ =	shalt  }
0x6c: {  	_ =	shalt  }
0x6d: {  	_ =	shalt  }
0x6e: {  	_ =	shalt  }
0x6f: {  	_ =	shalt  }
0x70: {  	_ =	shalt  }
0x71: {  	_ =	shalt  }
0x72: {  	_ =	shalt  }
0x73: {  	_ =	shalt  }
0x74: {  	_ =	shalt  }
0x75: {  	_ =	shalt  }
0x76: {  	_ =	shalt  }
0x77: {  	_ =	shalt  }
0x78: {  	_ =	shalt  }
0x79: {  	_ =	shalt  }
0x7a: {  	_ =	shalt  }
0x7b: {  	_ =	shalt  }
0x7c: {  	_ =	shalt  }
0x7d: {  	_ =	shalt  }
0x7e: {  	_ =	shalt  }
0x7f: {  	_ =	shalt  }
0x80: {  	_ =	shalt  }
0x81: {  	_ =	shalt  }
0x82: {  	_ =	shalt  }
0x83: {  	_ =	shalt  }
0x84: {  	_ =	shalt  }
0x85: {  	_ =	shalt  }
0x86: {  	_ =	shalt  }
0x87: {  	_ =	shalt  }
.Lfunc_end0:
.L_simem_size_0:
called_computation.2_lowered:
.L_overlay_start_0:
0x88: {  	s2 =	sld [smem:$0x3FD9]  }
0x89: {  	s3 =	sld [smem:$0x3FFE];
	_ =	sdelay $0x1  }
0x8a: {  	s1 =	srdreg.scid  }
0x8b: {  	s0 =	sand.u32 $0x1, s1  }
0x8c: {  	s17 =	sshll.u32 s0, $0xA;
	s2 =	sadd.s32 s3, s2  }
0x8d: {  	s2 =	sadd.s32 s2, s17  }
0x8e: {  	[smem:$0x3FBD] =	sst s2  }
0x8f: {  	_ = 	snop  }
0x90: {  	s2 =	sld [smem:$0x3FD0];
	(tm) =	ssettm $0x1  }
0x91: {  	s18 =	sld [smem:$0x3FFB];
	_ =	sdelay $0x3  }
0x92: {  	_ =	strace s18  }
0x93: {  	s3 =	sld [smem:$0x3FFC];
	_ =	sdelay $0x3  }
0x94: {  	_ =	strace s3  }
0x95: {  	s3 =	sld [smem:$0x3FFD];
	_ =	sdelay $0x3  }
0x96: {  	_ =	strace s3  }
0x97: {  	_ =	strace $0x8FFFFFFF  }
0x98: {  	s19 =	sld [smem:$0x3FDB];
	_ =	sdelay $0x1  }
0x99: {  	s4 =	simm.s32 $_scs_section_size  }
0x9a: {  	s5 =	simm.s32 $_size__tile_overlayer_lowered;
	s6 =	simm.s32 $_tile_overlayer_lowered  }
0x9b: {  	s22 =	simm.s32 $0x1BFF;
	s21 =	sshll.u32 s6, $0x1;
	s3 =	sadd.s32 s4, s19  }
0x9c: {  	s7 =	simm.s32 $0x0;
	s20 =	sshll.u32 s5, $0x1;
	s5 =	sadd.s32 s21, s3  }
0x9d: {  	[timem:s7], [sflag:s22] =	dma.local [hbm:s5], s20  }
0x9e: {  	_ =	swait.ge [sflag:s22], s20  }
0x9f: {  	s4 =	ssub.s32 $0x0, s20;
	[sflag:s22] =	ssyncset.done $0x0  }
0xa0: {  	[sflag:s22] =	ssyncadd.s32 s4;
	_ =	sdelay $0x1  }
0xa1: {  	s23 =	simm.s32 $0x1B8B  }
0xa2: {  	_ =	swait.ge [sflag:s23], $0x1  }
0xa3: {  	[sflag:s23] =	ssyncset.done $0x0  }
0xa4: {  	s25 =	simm.s32 $0x1B8E;
	s24 =	sld [smem:$0x3FFE];
	[sflag:s23] =	ssyncadd.s32 $0xFFFFFFFF  }
0xa5: {  	s26 =	simm.s32 $execute0_lowered;
	[smem:$0x3FD2] =	sst s25  }
0xa6: {  	s5 =	sshll.u32 s26, $0x1;
	_ =	strace $0x8000004C;
	[dreg:$0x1] =	wrdreg $0xFFFFFFFF  }
0xa7: {  	s28 =	simm.s32 $_size_execute0_lowered;
	s3 =	sadd.s32 s3, s5;
	[dreg:$0x0] =	wrdreg $0x0  }
0xa8: {  	s5 =	sshll.u32 s28, $0x1;
	[dreg:$0x2] =	wrdreg s3  }
0xa9: {  	[dreg:$0x3] =	wrdreg s5  }
0xaa: {  	[dreg:$0x4] =	wrdreg $0xC0  }
0xab: {  	_ =	task [dreg:s7], $0x5FFFF  }
0xac: {  	[dreg:$0x1] =	wrdreg $0xFFFFFFFF  }
0xad: {  	[dreg:$0x0] =	wrdreg $0x60  }
0xae: {  	[dreg:$0x2] =	wrdreg s24  }
0xaf: {  	[dreg:$0x3] =	wrdreg s2  }
0xb0: {  	[dreg:$0x4] =	wrdreg $0x150000  }
0xb1: {  	[dreg:$0x5] =	wrdreg $0x9  }
0xb2: {  	_ =	task.clear_ibuf [dreg:s7], $0x6FFFF;
	_ =	strace $0x9000004C  }
0xb3: {  	s29 =	simm.s32 $0x9;
	_ =	strace $0x8000004E  }
0xb4: {  	_ =	swait.ge [sflag:s29], $0x1  }
0xb5: {  	[sflag:s29] =	ssyncadd.s32 $0xFFFFFFFF  }
0xb6: {  	_ =	strace $0x9000004E  }
0xb7: {  	_ =	sfence  }
0xb8: {  	s30 =	sld [smem:$0x0];
	_ =	sdelay $0x2  }
0xb9: {  	s31 =	sshll.u32 s1, $0xD;
	s1 =	sshrl.u32 s1, $0x2  }
0xba: {  	s3 =	sand.u32 $0x4000, s31;
	s1 =	sadd.s32 s1, s30  }
0xbb: {  	s0 =	sor.u32 s3, s0;
	s1 =	sshll.u32 s1, $0x11  }
0xbc: {  	s0 =	sor.u32 s1, s0  }
0xbd: {  	s0 =	sadd.s32 $0x8F2B, s0  }
0xbe: {  	[sflag:s0] =	ssyncadd.remote.s32 $0x1  }
0xbf: {  	_ =	sfence.sel $0xFFFF  }
0xc0: {  	[dreg:$0x0] =	wrdreg $0xFFFFFFFF;
	(pc) =	sbr.abs _section_cstart, $3  }
0xc1: {  	[dreg:$0x1] =	wrdreg $0xFFFFFFFF  }
0xc2: {  	_ =	task.clear_ibuf [dreg:s7], $0x2FFFF;
	_ =	strace $0x9FFFFFFF  }
0xc3: {  	(tm) =	ssettm $0x7FFFFFFF  }
tec
execute0_lowered:
.L_overlay_start_1:
0x0: {  	(tag) =	ssettag $0x1  }
0x1: {  	s0 =	srdreg.scid  }
0x2: {  	s11 =	stileid.u32;
	s1 =	rddreg [dreg:$0x0]  }
0x3: {  	s3 =	rddreg [dreg:$0x1];
	s22 =	simm.s32 $0x0;
	s12 =	simm.s32 $0x11  }
0x4: {  	s14 =	simm.s32 $0x80;
	s15 =	simm.s32 $0x5000;
	s16 =	simm.s32 $0x7000  }
0x5: {  	s18 =	simm.s32 $0x9000;
	s20 =	simm.s32 $0xB000;
	s21 =	simm.s32 $0x1  }
0x6: {  	s28 =	simm.s32 $0x4;
	s29 =	simm.s32 $0x13000;
	s30 =	simm.s32 $0x5  }
0x7: {  	s31 =	simm.s32 $0x9;
	s13 =	simm.s32 $0x8;
	s17 =	simm.s32 $0xC  }
0x8: {  	s0 =	sand.u32 $0x1, s0;
	s2 =	sshll.u32 s11, $0x1;
	s6 =	smul.u32 $0xA000, s11  }
0x9: {  	[smem:$0x7FF] =	sst s22;
	s23 =	sshll.u32 s11, $0x6;
	s22 =	simm.s32 $0xD000  }
0xa: {  	s4 =	sor.u32 s0, s2;
	s2 =	rddreg [dreg:$0x2];
	s7 =	smul.u32 $0xA0000, s0  }
0xb: {  	_ =	strace $0x8000004D;
	s0 =	ssub.s32 $0x2, s0;
	s5 =	smul.u32 $0x500, s4  }
0xc: {  	s4 =	sadd.s32 $0x30A00, s1;
	s9 =	sshrl.u32 s6, $0x3;
	s10 =	sshrl.u32 s0, $0x1  }
0xd: {  	s24 =	sadd.s32 s6, s2;
	s7 =	sadd.s32 s6, s7;
	s9 =	sadd.s32 s9, s1  }
0xe: {  	s0 =	ssub.s32 s0, s10;
	s6 =	sor.u32 $0x1C11, s23;
	s11 =	sshrl.u32 s24, $0x3  }
0xf: {  	s23 =	simm.s32 $0x2;
	s24 =	simm.s32 $0xF000;
	s8 =	sadd.s32 s5, s1  }
0x10: {  	s7 =	sshrl.u32 s7, $0x3;
	s25 =	sadd.s32 $0x4000, s9;
	s3 =	sadd.s32 s3, s5  }
.Ltmp0:
0x11: {  	s0 =	smax.u32 s0, $0x1;
	[dreg:$0x4] =	wrdreg s25;
	(pc) =	sbr.rel .LBB2_1-.Ltmp0, $4  }
0x12: {  	s9 =	simm.s32 $0x0;
	s1 =	sadd.s32 s7, s1;
	[dreg:$0x5] =	wrdreg s3  }
0x13: {  	s26 =	sadd.s32 $0x26A00, s8;
	[dreg:$0x8] =	wrdreg s0;
	s25 =	simm.s32 $0x3  }
0x14: {  	s0 =	simm.s32 $0xB;
	[dreg:$0x6] =	wrdreg s26;
	s1 =	sadd.s32 $0x57C00, s1  }
0x15: {  	s26 =	simm.s32 $0x11000;
	[dreg:$0x7] =	wrdreg s1;
	s1 =	simm.s32 $0x7  }
.LBB2_4:
0x16: {  	_ =	swait.ge [sflag:s13], $0x2000  }
0x17: {  	[sflag:s13] =	ssyncset.done $0x0  }
0x18: {  	[sflag:s13] =	ssyncadd.s32 $0xFFFFE000  }
0x19: {  	[spmem:s2] =	stream.indirect.scatter.add.f32 [tilespmem:s29], [sflag:$0x10], $0x40, s19, s14, $0xb8;
	[tilespmem:$0x1F000] =	vst v63  }
0x1a: {  	_ =	swait.ge [sflag:s17], $0x2000  }
0x1b: {  	[sflag:s17] =	ssyncset.done $0x0  }
0x1c: {  	s3 =	simm.s32 $0xD;
	[sflag:s17] =	ssyncadd.s32 $0xFFFFE000  }
0x1d: {  	_ =	swait.ge [sflag:s3], $0x2000  }
0x1e: {  	[sflag:s3] =	ssyncset.done $0x0  }
0x1f: {  	s5 =	simm.s32 $0xE;
	[sflag:s3] =	ssyncadd.s32 $0xFFFFE000  }
0x20: {  	_ =	swait.ge [sflag:s5], $0x2000  }
0x21: {  	[sflag:s5] =	ssyncset.done $0x0  }
0x22: {  	s7 =	simm.s32 $0xF;
	[sflag:s5] =	ssyncadd.s32 $0xFFFFE000  }
0x23: {  	_ =	swait.ge [sflag:s7], $0x2000  }
0x24: {  	[sflag:s7] =	ssyncset.done $0x0  }
0x25: {  	s8 =	simm.s32 $0x10;
	[sflag:s7] =	ssyncadd.s32 $0xFFFFE000  }
0x26: {  	_ =	swait.ge [sflag:s8], $0x2000  }
0x27: {  	[sflag:s8] =	ssyncset.done $0x0  }
0x28: {  	[sflag:s8] =	ssyncadd.s32 $0xFFFFE000  }
0x29: {  	[bflag:$0x0] =	sbarrier.arrive $0xFFFF  }
0x2a: {  	s10 =	rddreg [dreg:$0x7]  }
0x2b: {  	[hbm:s10], [sflag:s6] =	dma.local [spmem:s11], $0x1400  }
0x2c: {  	_ =	swait.ge [sflag:s12], $0x1400  }
0x2d: {  	s9 =	sadd.s32 $0x1, s9;
	s19 =	rddreg [dreg:$0x8]  }
0x2e: {  	p0 =	sne.s32 s9, s19  }
.Ltmp1:
0x2f: {  	_ = 	snop;
	(pc) =	sbr.rel @!p0 .LBB2_5-.Ltmp1, $3  }
0x30: {  	_ =	sdelay $0x1  }
0x31: {  	[sflag:s12] =	ssyncset.done $0x0  }
0x32: {  	[sflag:s12] =	ssyncadd.s32 $0xFFFFEC00  }
.LBB2_1:
0x33: {  	s3 =	rddreg [dreg:$0x4]  }
0x34: {  	[spmem:s11], [sflag:s6] =	dma.local [hbm:s3], $0x1400  }
0x35: {  	_ =	swait.ge [sflag:s12], $0x1400  }
0x36: {  	[sflag:s12] =	ssyncset.done $0x0  }
0x37: {  	s19 =	simm.s32 $0x0;
	s5 =	rddreg [dreg:$0x5];
	[sflag:s12] =	ssyncadd.s32 $0xFFFFEC00  }
0x38: {  	[tilespmem:s19], [sflag:$0x11] =	stream.linear.gather [hbm4b:s5+s19], $0x2800, $0x38;
	[tilespmem:$0x1F000] =	vst v63  }
0x39: {  	_ =	swait.ge [sflag:s12], $0x2800  }
0x3a: {  	[sflag:s12] =	ssyncset.done $0x0  }
0x3b: {  	s7 =	simm.s32 $0x2800;
	s8 =	rddreg [dreg:$0x6];
	[sflag:s12] =	ssyncadd.s32 $0xFFFFD800  }
0x3c: {  	[tilespmem:s7], [sflag:$0x11] =	stream.linear.gather [hbm4b:s8+s19], $0x2800, $0x38;
	[tilespmem:$0x1F000] =	vst v63  }
0x3d: {  	_ =	swait.ge [sflag:s12], $0x2800  }
0x3e: {  	[sflag:s12] =	ssyncset.done $0x0  }
0x3f: {  	[sflag:s12] =	ssyncadd.s32 $0xFFFFD800  }
0x40: {  	[bflag:$0x0] =	sbarrier.arrive $0xFFFF  }
0x41: {  	[tilespmem:s15], [sflag:$0x1] =	stream.indirect.gather [hbm4b:s4+s14], $0x40, s19, s14, $0xb8;
	[tilespmem:$0x1F000] =	vst v63  }
0x42: {  	_ = 	snop  }
0x43: {  	[tilespmem:s16], [sflag:$0x2] =	stream.indirect.gather [hbm4b:s4+s14], $0x40, s14, s14, $0xb8;
	[tilespmem:$0x1F000] =	vst v63  }
0x44: {  	s10 =	simm.s32 $0x100  }
0x45: {  	[tilespmem:s18], [sflag:$0x3] =	stream.indirect.gather [hbm4b:s4+s14], $0x40, s10, s14, $0xb8;
	[tilespmem:$0x1F000] =	vst v63  }
0x46: {  	s19 =	simm.s32 $0x180;
	s10 =	simm.s32 $0x0  }
0x47: {  	[tilespmem:s20], [sflag:$0x4] =	stream.indirect.gather [hbm4b:s4+s14], $0x40, s19, s14, $0xb8;
	[tilespmem:$0x1F000] =	vst v63  }
.LBB2_2:
0x48: {  	_ =	swait.ge [sflag:s21], $0x2000  }
0x49: {  	s3 =	sshra.s32 s10, $0x2;
	[sflag:s21] =	ssyncset.done $0x0  }
0x4a: {  	p0 =	seq.s32 s10, $0x0;
	s19 =	sadd.s32 $0x2800, s3;
	[sflag:s21] =	ssyncadd.s32 $0xFFFFE000  }
0x4b: {  	[spmem:s2] =	stream.indirect.scatter.add.f32 [tilespmem:s15], [sflag:$0x9], $0x40, s19, s14, $0xb8;
	[tilespmem:$0x1F000] =	vst v63  }
0x4c: {  	s19 =	simm.s32 @!p0 $0xD  }
0x4d: {  	_ =	swait.ge @!p0 [sflag:s19], $0x2000  }
0x4e: {  	[sflag:s19] =	ssyncset.done @!p0 $0x0  }
0x4f: {  	s7 =	sadd.s32 $0x200, s3;
	[sflag:s19] =	ssyncadd.s32 @!p0 $0xFFFFE000  }
0x50: {  	[tilespmem:s22], [sflag:$0x5] =	stream.indirect.gather [hbm4b:s4+s14], $0x40, s7, s14, $0xb8;
	[tilespmem:$0x1F000] =	vst v63  }
0x51: {  	_ =	swait.ge [sflag:s23], $0x2000  }
0x52: {  	[sflag:s23] =	ssyncset.done $0x0  }
0x53: {  	s8 =	sadd.s32 $0x2880, s3;
	s19 =	simm.s32 @!p0 $0xE;
	[sflag:s23] =	ssyncadd.s32 $0xFFFFE000  }
0x54: {  	[spmem:s2] =	stream.indirect.scatter.add.f32 [tilespmem:s16], [sflag:$0xA], $0x40, s8, s14, $0xb8;
	[tilespmem:$0x1F000] =	vst v63  }
0x55: {  	_ =	swait.ge @!p0 [sflag:s19], $0x2000  }
0x56: {  	[sflag:s19] =	ssyncset.done @!p0 $0x0  }
0x57: {  	s5 =	sadd.s32 $0x280, s3;
	[sflag:s19] =	ssyncadd.s32 @!p0 $0xFFFFE000  }
0x58: {  	[tilespmem:s24], [sflag:$0x6] =	stream.indirect.gather [hbm4b:s4+s14], $0x40, s5, s14, $0xb8;
	[tilespmem:$0x1F000] =	vst v63  }
0x59: {  	_ =	swait.ge [sflag:s25], $0x2000  }
0x5a: {  	[sflag:s25] =	ssyncset.done $0x0  }
0x5b: {  	s7 =	sadd.s32 $0x2900, s3;
	s19 =	simm.s32 @!p0 $0xF;
	[sflag:s25] =	ssyncadd.s32 $0xFFFFE000  }
0x5c: {  	[spmem:s2] =	stream.indirect.scatter.add.f32 [tilespmem:s18], [sflag:$0xB], $0x40, s7, s14, $0xb8;
	[tilespmem:$0x1F000] =	vst v63  }
0x5d: {  	_ =	swait.ge @!p0 [sflag:s19], $0x2000  }
0x5e: {  	[sflag:s19] =	ssyncset.done @!p0 $0x0  }
0x5f: {  	s8 =	sadd.s32 $0x300, s3;
	[sflag:s19] =	ssyncadd.s32 @!p0 $0xFFFFE000  }
0x60: {  	[tilespmem:s26], [sflag:$0x7] =	stream.indirect.gather [hbm4b:s4+s14], $0x40, s8, s14, $0xb8;
	[tilespmem:$0x1F000] =	vst v63  }
0x61: {  	_ =	swait.ge [sflag:s28], $0x2000  }
0x62: {  	[sflag:s28] =	ssyncset.done $0x0  }
0x63: {  	s5 =	sadd.s32 $0x2980, s3;
	s19 =	simm.s32 @!p0 $0x10;
	[sflag:s28] =	ssyncadd.s32 $0xFFFFE000  }
0x64: {  	[spmem:s2] =	stream.indirect.scatter.add.f32 [tilespmem:s20], [sflag:$0xC], $0x40, s5, s14, $0xb8;
	[tilespmem:$0x1F000] =	vst v63  }
0x65: {  	_ =	swait.ge @!p0 [sflag:s19], $0x2000  }
0x66: {  	[sflag:s19] =	ssyncset.done @!p0 $0x0  }
0x67: {  	s7 =	sadd.s32 $0x380, s3;
	[sflag:s19] =	ssyncadd.s32 @!p0 $0xFFFFE000  }
0x68: {  	[tilespmem:s29], [sflag:$0x8] =	stream.indirect.gather [hbm4b:s4+s14], $0x40, s7, s14, $0xb8;
	[tilespmem:$0x1F000] =	vst v63  }
0x69: {  	_ =	swait.ge [sflag:s30], $0x2000  }
0x6a: {  	[sflag:s30] =	ssyncset.done $0x0  }
0x6b: {  	s8 =	sadd.s32 $0x2A00, s3;
	[sflag:s30] =	ssyncadd.s32 $0xFFFFE000  }
0x6c: {  	[spmem:s2] =	stream.indirect.scatter.add.f32 [tilespmem:s22], [sflag:$0xD], $0x40, s8, s14, $0xb8;
	[tilespmem:$0x1F000] =	vst v63  }
0x6d: {  	_ =	swait.ge [sflag:s31], $0x2000  }
0x6e: {  	p0 =	seq.s32 s10, $0x9000;
	[sflag:s31] =	ssyncset.done $0x0  }
0x6f: {  	s19 =	simm.s32 @p0 $0x6;
	[sflag:s31] =	ssyncadd.s32 $0xFFFFE000  }
0x70: {  	_ =	swait.ge @p0 [sflag:s19], $0x2000  }
0x71: {  	[sflag:s19] =	ssyncset.done @p0 $0x0  }
0x72: {  	[sflag:s19] =	ssyncadd.s32 @p0 $0xFFFFE000;
	s19 =	sshra.s32 @p0 s10, $0x2  }
0x73: {  	s5 =	simm.s32 @p0 $0x80;
	s7 =	simm.s32 @p0 $0xF000;
	s19 =	sadd.s32 @p0 $0x2A80, s19  }
0x74: {  	[spmem:s2] =	stream.indirect.scatter.add.f32 @p0 [tilespmem:s7], [sflag:$0xE], $0x40, s19, s5, $0xb8;
	[tilespmem:$0x1F000] =	vst v63  }
0x75: {  	s5 =	simm.s32 @p0 $0xA  }
0x76: {  	_ =	swait.ge @p0 [sflag:s5], $0x2000  }
0x77: {  	[sflag:s5] =	ssyncset.done @p0 $0x0  }
0x78: {  	[sflag:s5] =	ssyncadd.s32 @p0 $0xFFFFE000;
	s5 =	sshra.s32 @!p0 s10, $0x2  }
0x79: {  	s8 =	simm.s32 @!p0 $0x5000;
	s19 =	simm.s32 @!p0 $0x80;
	s7 =	sadd.s32 @!p0 $0x400, s5  }
0x7a: {  	[tilespmem:s8], [sflag:$0x1] =	stream.indirect.gather @!p0 [hbm4b:s4+s19], $0x40, s7, s19, $0xb8;
	[tilespmem:$0x1F000] =	vst v63  }
0x7b: {  	s7 =	simm.s32 @!p0 $0x6  }
0x7c: {  	_ =	swait.ge @!p0 [sflag:s7], $0x2000  }
0x7d: {  	[sflag:s7] =	ssyncset.done @!p0 $0x0  }
0x7e: {  	s8 =	simm.s32 @!p0 $0xF000;
	[sflag:s7] =	ssyncadd.s32 @!p0 $0xFFFFE000;
	s7 =	sadd.s32 @!p0 $0x2A80, s5  }
0x7f: {  	[spmem:s2] =	stream.indirect.scatter.add.f32 @!p0 [tilespmem:s8], [sflag:$0xE], $0x40, s7, s19, $0xb8;
	[tilespmem:$0x1F000] =	vst v63  }
0x80: {  	s7 =	simm.s32 @!p0 $0xA  }
0x81: {  	_ =	swait.ge @!p0 [sflag:s7], $0x2000  }
0x82: {  	[sflag:s7] =	ssyncset.done @!p0 $0x0  }
0x83: {  	s5 =	sadd.s32 @!p0 $0x480, s5;
	[sflag:s7] =	ssyncadd.s32 @!p0 $0xFFFFE000;
	s7 =	simm.s32 @!p0 $0x7000  }
0x84: {  	[tilespmem:s7], [sflag:$0x2] =	stream.indirect.gather @!p0 [hbm4b:s4+s19], $0x40, s5, s19, $0xb8;
	[tilespmem:$0x1F000] =	vst v63  }
0x85: {  	_ =	swait.ge [sflag:s1], $0x2000  }
0x86: {  	[sflag:s1] =	ssyncset.done $0x0  }
.Ltmp2:
0x87: {  	s19 =	sadd.s32 $0x2B00, s3;
	[sflag:s1] =	ssyncadd.s32 $0xFFFFE000;
	(pc) =	sbr.rel @p0 .LBB2_4-.Ltmp2, $4  }
0x88: {  	[spmem:s2] =	stream.indirect.scatter.add.f32 [tilespmem:s26], [sflag:$0xF], $0x40, s19, s14, $0xb8;
	[tilespmem:$0x1F000] =	vst v63  }
0x89: {  	_ =	swait.ge [sflag:s0], $0x2000  }
0x8a: {  	[sflag:s0] =	ssyncset.done $0x0  }
0x8b: {  	s19 =	sadd.s32 $0x2B80, s3;
	[sflag:s0] =	ssyncadd.s32 $0xFFFFE000  }
0x8c: {  	s5 =	sadd.s32 $0x500, s3  }
0x8d: {  	[tilespmem:s18], [sflag:$0x3] =	stream.indirect.gather [hbm4b:s4+s14], $0x40, s5, s14, $0xb8;
	[tilespmem:$0x1F000] =	vst v63  }
0x8e: {  	_ =	swait.ge [sflag:s13], $0x2000  }
0x8f: {  	[sflag:s13] =	ssyncset.done $0x0  }
0x90: {  	[sflag:s13] =	ssyncadd.s32 $0xFFFFE000  }
0x91: {  	[spmem:s2] =	stream.indirect.scatter.add.f32 [tilespmem:s29], [sflag:$0x10], $0x40, s19, s14, $0xb8;
	[tilespmem:$0x1F000] =	vst v63  }
.Ltmp3:
0x92: {  	_ = 	snop;
	(pc) =	sbr.rel .LBB2_2-.Ltmp3, $4  }
0x93: {  	_ =	swait.ge [sflag:s17], $0x2000  }
0x94: {  	[sflag:s17] =	ssyncset.done $0x0  }
0x95: {  	s10 =	sadd.s32 $0x1000, s10;
	s19 =	sadd.s32 $0x580, s3;
	[sflag:s17] =	ssyncadd.s32 $0xFFFFE000  }
0x96: {  	[tilespmem:s20], [sflag:$0x4] =	stream.indirect.gather [hbm4b:s4+s14], $0x40, s19, s14, $0xb8;
	[tilespmem:$0x1F000] =	vst v63  }
.LBB2_5:
0x97: {  	_ =	sfence.sel $0x180000  }
0x98: {  	[bflag:$0x0] =	sbarrier.arrive $0xFFFF  }
0x99: {  	_ =	strace $0x9000004D  }
0x9a: {  	s0 =	stileid.u32;
	[bflag:$0x2] =	sbarrier.arrive $0xFFFF  }
0x9b: {  	p0 =	sne.s32 s0, $0x0;
	s0 =	rddreg [dreg:$0x3]  }
0x9c: {  	s0 =	sadd.s32 @!p0 $0x100000, s0  }
0x9d: {  	[sflag:s0] =	ssyncadd.tile.s32 @!p0 $0x1;
	_ =	shalt  }
.Lfunc_end2:
_tile_overlayer_lowered:
.L_overlay_start_2:
0x9e: {  	(tag) =	ssettag $0x2  }
0x9f: {  	s0 =	rddreg [dreg:$0x0];
	s2 =	stileid.u32  }
0xa0: {  	s1 =	rddreg [dreg:$0x1];
	p0 =	sne.s32 s2, $0x0  }
0xa1: {  	s3 =	rddreg [dreg:$0x2];
	[bflag:$0x3] =	sbarrier.arrive $0xFFFF;
	s2 =	simm.s32 @!p0 $0x1C11  }
0xa2: {  	[timem:s3], [sflag:s2] =	dma.local @!p0 [hbm:s0], s1  }
0xa3: {  	s0 =	simm.s32 @!p0 $0x11  }
0xa4: {  	_ =	swait.ge @!p0 [sflag:s0], s1  }
0xa5: {  	s1 =	ssub.s32 @!p0 $0x0, s1;
	[sflag:s0] =	ssyncset.done @!p0 $0x0  }
0xa6: {  	[sflag:s0] =	ssyncadd.s32 @!p0 s1  }
0xa7: {  	[bflag:$0x3] =	sbarrier.arrive $0xFFFF  }
0xa8: {  	_ =	shalt  }

// kernel: kernel.20.cloned.1.call-start
scs
__scs_entry_jumppad:
0x0: {  	(pc) =	sbr.rel $0x88, $3  }
0x1: {  	(tag) =	ssettag $0x0;
	lr =	simm.s32 $0x1  }
0x2: {  	[smem:$0x3F96] =	sst lr;
	_ =	strace $0xD0000000  }
0x3: {  	_ = 	snop  }
0x4: {  	_ = 	snop  }
0x5: {  	_ = 	snop  }
0x6: {  	_ = 	snop  }
0x7: {  	_ = 	snop  }
__scs_overlays_trampoline_lowered:
0x8: {  	[smem:$0x3FA5] =	sst s0  }
0x9: {  	[smem:$0x3FA6] =	sst s1  }
0xa: {  	[smem:$0x3FA7] =	sst s2  }
0xb: {  	[smem:$0x3FA8] =	sst s3  }
0xc: {  	[smem:$0x3FA9] =	sst s4  }
0xd: {  	[smem:$0x3FAA] =	sst s5  }
0xe: {  	[smem:$0x3FAB] =	sst s6  }
0xf: {  	[smem:$0x3FAC] =	sst s7  }
0x10: {  	[smem:$0x3FAD] =	sst s8  }
0x11: {  	[smem:$0x3FAE] =	sst s9;
	s0 =	simm.s32 @!p0 $0x0  }
0x12: {  	s1 =	sld [smem:$0x3F94];
	s0 =	simm.s32 @p0 $0x1  }
0x13: {  	[smem:$0x3FAF] =	sst s0;
	s0 =	simm.s32 @!p1 $0x0  }
0x14: {  	s2 =	sld [smem:$0x3F93];
	s0 =	simm.s32 @p1 $0x1  }
0x15: {  	[smem:$0x3FB0] =	sst s0;
	s0 =	simm.s32 @!p2 $0x0  }
0x16: {  	s3 =	sld [smem:$0x3FDB];
	s0 =	simm.s32 @p2 $0x1  }
0x17: {  	s4 =	simm.s32 $0x1BF5;
	[smem:$0x3FB2] =	sst s0  }
0x18: {  	s0 =	sld [smem:$0x3F95];
	_ =	swait.ge [sflag:s4], $0x0  }
0x19: {  	s7 =	sld [smem:$0x3F96]  }
0x1a: {  	s8 =	sadd.s32 $0xFFFFE003, lr  }
0x1b: {  	s9 =	sadd.s32 $0xFFFFFEF7, lr;
	s5 =	simm.s32 $0xFFFFFFFF;
	p2 =	slt.u32 s8, $0xFFFFF086  }
0x1c: {  	p1 =	slt.u32 s9, $0xF7A;
	s5 =	simm.s32 @!p2 $0x0  }
0x1d: {  	s5 =	simm.s32 @p1 $0x1;
	p0 =	seq.s32 s7, s2  }
0x1e: {  	s7 =	smul.u32 @!p0 $0xF7A, s2;
	p2 =	seq.s32 @!p0 s5, $0x0  }
0x1f: {  	s9 =	smul.u32 $0xF7A, s1;
	s8 =	simm.s32 @!p0 $0x1BF5;
	p2 =	por !p2, p0  }
0x20: {  	[sflag:s8] =	ssyncset.s32 @!p0 $0xFFFFF086;
	s6 =	sadd.s32 @!p0 s3, s7;
	s7 =	simm.s32 @!p0 $0x108  }
0x21: {  	s3 =	sadd.s32 s3, s9;
	s6 =	sadd.s32 @!p0 $0x88, s6;
	s7 =	simm.s32 @p2 $0x1082  }
0x22: {  	[simem:s7], [sflag:s8] =	dma.local @!p0 [hbm:s6], $0xF7A  }
0x23: {  	s9 =	sor.u32 $0xD0000000, s2;
	s6 =	simm.s32 $0x108;
	_ =	swait.ge @!p0 [sflag:s8], $0x0  }
0x24: {  	s3 =	sadd.s32 $0x88, s3;
	s6 =	simm.s32 @!p1 $0x1082;
	[sflag:s4] =	ssyncset.s32 $0xFFFFF086  }
0x25: {  	[simem:s6], [sflag:s4] =	dma.local [hbm:s3], $0xF7A  }
0x26: {  	[smem:$0x3F96] =	sst s1;
	(tag) =	ssettag s2;
	_ =	strace s9  }
0x27: {  	s1 =	sld [smem:$0x3FA6]  }
0x28: {  	s2 =	sld [smem:$0x3FA7]  }
0x29: {  	s4 =	sld [smem:$0x3FA9]  }
0x2a: {  	p0 =	seq.s32 s5, $0x0;
	s5 =	sld [smem:$0x3FAA]  }
0x2b: {  	s6 =	sld [smem:$0x3FAB]  }
0x2c: {  	s7 =	sld [smem:$0x3FAC]  }
0x2d: {  	s3 =	simm.s32 $0x108;
	s8 =	sld [smem:$0x3FAD]  }
0x2e: {  	s3 =	simm.s32 @!p0 $0x1082;
	s9 =	sld [smem:$0x3FAE]  }
0x2f: {  	lr =	sadd.s32 s0, s3;
	s0 =	sld [smem:$0x3FA5]  }
0x30: {  	s3 =	sld [smem:$0x3FA8]  }
0x31: {  	[smem:$0x3FB1] =	sst s10  }
0x32: {  	s10 =	sld [smem:$0x3FAF];
	_ =	sdelay $0x3  }
0x33: {  	p0 =	seq.s32 s10, $0x1;
	s10 =	sld [smem:$0x3FB1];
	_ =	sdelay $0x3  }
0x34: {  	[smem:$0x3FB1] =	sst s10  }
0x35: {  	s10 =	sld [smem:$0x3FB0];
	_ =	sdelay $0x3  }
0x36: {  	p1 =	seq.s32 s10, $0x1;
	s10 =	sld [smem:$0x3FB1];
	_ =	sdelay $0x3  }
0x37: {  	[smem:$0x3FB1] =	sst s10  }
0x38: {  	s10 =	sld [smem:$0x3FB2]  }
0x39: {  	_ = 	snop;
	(pc) =	sbr.ind lr, $3  }
0x3a: {  	_ = 	snop  }
0x3b: {  	_ = 	snop  }
0x3c: {  	p2 =	seq.s32 s10, $0x1;
	s10 =	sld [smem:$0x3FB1]  }
0x3d: {  	_ =	shalt  }
0x3e: {  	_ =	shalt  }
0x3f: {  	_ =	shalt  }
0x40: {  	_ =	shalt  }
0x41: {  	_ =	shalt  }
0x42: {  	_ =	shalt  }
0x43: {  	_ =	shalt  }
0x44: {  	_ =	shalt  }
0x45: {  	_ =	shalt  }
0x46: {  	_ =	shalt  }
0x47: {  	_ =	shalt  }
0x48: {  	_ =	shalt  }
0x49: {  	_ =	shalt  }
0x4a: {  	_ =	shalt  }
0x4b: {  	_ =	shalt  }
0x4c: {  	_ =	shalt  }
0x4d: {  	_ =	shalt  }
0x4e: {  	_ =	shalt  }
0x4f: {  	_ =	shalt  }
0x50: {  	_ =	shalt  }
0x51: {  	_ =	shalt  }
0x52: {  	_ =	shalt  }
0x53: {  	_ =	shalt  }
0x54: {  	_ =	shalt  }
0x55: {  	_ =	shalt  }
0x56: {  	_ =	shalt  }
0x57: {  	_ =	shalt  }
0x58: {  	_ =	shalt  }
0x59: {  	_ =	shalt  }
0x5a: {  	_ =	shalt  }
0x5b: {  	_ =	shalt  }
0x5c: {  	_ =	shalt  }
0x5d: {  	_ =	shalt  }
0x5e: {  	_ =	shalt  }
0x5f: {  	_ =	shalt  }
0x60: {  	_ =	shalt  }
0x61: {  	_ =	shalt  }
0x62: {  	_ =	shalt  }
0x63: {  	_ =	shalt  }
0x64: {  	_ =	shalt  }
0x65: {  	_ =	shalt  }
0x66: {  	_ =	shalt  }
0x67: {  	_ =	shalt  }
0x68: {  	_ =	shalt  }
0x69: {  	_ =	shalt  }
0x6a: {  	_ =	shalt  }
0x6b: {  	_ =	shalt  }
0x6c: {  	_ =	shalt  }
0x6d: {  	_ =	shalt  }
0x6e: {  	_ =	shalt  }
0x6f: {  	_ =	shalt  }
0x70: {  	_ =	shalt  }
0x71: {  	_ =	shalt  }
0x72: {  	_ =	shalt  }
0x73: {  	_ =	shalt  }
0x74: {  	_ =	shalt  }
0x75: {  	_ =	shalt  }
0x76: {  	_ =	shalt  }
0x77: {  	_ =	shalt  }
0x78: {  	_ =	shalt  }
0x79: {  	_ =	shalt  }
0x7a: {  	_ =	shalt  }
0x7b: {  	_ =	shalt  }
0x7c: {  	_ =	shalt  }
0x7d: {  	_ =	shalt  }
0x7e: {  	_ =	shalt  }
0x7f: {  	_ =	shalt  }
0x80: {  	_ =	shalt  }
0x81: {  	_ =	shalt  }
0x82: {  	_ =	shalt  }
0x83: {  	_ =	shalt  }
0x84: {  	_ =	shalt  }
0x85: {  	_ =	shalt  }
0x86: {  	_ =	shalt  }
0x87: {  	_ =	shalt  }
.Lfunc_end0:
.L_simem_size_0:
called_computation.3_lowered:
.L_overlay_start_0:
0x88: {  	s2 =	sld [smem:$0x3FD9]  }
0x89: {  	s3 =	sld [smem:$0x3FFE];
	_ =	sdelay $0x1  }
0x8a: {  	s1 =	srdreg.scid  }
0x8b: {  	s0 =	sand.u32 $0x1, s1  }
0x8c: {  	s17 =	sshll.u32 s0, $0xA;
	s2 =	sadd.s32 s3, s2  }
0x8d: {  	s2 =	sadd.s32 s2, s17  }
0x8e: {  	[smem:$0x3FBD] =	sst s2  }
0x8f: {  	_ = 	snop  }
0x90: {  	s2 =	sld [smem:$0x3FD0];
	(tm) =	ssettm $0x1  }
0x91: {  	s18 =	sld [smem:$0x3FFB];
	_ =	sdelay $0x3  }
0x92: {  	_ =	strace s18  }
0x93: {  	s3 =	sld [smem:$0x3FFC];
	_ =	sdelay $0x3  }
0x94: {  	_ =	strace s3  }
0x95: {  	s3 =	sld [smem:$0x3FFD];
	_ =	sdelay $0x3  }
0x96: {  	_ =	strace s3  }
0x97: {  	_ =	strace $0x8FFFFFFF  }
0x98: {  	s19 =	sld [smem:$0x3FDB];
	_ =	sdelay $0x1  }
0x99: {  	s4 =	simm.s32 $_scs_section_size  }
0x9a: {  	s5 =	simm.s32 $_size__tile_overlayer_lowered;
	s6 =	simm.s32 $_tile_overlayer_lowered  }
0x9b: {  	s22 =	simm.s32 $0x1BFF;
	s21 =	sshll.u32 s6, $0x1;
	s3 =	sadd.s32 s4, s19  }
0x9c: {  	s7 =	simm.s32 $0x0;
	s20 =	sshll.u32 s5, $0x1;
	s5 =	sadd.s32 s21, s3  }
0x9d: {  	[timem:s7], [sflag:s22] =	dma.local [hbm:s5], s20  }
0x9e: {  	_ =	swait.ge [sflag:s22], s20  }
0x9f: {  	s4 =	ssub.s32 $0x0, s20;
	[sflag:s22] =	ssyncset.done $0x0  }
0xa0: {  	[sflag:s22] =	ssyncadd.s32 s4;
	_ =	sdelay $0x1  }
0xa1: {  	s23 =	simm.s32 $0x1B8B  }
0xa2: {  	_ =	swait.ge [sflag:s23], $0x1  }
0xa3: {  	[sflag:s23] =	ssyncset.done $0x0  }
0xa4: {  	s25 =	simm.s32 $0x1B8E;
	s24 =	sld [smem:$0x3FFE];
	[sflag:s23] =	ssyncadd.s32 $0xFFFFFFFF  }
0xa5: {  	s26 =	simm.s32 $execute0_lowered;
	[smem:$0x3FD2] =	sst s25  }
0xa6: {  	s5 =	sshll.u32 s26, $0x1;
	_ =	strace $0x8000004F;
	[dreg:$0x1] =	wrdreg $0xFFFFFFFF  }
0xa7: {  	s28 =	simm.s32 $_size_execute0_lowered;
	s3 =	sadd.s32 s3, s5;
	[dreg:$0x0] =	wrdreg $0x0  }
0xa8: {  	s5 =	sshll.u32 s28, $0x1;
	[dreg:$0x2] =	wrdreg s3  }
0xa9: {  	[dreg:$0x3] =	wrdreg s5  }
0xaa: {  	[dreg:$0x4] =	wrdreg $0xC0  }
0xab: {  	_ =	task [dreg:s7], $0x5FFFF  }
0xac: {  	[dreg:$0x1] =	wrdreg $0xFFFFFFFF  }
0xad: {  	[dreg:$0x0] =	wrdreg $0x60  }
0xae: {  	[dreg:$0x2] =	wrdreg s24  }
0xaf: {  	[dreg:$0x3] =	wrdreg s2  }
0xb0: {  	[dreg:$0x4] =	wrdreg $0x150000  }
0xb1: {  	[dreg:$0x5] =	wrdreg $0x9  }
0xb2: {  	_ =	task.clear_ibuf [dreg:s7], $0x6FFFF;
	_ =	strace $0x9000004F  }
0xb3: {  	s29 =	simm.s32 $0x9;
	_ =	strace $0x80000051  }
0xb4: {  	_ =	swait.ge [sflag:s29], $0x1  }
0xb5: {  	[sflag:s29] =	ssyncadd.s32 $0xFFFFFFFF  }
0xb6: {  	_ =	strace $0x90000051  }
0xb7: {  	_ =	sfence  }
0xb8: {  	s30 =	sld [smem:$0x0];
	_ =	sdelay $0x2  }
0xb9: {  	s31 =	sshll.u32 s1, $0xD;
	s1 =	sshrl.u32 s1, $0x2  }
0xba: {  	s3 =	sand.u32 $0x4000, s31;
	s1 =	sadd.s32 s1, s30  }
0xbb: {  	s0 =	sor.u32 s3, s0;
	s1 =	sshll.u32 s1, $0x11  }
0xbc: {  	s0 =	sor.u32 s1, s0  }
0xbd: {  	s0 =	sadd.s32 $0x8F2B, s0  }
0xbe: {  	[sflag:s0] =	ssyncadd.remote.s32 $0x1  }
0xbf: {  	_ =	sfence.sel $0xFFFF  }
0xc0: {  	[dreg:$0x0] =	wrdreg $0xFFFFFFFF;
	(pc) =	sbr.abs _section_cstart, $3  }
0xc1: {  	[dreg:$0x1] =	wrdreg $0xFFFFFFFF  }
0xc2: {  	_ =	task.clear_ibuf [dreg:s7], $0x2FFFF;
	_ =	strace $0x9FFFFFFF  }
0xc3: {  	(tm) =	ssettm $0x7FFFFFFF  }
tec
execute0_lowered:
.L_overlay_start_1:
0x0: {  	(tag) =	ssettag $0x1  }
0x1: {  	s0 =	srdreg.scid  }
0x2: {  	s11 =	stileid.u32;
	s1 =	rddreg [dreg:$0x0]  }
0x3: {  	s3 =	rddreg [dreg:$0x1];
	s22 =	simm.s32 $0x0;
	s12 =	simm.s32 $0x11  }
0x4: {  	s14 =	simm.s32 $0x80;
	s15 =	simm.s32 $0x5000;
	s16 =	simm.s32 $0x7000  }
0x5: {  	s18 =	simm.s32 $0x9000;
	s20 =	simm.s32 $0xB000;
	s21 =	simm.s32 $0x1  }
0x6: {  	s28 =	simm.s32 $0x4;
	s29 =	simm.s32 $0x13000;
	s30 =	simm.s32 $0x5  }
0x7: {  	s31 =	simm.s32 $0x9;
	s13 =	simm.s32 $0x8;
	s17 =	simm.s32 $0xC  }
0x8: {  	s0 =	sand.u32 $0x1, s0;
	s2 =	sshll.u32 s11, $0x1;
	s6 =	smul.u32 $0xA000, s11  }
0x9: {  	[smem:$0x7FF] =	sst s22;
	s23 =	sshll.u32 s11, $0x6;
	s22 =	simm.s32 $0xD000  }
0xa: {  	s4 =	sor.u32 s0, s2;
	s2 =	rddreg [dreg:$0x2];
	s7 =	smul.u32 $0xA0000, s0  }
0xb: {  	_ =	strace $0x80000050;
	s0 =	ssub.s32 $0x2, s0;
	s5 =	smul.u32 $0x500, s4  }
0xc: {  	s4 =	sadd.s32 $0x30A00, s1;
	s9 =	sshrl.u32 s6, $0x3;
	s10 =	sshrl.u32 s0, $0x1  }
0xd: {  	s24 =	sadd.s32 s6, s2;
	s7 =	sadd.s32 s6, s7;
	s9 =	sadd.s32 s9, s1  }
0xe: {  	s0 =	ssub.s32 s0, s10;
	s6 =	sor.u32 $0x1C11, s23;
	s11 =	sshrl.u32 s24, $0x3  }
0xf: {  	s23 =	simm.s32 $0x2;
	s24 =	simm.s32 $0xF000;
	s8 =	sadd.s32 s5, s1  }
0x10: {  	s7 =	sshrl.u32 s7, $0x3;
	s25 =	sadd.s32 $0x4000, s9;
	s3 =	sadd.s32 s3, s5  }
.Ltmp0:
0x11: {  	s0 =	smax.u32 s0, $0x1;
	[dreg:$0x4] =	wrdreg s25;
	(pc) =	sbr.rel .LBB2_1-.Ltmp0, $4  }
0x12: {  	s9 =	simm.s32 $0x0;
	s1 =	sadd.s32 s7, s1;
	[dreg:$0x5] =	wrdreg s3  }
0x13: {  	s26 =	sadd.s32 $0x26A00, s8;
	[dreg:$0x8] =	wrdreg s0;
	s25 =	simm.s32 $0x3  }
0x14: {  	s0 =	simm.s32 $0xB;
	[dreg:$0x6] =	wrdreg s26;
	s1 =	sadd.s32 $0x57C00, s1  }
0x15: {  	s26 =	simm.s32 $0x11000;
	[dreg:$0x7] =	wrdreg s1;
	s1 =	simm.s32 $0x7  }
.LBB2_4:
0x16: {  	_ =	swait.ge [sflag:s13], $0x2000  }
0x17: {  	[sflag:s13] =	ssyncset.done $0x0  }
0x18: {  	[sflag:s13] =	ssyncadd.s32 $0xFFFFE000  }
0x19: {  	[spmem:s2] =	stream.indirect.scatter.add.f32 [tilespmem:s29], [sflag:$0x10], $0x40, s19, s14, $0xb8;
	[tilespmem:$0x1F000] =	vst v63  }
0x1a: {  	_ =	swait.ge [sflag:s17], $0x2000  }
0x1b: {  	[sflag:s17] =	ssyncset.done $0x0  }
0x1c: {  	s3 =	simm.s32 $0xD;
	[sflag:s17] =	ssyncadd.s32 $0xFFFFE000  }
0x1d: {  	_ =	swait.ge [sflag:s3], $0x2000  }
0x1e: {  	[sflag:s3] =	ssyncset.done $0x0  }
0x1f: {  	s5 =	simm.s32 $0xE;
	[sflag:s3] =	ssyncadd.s32 $0xFFFFE000  }
0x20: {  	_ =	swait.ge [sflag:s5], $0x2000  }
0x21: {  	[sflag:s5] =	ssyncset.done $0x0  }
0x22: {  	s7 =	simm.s32 $0xF;
	[sflag:s5] =	ssyncadd.s32 $0xFFFFE000  }
0x23: {  	_ =	swait.ge [sflag:s7], $0x2000  }
0x24: {  	[sflag:s7] =	ssyncset.done $0x0  }
0x25: {  	s8 =	simm.s32 $0x10;
	[sflag:s7] =	ssyncadd.s32 $0xFFFFE000  }
0x26: {  	_ =	swait.ge [sflag:s8], $0x2000  }
0x27: {  	[sflag:s8] =	ssyncset.done $0x0  }
0x28: {  	[sflag:s8] =	ssyncadd.s32 $0xFFFFE000  }
0x29: {  	[bflag:$0x0] =	sbarrier.arrive $0xFFFF  }
0x2a: {  	s10 =	rddreg [dreg:$0x7]  }
0x2b: {  	[hbm:s10], [sflag:s6] =	dma.local [spmem:s11], $0x1400  }
0x2c: {  	_ =	swait.ge [sflag:s12], $0x1400  }
0x2d: {  	s9 =	sadd.s32 $0x1, s9;
	s19 =	rddreg [dreg:$0x8]  }
0x2e: {  	p0 =	sne.s32 s9, s19  }
.Ltmp1:
0x2f: {  	_ = 	snop;
	(pc) =	sbr.rel @!p0 .LBB2_5-.Ltmp1, $3  }
0x30: {  	_ =	sdelay $0x1  }
0x31: {  	[sflag:s12] =	ssyncset.done $0x0  }
0x32: {  	[sflag:s12] =	ssyncadd.s32 $0xFFFFEC00  }
.LBB2_1:
0x33: {  	s3 =	rddreg [dreg:$0x4]  }
0x34: {  	[spmem:s11], [sflag:s6] =	dma.local [hbm:s3], $0x1400  }
0x35: {  	_ =	swait.ge [sflag:s12], $0x1400  }
0x36: {  	[sflag:s12] =	ssyncset.done $0x0  }
0x37: {  	s19 =	simm.s32 $0x0;
	s5 =	rddreg [dreg:$0x5];
	[sflag:s12] =	ssyncadd.s32 $0xFFFFEC00  }
0x38: {  	[tilespmem:s19], [sflag:$0x11] =	stream.linear.gather [hbm4b:s5+s19], $0x2800, $0x38;
	[tilespmem:$0x1F000] =	vst v63  }
0x39: {  	_ =	swait.ge [sflag:s12], $0x2800  }
0x3a: {  	[sflag:s12] =	ssyncset.done $0x0  }
0x3b: {  	s7 =	simm.s32 $0x2800;
	s8 =	rddreg [dreg:$0x6];
	[sflag:s12] =	ssyncadd.s32 $0xFFFFD800  }
0x3c: {  	[tilespmem:s7], [sflag:$0x11] =	stream.linear.gather [hbm4b:s8+s19], $0x2800, $0x38;
	[tilespmem:$0x1F000] =	vst v63  }
0x3d: {  	_ =	swait.ge [sflag:s12], $0x2800  }
0x3e: {  	[sflag:s12] =	ssyncset.done $0x0  }
0x3f: {  	[sflag:s12] =	ssyncadd.s32 $0xFFFFD800  }
0x40: {  	[bflag:$0x0] =	sbarrier.arrive $0xFFFF  }
0x41: {  	[tilespmem:s15], [sflag:$0x1] =	stream.indirect.gather [hbm4b:s4+s14], $0x40, s19, s14, $0xb8;
	[tilespmem:$0x1F000] =	vst v63  }
0x42: {  	_ = 	snop  }
0x43: {  	[tilespmem:s16], [sflag:$0x2] =	stream.indirect.gather [hbm4b:s4+s14], $0x40, s14, s14, $0xb8;
	[tilespmem:$0x1F000] =	vst v63  }
0x44: {  	s10 =	simm.s32 $0x100  }
0x45: {  	[tilespmem:s18], [sflag:$0x3] =	stream.indirect.gather [hbm4b:s4+s14], $0x40, s10, s14, $0xb8;
	[tilespmem:$0x1F000] =	vst v63  }
0x46: {  	s19 =	simm.s32 $0x180;
	s10 =	simm.s32 $0x0  }
0x47: {  	[tilespmem:s20], [sflag:$0x4] =	stream.indirect.gather [hbm4b:s4+s14], $0x40, s19, s14, $0xb8;
	[tilespmem:$0x1F000] =	vst v63  }
.LBB2_2:
0x48: {  	_ =	swait.ge [sflag:s21], $0x2000  }
0x49: {  	s3 =	sshra.s32 s10, $0x2;
	[sflag:s21] =	ssyncset.done $0x0  }
0x4a: {  	p0 =	seq.s32 s10, $0x0;
	s19 =	sadd.s32 $0x2800, s3;
	[sflag:s21] =	ssyncadd.s32 $0xFFFFE000  }
0x4b: {  	[spmem:s2] =	stream.indirect.scatter.add.f32 [tilespmem:s15], [sflag:$0x9], $0x40, s19, s14, $0xb8;
	[tilespmem:$0x1F000] =	vst v63  }
0x4c: {  	s19 =	simm.s32 @!p0 $0xD  }
0x4d: {  	_ =	swait.ge @!p0 [sflag:s19], $0x2000  }
0x4e: {  	[sflag:s19] =	ssyncset.done @!p0 $0x0  }
0x4f: {  	s7 =	sadd.s32 $0x200, s3;
	[sflag:s19] =	ssyncadd.s32 @!p0 $0xFFFFE000  }
0x50: {  	[tilespmem:s22], [sflag:$0x5] =	stream.indirect.gather [hbm4b:s4+s14], $0x40, s7, s14, $0xb8;
	[tilespmem:$0x1F000] =	vst v63  }
0x51: {  	_ =	swait.ge [sflag:s23], $0x2000  }
0x52: {  	[sflag:s23] =	ssyncset.done $0x0  }
0x53: {  	s8 =	sadd.s32 $0x2880, s3;
	s19 =	simm.s32 @!p0 $0xE;
	[sflag:s23] =	ssyncadd.s32 $0xFFFFE000  }
0x54: {  	[spmem:s2] =	stream.indirect.scatter.add.f32 [tilespmem:s16], [sflag:$0xA], $0x40, s8, s14, $0xb8;
	[tilespmem:$0x1F000] =	vst v63  }
0x55: {  	_ =	swait.ge @!p0 [sflag:s19], $0x2000  }
0x56: {  	[sflag:s19] =	ssyncset.done @!p0 $0x0  }
0x57: {  	s5 =	sadd.s32 $0x280, s3;
	[sflag:s19] =	ssyncadd.s32 @!p0 $0xFFFFE000  }
0x58: {  	[tilespmem:s24], [sflag:$0x6] =	stream.indirect.gather [hbm4b:s4+s14], $0x40, s5, s14, $0xb8;
	[tilespmem:$0x1F000] =	vst v63  }
0x59: {  	_ =	swait.ge [sflag:s25], $0x2000  }
0x5a: {  	[sflag:s25] =	ssyncset.done $0x0  }
0x5b: {  	s7 =	sadd.s32 $0x2900, s3;
	s19 =	simm.s32 @!p0 $0xF;
	[sflag:s25] =	ssyncadd.s32 $0xFFFFE000  }
0x5c: {  	[spmem:s2] =	stream.indirect.scatter.add.f32 [tilespmem:s18], [sflag:$0xB], $0x40, s7, s14, $0xb8;
	[tilespmem:$0x1F000] =	vst v63  }
0x5d: {  	_ =	swait.ge @!p0 [sflag:s19], $0x2000  }
0x5e: {  	[sflag:s19] =	ssyncset.done @!p0 $0x0  }
0x5f: {  	s8 =	sadd.s32 $0x300, s3;
	[sflag:s19] =	ssyncadd.s32 @!p0 $0xFFFFE000  }
0x60: {  	[tilespmem:s26], [sflag:$0x7] =	stream.indirect.gather [hbm4b:s4+s14], $0x40, s8, s14, $0xb8;
	[tilespmem:$0x1F000] =	vst v63  }
0x61: {  	_ =	swait.ge [sflag:s28], $0x2000  }
0x62: {  	[sflag:s28] =	ssyncset.done $0x0  }
0x63: {  	s5 =	sadd.s32 $0x2980, s3;
	s19 =	simm.s32 @!p0 $0x10;
	[sflag:s28] =	ssyncadd.s32 $0xFFFFE000  }
0x64: {  	[spmem:s2] =	stream.indirect.scatter.add.f32 [tilespmem:s20], [sflag:$0xC], $0x40, s5, s14, $0xb8;
	[tilespmem:$0x1F000] =	vst v63  }
0x65: {  	_ =	swait.ge @!p0 [sflag:s19], $0x2000  }
0x66: {  	[sflag:s19] =	ssyncset.done @!p0 $0x0  }
0x67: {  	s7 =	sadd.s32 $0x380, s3;
	[sflag:s19] =	ssyncadd.s32 @!p0 $0xFFFFE000  }
0x68: {  	[tilespmem:s29], [sflag:$0x8] =	stream.indirect.gather [hbm4b:s4+s14], $0x40, s7, s14, $0xb8;
	[tilespmem:$0x1F000] =	vst v63  }
0x69: {  	_ =	swait.ge [sflag:s30], $0x2000  }
0x6a: {  	[sflag:s30] =	ssyncset.done $0x0  }
0x6b: {  	s8 =	sadd.s32 $0x2A00, s3;
	[sflag:s30] =	ssyncadd.s32 $0xFFFFE000  }
0x6c: {  	[spmem:s2] =	stream.indirect.scatter.add.f32 [tilespmem:s22], [sflag:$0xD], $0x40, s8, s14, $0xb8;
	[tilespmem:$0x1F000] =	vst v63  }
0x6d: {  	_ =	swait.ge [sflag:s31], $0x2000  }
0x6e: {  	p0 =	seq.s32 s10, $0x9000;
	[sflag:s31] =	ssyncset.done $0x0  }
0x6f: {  	s19 =	simm.s32 @p0 $0x6;
	[sflag:s31] =	ssyncadd.s32 $0xFFFFE000  }
0x70: {  	_ =	swait.ge @p0 [sflag:s19], $0x2000  }
0x71: {  	[sflag:s19] =	ssyncset.done @p0 $0x0  }
0x72: {  	[sflag:s19] =	ssyncadd.s32 @p0 $0xFFFFE000;
	s19 =	sshra.s32 @p0 s10, $0x2  }
0x73: {  	s5 =	simm.s32 @p0 $0x80;
	s7 =	simm.s32 @p0 $0xF000;
	s19 =	sadd.s32 @p0 $0x2A80, s19  }
0x74: {  	[spmem:s2] =	stream.indirect.scatter.add.f32 @p0 [tilespmem:s7], [sflag:$0xE], $0x40, s19, s5, $0xb8;
	[tilespmem:$0x1F000] =	vst v63  }
0x75: {  	s5 =	simm.s32 @p0 $0xA  }
0x76: {  	_ =	swait.ge @p0 [sflag:s5], $0x2000  }
0x77: {  	[sflag:s5] =	ssyncset.done @p0 $0x0  }
0x78: {  	[sflag:s5] =	ssyncadd.s32 @p0 $0xFFFFE000;
	s5 =	sshra.s32 @!p0 s10, $0x2  }
0x79: {  	s8 =	simm.s32 @!p0 $0x5000;
	s19 =	simm.s32 @!p0 $0x80;
	s7 =	sadd.s32 @!p0 $0x400, s5  }
0x7a: {  	[tilespmem:s8], [sflag:$0x1] =	stream.indirect.gather @!p0 [hbm4b:s4+s19], $0x40, s7, s19, $0xb8;
	[tilespmem:$0x1F000] =	vst v63  }
0x7b: {  	s7 =	simm.s32 @!p0 $0x6  }
0x7c: {  	_ =	swait.ge @!p0 [sflag:s7], $0x2000  }
0x7d: {  	[sflag:s7] =	ssyncset.done @!p0 $0x0  }
0x7e: {  	s8 =	simm.s32 @!p0 $0xF000;
	[sflag:s7] =	ssyncadd.s32 @!p0 $0xFFFFE000;
	s7 =	sadd.s32 @!p0 $0x2A80, s5  }
0x7f: {  	[spmem:s2] =	stream.indirect.scatter.add.f32 @!p0 [tilespmem:s8], [sflag:$0xE], $0x40, s7, s19, $0xb8;
	[tilespmem:$0x1F000] =	vst v63  }
0x80: {  	s7 =	simm.s32 @!p0 $0xA  }
0x81: {  	_ =	swait.ge @!p0 [sflag:s7], $0x2000  }
0x82: {  	[sflag:s7] =	ssyncset.done @!p0 $0x0  }
0x83: {  	s5 =	sadd.s32 @!p0 $0x480, s5;
	[sflag:s7] =	ssyncadd.s32 @!p0 $0xFFFFE000;
	s7 =	simm.s32 @!p0 $0x7000  }
0x84: {  	[tilespmem:s7], [sflag:$0x2] =	stream.indirect.gather @!p0 [hbm4b:s4+s19], $0x40, s5, s19, $0xb8;
	[tilespmem:$0x1F000] =	vst v63  }
0x85: {  	_ =	swait.ge [sflag:s1], $0x2000  }
0x86: {  	[sflag:s1] =	ssyncset.done $0x0  }
.Ltmp2:
0x87: {  	s19 =	sadd.s32 $0x2B00, s3;
	[sflag:s1] =	ssyncadd.s32 $0xFFFFE000;
	(pc) =	sbr.rel @p0 .LBB2_4-.Ltmp2, $4  }
0x88: {  	[spmem:s2] =	stream.indirect.scatter.add.f32 [tilespmem:s26], [sflag:$0xF], $0x40, s19, s14, $0xb8;
	[tilespmem:$0x1F000] =	vst v63  }
0x89: {  	_ =	swait.ge [sflag:s0], $0x2000  }
0x8a: {  	[sflag:s0] =	ssyncset.done $0x0  }
0x8b: {  	s19 =	sadd.s32 $0x2B80, s3;
	[sflag:s0] =	ssyncadd.s32 $0xFFFFE000  }
0x8c: {  	s5 =	sadd.s32 $0x500, s3  }
0x8d: {  	[tilespmem:s18], [sflag:$0x3] =	stream.indirect.gather [hbm4b:s4+s14], $0x40, s5, s14, $0xb8;
	[tilespmem:$0x1F000] =	vst v63  }
0x8e: {  	_ =	swait.ge [sflag:s13], $0x2000  }
0x8f: {  	[sflag:s13] =	ssyncset.done $0x0  }
0x90: {  	[sflag:s13] =	ssyncadd.s32 $0xFFFFE000  }
0x91: {  	[spmem:s2] =	stream.indirect.scatter.add.f32 [tilespmem:s29], [sflag:$0x10], $0x40, s19, s14, $0xb8;
	[tilespmem:$0x1F000] =	vst v63  }
.Ltmp3:
0x92: {  	_ = 	snop;
	(pc) =	sbr.rel .LBB2_2-.Ltmp3, $4  }
0x93: {  	_ =	swait.ge [sflag:s17], $0x2000  }
0x94: {  	[sflag:s17] =	ssyncset.done $0x0  }
0x95: {  	s10 =	sadd.s32 $0x1000, s10;
	s19 =	sadd.s32 $0x580, s3;
	[sflag:s17] =	ssyncadd.s32 $0xFFFFE000  }
0x96: {  	[tilespmem:s20], [sflag:$0x4] =	stream.indirect.gather [hbm4b:s4+s14], $0x40, s19, s14, $0xb8;
	[tilespmem:$0x1F000] =	vst v63  }
.LBB2_5:
0x97: {  	_ =	sfence.sel $0x180000  }
0x98: {  	[bflag:$0x0] =	sbarrier.arrive $0xFFFF  }
0x99: {  	_ =	strace $0x90000050  }
0x9a: {  	s0 =	stileid.u32;
	[bflag:$0x2] =	sbarrier.arrive $0xFFFF  }
0x9b: {  	p0 =	sne.s32 s0, $0x0;
	s0 =	rddreg [dreg:$0x3]  }
0x9c: {  	s0 =	sadd.s32 @!p0 $0x100000, s0  }
0x9d: {  	[sflag:s0] =	ssyncadd.tile.s32 @!p0 $0x1;
	_ =	shalt  }
.Lfunc_end2:
_tile_overlayer_lowered:
.L_overlay_start_2:
0x9e: {  	(tag) =	ssettag $0x2  }
0x9f: {  	s0 =	rddreg [dreg:$0x0];
	s2 =	stileid.u32  }
0xa0: {  	s1 =	rddreg [dreg:$0x1];
	p0 =	sne.s32 s2, $0x0  }
0xa1: {  	s3 =	rddreg [dreg:$0x2];
	[bflag:$0x3] =	sbarrier.arrive $0xFFFF;
	s2 =	simm.s32 @!p0 $0x1C11  }
0xa2: {  	[timem:s3], [sflag:s2] =	dma.local @!p0 [hbm:s0], s1  }
0xa3: {  	s0 =	simm.s32 @!p0 $0x11  }
0xa4: {  	_ =	swait.ge @!p0 [sflag:s0], s1  }
0xa5: {  	s1 =	ssub.s32 @!p0 $0x0, s1;
	[sflag:s0] =	ssyncset.done @!p0 $0x0  }
0xa6: {  	[sflag:s0] =	ssyncadd.s32 @!p0 s1  }
0xa7: {  	[bflag:$0x3] =	sbarrier.arrive $0xFFFF  }
0xa8: {  	_ =	shalt  }

</sc_bundles>
